<compile_context>
chip_gen: v7x
topology: tpu7x:2x2x1
jax: 0.10.2.dev20260603
libtpu: 0.0.44.dev20260713+nightly
codegen_flags: <defaults>
</compile_context>

<pallas_src>
import functools

import jax
import jax.numpy as jnp
from jax import lax
from jax.experimental import pallas as pl
from jax.experimental.pallas import tpu as pltpu
from jax.experimental.pallas import tpu_sc as plsc

N = 10000
E = 320000
D = 128
H = 128
SPEC = 1000
B = 64
L = 5

NC = 2
NS = 16
NW = NC * NS
NP = 10240
CHUNK = 128
EP = 327680
EPW = EP // NW
NCH = EPW // CHUNK
RPS = NP // NS

_mesh = plsc.VectorSubcoreMesh(core_axis_name="c", subcore_axis_name="s")



BLK = 8
NBLK = NCH // BLK


@functools.partial(
    pl.kernel,
    mesh=_mesh,
    out_type=jax.ShapeDtypeStruct((NC * NP, H), jnp.float32),
    scratch_types=[
        pltpu.VMEM((BLK, CHUNK), jnp.int32),
        pltpu.VMEM((CHUNK, H), jnp.float32),
        pltpu.VMEM_SHARED((NP, H), jnp.float32),
    ],
)
def _sc_degree(dst_hbm, ones_hbm, zeros_hbm, out_hbm, didx, ones_v, acc):
    cid = lax.axis_index("c")
    sid = lax.axis_index("s")
    wid = cid * NS + sid
    pltpu.sync_copy(zeros_hbm, acc.at[pl.ds(sid * RPS, RPS)])
    pltpu.sync_copy(ones_hbm, ones_v)
    plsc.subcore_barrier()

    def outer(blk, carry):
        pltpu.sync_copy(dst_hbm.at[wid, pl.ds(blk * BLK, BLK)], didx)

        def inner(j, c):
            pltpu.sync_copy(ones_v, acc.at[didx.at[j]], add=True)
            return c

        lax.fori_loop(0, BLK, inner, 0)
        return carry

    lax.fori_loop(0, NBLK, outer, 0)
    plsc.subcore_barrier()
    pltpu.sync_copy(
        acc.at[pl.ds(sid * RPS, RPS)],
        out_hbm.at[pl.ds(cid * NP + sid * RPS, RPS)],
    )


@functools.partial(
    pl.kernel,
    mesh=_mesh,
    out_type=jax.ShapeDtypeStruct((NC * NP, H), jnp.float32),
    scratch_types=[
        pltpu.VMEM((BLK, CHUNK), jnp.int32),
        pltpu.VMEM((BLK, CHUNK), jnp.int32),
        pltpu.VMEM((CHUNK, H), jnp.float32),
        pltpu.VMEM((CHUNK, H), jnp.float32),
        pltpu.VMEM_SHARED((NP, H), jnp.float32),
        pltpu.SemaphoreType.DMA,
        pltpu.SemaphoreType.DMA,
        pltpu.SemaphoreType.DMA,
        pltpu.SemaphoreType.DMA,
    ],
)
def _sc_scatter(hs_hbm, src_hbm, dst_hbm, zeros_hbm, out_hbm,
                sidx, didx, rows0, rows1, acc, sem0, sem1, ssem0, ssem1):
    cid = lax.axis_index("c")
    sid = lax.axis_index("s")
    wid = cid * NS + sid
    pltpu.sync_copy(zeros_hbm, acc.at[pl.ds(sid * RPS, RPS)])
    plsc.subcore_barrier()

    def outer(blk, carry):
        pltpu.sync_copy(src_hbm.at[wid, pl.ds(blk * BLK, BLK)], sidx)
        pltpu.sync_copy(dst_hbm.at[wid, pl.ds(blk * BLK, BLK)], didx)
        pltpu.make_async_copy(hs_hbm.at[sidx.at[0]], rows0, sem0).start()

        def inner(j, c):
            even = lax.rem(j, 2) == 0

            @pl.when(jnp.logical_and(even, j + 1 < BLK))
            def _():
                @pl.when(j > 0)
                def _():
                    pltpu.make_async_copy(rows1, acc.at[didx.at[j]], ssem1).wait()
                pltpu.make_async_copy(hs_hbm.at[sidx.at[j + 1]], rows1, sem1).start()

            @pl.when(jnp.logical_and(jnp.logical_not(even), j + 1 < BLK))
            def _():
                pltpu.make_async_copy(rows0, acc.at[didx.at[j]], ssem0).wait()
                pltpu.make_async_copy(hs_hbm.at[sidx.at[j + 1]], rows0, sem0).start()

            @pl.when(even)
            def _():
                pltpu.make_async_copy(hs_hbm.at[sidx.at[j]], rows0, sem0).wait()
                pltpu.async_copy(rows0, acc.at[didx.at[j]], ssem0, add=True)

            @pl.when(jnp.logical_not(even))
            def _():
                pltpu.make_async_copy(hs_hbm.at[sidx.at[j]], rows1, sem1).wait()
                pltpu.async_copy(rows1, acc.at[didx.at[j]], ssem1, add=True)

            return c

        lax.fori_loop(0, BLK, inner, 0)
        pltpu.make_async_copy(rows0, acc.at[didx.at[0]], ssem0).wait()
        pltpu.make_async_copy(rows1, acc.at[didx.at[0]], ssem1).wait()
        return carry

    lax.fori_loop(0, NBLK, outer, 0)
    plsc.subcore_barrier()
    pltpu.sync_copy(
        acc.at[pl.ds(sid * RPS, RPS)],
        out_hbm.at[pl.ds(cid * NP + sid * RPS, RPS)],
    )



def _bn_relu(e, g, b):
    mu = jnp.mean(e, axis=0, keepdims=True)
    var = jnp.mean((e - mu) ** 2, axis=0, keepdims=True)
    return jnp.maximum((e - mu) * lax.rsqrt(var + 1e-5) * g + b, 0.0)


def _dinv(d1, d2):
    deg = d1[:, 0:1] + d2[:, 0:1] + 1.0
    return lax.rsqrt(jnp.maximum(deg, 1.0))


def _tc_embed_body(x_ref, W_ref, b_ref, g_ref, be_ref, Wc0_ref, d1_ref, d2_ref,
                   h_ref, hs_ref):
    e = jnp.dot(x_ref[...], W_ref[...], preferred_element_type=jnp.float32)
    h = _bn_relu(e + b_ref[...], g_ref[...], be_ref[...])
    dinv = _dinv(d1_ref[...], d2_ref[...])
    h_ref[...] = h
    hs_ref[...] = jnp.dot(h, Wc0_ref[...], preferred_element_type=jnp.float32) * dinv


_tc_embed = pl.pallas_call(
    _tc_embed_body,
    out_shape=(jax.ShapeDtypeStruct((N, H), jnp.float32),
               jax.ShapeDtypeStruct((N, H), jnp.float32)),
)


def _tc_layer_body(g1_ref, g2_ref, hs_ref, h_ref, d1_ref, d2_ref, Wn_ref,
                   bc_ref, gc_ref, bec_ref, ho_ref, hso_ref):
    dinv = _dinv(d1_ref[...], d2_ref[...])
    conv = dinv * (g1_ref[...] + g2_ref[...] + hs_ref[...]) + bc_ref[...]
    h = _bn_relu(conv, gc_ref[...], bec_ref[...]) + h_ref[...]
    ho_ref[...] = h
    hso_ref[...] = jnp.dot(h, Wn_ref[...], preferred_element_type=jnp.float32) * dinv


_tc_layer = pl.pallas_call(
    _tc_layer_body,
    out_shape=(jax.ShapeDtypeStruct((N, H), jnp.float32),
               jax.ShapeDtypeStruct((N, H), jnp.float32)),
)


def _tc_final_body(g1_ref, g2_ref, hs_ref, h_ref, d1_ref, d2_ref,
                   bc_ref, gc_ref, bec_ref, batch_ref,
                   W1_ref, b1_ref, g1n_ref, be1_ref,
                   W2_ref, b2_ref, g2n_ref, be2_ref,
                   W3_ref, b3_ref, out_ref):
    dinv = _dinv(d1_ref[...], d2_ref[...])
    conv = dinv * (g1_ref[...] + g2_ref[...] + hs_ref[...]) + bc_ref[...]
    h = _bn_relu(conv, gc_ref[...], bec_ref[...]) + h_ref[...]
    seg = lax.broadcasted_iota(jnp.int32, (B, 1), 0)
    onehot = (batch_ref[...] == seg).astype(jnp.float32)
    sums = jnp.dot(onehot, h, preferred_element_type=jnp.float32)
    cnt = jnp.sum(onehot, axis=1, keepdims=True)
    pooled = sums / jnp.maximum(cnt, 1.0)
    z = _bn_relu(jnp.dot(pooled, W1_ref[...], preferred_element_type=jnp.float32)
                 + b1_ref[...], g1n_ref[...], be1_ref[...])
    z = _bn_relu(jnp.dot(z, W2_ref[...], preferred_element_type=jnp.float32)
                 + b2_ref[...], g2n_ref[...], be2_ref[...])
    logits = jnp.dot(z, W3_ref[...], preferred_element_type=jnp.float32) + b3_ref[...]
    out_ref[...] = 1.0 / (1.0 + jnp.exp(-logits))


_tc_final = pl.pallas_call(
    _tc_final_body,
    out_shape=jax.ShapeDtypeStruct((B, 1024), jnp.float32),
)



def kernel(x, edge_index, batch, W_emb, b_emb, g_emb, beta_emb, Wc, bc, gc,
           betac, W1, b1, g1, beta1, W2, b2, g2, beta2, W3, b3):
    src = edge_index[0].astype(jnp.int32)
    dst = edge_index[1].astype(jnp.int32)
    npad = EP - E
    pad_dst = N + (jnp.arange(npad, dtype=jnp.int32) % (NP - N))
    srcp = jnp.concatenate([src, jnp.zeros((npad,), jnp.int32)]).reshape(NW, NCH, CHUNK)
    dstp = jnp.concatenate([dst, pad_dst]).reshape(NW, NCH, CHUNK)

    zeros128 = jnp.zeros((RPS, H), jnp.float32)
    ones128 = jnp.ones((CHUNK, H), jnp.float32)

    degp = _sc_degree(dstp, ones128, zeros128)
    d1 = degp[:N, :8]
    d2 = degp[NP:NP + N, :8]

    r = lambda v: v.reshape(1, -1)
    h, hs = _tc_embed(x, W_emb, r(b_emb), r(g_emb), r(beta_emb), Wc[0], d1, d2)
    for i in range(L):
        gp = _sc_scatter(hs, srcp, dstp, zeros128)
        gp1 = gp[:N]
        gp2 = gp[NP:NP + N]
        if i < L - 1:
            h, hs = _tc_layer(gp1, gp2, hs, h, d1, d2, Wc[i + 1],
                              r(bc[i]), r(gc[i]), r(betac[i]))
        else:
            W3p = jnp.pad(W3, ((0, 0), (0, 1024 - SPEC)))
            b3p = jnp.pad(b3, (0, 1024 - SPEC))
            out = _tc_final(gp1, gp2, hs, h, d1, d2,
                            r(bc[i]), r(gc[i]), r(betac[i]),
                            batch.astype(jnp.int32).reshape(1, N),
                            W1, r(b1), r(g1), r(beta1),
                            W2, r(b2), r(g2), r(beta2),
                            W3p, r(b3p))
    return out[:, :SPEC]

# --- scband reference (transcript-rebuilt; emitter-appended) ---
"""Pipeline reference for scband-gcnmass-spec-predictor-23141283791390 (READ-ONLY COPY).

The authoritative reference and input builder live on the scoring server;
editing this copy changes nothing except your own understanding.
"""

import jax, jax.numpy as jnp
import numpy as np

N = 10000
E = 320000
D = 128
H = 128
SPEC = 1000
B = 64
L = 5

def _xavier(k, shape):
    lim = (6.0 / (shape[0] + shape[1])) ** 0.5
    return jax.random.uniform(k, shape, jnp.float32, -lim, lim)

def setup_inputs(seed: int = 0):
    key = jax.random.key(seed)
    ks = jax.random.split(key, 16)
    inp = {}
    inp["x"] = jax.random.normal(ks[0], (N, D), jnp.float32)
    inp["edge_index"] = jax.random.randint(ks[1], (2, E), 0, N)
    inp["batch"] = jnp.sort(jax.random.randint(ks[2], (N,), 0, B))
    inp["W_emb"] = _xavier(ks[3], (D, H))
    inp["b_emb"] = jnp.zeros((H,), jnp.float32)
    inp["g_emb"] = jnp.ones((H,), jnp.float32)
    inp["beta_emb"] = jnp.zeros((H,), jnp.float32)
    inp["Wc"] = jnp.stack([_xavier(jax.random.fold_in(ks[4], i), (H, H)) for i in range(L)])
    inp["bc"] = jnp.zeros((L, H), jnp.float32)
    inp["gc"] = jnp.ones((L, H), jnp.float32)
    inp["betac"] = jnp.zeros((L, H), jnp.float32)
    inp["W1"] = _xavier(ks[5], (H, 2 * H))
    inp["b1"] = jnp.zeros((2 * H,), jnp.float32)
    inp["g1"] = jnp.ones((2 * H,), jnp.float32)
    inp["beta1"] = jnp.zeros((2 * H,), jnp.float32)
    inp["W2"] = _xavier(ks[6], (2 * H, 2 * H))
    inp["b2"] = jnp.zeros((2 * H,), jnp.float32)
    inp["g2"] = jnp.ones((2 * H,), jnp.float32)
    inp["beta2"] = jnp.zeros((2 * H,), jnp.float32)
    inp["W3"] = _xavier(ks[7], (2 * H, SPEC))
    inp["b3"] = jnp.zeros((SPEC,), jnp.float32)
    return inp

def _bn(x, g, b, eps=1e-5):
    mu = jnp.mean(x, axis=0)
    var = jnp.var(x, axis=0)
    return (x - mu) / jnp.sqrt(var + eps) * g + b

def _gcn(x, src, dst, W, bias):
    h = x @ W
    loop = jnp.arange(N)
    s = jnp.concatenate([src, loop])
    d = jnp.concatenate([dst, loop])
    deg = jnp.zeros((N,), jnp.float32).at[d].add(1.0)
    dinv = 1.0 / jnp.sqrt(jnp.clip(deg, 1.0))
    norm = dinv[s] * dinv[d]
    out = jnp.zeros((N, h.shape[1]), jnp.float32).at[d].add(h[s] * norm[:, None])
    return out + bias

def reference(x, edge_index, batch, W_emb, b_emb, g_emb, beta_emb, Wc, bc, gc, betac, W1, b1, g1, beta1, W2, b2, g2, beta2, W3, b3):
    src, dst = edge_index[0], edge_index[1]
    h = jax.nn.relu(_bn(x @ W_emb + b_emb, g_emb, beta_emb))
    for i in range(L):
        identity = h
        h = _gcn(h, src, dst, Wc[i], bc[i])
        h = jax.nn.relu(_bn(h, gc[i], betac[i]))
        h = h + identity
    sums = jax.ops.segment_sum(h, batch, num_segments=B)
    cnt = jax.ops.segment_sum(jnp.ones((N,), jnp.float32), batch, num_segments=B)
    pooled = sums / jnp.clip(cnt, 1.0)[:, None]
    z = jax.nn.relu(_bn(pooled @ W1 + b1, g1, beta1))
    z = jax.nn.relu(_bn(z @ W2 + b2, g2, beta2))
    return jax.nn.sigmoid(z @ W3 + b3)

if __name__ == "__main__":
    import jax
    _d = setup_inputs()
    print(jax.jit(kernel)(*tuple(_d.values())))

</pallas_src>

<mosaic_0001>
#map = affine_map<(d0, d1) -> (0, 0)>
#map1 = affine_map<(d0, d1) -> (0, 0, 0)>
module attributes {stable_mosaic.version = 14 : i64} {
  func.func @_sc_scatter(%arg0: i32, %arg1: i32, %arg2: memref<10000x128xf32, #tpu.memory_space<hbm>>, %arg3: memref<32x80x128xi32, #tpu.memory_space<hbm>>, %arg4: memref<32x80x128xi32, #tpu.memory_space<hbm>>, %arg5: memref<640x128xf32, #tpu.memory_space<hbm>>, %arg6: memref<20480x128xf32, #tpu.memory_space<hbm>>, %arg7: memref<8x128xi32, #tpu.memory_space<vmem>>, %arg8: memref<8x128xi32, #tpu.memory_space<vmem>>, %arg9: memref<128x128xf32, #tpu.memory_space<vmem>>, %arg10: memref<128x128xf32, #tpu.memory_space<vmem>>, %arg11: memref<10240x128xf32, #tpu.memory_space<vmem_shared>>, %arg12: memref<!tpu.dma_semaphore, #tpu.memory_space<semaphore_mem>>, %arg13: memref<!tpu.dma_semaphore, #tpu.memory_space<semaphore_mem>>, %arg14: memref<!tpu.dma_semaphore, #tpu.memory_space<semaphore_mem>>, %arg15: memref<!tpu.dma_semaphore, #tpu.memory_space<semaphore_mem>>) attributes {dimension_semantics = [#tpu.dimension_semantics<core_parallel>, #tpu.dimension_semantics<subcore_parallel>], iteration_bounds = array<i64: 2, 16>, scalar_prefetch = 0 : i64, scratch_operands = 9 : i64, tpu.core_type = #tpu.core_type<sc_vector_subcore>, window_params = [{transform_indices = #map}, {transform_indices = #map1}, {transform_indices = #map1}, {transform_indices = #map}, {transform_indices = #map}]} {
    %mul3A = arith.constant 16 : i32
    %mul3A_0 = arith.muli %arg0, %mul3A : i32
    %add3A = arith.addi %mul3A_0, %arg1 : i32
    %mul3A_1 = arith.constant 640 : i32
    %mul3A_2 = arith.muli %arg1, %mul3A_1 : i32
    "tpu.region"() ({
      %run_scoped3A = tpu.sem_alloc : memref<!tpu.dma_semaphore, #tpu.memory_space<semaphore_mem>>
      %dma_start3A = arith.constant 0 : i32
      %dma_start3A_16 = tpu.memref_slice %arg11[%mul3A_2, %dma_start3A] : memref<10240x128xf32, #tpu.memory_space<vmem_shared>> -> memref<640x128xf32, #tpu.memory_space<vmem_shared>>
      tpu.enqueue_dma source(%arg5 : memref<640x128xf32, #tpu.memory_space<hbm>>) target(%dma_start3A_16 : memref<640x128xf32, #tpu.memory_space<vmem_shared>>) target_semaphore(%run_scoped3A : memref<!tpu.dma_semaphore, #tpu.memory_space<semaphore_mem>>)
      %dma_wait3A = arith.constant 0 : i32
      %dma_wait3A_17 = tpu.memref_slice %arg11[%mul3A_2, %dma_wait3A] : memref<10240x128xf32, #tpu.memory_space<vmem_shared>> -> memref<640x128xf32, #tpu.memory_space<vmem_shared>>
      tpu.wait_dma2 semaphore(%run_scoped3A : memref<!tpu.dma_semaphore, #tpu.memory_space<semaphore_mem>>) src(%arg5 : memref<640x128xf32, #tpu.memory_space<hbm>>) dst(%dma_wait3A_17 : memref<640x128xf32, #tpu.memory_space<vmem_shared>>)
      tpu.yield
    }) : () -> ()
    %barrier3A = arith.constant 0 : index
    tpu.barrier barrier_id(%barrier3A)
    %scan3A = arith.constant 0 : i32
    %scan3A_3 = arith.constant 0 : i32
    %scan3A_4 = arith.constant 10 : i32
    %scan3A_5 = arith.addi %scan3A_3, %scan3A_4 : i32
    %scan3A_6 = arith.constant 1 : i32
    scf.for %scan3A_16 = %scan3A_3 to %scan3A_5 step %scan3A_6  : i32 {
      %mul3A_17 = arith.constant 8 : i32
      %mul3A_18 = arith.muli %scan3A_16, %mul3A_17 : i32
      "tpu.region"() ({
        %run_scoped3A = tpu.sem_alloc : memref<!tpu.dma_semaphore, #tpu.memory_space<semaphore_mem>>
        %dma_start3A_46 = arith.constant 0 : i32
        %dma_start3A_47 = tpu.memref_slice %arg3[%add3A, %mul3A_18, %dma_start3A_46] : memref<32x80x128xi32, #tpu.memory_space<hbm>> -> memref<1x8x128xi32, #tpu.memory_space<hbm>>
        %dma_start3A_48 = tpu.memref_squeeze %dma_start3A_47 : memref<1x8x128xi32, #tpu.memory_space<hbm>> -> memref<8x128xi32, #tpu.memory_space<hbm>>
        %dma_start3A_49 = arith.constant 0 : i32
        %dma_start3A_50 = tpu.memref_slice %arg3[%add3A, %mul3A_18, %dma_start3A_49] : memref<32x80x128xi32, #tpu.memory_space<hbm>> -> memref<1x8x128xi32, #tpu.memory_space<hbm>>
        %dma_start3A_51 = tpu.memref_squeeze %dma_start3A_50 : memref<1x8x128xi32, #tpu.memory_space<hbm>> -> memref<8x128xi32, #tpu.memory_space<hbm>>
        tpu.enqueue_dma source(%dma_start3A_51 : memref<8x128xi32, #tpu.memory_space<hbm>>) target(%arg7 : memref<8x128xi32, #tpu.memory_space<vmem>>) target_semaphore(%run_scoped3A : memref<!tpu.dma_semaphore, #tpu.memory_space<semaphore_mem>>)
        %dma_wait3A_52 = arith.constant 0 : i32
        %dma_wait3A_53 = tpu.memref_slice %arg3[%add3A, %mul3A_18, %dma_wait3A_52] : memref<32x80x128xi32, #tpu.memory_space<hbm>> -> memref<1x8x128xi32, #tpu.memory_space<hbm>>
        %dma_wait3A_54 = tpu.memref_squeeze %dma_wait3A_53 : memref<1x8x128xi32, #tpu.memory_space<hbm>> -> memref<8x128xi32, #tpu.memory_space<hbm>>
        %dma_wait3A_55 = arith.constant 0 : i32
        %dma_wait3A_56 = tpu.memref_slice %arg3[%add3A, %mul3A_18, %dma_wait3A_55] : memref<32x80x128xi32, #tpu.memory_space<hbm>> -> memref<1x8x128xi32, #tpu.memory_space<hbm>>
        %dma_wait3A_57 = tpu.memref_squeeze %dma_wait3A_56 : memref<1x8x128xi32, #tpu.memory_space<hbm>> -> memref<8x128xi32, #tpu.memory_space<hbm>>
        tpu.wait_dma2 semaphore(%run_scoped3A : memref<!tpu.dma_semaphore, #tpu.memory_space<semaphore_mem>>) src(%dma_wait3A_57 : memref<8x128xi32, #tpu.memory_space<hbm>>) dst(%arg7 : memref<8x128xi32, #tpu.memory_space<vmem>>)
        tpu.yield
      }) : () -> ()
      %mul3A_19 = arith.constant 8 : i32
      %mul3A_20 = arith.muli %scan3A_16, %mul3A_19 : i32
      "tpu.region"() ({
        %run_scoped3A = tpu.sem_alloc : memref<!tpu.dma_semaphore, #tpu.memory_space<semaphore_mem>>
        %dma_start3A_46 = arith.constant 0 : i32
        %dma_start3A_47 = tpu.memref_slice %arg4[%add3A, %mul3A_20, %dma_start3A_46] : memref<32x80x128xi32, #tpu.memory_space<hbm>> -> memref<1x8x128xi32, #tpu.memory_space<hbm>>
        %dma_start3A_48 = tpu.memref_squeeze %dma_start3A_47 : memref<1x8x128xi32, #tpu.memory_space<hbm>> -> memref<8x128xi32, #tpu.memory_space<hbm>>
        %dma_start3A_49 = arith.constant 0 : i32
        %dma_start3A_50 = tpu.memref_slice %arg4[%add3A, %mul3A_20, %dma_start3A_49] : memref<32x80x128xi32, #tpu.memory_space<hbm>> -> memref<1x8x128xi32, #tpu.memory_space<hbm>>
        %dma_start3A_51 = tpu.memref_squeeze %dma_start3A_50 : memref<1x8x128xi32, #tpu.memory_space<hbm>> -> memref<8x128xi32, #tpu.memory_space<hbm>>
        tpu.enqueue_dma source(%dma_start3A_51 : memref<8x128xi32, #tpu.memory_space<hbm>>) target(%arg8 : memref<8x128xi32, #tpu.memory_space<vmem>>) target_semaphore(%run_scoped3A : memref<!tpu.dma_semaphore, #tpu.memory_space<semaphore_mem>>)
        %dma_wait3A_52 = arith.constant 0 : i32
        %dma_wait3A_53 = tpu.memref_slice %arg4[%add3A, %mul3A_20, %dma_wait3A_52] : memref<32x80x128xi32, #tpu.memory_space<hbm>> -> memref<1x8x128xi32, #tpu.memory_space<hbm>>
        %dma_wait3A_54 = tpu.memref_squeeze %dma_wait3A_53 : memref<1x8x128xi32, #tpu.memory_space<hbm>> -> memref<8x128xi32, #tpu.memory_space<hbm>>
        %dma_wait3A_55 = arith.constant 0 : i32
        %dma_wait3A_56 = tpu.memref_slice %arg4[%add3A, %mul3A_20, %dma_wait3A_55] : memref<32x80x128xi32, #tpu.memory_space<hbm>> -> memref<1x8x128xi32, #tpu.memory_space<hbm>>
        %dma_wait3A_57 = tpu.memref_squeeze %dma_wait3A_56 : memref<1x8x128xi32, #tpu.memory_space<hbm>> -> memref<8x128xi32, #tpu.memory_space<hbm>>
        tpu.wait_dma2 semaphore(%run_scoped3A : memref<!tpu.dma_semaphore, #tpu.memory_space<semaphore_mem>>) src(%dma_wait3A_57 : memref<8x128xi32, #tpu.memory_space<hbm>>) dst(%arg8 : memref<8x128xi32, #tpu.memory_space<vmem>>)
        tpu.yield
      }) : () -> ()
      %dma_start3A = arith.constant 0 : i32
      %dma_start3A_21 = arith.constant 0 : i32
      %dma_start3A_22 = tpu.memref_slice %arg7[%dma_start3A, %dma_start3A_21] : memref<8x128xi32, #tpu.memory_space<vmem>> -> memref<1x128xi32, #tpu.memory_space<vmem>>
      %dma_start3A_23 = tpu.memref_squeeze %dma_start3A_22 : memref<1x128xi32, #tpu.memory_space<vmem>> -> memref<128xi32, #tpu.memory_space<vmem>>
      %dma_start3A_24 = arith.constant 0 : i32
      %dma_start3A_25 = arith.constant 0 : i32
      %dma_start3A_26 = tpu.memref_slice %arg2[%dma_start3A_24, %dma_start3A_25] : memref<10000x128xf32, #tpu.memory_space<hbm>> -> memref<10000x128xf32, #tpu.memory_space<hbm>>
      tpu.enqueue_indirect_dma source(%dma_start3A_26 : memref<10000x128xf32, #tpu.memory_space<hbm>>) target(%arg9 : memref<128x128xf32, #tpu.memory_space<vmem>>) offsets(%dma_start3A_23 : memref<128xi32, #tpu.memory_space<vmem>>) semaphore(%arg12 : memref<!tpu.dma_semaphore, #tpu.memory_space<semaphore_mem>>)
      %scan3A_27 = arith.constant 0 : i32
      %scan3A_28 = arith.constant 0 : i32
      %scan3A_29 = arith.constant 8 : i32
      %scan3A_30 = arith.addi %scan3A_28, %scan3A_29 : i32
      %scan3A_31 = arith.constant 1 : i32
      scf.for %scan3A_46 = %scan3A_28 to %scan3A_30 step %scan3A_31  : i32 {
        %rem3A = arith.constant 2 : i32
        %rem3A_47 = arith.remsi %scan3A_46, %rem3A : i32
        %eq3A = arith.constant 0 : i32
        %eq3A_48 = arith.cmpi eq, %rem3A_47, %eq3A : i32
        %add3A_49 = arith.constant 1 : i32
        %add3A_50 = arith.addi %scan3A_46, %add3A_49 : i32
        %lt3A = arith.constant 8 : i32
        %lt3A_51 = arith.cmpi slt, %add3A_50, %lt3A : i32
        %and3A = arith.andi %eq3A_48, %lt3A_51 : i1
        %convert_element_type3A = arith.extui %and3A : i1 to i32
        %cond3A = arith.constant 0 : i32
        %cond3A_52 = arith.cmpi ne, %convert_element_type3A, %cond3A : i32
        scf.if %cond3A_52 {
          %gt3A = arith.constant 0 : i32
          %gt3A_70 = arith.cmpi sgt, %scan3A_46, %gt3A : i32
          %convert_element_type3A_71 = arith.extui %gt3A_70 : i1 to i32
          %cond3A_72 = arith.constant 0 : i32
          %cond3A_73 = arith.cmpi ne, %convert_element_type3A_71, %cond3A_72 : i32
          scf.if %cond3A_73 {
            %dma_wait3A_82 = arith.constant 0 : i32
            %dma_wait3A_83 = tpu.memref_slice %arg8[%scan3A_46, %dma_wait3A_82] : memref<8x128xi32, #tpu.memory_space<vmem>> -> memref<1x128xi32, #tpu.memory_space<vmem>>
            %dma_wait3A_84 = tpu.memref_squeeze %dma_wait3A_83 : memref<1x128xi32, #tpu.memory_space<vmem>> -> memref<128xi32, #tpu.memory_space<vmem>>
            %dma_wait3A_85 = arith.constant 0 : i32
            %dma_wait3A_86 = arith.constant 0 : i32
            %dma_wait3A_87 = tpu.memref_slice %arg11[%dma_wait3A_85, %dma_wait3A_86] : memref<10240x128xf32, #tpu.memory_space<vmem_shared>> -> memref<10240x128xf32, #tpu.memory_space<vmem_shared>>
            tpu.wait_indirect_dma semaphore(%arg15 : memref<!tpu.dma_semaphore, #tpu.memory_space<semaphore_mem>>) src(%arg10 : memref<128x128xf32, #tpu.memory_space<vmem>>) dst(%dma_wait3A_87 : memref<10240x128xf32, #tpu.memory_space<vmem_shared>>)
          } else {
          }
          %add3A_74 = arith.constant 1 : i32
          %add3A_75 = arith.addi %scan3A_46, %add3A_74 : i32
          %dma_start3A_76 = arith.constant 0 : i32
          %dma_start3A_77 = tpu.memref_slice %arg7[%add3A_75, %dma_start3A_76] : memref<8x128xi32, #tpu.memory_space<vmem>> -> memref<1x128xi32, #tpu.memory_space<vmem>>
          %dma_start3A_78 = tpu.memref_squeeze %dma_start3A_77 : memref<1x128xi32, #tpu.memory_space<vmem>> -> memref<128xi32, #tpu.memory_space<vmem>>
          %dma_start3A_79 = arith.constant 0 : i32
          %dma_start3A_80 = arith.constant 0 : i32
          %dma_start3A_81 = tpu.memref_slice %arg2[%dma_start3A_79, %dma_start3A_80] : memref<10000x128xf32, #tpu.memory_space<hbm>> -> memref<10000x128xf32, #tpu.memory_space<hbm>>
          tpu.enqueue_indirect_dma source(%dma_start3A_81 : memref<10000x128xf32, #tpu.memory_space<hbm>>) target(%arg10 : memref<128x128xf32, #tpu.memory_space<vmem>>) offsets(%dma_start3A_78 : memref<128xi32, #tpu.memory_space<vmem>>) semaphore(%arg13 : memref<!tpu.dma_semaphore, #tpu.memory_space<semaphore_mem>>)
        } else {
        }
        %not3A = arith.constant true
        %not3A_53 = arith.xori %eq3A_48, %not3A : i1
        %add3A_54 = arith.constant 1 : i32
        %add3A_55 = arith.addi %scan3A_46, %add3A_54 : i32
        %lt3A_56 = arith.constant 8 : i32
        %lt3A_57 = arith.cmpi slt, %add3A_55, %lt3A_56 : i32
        %and3A_58 = arith.andi %not3A_53, %lt3A_57 : i1
        %convert_element_type3A_59 = arith.extui %and3A_58 : i1 to i32
        %cond3A_60 = arith.constant 0 : i32
        %cond3A_61 = arith.cmpi ne, %convert_element_type3A_59, %cond3A_60 : i32
        scf.if %cond3A_61 {
          %dma_wait3A_70 = arith.constant 0 : i32
          %dma_wait3A_71 = tpu.memref_slice %arg8[%scan3A_46, %dma_wait3A_70] : memref<8x128xi32, #tpu.memory_space<vmem>> -> memref<1x128xi32, #tpu.memory_space<vmem>>
          %dma_wait3A_72 = tpu.memref_squeeze %dma_wait3A_71 : memref<1x128xi32, #tpu.memory_space<vmem>> -> memref<128xi32, #tpu.memory_space<vmem>>
          %dma_wait3A_73 = arith.constant 0 : i32
          %dma_wait3A_74 = arith.constant 0 : i32
          %dma_wait3A_75 = tpu.memref_slice %arg11[%dma_wait3A_73, %dma_wait3A_74] : memref<10240x128xf32, #tpu.memory_space<vmem_shared>> -> memref<10240x128xf32, #tpu.memory_space<vmem_shared>>
          tpu.wait_indirect_dma semaphore(%arg14 : memref<!tpu.dma_semaphore, #tpu.memory_space<semaphore_mem>>) src(%arg9 : memref<128x128xf32, #tpu.memory_space<vmem>>) dst(%dma_wait3A_75 : memref<10240x128xf32, #tpu.memory_space<vmem_shared>>)
          %add3A_76 = arith.constant 1 : i32
          %add3A_77 = arith.addi %scan3A_46, %add3A_76 : i32
          %dma_start3A_78 = arith.constant 0 : i32
          %dma_start3A_79 = tpu.memref_slice %arg7[%add3A_77, %dma_start3A_78] : memref<8x128xi32, #tpu.memory_space<vmem>> -> memref<1x128xi32, #tpu.memory_space<vmem>>
          %dma_start3A_80 = tpu.memref_squeeze %dma_start3A_79 : memref<1x128xi32, #tpu.memory_space<vmem>> -> memref<128xi32, #tpu.memory_space<vmem>>
          %dma_start3A_81 = arith.constant 0 : i32
          %dma_start3A_82 = arith.constant 0 : i32
          %dma_start3A_83 = tpu.memref_slice %arg2[%dma_start3A_81, %dma_start3A_82] : memref<10000x128xf32, #tpu.memory_space<hbm>> -> memref<10000x128xf32, #tpu.memory_space<hbm>>
          tpu.enqueue_indirect_dma source(%dma_start3A_83 : memref<10000x128xf32, #tpu.memory_space<hbm>>) target(%arg9 : memref<128x128xf32, #tpu.memory_space<vmem>>) offsets(%dma_start3A_80 : memref<128xi32, #tpu.memory_space<vmem>>) semaphore(%arg12 : memref<!tpu.dma_semaphore, #tpu.memory_space<semaphore_mem>>)
        } else {
        }
        %convert_element_type3A_62 = arith.extui %eq3A_48 : i1 to i32
        %cond3A_63 = arith.constant 0 : i32
        %cond3A_64 = arith.cmpi ne, %convert_element_type3A_62, %cond3A_63 : i32
        scf.if %cond3A_64 {
          %dma_wait3A_70 = arith.constant 0 : i32
          %dma_wait3A_71 = tpu.memref_slice %arg7[%scan3A_46, %dma_wait3A_70] : memref<8x128xi32, #tpu.memory_space<vmem>> -> memref<1x128xi32, #tpu.memory_space<vmem>>
          %dma_wait3A_72 = tpu.memref_squeeze %dma_wait3A_71 : memref<1x128xi32, #tpu.memory_space<vmem>> -> memref<128xi32, #tpu.memory_space<vmem>>
          %dma_wait3A_73 = arith.constant 0 : i32
          %dma_wait3A_74 = arith.constant 0 : i32
          %dma_wait3A_75 = tpu.memref_slice %arg2[%dma_wait3A_73, %dma_wait3A_74] : memref<10000x128xf32, #tpu.memory_space<hbm>> -> memref<10000x128xf32, #tpu.memory_space<hbm>>
          tpu.wait_indirect_dma semaphore(%arg12 : memref<!tpu.dma_semaphore, #tpu.memory_space<semaphore_mem>>) src(%dma_wait3A_75 : memref<10000x128xf32, #tpu.memory_space<hbm>>) dst(%arg9 : memref<128x128xf32, #tpu.memory_space<vmem>>)
          %dma_start3A_76 = arith.constant 0 : i32
          %dma_start3A_77 = tpu.memref_slice %arg8[%scan3A_46, %dma_start3A_76] : memref<8x128xi32, #tpu.memory_space<vmem>> -> memref<1x128xi32, #tpu.memory_space<vmem>>
          %dma_start3A_78 = tpu.memref_squeeze %dma_start3A_77 : memref<1x128xi32, #tpu.memory_space<vmem>> -> memref<128xi32, #tpu.memory_space<vmem>>
          %dma_start3A_79 = arith.constant 0 : i32
          %dma_start3A_80 = arith.constant 0 : i32
          %dma_start3A_81 = tpu.memref_slice %arg11[%dma_start3A_79, %dma_start3A_80] : memref<10240x128xf32, #tpu.memory_space<vmem_shared>> -> memref<10240x128xf32, #tpu.memory_space<vmem_shared>>
          tpu.enqueue_indirect_dma source(%arg9 : memref<128x128xf32, #tpu.memory_space<vmem>>) target(%dma_start3A_81 : memref<10240x128xf32, #tpu.memory_space<vmem_shared>>) offsets(%dma_start3A_78 : memref<128xi32, #tpu.memory_space<vmem>>) semaphore(%arg14 : memref<!tpu.dma_semaphore, #tpu.memory_space<semaphore_mem>>) {add = true}
        } else {
        }
        %not3A_65 = arith.constant true
        %not3A_66 = arith.xori %eq3A_48, %not3A_65 : i1
        %convert_element_type3A_67 = arith.extui %not3A_66 : i1 to i32
        %cond3A_68 = arith.constant 0 : i32
        %cond3A_69 = arith.cmpi ne, %convert_element_type3A_67, %cond3A_68 : i32
        scf.if %cond3A_69 {
          %dma_wait3A_70 = arith.constant 0 : i32
          %dma_wait3A_71 = tpu.memref_slice %arg7[%scan3A_46, %dma_wait3A_70] : memref<8x128xi32, #tpu.memory_space<vmem>> -> memref<1x128xi32, #tpu.memory_space<vmem>>
          %dma_wait3A_72 = tpu.memref_squeeze %dma_wait3A_71 : memref<1x128xi32, #tpu.memory_space<vmem>> -> memref<128xi32, #tpu.memory_space<vmem>>
          %dma_wait3A_73 = arith.constant 0 : i32
          %dma_wait3A_74 = arith.constant 0 : i32
          %dma_wait3A_75 = tpu.memref_slice %arg2[%dma_wait3A_73, %dma_wait3A_74] : memref<10000x128xf32, #tpu.memory_space<hbm>> -> memref<10000x128xf32, #tpu.memory_space<hbm>>
          tpu.wait_indirect_dma semaphore(%arg13 : memref<!tpu.dma_semaphore, #tpu.memory_space<semaphore_mem>>) src(%dma_wait3A_75 : memref<10000x128xf32, #tpu.memory_space<hbm>>) dst(%arg10 : memref<128x128xf32, #tpu.memory_space<vmem>>)
          %dma_start3A_76 = arith.constant 0 : i32
          %dma_start3A_77 = tpu.memref_slice %arg8[%scan3A_46, %dma_start3A_76] : memref<8x128xi32, #tpu.memory_space<vmem>> -> memref<1x128xi32, #tpu.memory_space<vmem>>
          %dma_start3A_78 = tpu.memref_squeeze %dma_start3A_77 : memref<1x128xi32, #tpu.memory_space<vmem>> -> memref<128xi32, #tpu.memory_space<vmem>>
          %dma_start3A_79 = arith.constant 0 : i32
          %dma_start3A_80 = arith.constant 0 : i32
          %dma_start3A_81 = tpu.memref_slice %arg11[%dma_start3A_79, %dma_start3A_80] : memref<10240x128xf32, #tpu.memory_space<vmem_shared>> -> memref<10240x128xf32, #tpu.memory_space<vmem_shared>>
          tpu.enqueue_indirect_dma source(%arg10 : memref<128x128xf32, #tpu.memory_space<vmem>>) target(%dma_start3A_81 : memref<10240x128xf32, #tpu.memory_space<vmem_shared>>) offsets(%dma_start3A_78 : memref<128xi32, #tpu.memory_space<vmem>>) semaphore(%arg15 : memref<!tpu.dma_semaphore, #tpu.memory_space<semaphore_mem>>) {add = true}
        } else {
        }
      }
      %scan3A_32 = arith.constant 8 : i32
      %dma_wait3A = arith.constant 0 : i32
      %dma_wait3A_33 = arith.constant 0 : i32
      %dma_wait3A_34 = tpu.memref_slice %arg8[%dma_wait3A, %dma_wait3A_33] : memref<8x128xi32, #tpu.memory_space<vmem>> -> memref<1x128xi32, #tpu.memory_space<vmem>>
      %dma_wait3A_35 = tpu.memref_squeeze %dma_wait3A_34 : memref<1x128xi32, #tpu.memory_space<vmem>> -> memref<128xi32, #tpu.memory_space<vmem>>
      %dma_wait3A_36 = arith.constant 0 : i32
      %dma_wait3A_37 = arith.constant 0 : i32
      %dma_wait3A_38 = tpu.memref_slice %arg11[%dma_wait3A_36, %dma_wait3A_37] : memref<10240x128xf32, #tpu.memory_space<vmem_shared>> -> memref<10240x128xf32, #tpu.memory_space<vmem_shared>>
      tpu.wait_indirect_dma semaphore(%arg14 : memref<!tpu.dma_semaphore, #tpu.memory_space<semaphore_mem>>) src(%arg9 : memref<128x128xf32, #tpu.memory_space<vmem>>) dst(%dma_wait3A_38 : memref<10240x128xf32, #tpu.memory_space<vmem_shared>>)
      %dma_wait3A_39 = arith.constant 0 : i32
      %dma_wait3A_40 = arith.constant 0 : i32
      %dma_wait3A_41 = tpu.memref_slice %arg8[%dma_wait3A_39, %dma_wait3A_40] : memref<8x128xi32, #tpu.memory_space<vmem>> -> memref<1x128xi32, #tpu.memory_space<vmem>>
      %dma_wait3A_42 = tpu.memref_squeeze %dma_wait3A_41 : memref<1x128xi32, #tpu.memory_space<vmem>> -> memref<128xi32, #tpu.memory_space<vmem>>
      %dma_wait3A_43 = arith.constant 0 : i32
      %dma_wait3A_44 = arith.constant 0 : i32
      %dma_wait3A_45 = tpu.memref_slice %arg11[%dma_wait3A_43, %dma_wait3A_44] : memref<10240x128xf32, #tpu.memory_space<vmem_shared>> -> memref<10240x128xf32, #tpu.memory_space<vmem_shared>>
      tpu.wait_indirect_dma semaphore(%arg15 : memref<!tpu.dma_semaphore, #tpu.memory_space<semaphore_mem>>) src(%arg10 : memref<128x128xf32, #tpu.memory_space<vmem>>) dst(%dma_wait3A_45 : memref<10240x128xf32, #tpu.memory_space<vmem_shared>>)
    }
    %scan3A_7 = arith.constant 10 : i32
    %barrier3A_8 = arith.constant 0 : index
    tpu.barrier barrier_id(%barrier3A_8)
    %mul3A_9 = arith.constant 640 : i32
    %mul3A_10 = arith.muli %arg1, %mul3A_9 : i32
    %mul3A_11 = arith.constant 10240 : i32
    %mul3A_12 = arith.muli %arg0, %mul3A_11 : i32
    %mul3A_13 = arith.constant 640 : i32
    %mul3A_14 = arith.muli %arg1, %mul3A_13 : i32
    %add3A_15 = arith.addi %mul3A_12, %mul3A_14 : i32
    "tpu.region"() ({
      %run_scoped3A = tpu.sem_alloc : memref<!tpu.dma_semaphore, #tpu.memory_space<semaphore_mem>>
      %dma_start3A = arith.constant 0 : i32
      %dma_start3A_16 = tpu.memref_slice %arg6[%add3A_15, %dma_start3A] : memref<20480x128xf32, #tpu.memory_space<hbm>> -> memref<640x128xf32, #tpu.memory_space<hbm>>
      %dma_start3A_17 = arith.constant 0 : i32
      %dma_start3A_18 = tpu.memref_slice %arg11[%mul3A_10, %dma_start3A_17] : memref<10240x128xf32, #tpu.memory_space<vmem_shared>> -> memref<640x128xf32, #tpu.memory_space<vmem_shared>>
      tpu.enqueue_dma source(%dma_start3A_18 : memref<640x128xf32, #tpu.memory_space<vmem_shared>>) target(%dma_start3A_16 : memref<640x128xf32, #tpu.memory_space<hbm>>) target_semaphore(%run_scoped3A : memref<!tpu.dma_semaphore, #tpu.memory_space<semaphore_mem>>)
      %dma_wait3A = arith.constant 0 : i32
      %dma_wait3A_19 = tpu.memref_slice %arg6[%add3A_15, %dma_wait3A] : memref<20480x128xf32, #tpu.memory_space<hbm>> -> memref<640x128xf32, #tpu.memory_space<hbm>>
      %dma_wait3A_20 = arith.constant 0 : i32
      %dma_wait3A_21 = tpu.memref_slice %arg11[%mul3A_10, %dma_wait3A_20] : memref<10240x128xf32, #tpu.memory_space<vmem_shared>> -> memref<640x128xf32, #tpu.memory_space<vmem_shared>>
      tpu.wait_dma2 semaphore(%run_scoped3A : memref<!tpu.dma_semaphore, #tpu.memory_space<semaphore_mem>>) src(%dma_wait3A_21 : memref<640x128xf32, #tpu.memory_space<vmem_shared>>) dst(%dma_wait3A_19 : memref<640x128xf32, #tpu.memory_space<hbm>>)
      tpu.yield
    }) : () -> ()
    return
  }
}

#map = affine_map<(d0, d1) -> (0, 0)>
#map1 = affine_map<(d0, d1) -> (0, 0, 0)>
module attributes {stable_mosaic.version = 14 : i64} {
  func.func @_sc_scatter(%arg0: i32, %arg1: i32, %arg2: memref<10000x128xf32, #tpu.memory_space<hbm>>, %arg3: memref<32x80x128xi32, #tpu.memory_space<hbm>>, %arg4: memref<32x80x128xi32, #tpu.memory_space<hbm>>, %arg5: memref<640x128xf32, #tpu.memory_space<hbm>>, %arg6: memref<20480x128xf32, #tpu.memory_space<hbm>>, %arg7: memref<8x128xi32, #tpu.memory_space<vmem>>, %arg8: memref<8x128xi32, #tpu.memory_space<vmem>>, %arg9: memref<128x128xf32, #tpu.memory_space<vmem>>, %arg10: memref<128x128xf32, #tpu.memory_space<vmem>>, %arg11: memref<10240x128xf32, #tpu.memory_space<vmem_shared>>, %arg12: memref<!tpu.dma_semaphore, #tpu.memory_space<semaphore_mem>>, %arg13: memref<!tpu.dma_semaphore, #tpu.memory_space<semaphore_mem>>, %arg14: memref<!tpu.dma_semaphore, #tpu.memory_space<semaphore_mem>>, %arg15: memref<!tpu.dma_semaphore, #tpu.memory_space<semaphore_mem>>) attributes {dimension_semantics = [#tpu.dimension_semantics<core_parallel>, #tpu.dimension_semantics<subcore_parallel>], iteration_bounds = array<i64: 2, 16>, scalar_prefetch = 0 : i64, scratch_operands = 9 : i64, tpu.core_type = #tpu.core_type<sc_vector_subcore>, window_params = [{transform_indices = #map}, {transform_indices = #map1}, {transform_indices = #map1}, {transform_indices = #map}, {transform_indices = #map}]} {
    %mul3A = arith.constant 16 : i32
    %mul3A_0 = arith.muli %arg0, %mul3A : i32
    %add3A = arith.addi %mul3A_0, %arg1 : i32
    %mul3A_1 = arith.constant 640 : i32
    %mul3A_2 = arith.muli %arg1, %mul3A_1 : i32
    "tpu.region"() ({
      %run_scoped3A = tpu.sem_alloc : memref<!tpu.dma_semaphore, #tpu.memory_space<semaphore_mem>>
      %dma_start3A = arith.constant 0 : i32
      %dma_start3A_16 = tpu.memref_slice %arg11[%mul3A_2, %dma_start3A] : memref<10240x128xf32, #tpu.memory_space<vmem_shared>> -> memref<640x128xf32, #tpu.memory_space<vmem_shared>>
      tpu.enqueue_dma source(%arg5 : memref<640x128xf32, #tpu.memory_space<hbm>>) target(%dma_start3A_16 : memref<640x128xf32, #tpu.memory_space<vmem_shared>>) target_semaphore(%run_scoped3A : memref<!tpu.dma_semaphore, #tpu.memory_space<semaphore_mem>>)
      %dma_wait3A = arith.constant 0 : i32
      %dma_wait3A_17 = tpu.memref_slice %arg11[%mul3A_2, %dma_wait3A] : memref<10240x128xf32, #tpu.memory_space<vmem_shared>> -> memref<640x128xf32, #tpu.memory_space<vmem_shared>>
      tpu.wait_dma2 semaphore(%run_scoped3A : memref<!tpu.dma_semaphore, #tpu.memory_space<semaphore_mem>>) src(%arg5 : memref<640x128xf32, #tpu.memory_space<hbm>>) dst(%dma_wait3A_17 : memref<640x128xf32, #tpu.memory_space<vmem_shared>>)
      tpu.yield
    }) : () -> ()
    %barrier3A = arith.constant 0 : index
    tpu.barrier barrier_id(%barrier3A)
    %scan3A = arith.constant 0 : i32
    %scan3A_3 = arith.constant 0 : i32
    %scan3A_4 = arith.constant 10 : i32
    %scan3A_5 = arith.addi %scan3A_3, %scan3A_4 : i32
    %scan3A_6 = arith.constant 1 : i32
    scf.for %scan3A_16 = %scan3A_3 to %scan3A_5 step %scan3A_6  : i32 {
      %mul3A_17 = arith.constant 8 : i32
      %mul3A_18 = arith.muli %scan3A_16, %mul3A_17 : i32
      "tpu.region"() ({
        %run_scoped3A = tpu.sem_alloc : memref<!tpu.dma_semaphore, #tpu.memory_space<semaphore_mem>>
        %dma_start3A_46 = arith.constant 0 : i32
        %dma_start3A_47 = tpu.memref_slice %arg3[%add3A, %mul3A_18, %dma_start3A_46] : memref<32x80x128xi32, #tpu.memory_space<hbm>> -> memref<1x8x128xi32, #tpu.memory_space<hbm>>
        %dma_start3A_48 = tpu.memref_squeeze %dma_start3A_47 : memref<1x8x128xi32, #tpu.memory_space<hbm>> -> memref<8x128xi32, #tpu.memory_space<hbm>>
        %dma_start3A_49 = arith.constant 0 : i32
        %dma_start3A_50 = tpu.memref_slice %arg3[%add3A, %mul3A_18, %dma_start3A_49] : memref<32x80x128xi32, #tpu.memory_space<hbm>> -> memref<1x8x128xi32, #tpu.memory_space<hbm>>
        %dma_start3A_51 = tpu.memref_squeeze %dma_start3A_50 : memref<1x8x128xi32, #tpu.memory_space<hbm>> -> memref<8x128xi32, #tpu.memory_space<hbm>>
        tpu.enqueue_dma source(%dma_start3A_51 : memref<8x128xi32, #tpu.memory_space<hbm>>) target(%arg7 : memref<8x128xi32, #tpu.memory_space<vmem>>) target_semaphore(%run_scoped3A : memref<!tpu.dma_semaphore, #tpu.memory_space<semaphore_mem>>)
        %dma_wait3A_52 = arith.constant 0 : i32
        %dma_wait3A_53 = tpu.memref_slice %arg3[%add3A, %mul3A_18, %dma_wait3A_52] : memref<32x80x128xi32, #tpu.memory_space<hbm>> -> memref<1x8x128xi32, #tpu.memory_space<hbm>>
        %dma_wait3A_54 = tpu.memref_squeeze %dma_wait3A_53 : memref<1x8x128xi32, #tpu.memory_space<hbm>> -> memref<8x128xi32, #tpu.memory_space<hbm>>
        %dma_wait3A_55 = arith.constant 0 : i32
        %dma_wait3A_56 = tpu.memref_slice %arg3[%add3A, %mul3A_18, %dma_wait3A_55] : memref<32x80x128xi32, #tpu.memory_space<hbm>> -> memref<1x8x128xi32, #tpu.memory_space<hbm>>
        %dma_wait3A_57 = tpu.memref_squeeze %dma_wait3A_56 : memref<1x8x128xi32, #tpu.memory_space<hbm>> -> memref<8x128xi32, #tpu.memory_space<hbm>>
        tpu.wait_dma2 semaphore(%run_scoped3A : memref<!tpu.dma_semaphore, #tpu.memory_space<semaphore_mem>>) src(%dma_wait3A_57 : memref<8x128xi32, #tpu.memory_space<hbm>>) dst(%arg7 : memref<8x128xi32, #tpu.memory_space<vmem>>)
        tpu.yield
      }) : () -> ()
      %mul3A_19 = arith.constant 8 : i32
      %mul3A_20 = arith.muli %scan3A_16, %mul3A_19 : i32
      "tpu.region"() ({
        %run_scoped3A = tpu.sem_alloc : memref<!tpu.dma_semaphore, #tpu.memory_space<semaphore_mem>>
        %dma_start3A_46 = arith.constant 0 : i32
        %dma_start3A_47 = tpu.memref_slice %arg4[%add3A, %mul3A_20, %dma_start3A_46] : memref<32x80x128xi32, #tpu.memory_space<hbm>> -> memref<1x8x128xi32, #tpu.memory_space<hbm>>
        %dma_start3A_48 = tpu.memref_squeeze %dma_start3A_47 : memref<1x8x128xi32, #tpu.memory_space<hbm>> -> memref<8x128xi32, #tpu.memory_space<hbm>>
        %dma_start3A_49 = arith.constant 0 : i32
        %dma_start3A_50 = tpu.memref_slice %arg4[%add3A, %mul3A_20, %dma_start3A_49] : memref<32x80x128xi32, #tpu.memory_space<hbm>> -> memref<1x8x128xi32, #tpu.memory_space<hbm>>
        %dma_start3A_51 = tpu.memref_squeeze %dma_start3A_50 : memref<1x8x128xi32, #tpu.memory_space<hbm>> -> memref<8x128xi32, #tpu.memory_space<hbm>>
        tpu.enqueue_dma source(%dma_start3A_51 : memref<8x128xi32, #tpu.memory_space<hbm>>) target(%arg8 : memref<8x128xi32, #tpu.memory_space<vmem>>) target_semaphore(%run_scoped3A : memref<!tpu.dma_semaphore, #tpu.memory_space<semaphore_mem>>)
        %dma_wait3A_52 = arith.constant 0 : i32
        %dma_wait3A_53 = tpu.memref_slice %arg4[%add3A, %mul3A_20, %dma_wait3A_52] : memref<32x80x128xi32, #tpu.memory_space<hbm>> -> memref<1x8x128xi32, #tpu.memory_space<hbm>>
        %dma_wait3A_54 = tpu.memref_squeeze %dma_wait3A_53 : memref<1x8x128xi32, #tpu.memory_space<hbm>> -> memref<8x128xi32, #tpu.memory_space<hbm>>
        %dma_wait3A_55 = arith.constant 0 : i32
        %dma_wait3A_56 = tpu.memref_slice %arg4[%add3A, %mul3A_20, %dma_wait3A_55] : memref<32x80x128xi32, #tpu.memory_space<hbm>> -> memref<1x8x128xi32, #tpu.memory_space<hbm>>
        %dma_wait3A_57 = tpu.memref_squeeze %dma_wait3A_56 : memref<1x8x128xi32, #tpu.memory_space<hbm>> -> memref<8x128xi32, #tpu.memory_space<hbm>>
        tpu.wait_dma2 semaphore(%run_scoped3A : memref<!tpu.dma_semaphore, #tpu.memory_space<semaphore_mem>>) src(%dma_wait3A_57 : memref<8x128xi32, #tpu.memory_space<hbm>>) dst(%arg8 : memref<8x128xi32, #tpu.memory_space<vmem>>)
        tpu.yield
      }) : () -> ()
      %dma_start3A = arith.constant 0 : i32
      %dma_start3A_21 = arith.constant 0 : i32
      %dma_start3A_22 = tpu.memref_slice %arg7[%dma_start3A, %dma_start3A_21] : memref<8x128xi32, #tpu.memory_space<vmem>> -> memref<1x128xi32, #tpu.memory_space<vmem>>
      %dma_start3A_23 = tpu.memref_squeeze %dma_start3A_22 : memref<1x128xi32, #tpu.memory_space<vmem>> -> memref<128xi32, #tpu.memory_space<vmem>>
      %dma_start3A_24 = arith.constant 0 : i32
      %dma_start3A_25 = arith.constant 0 : i32
      %dma_start3A_26 = tpu.memref_slice %arg2[%dma_start3A_24, %dma_start3A_25] : memref<10000x128xf32, #tpu.memory_space<hbm>> -> memref<10000x128xf32, #tpu.memory_space<hbm>>
      tpu.enqueue_indirect_dma source(%dma_start3A_26 : memref<10000x128xf32, #tpu.memory_space<hbm>>) target(%arg9 : memref<128x128xf32, #tpu.memory_space<vmem>>) offsets(%dma_start3A_23 : memref<128xi32, #tpu.memory_space<vmem>>) semaphore(%arg12 : memref<!tpu.dma_semaphore, #tpu.memory_space<semaphore_mem>>)
      %scan3A_27 = arith.constant 0 : i32
      %scan3A_28 = arith.constant 0 : i32
      %scan3A_29 = arith.constant 8 : i32
      %scan3A_30 = arith.addi %scan3A_28, %scan3A_29 : i32
      %scan3A_31 = arith.constant 1 : i32
      scf.for %scan3A_46 = %scan3A_28 to %scan3A_30 step %scan3A_31  : i32 {
        %rem3A = arith.constant 2 : i32
        %rem3A_47 = arith.remsi %scan3A_46, %rem3A : i32
        %eq3A = arith.constant 0 : i32
        %eq3A_48 = arith.cmpi eq, %rem3A_47, %eq3A : i32
        %add3A_49 = arith.constant 1 : i32
        %add3A_50 = arith.addi %scan3A_46, %add3A_49 : i32
        %lt3A = arith.constant 8 : i32
        %lt3A_51 = arith.cmpi slt, %add3A_50, %lt3A : i32
        %and3A = arith.andi %eq3A_48, %lt3A_51 : i1
        %convert_element_type3A = arith.extui %and3A : i1 to i32
        %cond3A = arith.constant 0 : i32
        %cond3A_52 = arith.cmpi ne, %convert_element_type3A, %cond3A : i32
        scf.if %cond3A_52 {
          %gt3A = arith.constant 0 : i32
          %gt3A_70 = arith.cmpi sgt, %scan3A_46, %gt3A : i32
          %convert_element_type3A_71 = arith.extui %gt3A_70 : i1 to i32
          %cond3A_72 = arith.constant 0 : i32
          %cond3A_73 = arith.cmpi ne, %convert_element_type3A_71, %cond3A_72 : i32
          scf.if %cond3A_73 {
            %dma_wait3A_82 = arith.constant 0 : i32
            %dma_wait3A_83 = tpu.memref_slice %arg8[%scan3A_46, %dma_wait3A_82] : memref<8x128xi32, #tpu.memory_space<vmem>> -> memref<1x128xi32, #tpu.memory_space<vmem>>
            %dma_wait3A_84 = tpu.memref_squeeze %dma_wait3A_83 : memref<1x128xi32, #tpu.memory_space<vmem>> -> memref<128xi32, #tpu.memory_space<vmem>>
            %dma_wait3A_85 = arith.constant 0 : i32
            %dma_wait3A_86 = arith.constant 0 : i32
            %dma_wait3A_87 = tpu.memref_slice %arg11[%dma_wait3A_85, %dma_wait3A_86] : memref<10240x128xf32, #tpu.memory_space<vmem_shared>> -> memref<10240x128xf32, #tpu.memory_space<vmem_shared>>
            tpu.wait_indirect_dma semaphore(%arg15 : memref<!tpu.dma_semaphore, #tpu.memory_space<semaphore_mem>>) src(%arg10 : memref<128x128xf32, #tpu.memory_space<vmem>>) dst(%dma_wait3A_87 : memref<10240x128xf32, #tpu.memory_space<vmem_shared>>)
          } else {
          }
          %add3A_74 = arith.constant 1 : i32
          %add3A_75 = arith.addi %scan3A_46, %add3A_74 : i32
          %dma_start3A_76 = arith.constant 0 : i32
          %dma_start3A_77 = tpu.memref_slice %arg7[%add3A_75, %dma_start3A_76] : memref<8x128xi32, #tpu.memory_space<vmem>> -> memref<1x128xi32, #tpu.memory_space<vmem>>
          %dma_start3A_78 = tpu.memref_squeeze %dma_start3A_77 : memref<1x128xi32, #tpu.memory_space<vmem>> -> memref<128xi32, #tpu.memory_space<vmem>>
          %dma_start3A_79 = arith.constant 0 : i32
          %dma_start3A_80 = arith.constant 0 : i32
          %dma_start3A_81 = tpu.memref_slice %arg2[%dma_start3A_79, %dma_start3A_80] : memref<10000x128xf32, #tpu.memory_space<hbm>> -> memref<10000x128xf32, #tpu.memory_space<hbm>>
          tpu.enqueue_indirect_dma source(%dma_start3A_81 : memref<10000x128xf32, #tpu.memory_space<hbm>>) target(%arg10 : memref<128x128xf32, #tpu.memory_space<vmem>>) offsets(%dma_start3A_78 : memref<128xi32, #tpu.memory_space<vmem>>) semaphore(%arg13 : memref<!tpu.dma_semaphore, #tpu.memory_space<semaphore_mem>>)
        } else {
        }
        %not3A = arith.constant true
        %not3A_53 = arith.xori %eq3A_48, %not3A : i1
        %add3A_54 = arith.constant 1 : i32
        %add3A_55 = arith.addi %scan3A_46, %add3A_54 : i32
        %lt3A_56 = arith.constant 8 : i32
        %lt3A_57 = arith.cmpi slt, %add3A_55, %lt3A_56 : i32
        %and3A_58 = arith.andi %not3A_53, %lt3A_57 : i1
        %convert_element_type3A_59 = arith.extui %and3A_58 : i1 to i32
        %cond3A_60 = arith.constant 0 : i32
        %cond3A_61 = arith.cmpi ne, %convert_element_type3A_59, %cond3A_60 : i32
        scf.if %cond3A_61 {
          %dma_wait3A_70 = arith.constant 0 : i32
          %dma_wait3A_71 = tpu.memref_slice %arg8[%scan3A_46, %dma_wait3A_70] : memref<8x128xi32, #tpu.memory_space<vmem>> -> memref<1x128xi32, #tpu.memory_space<vmem>>
          %dma_wait3A_72 = tpu.memref_squeeze %dma_wait3A_71 : memref<1x128xi32, #tpu.memory_space<vmem>> -> memref<128xi32, #tpu.memory_space<vmem>>
          %dma_wait3A_73 = arith.constant 0 : i32
          %dma_wait3A_74 = arith.constant 0 : i32
          %dma_wait3A_75 = tpu.memref_slice %arg11[%dma_wait3A_73, %dma_wait3A_74] : memref<10240x128xf32, #tpu.memory_space<vmem_shared>> -> memref<10240x128xf32, #tpu.memory_space<vmem_shared>>
          tpu.wait_indirect_dma semaphore(%arg14 : memref<!tpu.dma_semaphore, #tpu.memory_space<semaphore_mem>>) src(%arg9 : memref<128x128xf32, #tpu.memory_space<vmem>>) dst(%dma_wait3A_75 : memref<10240x128xf32, #tpu.memory_space<vmem_shared>>)
          %add3A_76 = arith.constant 1 : i32
          %add3A_77 = arith.addi %scan3A_46, %add3A_76 : i32
          %dma_start3A_78 = arith.constant 0 : i32
          %dma_start3A_79 = tpu.memref_slice %arg7[%add3A_77, %dma_start3A_78] : memref<8x128xi32, #tpu.memory_space<vmem>> -> memref<1x128xi32, #tpu.memory_space<vmem>>
          %dma_start3A_80 = tpu.memref_squeeze %dma_start3A_79 : memref<1x128xi32, #tpu.memory_space<vmem>> -> memref<128xi32, #tpu.memory_space<vmem>>
          %dma_start3A_81 = arith.constant 0 : i32
          %dma_start3A_82 = arith.constant 0 : i32
          %dma_start3A_83 = tpu.memref_slice %arg2[%dma_start3A_81, %dma_start3A_82] : memref<10000x128xf32, #tpu.memory_space<hbm>> -> memref<10000x128xf32, #tpu.memory_space<hbm>>
          tpu.enqueue_indirect_dma source(%dma_start3A_83 : memref<10000x128xf32, #tpu.memory_space<hbm>>) target(%arg9 : memref<128x128xf32, #tpu.memory_space<vmem>>) offsets(%dma_start3A_80 : memref<128xi32, #tpu.memory_space<vmem>>) semaphore(%arg12 : memref<!tpu.dma_semaphore, #tpu.memory_space<semaphore_mem>>)
        } else {
        }
        %convert_element_type3A_62 = arith.extui %eq3A_48 : i1 to i32
        %cond3A_63 = arith.constant 0 : i32
        %cond3A_64 = arith.cmpi ne, %convert_element_type3A_62, %cond3A_63 : i32
        scf.if %cond3A_64 {
          %dma_wait3A_70 = arith.constant 0 : i32
          %dma_wait3A_71 = tpu.memref_slice %arg7[%scan3A_46, %dma_wait3A_70] : memref<8x128xi32, #tpu.memory_space<vmem>> -> memref<1x128xi32, #tpu.memory_space<vmem>>
          %dma_wait3A_72 = tpu.memref_squeeze %dma_wait3A_71 : memref<1x128xi32, #tpu.memory_space<vmem>> -> memref<128xi32, #tpu.memory_space<vmem>>
          %dma_wait3A_73 = arith.constant 0 : i32
          %dma_wait3A_74 = arith.constant 0 : i32
          %dma_wait3A_75 = tpu.memref_slice %arg2[%dma_wait3A_73, %dma_wait3A_74] : memref<10000x128xf32, #tpu.memory_space<hbm>> -> memref<10000x128xf32, #tpu.memory_space<hbm>>
          tpu.wait_indirect_dma semaphore(%arg12 : memref<!tpu.dma_semaphore, #tpu.memory_space<semaphore_mem>>) src(%dma_wait3A_75 : memref<10000x128xf32, #tpu.memory_space<hbm>>) dst(%arg9 : memref<128x128xf32, #tpu.memory_space<vmem>>)
          %dma_start3A_76 = arith.constant 0 : i32
          %dma_start3A_77 = tpu.memref_slice %arg8[%scan3A_46, %dma_start3A_76] : memref<8x128xi32, #tpu.memory_space<vmem>> -> memref<1x128xi32, #tpu.memory_space<vmem>>
          %dma_start3A_78 = tpu.memref_squeeze %dma_start3A_77 : memref<1x128xi32, #tpu.memory_space<vmem>> -> memref<128xi32, #tpu.memory_space<vmem>>
          %dma_start3A_79 = arith.constant 0 : i32
          %dma_start3A_80 = arith.constant 0 : i32
          %dma_start3A_81 = tpu.memref_slice %arg11[%dma_start3A_79, %dma_start3A_80] : memref<10240x128xf32, #tpu.memory_space<vmem_shared>> -> memref<10240x128xf32, #tpu.memory_space<vmem_shared>>
          tpu.enqueue_indirect_dma source(%arg9 : memref<128x128xf32, #tpu.memory_space<vmem>>) target(%dma_start3A_81 : memref<10240x128xf32, #tpu.memory_space<vmem_shared>>) offsets(%dma_start3A_78 : memref<128xi32, #tpu.memory_space<vmem>>) semaphore(%arg14 : memref<!tpu.dma_semaphore, #tpu.memory_space<semaphore_mem>>) {add = true}
        } else {
        }
        %not3A_65 = arith.constant true
        %not3A_66 = arith.xori %eq3A_48, %not3A_65 : i1
        %convert_element_type3A_67 = arith.extui %not3A_66 : i1 to i32
        %cond3A_68 = arith.constant 0 : i32
        %cond3A_69 = arith.cmpi ne, %convert_element_type3A_67, %cond3A_68 : i32
        scf.if %cond3A_69 {
          %dma_wait3A_70 = arith.constant 0 : i32
          %dma_wait3A_71 = tpu.memref_slice %arg7[%scan3A_46, %dma_wait3A_70] : memref<8x128xi32, #tpu.memory_space<vmem>> -> memref<1x128xi32, #tpu.memory_space<vmem>>
          %dma_wait3A_72 = tpu.memref_squeeze %dma_wait3A_71 : memref<1x128xi32, #tpu.memory_space<vmem>> -> memref<128xi32, #tpu.memory_space<vmem>>
          %dma_wait3A_73 = arith.constant 0 : i32
          %dma_wait3A_74 = arith.constant 0 : i32
          %dma_wait3A_75 = tpu.memref_slice %arg2[%dma_wait3A_73, %dma_wait3A_74] : memref<10000x128xf32, #tpu.memory_space<hbm>> -> memref<10000x128xf32, #tpu.memory_space<hbm>>
          tpu.wait_indirect_dma semaphore(%arg13 : memref<!tpu.dma_semaphore, #tpu.memory_space<semaphore_mem>>) src(%dma_wait3A_75 : memref<10000x128xf32, #tpu.memory_space<hbm>>) dst(%arg10 : memref<128x128xf32, #tpu.memory_space<vmem>>)
          %dma_start3A_76 = arith.constant 0 : i32
          %dma_start3A_77 = tpu.memref_slice %arg8[%scan3A_46, %dma_start3A_76] : memref<8x128xi32, #tpu.memory_space<vmem>> -> memref<1x128xi32, #tpu.memory_space<vmem>>
          %dma_start3A_78 = tpu.memref_squeeze %dma_start3A_77 : memref<1x128xi32, #tpu.memory_space<vmem>> -> memref<128xi32, #tpu.memory_space<vmem>>
          %dma_start3A_79 = arith.constant 0 : i32
          %dma_start3A_80 = arith.constant 0 : i32
          %dma_start3A_81 = tpu.memref_slice %arg11[%dma_start3A_79, %dma_start3A_80] : memref<10240x128xf32, #tpu.memory_space<vmem_shared>> -> memref<10240x128xf32, #tpu.memory_space<vmem_shared>>
          tpu.enqueue_indirect_dma source(%arg10 : memref<128x128xf32, #tpu.memory_space<vmem>>) target(%dma_start3A_81 : memref<10240x128xf32, #tpu.memory_space<vmem_shared>>) offsets(%dma_start3A_78 : memref<128xi32, #tpu.memory_space<vmem>>) semaphore(%arg15 : memref<!tpu.dma_semaphore, #tpu.memory_space<semaphore_mem>>) {add = true}
        } else {
        }
      }
      %scan3A_32 = arith.constant 8 : i32
      %dma_wait3A = arith.constant 0 : i32
      %dma_wait3A_33 = arith.constant 0 : i32
      %dma_wait3A_34 = tpu.memref_slice %arg8[%dma_wait3A, %dma_wait3A_33] : memref<8x128xi32, #tpu.memory_space<vmem>> -> memref<1x128xi32, #tpu.memory_space<vmem>>
      %dma_wait3A_35 = tpu.memref_squeeze %dma_wait3A_34 : memref<1x128xi32, #tpu.memory_space<vmem>> -> memref<128xi32, #tpu.memory_space<vmem>>
      %dma_wait3A_36 = arith.constant 0 : i32
      %dma_wait3A_37 = arith.constant 0 : i32
      %dma_wait3A_38 = tpu.memref_slice %arg11[%dma_wait3A_36, %dma_wait3A_37] : memref<10240x128xf32, #tpu.memory_space<vmem_shared>> -> memref<10240x128xf32, #tpu.memory_space<vmem_shared>>
      tpu.wait_indirect_dma semaphore(%arg14 : memref<!tpu.dma_semaphore, #tpu.memory_space<semaphore_mem>>) src(%arg9 : memref<128x128xf32, #tpu.memory_space<vmem>>) dst(%dma_wait3A_38 : memref<10240x128xf32, #tpu.memory_space<vmem_shared>>)
      %dma_wait3A_39 = arith.constant 0 : i32
      %dma_wait3A_40 = arith.constant 0 : i32
      %dma_wait3A_41 = tpu.memref_slice %arg8[%dma_wait3A_39, %dma_wait3A_40] : memref<8x128xi32, #tpu.memory_space<vmem>> -> memref<1x128xi32, #tpu.memory_space<vmem>>
      %dma_wait3A_42 = tpu.memref_squeeze %dma_wait3A_41 : memref<1x128xi32, #tpu.memory_space<vmem>> -> memref<128xi32, #tpu.memory_space<vmem>>
      %dma_wait3A_43 = arith.constant 0 : i32
      %dma_wait3A_44 = arith.constant 0 : i32
      %dma_wait3A_45 = tpu.memref_slice %arg11[%dma_wait3A_43, %dma_wait3A_44] : memref<10240x128xf32, #tpu.memory_space<vmem_shared>> -> memref<10240x128xf32, #tpu.memory_space<vmem_shared>>
      tpu.wait_indirect_dma semaphore(%arg15 : memref<!tpu.dma_semaphore, #tpu.memory_space<semaphore_mem>>) src(%arg10 : memref<128x128xf32, #tpu.memory_space<vmem>>) dst(%dma_wait3A_45 : memref<10240x128xf32, #tpu.memory_space<vmem_shared>>)
    }
    %scan3A_7 = arith.constant 10 : i32
    %barrier3A_8 = arith.constant 0 : index
    tpu.barrier barrier_id(%barrier3A_8)
    %mul3A_9 = arith.constant 640 : i32
    %mul3A_10 = arith.muli %arg1, %mul3A_9 : i32
    %mul3A_11 = arith.constant 10240 : i32
    %mul3A_12 = arith.muli %arg0, %mul3A_11 : i32
    %mul3A_13 = arith.constant 640 : i32
    %mul3A_14 = arith.muli %arg1, %mul3A_13 : i32
    %add3A_15 = arith.addi %mul3A_12, %mul3A_14 : i32
    "tpu.region"() ({
      %run_scoped3A = tpu.sem_alloc : memref<!tpu.dma_semaphore, #tpu.memory_space<semaphore_mem>>
      %dma_start3A = arith.constant 0 : i32
      %dma_start3A_16 = tpu.memref_slice %arg6[%add3A_15, %dma_start3A] : memref<20480x128xf32, #tpu.memory_space<hbm>> -> memref<640x128xf32, #tpu.memory_space<hbm>>
      %dma_start3A_17 = arith.constant 0 : i32
      %dma_start3A_18 = tpu.memref_slice %arg11[%mul3A_10, %dma_start3A_17] : memref<10240x128xf32, #tpu.memory_space<vmem_shared>> -> memref<640x128xf32, #tpu.memory_space<vmem_shared>>
      tpu.enqueue_dma source(%dma_start3A_18 : memref<640x128xf32, #tpu.memory_space<vmem_shared>>) target(%dma_start3A_16 : memref<640x128xf32, #tpu.memory_space<hbm>>) target_semaphore(%run_scoped3A : memref<!tpu.dma_semaphore, #tpu.memory_space<semaphore_mem>>)
      %dma_wait3A = arith.constant 0 : i32
      %dma_wait3A_19 = tpu.memref_slice %arg6[%add3A_15, %dma_wait3A] : memref<20480x128xf32, #tpu.memory_space<hbm>> -> memref<640x128xf32, #tpu.memory_space<hbm>>
      %dma_wait3A_20 = arith.constant 0 : i32
      %dma_wait3A_21 = tpu.memref_slice %arg11[%mul3A_10, %dma_wait3A_20] : memref<10240x128xf32, #tpu.memory_space<vmem_shared>> -> memref<640x128xf32, #tpu.memory_space<vmem_shared>>
      tpu.wait_dma2 semaphore(%run_scoped3A : memref<!tpu.dma_semaphore, #tpu.memory_space<semaphore_mem>>) src(%dma_wait3A_21 : memref<640x128xf32, #tpu.memory_space<vmem_shared>>) dst(%dma_wait3A_19 : memref<640x128xf32, #tpu.memory_space<hbm>>)
      tpu.yield
    }) : () -> ()
    return
  }
}

#map = affine_map<(d0, d1) -> (0, 0, 0)>
#map1 = affine_map<(d0, d1) -> (0, 0)>
module attributes {stable_mosaic.version = 14 : i64} {
  func.func @_sc_degree(%arg0: i32, %arg1: i32, %arg2: memref<32x80x128xi32, #tpu.memory_space<hbm>>, %arg3: memref<128x128xf32, #tpu.memory_space<hbm>>, %arg4: memref<640x128xf32, #tpu.memory_space<hbm>>, %arg5: memref<20480x128xf32, #tpu.memory_space<hbm>>, %arg6: memref<8x128xi32, #tpu.memory_space<vmem>>, %arg7: memref<128x128xf32, #tpu.memory_space<vmem>>, %arg8: memref<10240x128xf32, #tpu.memory_space<vmem_shared>>) attributes {dimension_semantics = [#tpu.dimension_semantics<core_parallel>, #tpu.dimension_semantics<subcore_parallel>], iteration_bounds = array<i64: 2, 16>, scalar_prefetch = 0 : i64, scratch_operands = 3 : i64, tpu.core_type = #tpu.core_type<sc_vector_subcore>, window_params = [{transform_indices = #map}, {transform_indices = #map1}, {transform_indices = #map1}, {transform_indices = #map1}]} {
    %mul3A = arith.constant 16 : i32
    %mul3A_0 = arith.muli %arg0, %mul3A : i32
    %add3A = arith.addi %mul3A_0, %arg1 : i32
    %mul3A_1 = arith.constant 640 : i32
    %mul3A_2 = arith.muli %arg1, %mul3A_1 : i32
    "tpu.region"() ({
      %run_scoped3A = tpu.sem_alloc : memref<!tpu.dma_semaphore, #tpu.memory_space<semaphore_mem>>
      %dma_start3A = arith.constant 0 : i32
      %dma_start3A_16 = tpu.memref_slice %arg8[%mul3A_2, %dma_start3A] : memref<10240x128xf32, #tpu.memory_space<vmem_shared>> -> memref<640x128xf32, #tpu.memory_space<vmem_shared>>
      tpu.enqueue_dma source(%arg4 : memref<640x128xf32, #tpu.memory_space<hbm>>) target(%dma_start3A_16 : memref<640x128xf32, #tpu.memory_space<vmem_shared>>) target_semaphore(%run_scoped3A : memref<!tpu.dma_semaphore, #tpu.memory_space<semaphore_mem>>)
      %dma_wait3A = arith.constant 0 : i32
      %dma_wait3A_17 = tpu.memref_slice %arg8[%mul3A_2, %dma_wait3A] : memref<10240x128xf32, #tpu.memory_space<vmem_shared>> -> memref<640x128xf32, #tpu.memory_space<vmem_shared>>
      tpu.wait_dma2 semaphore(%run_scoped3A : memref<!tpu.dma_semaphore, #tpu.memory_space<semaphore_mem>>) src(%arg4 : memref<640x128xf32, #tpu.memory_space<hbm>>) dst(%dma_wait3A_17 : memref<640x128xf32, #tpu.memory_space<vmem_shared>>)
      tpu.yield
    }) : () -> ()
    "tpu.region"() ({
      %run_scoped3A = tpu.sem_alloc : memref<!tpu.dma_semaphore, #tpu.memory_space<semaphore_mem>>
      tpu.enqueue_dma source(%arg3 : memref<128x128xf32, #tpu.memory_space<hbm>>) target(%arg7 : memref<128x128xf32, #tpu.memory_space<vmem>>) target_semaphore(%run_scoped3A : memref<!tpu.dma_semaphore, #tpu.memory_space<semaphore_mem>>)
      tpu.wait_dma2 semaphore(%run_scoped3A : memref<!tpu.dma_semaphore, #tpu.memory_space<semaphore_mem>>) src(%arg3 : memref<128x128xf32, #tpu.memory_space<hbm>>) dst(%arg7 : memref<128x128xf32, #tpu.memory_space<vmem>>)
      tpu.yield
    }) : () -> ()
    %barrier3A = arith.constant 0 : index
    tpu.barrier barrier_id(%barrier3A)
    %scan3A = arith.constant 0 : i32
    %scan3A_3 = arith.constant 0 : i32
    %scan3A_4 = arith.constant 10 : i32
    %scan3A_5 = arith.addi %scan3A_3, %scan3A_4 : i32
    %scan3A_6 = arith.constant 1 : i32
    scf.for %scan3A_16 = %scan3A_3 to %scan3A_5 step %scan3A_6  : i32 {
      %mul3A_17 = arith.constant 8 : i32
      %mul3A_18 = arith.muli %scan3A_16, %mul3A_17 : i32
      "tpu.region"() ({
        %run_scoped3A = tpu.sem_alloc : memref<!tpu.dma_semaphore, #tpu.memory_space<semaphore_mem>>
        %dma_start3A = arith.constant 0 : i32
        %dma_start3A_25 = tpu.memref_slice %arg2[%add3A, %mul3A_18, %dma_start3A] : memref<32x80x128xi32, #tpu.memory_space<hbm>> -> memref<1x8x128xi32, #tpu.memory_space<hbm>>
        %dma_start3A_26 = tpu.memref_squeeze %dma_start3A_25 : memref<1x8x128xi32, #tpu.memory_space<hbm>> -> memref<8x128xi32, #tpu.memory_space<hbm>>
        %dma_start3A_27 = arith.constant 0 : i32
        %dma_start3A_28 = tpu.memref_slice %arg2[%add3A, %mul3A_18, %dma_start3A_27] : memref<32x80x128xi32, #tpu.memory_space<hbm>> -> memref<1x8x128xi32, #tpu.memory_space<hbm>>
        %dma_start3A_29 = tpu.memref_squeeze %dma_start3A_28 : memref<1x8x128xi32, #tpu.memory_space<hbm>> -> memref<8x128xi32, #tpu.memory_space<hbm>>
        tpu.enqueue_dma source(%dma_start3A_29 : memref<8x128xi32, #tpu.memory_space<hbm>>) target(%arg6 : memref<8x128xi32, #tpu.memory_space<vmem>>) target_semaphore(%run_scoped3A : memref<!tpu.dma_semaphore, #tpu.memory_space<semaphore_mem>>)
        %dma_wait3A = arith.constant 0 : i32
        %dma_wait3A_30 = tpu.memref_slice %arg2[%add3A, %mul3A_18, %dma_wait3A] : memref<32x80x128xi32, #tpu.memory_space<hbm>> -> memref<1x8x128xi32, #tpu.memory_space<hbm>>
        %dma_wait3A_31 = tpu.memref_squeeze %dma_wait3A_30 : memref<1x8x128xi32, #tpu.memory_space<hbm>> -> memref<8x128xi32, #tpu.memory_space<hbm>>
        %dma_wait3A_32 = arith.constant 0 : i32
        %dma_wait3A_33 = tpu.memref_slice %arg2[%add3A, %mul3A_18, %dma_wait3A_32] : memref<32x80x128xi32, #tpu.memory_space<hbm>> -> memref<1x8x128xi32, #tpu.memory_space<hbm>>
        %dma_wait3A_34 = tpu.memref_squeeze %dma_wait3A_33 : memref<1x8x128xi32, #tpu.memory_space<hbm>> -> memref<8x128xi32, #tpu.memory_space<hbm>>
        tpu.wait_dma2 semaphore(%run_scoped3A : memref<!tpu.dma_semaphore, #tpu.memory_space<semaphore_mem>>) src(%dma_wait3A_34 : memref<8x128xi32, #tpu.memory_space<hbm>>) dst(%arg6 : memref<8x128xi32, #tpu.memory_space<vmem>>)
        tpu.yield
      }) : () -> ()
      %scan3A_19 = arith.constant 0 : i32
      %scan3A_20 = arith.constant 0 : i32
      %scan3A_21 = arith.constant 8 : i32
      %scan3A_22 = arith.addi %scan3A_20, %scan3A_21 : i32
      %scan3A_23 = arith.constant 1 : i32
      scf.for %scan3A_25 = %scan3A_20 to %scan3A_22 step %scan3A_23  : i32 {
        "tpu.region"() ({
          %run_scoped3A = tpu.sem_alloc : memref<!tpu.dma_semaphore, #tpu.memory_space<semaphore_mem>>
          %dma_start3A = arith.constant 0 : i32
          %dma_start3A_26 = tpu.memref_slice %arg6[%scan3A_25, %dma_start3A] : memref<8x128xi32, #tpu.memory_space<vmem>> -> memref<1x128xi32, #tpu.memory_space<vmem>>
          %dma_start3A_27 = tpu.memref_squeeze %dma_start3A_26 : memref<1x128xi32, #tpu.memory_space<vmem>> -> memref<128xi32, #tpu.memory_space<vmem>>
          %dma_start3A_28 = arith.constant 0 : i32
          %dma_start3A_29 = arith.constant 0 : i32
          %dma_start3A_30 = tpu.memref_slice %arg8[%dma_start3A_28, %dma_start3A_29] : memref<10240x128xf32, #tpu.memory_space<vmem_shared>> -> memref<10240x128xf32, #tpu.memory_space<vmem_shared>>
          tpu.enqueue_indirect_dma source(%arg7 : memref<128x128xf32, #tpu.memory_space<vmem>>) target(%dma_start3A_30 : memref<10240x128xf32, #tpu.memory_space<vmem_shared>>) offsets(%dma_start3A_27 : memref<128xi32, #tpu.memory_space<vmem>>) semaphore(%run_scoped3A : memref<!tpu.dma_semaphore, #tpu.memory_space<semaphore_mem>>) {add = true}
          %dma_wait3A = arith.constant 0 : i32
          %dma_wait3A_31 = tpu.memref_slice %arg6[%scan3A_25, %dma_wait3A] : memref<8x128xi32, #tpu.memory_space<vmem>> -> memref<1x128xi32, #tpu.memory_space<vmem>>
          %dma_wait3A_32 = tpu.memref_squeeze %dma_wait3A_31 : memref<1x128xi32, #tpu.memory_space<vmem>> -> memref<128xi32, #tpu.memory_space<vmem>>
          %dma_wait3A_33 = arith.constant 0 : i32
          %dma_wait3A_34 = arith.constant 0 : i32
          %dma_wait3A_35 = tpu.memref_slice %arg8[%dma_wait3A_33, %dma_wait3A_34] : memref<10240x128xf32, #tpu.memory_space<vmem_shared>> -> memref<10240x128xf32, #tpu.memory_space<vmem_shared>>
          tpu.wait_indirect_dma semaphore(%run_scoped3A : memref<!tpu.dma_semaphore, #tpu.memory_space<semaphore_mem>>) src(%arg7 : memref<128x128xf32, #tpu.memory_space<vmem>>) dst(%dma_wait3A_35 : memref<10240x128xf32, #tpu.memory_space<vmem_shared>>)
          tpu.yield
        }) : () -> ()
      }
      %scan3A_24 = arith.constant 8 : i32
    }
    %scan3A_7 = arith.constant 10 : i32
    %barrier3A_8 = arith.constant 0 : index
    tpu.barrier barrier_id(%barrier3A_8)
    %mul3A_9 = arith.constant 640 : i32
    %mul3A_10 = arith.muli %arg1, %mul3A_9 : i32
    %mul3A_11 = arith.constant 10240 : i32
    %mul3A_12 = arith.muli %arg0, %mul3A_11 : i32
    %mul3A_13 = arith.constant 640 : i32
    %mul3A_14 = arith.muli %arg1, %mul3A_13 : i32
    %add3A_15 = arith.addi %mul3A_12, %mul3A_14 : i32
    "tpu.region"() ({
      %run_scoped3A = tpu.sem_alloc : memref<!tpu.dma_semaphore, #tpu.memory_space<semaphore_mem>>
      %dma_start3A = arith.constant 0 : i32
      %dma_start3A_16 = tpu.memref_slice %arg5[%add3A_15, %dma_start3A] : memref<20480x128xf32, #tpu.memory_space<hbm>> -> memref<640x128xf32, #tpu.memory_space<hbm>>
      %dma_start3A_17 = arith.constant 0 : i32
      %dma_start3A_18 = tpu.memref_slice %arg8[%mul3A_10, %dma_start3A_17] : memref<10240x128xf32, #tpu.memory_space<vmem_shared>> -> memref<640x128xf32, #tpu.memory_space<vmem_shared>>
      tpu.enqueue_dma source(%dma_start3A_18 : memref<640x128xf32, #tpu.memory_space<vmem_shared>>) target(%dma_start3A_16 : memref<640x128xf32, #tpu.memory_space<hbm>>) target_semaphore(%run_scoped3A : memref<!tpu.dma_semaphore, #tpu.memory_space<semaphore_mem>>)
      %dma_wait3A = arith.constant 0 : i32
      %dma_wait3A_19 = tpu.memref_slice %arg5[%add3A_15, %dma_wait3A] : memref<20480x128xf32, #tpu.memory_space<hbm>> -> memref<640x128xf32, #tpu.memory_space<hbm>>
      %dma_wait3A_20 = arith.constant 0 : i32
      %dma_wait3A_21 = tpu.memref_slice %arg8[%mul3A_10, %dma_wait3A_20] : memref<10240x128xf32, #tpu.memory_space<vmem_shared>> -> memref<640x128xf32, #tpu.memory_space<vmem_shared>>
      tpu.wait_dma2 semaphore(%run_scoped3A : memref<!tpu.dma_semaphore, #tpu.memory_space<semaphore_mem>>) src(%dma_wait3A_21 : memref<640x128xf32, #tpu.memory_space<vmem_shared>>) dst(%dma_wait3A_19 : memref<640x128xf32, #tpu.memory_space<hbm>>)
      tpu.yield
    }) : () -> ()
    return
  }
}

#map = affine_map<(d0, d1) -> (0, 0)>
#map1 = affine_map<(d0, d1) -> (0, 0, 0)>
module attributes {stable_mosaic.version = 14 : i64} {
  func.func @_sc_scatter(%arg0: i32, %arg1: i32, %arg2: memref<10000x128xf32, #tpu.memory_space<hbm>>, %arg3: memref<32x80x128xi32, #tpu.memory_space<hbm>>, %arg4: memref<32x80x128xi32, #tpu.memory_space<hbm>>, %arg5: memref<640x128xf32, #tpu.memory_space<hbm>>, %arg6: memref<20480x128xf32, #tpu.memory_space<hbm>>, %arg7: memref<8x128xi32, #tpu.memory_space<vmem>>, %arg8: memref<8x128xi32, #tpu.memory_space<vmem>>, %arg9: memref<128x128xf32, #tpu.memory_space<vmem>>, %arg10: memref<128x128xf32, #tpu.memory_space<vmem>>, %arg11: memref<10240x128xf32, #tpu.memory_space<vmem_shared>>, %arg12: memref<!tpu.dma_semaphore, #tpu.memory_space<semaphore_mem>>, %arg13: memref<!tpu.dma_semaphore, #tpu.memory_space<semaphore_mem>>, %arg14: memref<!tpu.dma_semaphore, #tpu.memory_space<semaphore_mem>>, %arg15: memref<!tpu.dma_semaphore, #tpu.memory_space<semaphore_mem>>) attributes {dimension_semantics = [#tpu.dimension_semantics<core_parallel>, #tpu.dimension_semantics<subcore_parallel>], iteration_bounds = array<i64: 2, 16>, scalar_prefetch = 0 : i64, scratch_operands = 9 : i64, tpu.core_type = #tpu.core_type<sc_vector_subcore>, window_params = [{transform_indices = #map}, {transform_indices = #map1}, {transform_indices = #map1}, {transform_indices = #map}, {transform_indices = #map}]} {
    %mul3A = arith.constant 16 : i32
    %mul3A_0 = arith.muli %arg0, %mul3A : i32
    %add3A = arith.addi %mul3A_0, %arg1 : i32
    %mul3A_1 = arith.constant 640 : i32
    %mul3A_2 = arith.muli %arg1, %mul3A_1 : i32
    "tpu.region"() ({
      %run_scoped3A = tpu.sem_alloc : memref<!tpu.dma_semaphore, #tpu.memory_space<semaphore_mem>>
      %dma_start3A = arith.constant 0 : i32
      %dma_start3A_16 = tpu.memref_slice %arg11[%mul3A_2, %dma_start3A] : memref<10240x128xf32, #tpu.memory_space<vmem_shared>> -> memref<640x128xf32, #tpu.memory_space<vmem_shared>>
      tpu.enqueue_dma source(%arg5 : memref<640x128xf32, #tpu.memory_space<hbm>>) target(%dma_start3A_16 : memref<640x128xf32, #tpu.memory_space<vmem_shared>>) target_semaphore(%run_scoped3A : memref<!tpu.dma_semaphore, #tpu.memory_space<semaphore_mem>>)
      %dma_wait3A = arith.constant 0 : i32
      %dma_wait3A_17 = tpu.memref_slice %arg11[%mul3A_2, %dma_wait3A] : memref<10240x128xf32, #tpu.memory_space<vmem_shared>> -> memref<640x128xf32, #tpu.memory_space<vmem_shared>>
      tpu.wait_dma2 semaphore(%run_scoped3A : memref<!tpu.dma_semaphore, #tpu.memory_space<semaphore_mem>>) src(%arg5 : memref<640x128xf32, #tpu.memory_space<hbm>>) dst(%dma_wait3A_17 : memref<640x128xf32, #tpu.memory_space<vmem_shared>>)
      tpu.yield
    }) : () -> ()
    %barrier3A = arith.constant 0 : index
    tpu.barrier barrier_id(%barrier3A)
    %scan3A = arith.constant 0 : i32
    %scan3A_3 = arith.constant 0 : i32
    %scan3A_4 = arith.constant 10 : i32
    %scan3A_5 = arith.addi %scan3A_3, %scan3A_4 : i32
    %scan3A_6 = arith.constant 1 : i32
    scf.for %scan3A_16 = %scan3A_3 to %scan3A_5 step %scan3A_6  : i32 {
      %mul3A_17 = arith.constant 8 : i32
      %mul3A_18 = arith.muli %scan3A_16, %mul3A_17 : i32
      "tpu.region"() ({
        %run_scoped3A = tpu.sem_alloc : memref<!tpu.dma_semaphore, #tpu.memory_space<semaphore_mem>>
        %dma_start3A_46 = arith.constant 0 : i32
        %dma_start3A_47 = tpu.memref_slice %arg3[%add3A, %mul3A_18, %dma_start3A_46] : memref<32x80x128xi32, #tpu.memory_space<hbm>> -> memref<1x8x128xi32, #tpu.memory_space<hbm>>
        %dma_start3A_48 = tpu.memref_squeeze %dma_start3A_47 : memref<1x8x128xi32, #tpu.memory_space<hbm>> -> memref<8x128xi32, #tpu.memory_space<hbm>>
        %dma_start3A_49 = arith.constant 0 : i32
        %dma_start3A_50 = tpu.memref_slice %arg3[%add3A, %mul3A_18, %dma_start3A_49] : memref<32x80x128xi32, #tpu.memory_space<hbm>> -> memref<1x8x128xi32, #tpu.memory_space<hbm>>
        %dma_start3A_51 = tpu.memref_squeeze %dma_start3A_50 : memref<1x8x128xi32, #tpu.memory_space<hbm>> -> memref<8x128xi32, #tpu.memory_space<hbm>>
        tpu.enqueue_dma source(%dma_start3A_51 : memref<8x128xi32, #tpu.memory_space<hbm>>) target(%arg7 : memref<8x128xi32, #tpu.memory_space<vmem>>) target_semaphore(%run_scoped3A : memref<!tpu.dma_semaphore, #tpu.memory_space<semaphore_mem>>)
        %dma_wait3A_52 = arith.constant 0 : i32
        %dma_wait3A_53 = tpu.memref_slice %arg3[%add3A, %mul3A_18, %dma_wait3A_52] : memref<32x80x128xi32, #tpu.memory_space<hbm>> -> memref<1x8x128xi32, #tpu.memory_space<hbm>>
        %dma_wait3A_54 = tpu.memref_squeeze %dma_wait3A_53 : memref<1x8x128xi32, #tpu.memory_space<hbm>> -> memref<8x128xi32, #tpu.memory_space<hbm>>
        %dma_wait3A_55 = arith.constant 0 : i32
        %dma_wait3A_56 = tpu.memref_slice %arg3[%add3A, %mul3A_18, %dma_wait3A_55] : memref<32x80x128xi32, #tpu.memory_space<hbm>> -> memref<1x8x128xi32, #tpu.memory_space<hbm>>
        %dma_wait3A_57 = tpu.memref_squeeze %dma_wait3A_56 : memref<1x8x128xi32, #tpu.memory_space<hbm>> -> memref<8x128xi32, #tpu.memory_space<hbm>>
        tpu.wait_dma2 semaphore(%run_scoped3A : memref<!tpu.dma_semaphore, #tpu.memory_space<semaphore_mem>>) src(%dma_wait3A_57 : memref<8x128xi32, #tpu.memory_space<hbm>>) dst(%arg7 : memref<8x128xi32, #tpu.memory_space<vmem>>)
        tpu.yield
      }) : () -> ()
      %mul3A_19 = arith.constant 8 : i32
      %mul3A_20 = arith.muli %scan3A_16, %mul3A_19 : i32
      "tpu.region"() ({
        %run_scoped3A = tpu.sem_alloc : memref<!tpu.dma_semaphore, #tpu.memory_space<semaphore_mem>>
        %dma_start3A_46 = arith.constant 0 : i32
        %dma_start3A_47 = tpu.memref_slice %arg4[%add3A, %mul3A_20, %dma_start3A_46] : memref<32x80x128xi32, #tpu.memory_space<hbm>> -> memref<1x8x128xi32, #tpu.memory_space<hbm>>
        %dma_start3A_48 = tpu.memref_squeeze %dma_start3A_47 : memref<1x8x128xi32, #tpu.memory_space<hbm>> -> memref<8x128xi32, #tpu.memory_space<hbm>>
        %dma_start3A_49 = arith.constant 0 : i32
        %dma_start3A_50 = tpu.memref_slice %arg4[%add3A, %mul3A_20, %dma_start3A_49] : memref<32x80x128xi32, #tpu.memory_space<hbm>> -> memref<1x8x128xi32, #tpu.memory_space<hbm>>
        %dma_start3A_51 = tpu.memref_squeeze %dma_start3A_50 : memref<1x8x128xi32, #tpu.memory_space<hbm>> -> memref<8x128xi32, #tpu.memory_space<hbm>>
        tpu.enqueue_dma source(%dma_start3A_51 : memref<8x128xi32, #tpu.memory_space<hbm>>) target(%arg8 : memref<8x128xi32, #tpu.memory_space<vmem>>) target_semaphore(%run_scoped3A : memref<!tpu.dma_semaphore, #tpu.memory_space<semaphore_mem>>)
        %dma_wait3A_52 = arith.constant 0 : i32
        %dma_wait3A_53 = tpu.memref_slice %arg4[%add3A, %mul3A_20, %dma_wait3A_52] : memref<32x80x128xi32, #tpu.memory_space<hbm>> -> memref<1x8x128xi32, #tpu.memory_space<hbm>>
        %dma_wait3A_54 = tpu.memref_squeeze %dma_wait3A_53 : memref<1x8x128xi32, #tpu.memory_space<hbm>> -> memref<8x128xi32, #tpu.memory_space<hbm>>
        %dma_wait3A_55 = arith.constant 0 : i32
        %dma_wait3A_56 = tpu.memref_slice %arg4[%add3A, %mul3A_20, %dma_wait3A_55] : memref<32x80x128xi32, #tpu.memory_space<hbm>> -> memref<1x8x128xi32, #tpu.memory_space<hbm>>
        %dma_wait3A_57 = tpu.memref_squeeze %dma_wait3A_56 : memref<1x8x128xi32, #tpu.memory_space<hbm>> -> memref<8x128xi32, #tpu.memory_space<hbm>>
        tpu.wait_dma2 semaphore(%run_scoped3A : memref<!tpu.dma_semaphore, #tpu.memory_space<semaphore_mem>>) src(%dma_wait3A_57 : memref<8x128xi32, #tpu.memory_space<hbm>>) dst(%arg8 : memref<8x128xi32, #tpu.memory_space<vmem>>)
        tpu.yield
      }) : () -> ()
      %dma_start3A = arith.constant 0 : i32
      %dma_start3A_21 = arith.constant 0 : i32
      %dma_start3A_22 = tpu.memref_slice %arg7[%dma_start3A, %dma_start3A_21] : memref<8x128xi32, #tpu.memory_space<vmem>> -> memref<1x128xi32, #tpu.memory_space<vmem>>
      %dma_start3A_23 = tpu.memref_squeeze %dma_start3A_22 : memref<1x128xi32, #tpu.memory_space<vmem>> -> memref<128xi32, #tpu.memory_space<vmem>>
      %dma_start3A_24 = arith.constant 0 : i32
      %dma_start3A_25 = arith.constant 0 : i32
      %dma_start3A_26 = tpu.memref_slice %arg2[%dma_start3A_24, %dma_start3A_25] : memref<10000x128xf32, #tpu.memory_space<hbm>> -> memref<10000x128xf32, #tpu.memory_space<hbm>>
      tpu.enqueue_indirect_dma source(%dma_start3A_26 : memref<10000x128xf32, #tpu.memory_space<hbm>>) target(%arg9 : memref<128x128xf32, #tpu.memory_space<vmem>>) offsets(%dma_start3A_23 : memref<128xi32, #tpu.memory_space<vmem>>) semaphore(%arg12 : memref<!tpu.dma_semaphore, #tpu.memory_space<semaphore_mem>>)
      %scan3A_27 = arith.constant 0 : i32
      %scan3A_28 = arith.constant 0 : i32
      %scan3A_29 = arith.constant 8 : i32
      %scan3A_30 = arith.addi %scan3A_28, %scan3A_29 : i32
      %scan3A_31 = arith.constant 1 : i32
      scf.for %scan3A_46 = %scan3A_28 to %scan3A_30 step %scan3A_31  : i32 {
        %rem3A = arith.constant 2 : i32
        %rem3A_47 = arith.remsi %scan3A_46, %rem3A : i32
        %eq3A = arith.constant 0 : i32
        %eq3A_48 = arith.cmpi eq, %rem3A_47, %eq3A : i32
        %add3A_49 = arith.constant 1 : i32
        %add3A_50 = arith.addi %scan3A_46, %add3A_49 : i32
        %lt3A = arith.constant 8 : i32
        %lt3A_51 = arith.cmpi slt, %add3A_50, %lt3A : i32
        %and3A = arith.andi %eq3A_48, %lt3A_51 : i1
        %convert_element_type3A = arith.extui %and3A : i1 to i32
        %cond3A = arith.constant 0 : i32
        %cond3A_52 = arith.cmpi ne, %convert_element_type3A, %cond3A : i32
        scf.if %cond3A_52 {
          %gt3A = arith.constant 0 : i32
          %gt3A_70 = arith.cmpi sgt, %scan3A_46, %gt3A : i32
          %convert_element_type3A_71 = arith.extui %gt3A_70 : i1 to i32
          %cond3A_72 = arith.constant 0 : i32
          %cond3A_73 = arith.cmpi ne, %convert_element_type3A_71, %cond3A_72 : i32
          scf.if %cond3A_73 {
            %dma_wait3A_82 = arith.constant 0 : i32
            %dma_wait3A_83 = tpu.memref_slice %arg8[%scan3A_46, %dma_wait3A_82] : memref<8x128xi32, #tpu.memory_space<vmem>> -> memref<1x128xi32, #tpu.memory_space<vmem>>
            %dma_wait3A_84 = tpu.memref_squeeze %dma_wait3A_83 : memref<1x128xi32, #tpu.memory_space<vmem>> -> memref<128xi32, #tpu.memory_space<vmem>>
            %dma_wait3A_85 = arith.constant 0 : i32
            %dma_wait3A_86 = arith.constant 0 : i32
            %dma_wait3A_87 = tpu.memref_slice %arg11[%dma_wait3A_85, %dma_wait3A_86] : memref<10240x128xf32, #tpu.memory_space<vmem_shared>> -> memref<10240x128xf32, #tpu.memory_space<vmem_shared>>
            tpu.wait_indirect_dma semaphore(%arg15 : memref<!tpu.dma_semaphore, #tpu.memory_space<semaphore_mem>>) src(%arg10 : memref<128x128xf32, #tpu.memory_space<vmem>>) dst(%dma_wait3A_87 : memref<10240x128xf32, #tpu.memory_space<vmem_shared>>)
          } else {
          }
          %add3A_74 = arith.constant 1 : i32
          %add3A_75 = arith.addi %scan3A_46, %add3A_74 : i32
          %dma_start3A_76 = arith.constant 0 : i32
          %dma_start3A_77 = tpu.memref_slice %arg7[%add3A_75, %dma_start3A_76] : memref<8x128xi32, #tpu.memory_space<vmem>> -> memref<1x128xi32, #tpu.memory_space<vmem>>
          %dma_start3A_78 = tpu.memref_squeeze %dma_start3A_77 : memref<1x128xi32, #tpu.memory_space<vmem>> -> memref<128xi32, #tpu.memory_space<vmem>>
          %dma_start3A_79 = arith.constant 0 : i32
          %dma_start3A_80 = arith.constant 0 : i32
          %dma_start3A_81 = tpu.memref_slice %arg2[%dma_start3A_79, %dma_start3A_80] : memref<10000x128xf32, #tpu.memory_space<hbm>> -> memref<10000x128xf32, #tpu.memory_space<hbm>>
          tpu.enqueue_indirect_dma source(%dma_start3A_81 : memref<10000x128xf32, #tpu.memory_space<hbm>>) target(%arg10 : memref<128x128xf32, #tpu.memory_space<vmem>>) offsets(%dma_start3A_78 : memref<128xi32, #tpu.memory_space<vmem>>) semaphore(%arg13 : memref<!tpu.dma_semaphore, #tpu.memory_space<semaphore_mem>>)
        } else {
        }
        %not3A = arith.constant true
        %not3A_53 = arith.xori %eq3A_48, %not3A : i1
        %add3A_54 = arith.constant 1 : i32
        %add3A_55 = arith.addi %scan3A_46, %add3A_54 : i32
        %lt3A_56 = arith.constant 8 : i32
        %lt3A_57 = arith.cmpi slt, %add3A_55, %lt3A_56 : i32
        %and3A_58 = arith.andi %not3A_53, %lt3A_57 : i1
        %convert_element_type3A_59 = arith.extui %and3A_58 : i1 to i32
        %cond3A_60 = arith.constant 0 : i32
        %cond3A_61 = arith.cmpi ne, %convert_element_type3A_59, %cond3A_60 : i32
        scf.if %cond3A_61 {
          %dma_wait3A_70 = arith.constant 0 : i32
          %dma_wait3A_71 = tpu.memref_slice %arg8[%scan3A_46, %dma_wait3A_70] : memref<8x128xi32, #tpu.memory_space<vmem>> -> memref<1x128xi32, #tpu.memory_space<vmem>>
          %dma_wait3A_72 = tpu.memref_squeeze %dma_wait3A_71 : memref<1x128xi32, #tpu.memory_space<vmem>> -> memref<128xi32, #tpu.memory_space<vmem>>
          %dma_wait3A_73 = arith.constant 0 : i32
          %dma_wait3A_74 = arith.constant 0 : i32
          %dma_wait3A_75 = tpu.memref_slice %arg11[%dma_wait3A_73, %dma_wait3A_74] : memref<10240x128xf32, #tpu.memory_space<vmem_shared>> -> memref<10240x128xf32, #tpu.memory_space<vmem_shared>>
          tpu.wait_indirect_dma semaphore(%arg14 : memref<!tpu.dma_semaphore, #tpu.memory_space<semaphore_mem>>) src(%arg9 : memref<128x128xf32, #tpu.memory_space<vmem>>) dst(%dma_wait3A_75 : memref<10240x128xf32, #tpu.memory_space<vmem_shared>>)
          %add3A_76 = arith.constant 1 : i32
          %add3A_77 = arith.addi %scan3A_46, %add3A_76 : i32
          %dma_start3A_78 = arith.constant 0 : i32
          %dma_start3A_79 = tpu.memref_slice %arg7[%add3A_77, %dma_start3A_78] : memref<8x128xi32, #tpu.memory_space<vmem>> -> memref<1x128xi32, #tpu.memory_space<vmem>>
          %dma_start3A_80 = tpu.memref_squeeze %dma_start3A_79 : memref<1x128xi32, #tpu.memory_space<vmem>> -> memref<128xi32, #tpu.memory_space<vmem>>
          %dma_start3A_81 = arith.constant 0 : i32
          %dma_start3A_82 = arith.constant 0 : i32
          %dma_start3A_83 = tpu.memref_slice %arg2[%dma_start3A_81, %dma_start3A_82] : memref<10000x128xf32, #tpu.memory_space<hbm>> -> memref<10000x128xf32, #tpu.memory_space<hbm>>
          tpu.enqueue_indirect_dma source(%dma_start3A_83 : memref<10000x128xf32, #tpu.memory_space<hbm>>) target(%arg9 : memref<128x128xf32, #tpu.memory_space<vmem>>) offsets(%dma_start3A_80 : memref<128xi32, #tpu.memory_space<vmem>>) semaphore(%arg12 : memref<!tpu.dma_semaphore, #tpu.memory_space<semaphore_mem>>)
        } else {
        }
        %convert_element_type3A_62 = arith.extui %eq3A_48 : i1 to i32
        %cond3A_63 = arith.constant 0 : i32
        %cond3A_64 = arith.cmpi ne, %convert_element_type3A_62, %cond3A_63 : i32
        scf.if %cond3A_64 {
          %dma_wait3A_70 = arith.constant 0 : i32
          %dma_wait3A_71 = tpu.memref_slice %arg7[%scan3A_46, %dma_wait3A_70] : memref<8x128xi32, #tpu.memory_space<vmem>> -> memref<1x128xi32, #tpu.memory_space<vmem>>
          %dma_wait3A_72 = tpu.memref_squeeze %dma_wait3A_71 : memref<1x128xi32, #tpu.memory_space<vmem>> -> memref<128xi32, #tpu.memory_space<vmem>>
          %dma_wait3A_73 = arith.constant 0 : i32
          %dma_wait3A_74 = arith.constant 0 : i32
          %dma_wait3A_75 = tpu.memref_slice %arg2[%dma_wait3A_73, %dma_wait3A_74] : memref<10000x128xf32, #tpu.memory_space<hbm>> -> memref<10000x128xf32, #tpu.memory_space<hbm>>
          tpu.wait_indirect_dma semaphore(%arg12 : memref<!tpu.dma_semaphore, #tpu.memory_space<semaphore_mem>>) src(%dma_wait3A_75 : memref<10000x128xf32, #tpu.memory_space<hbm>>) dst(%arg9 : memref<128x128xf32, #tpu.memory_space<vmem>>)
          %dma_start3A_76 = arith.constant 0 : i32
          %dma_start3A_77 = tpu.memref_slice %arg8[%scan3A_46, %dma_start3A_76] : memref<8x128xi32, #tpu.memory_space<vmem>> -> memref<1x128xi32, #tpu.memory_space<vmem>>
          %dma_start3A_78 = tpu.memref_squeeze %dma_start3A_77 : memref<1x128xi32, #tpu.memory_space<vmem>> -> memref<128xi32, #tpu.memory_space<vmem>>
          %dma_start3A_79 = arith.constant 0 : i32
          %dma_start3A_80 = arith.constant 0 : i32
          %dma_start3A_81 = tpu.memref_slice %arg11[%dma_start3A_79, %dma_start3A_80] : memref<10240x128xf32, #tpu.memory_space<vmem_shared>> -> memref<10240x128xf32, #tpu.memory_space<vmem_shared>>
          tpu.enqueue_indirect_dma source(%arg9 : memref<128x128xf32, #tpu.memory_space<vmem>>) target(%dma_start3A_81 : memref<10240x128xf32, #tpu.memory_space<vmem_shared>>) offsets(%dma_start3A_78 : memref<128xi32, #tpu.memory_space<vmem>>) semaphore(%arg14 : memref<!tpu.dma_semaphore, #tpu.memory_space<semaphore_mem>>) {add = true}
        } else {
        }
        %not3A_65 = arith.constant true
        %not3A_66 = arith.xori %eq3A_48, %not3A_65 : i1
        %convert_element_type3A_67 = arith.extui %not3A_66 : i1 to i32
        %cond3A_68 = arith.constant 0 : i32
        %cond3A_69 = arith.cmpi ne, %convert_element_type3A_67, %cond3A_68 : i32
        scf.if %cond3A_69 {
          %dma_wait3A_70 = arith.constant 0 : i32
          %dma_wait3A_71 = tpu.memref_slice %arg7[%scan3A_46, %dma_wait3A_70] : memref<8x128xi32, #tpu.memory_space<vmem>> -> memref<1x128xi32, #tpu.memory_space<vmem>>
          %dma_wait3A_72 = tpu.memref_squeeze %dma_wait3A_71 : memref<1x128xi32, #tpu.memory_space<vmem>> -> memref<128xi32, #tpu.memory_space<vmem>>
          %dma_wait3A_73 = arith.constant 0 : i32
          %dma_wait3A_74 = arith.constant 0 : i32
          %dma_wait3A_75 = tpu.memref_slice %arg2[%dma_wait3A_73, %dma_wait3A_74] : memref<10000x128xf32, #tpu.memory_space<hbm>> -> memref<10000x128xf32, #tpu.memory_space<hbm>>
          tpu.wait_indirect_dma semaphore(%arg13 : memref<!tpu.dma_semaphore, #tpu.memory_space<semaphore_mem>>) src(%dma_wait3A_75 : memref<10000x128xf32, #tpu.memory_space<hbm>>) dst(%arg10 : memref<128x128xf32, #tpu.memory_space<vmem>>)
          %dma_start3A_76 = arith.constant 0 : i32
          %dma_start3A_77 = tpu.memref_slice %arg8[%scan3A_46, %dma_start3A_76] : memref<8x128xi32, #tpu.memory_space<vmem>> -> memref<1x128xi32, #tpu.memory_space<vmem>>
          %dma_start3A_78 = tpu.memref_squeeze %dma_start3A_77 : memref<1x128xi32, #tpu.memory_space<vmem>> -> memref<128xi32, #tpu.memory_space<vmem>>
          %dma_start3A_79 = arith.constant 0 : i32
          %dma_start3A_80 = arith.constant 0 : i32
          %dma_start3A_81 = tpu.memref_slice %arg11[%dma_start3A_79, %dma_start3A_80] : memref<10240x128xf32, #tpu.memory_space<vmem_shared>> -> memref<10240x128xf32, #tpu.memory_space<vmem_shared>>
          tpu.enqueue_indirect_dma source(%arg10 : memref<128x128xf32, #tpu.memory_space<vmem>>) target(%dma_start3A_81 : memref<10240x128xf32, #tpu.memory_space<vmem_shared>>) offsets(%dma_start3A_78 : memref<128xi32, #tpu.memory_space<vmem>>) semaphore(%arg15 : memref<!tpu.dma_semaphore, #tpu.memory_space<semaphore_mem>>) {add = true}
        } else {
        }
      }
      %scan3A_32 = arith.constant 8 : i32
      %dma_wait3A = arith.constant 0 : i32
      %dma_wait3A_33 = arith.constant 0 : i32
      %dma_wait3A_34 = tpu.memref_slice %arg8[%dma_wait3A, %dma_wait3A_33] : memref<8x128xi32, #tpu.memory_space<vmem>> -> memref<1x128xi32, #tpu.memory_space<vmem>>
      %dma_wait3A_35 = tpu.memref_squeeze %dma_wait3A_34 : memref<1x128xi32, #tpu.memory_space<vmem>> -> memref<128xi32, #tpu.memory_space<vmem>>
      %dma_wait3A_36 = arith.constant 0 : i32
      %dma_wait3A_37 = arith.constant 0 : i32
      %dma_wait3A_38 = tpu.memref_slice %arg11[%dma_wait3A_36, %dma_wait3A_37] : memref<10240x128xf32, #tpu.memory_space<vmem_shared>> -> memref<10240x128xf32, #tpu.memory_space<vmem_shared>>
      tpu.wait_indirect_dma semaphore(%arg14 : memref<!tpu.dma_semaphore, #tpu.memory_space<semaphore_mem>>) src(%arg9 : memref<128x128xf32, #tpu.memory_space<vmem>>) dst(%dma_wait3A_38 : memref<10240x128xf32, #tpu.memory_space<vmem_shared>>)
      %dma_wait3A_39 = arith.constant 0 : i32
      %dma_wait3A_40 = arith.constant 0 : i32
      %dma_wait3A_41 = tpu.memref_slice %arg8[%dma_wait3A_39, %dma_wait3A_40] : memref<8x128xi32, #tpu.memory_space<vmem>> -> memref<1x128xi32, #tpu.memory_space<vmem>>
      %dma_wait3A_42 = tpu.memref_squeeze %dma_wait3A_41 : memref<1x128xi32, #tpu.memory_space<vmem>> -> memref<128xi32, #tpu.memory_space<vmem>>
      %dma_wait3A_43 = arith.constant 0 : i32
      %dma_wait3A_44 = arith.constant 0 : i32
      %dma_wait3A_45 = tpu.memref_slice %arg11[%dma_wait3A_43, %dma_wait3A_44] : memref<10240x128xf32, #tpu.memory_space<vmem_shared>> -> memref<10240x128xf32, #tpu.memory_space<vmem_shared>>
      tpu.wait_indirect_dma semaphore(%arg15 : memref<!tpu.dma_semaphore, #tpu.memory_space<semaphore_mem>>) src(%arg10 : memref<128x128xf32, #tpu.memory_space<vmem>>) dst(%dma_wait3A_45 : memref<10240x128xf32, #tpu.memory_space<vmem_shared>>)
    }
    %scan3A_7 = arith.constant 10 : i32
    %barrier3A_8 = arith.constant 0 : index
    tpu.barrier barrier_id(%barrier3A_8)
    %mul3A_9 = arith.constant 640 : i32
    %mul3A_10 = arith.muli %arg1, %mul3A_9 : i32
    %mul3A_11 = arith.constant 10240 : i32
    %mul3A_12 = arith.muli %arg0, %mul3A_11 : i32
    %mul3A_13 = arith.constant 640 : i32
    %mul3A_14 = arith.muli %arg1, %mul3A_13 : i32
    %add3A_15 = arith.addi %mul3A_12, %mul3A_14 : i32
    "tpu.region"() ({
      %run_scoped3A = tpu.sem_alloc : memref<!tpu.dma_semaphore, #tpu.memory_space<semaphore_mem>>
      %dma_start3A = arith.constant 0 : i32
      %dma_start3A_16 = tpu.memref_slice %arg6[%add3A_15, %dma_start3A] : memref<20480x128xf32, #tpu.memory_space<hbm>> -> memref<640x128xf32, #tpu.memory_space<hbm>>
      %dma_start3A_17 = arith.constant 0 : i32
      %dma_start3A_18 = tpu.memref_slice %arg11[%mul3A_10, %dma_start3A_17] : memref<10240x128xf32, #tpu.memory_space<vmem_shared>> -> memref<640x128xf32, #tpu.memory_space<vmem_shared>>
      tpu.enqueue_dma source(%dma_start3A_18 : memref<640x128xf32, #tpu.memory_space<vmem_shared>>) target(%dma_start3A_16 : memref<640x128xf32, #tpu.memory_space<hbm>>) target_semaphore(%run_scoped3A : memref<!tpu.dma_semaphore, #tpu.memory_space<semaphore_mem>>)
      %dma_wait3A = arith.constant 0 : i32
      %dma_wait3A_19 = tpu.memref_slice %arg6[%add3A_15, %dma_wait3A] : memref<20480x128xf32, #tpu.memory_space<hbm>> -> memref<640x128xf32, #tpu.memory_space<hbm>>
      %dma_wait3A_20 = arith.constant 0 : i32
      %dma_wait3A_21 = tpu.memref_slice %arg11[%mul3A_10, %dma_wait3A_20] : memref<10240x128xf32, #tpu.memory_space<vmem_shared>> -> memref<640x128xf32, #tpu.memory_space<vmem_shared>>
      tpu.wait_dma2 semaphore(%run_scoped3A : memref<!tpu.dma_semaphore, #tpu.memory_space<semaphore_mem>>) src(%dma_wait3A_21 : memref<640x128xf32, #tpu.memory_space<vmem_shared>>) dst(%dma_wait3A_19 : memref<640x128xf32, #tpu.memory_space<hbm>>)
      tpu.yield
    }) : () -> ()
    return
  }
}

#map = affine_map<(d0, d1) -> (0, 0)>
#map1 = affine_map<(d0, d1) -> (0, 0, 0)>
module attributes {stable_mosaic.version = 14 : i64} {
  func.func @_sc_scatter(%arg0: i32, %arg1: i32, %arg2: memref<10000x128xf32, #tpu.memory_space<hbm>>, %arg3: memref<32x80x128xi32, #tpu.memory_space<hbm>>, %arg4: memref<32x80x128xi32, #tpu.memory_space<hbm>>, %arg5: memref<640x128xf32, #tpu.memory_space<hbm>>, %arg6: memref<20480x128xf32, #tpu.memory_space<hbm>>, %arg7: memref<8x128xi32, #tpu.memory_space<vmem>>, %arg8: memref<8x128xi32, #tpu.memory_space<vmem>>, %arg9: memref<128x128xf32, #tpu.memory_space<vmem>>, %arg10: memref<128x128xf32, #tpu.memory_space<vmem>>, %arg11: memref<10240x128xf32, #tpu.memory_space<vmem_shared>>, %arg12: memref<!tpu.dma_semaphore, #tpu.memory_space<semaphore_mem>>, %arg13: memref<!tpu.dma_semaphore, #tpu.memory_space<semaphore_mem>>, %arg14: memref<!tpu.dma_semaphore, #tpu.memory_space<semaphore_mem>>, %arg15: memref<!tpu.dma_semaphore, #tpu.memory_space<semaphore_mem>>) attributes {dimension_semantics = [#tpu.dimension_semantics<core_parallel>, #tpu.dimension_semantics<subcore_parallel>], iteration_bounds = array<i64: 2, 16>, scalar_prefetch = 0 : i64, scratch_operands = 9 : i64, tpu.core_type = #tpu.core_type<sc_vector_subcore>, window_params = [{transform_indices = #map}, {transform_indices = #map1}, {transform_indices = #map1}, {transform_indices = #map}, {transform_indices = #map}]} {
    %mul3A = arith.constant 16 : i32
    %mul3A_0 = arith.muli %arg0, %mul3A : i32
    %add3A = arith.addi %mul3A_0, %arg1 : i32
    %mul3A_1 = arith.constant 640 : i32
    %mul3A_2 = arith.muli %arg1, %mul3A_1 : i32
    "tpu.region"() ({
      %run_scoped3A = tpu.sem_alloc : memref<!tpu.dma_semaphore, #tpu.memory_space<semaphore_mem>>
      %dma_start3A = arith.constant 0 : i32
      %dma_start3A_16 = tpu.memref_slice %arg11[%mul3A_2, %dma_start3A] : memref<10240x128xf32, #tpu.memory_space<vmem_shared>> -> memref<640x128xf32, #tpu.memory_space<vmem_shared>>
      tpu.enqueue_dma source(%arg5 : memref<640x128xf32, #tpu.memory_space<hbm>>) target(%dma_start3A_16 : memref<640x128xf32, #tpu.memory_space<vmem_shared>>) target_semaphore(%run_scoped3A : memref<!tpu.dma_semaphore, #tpu.memory_space<semaphore_mem>>)
      %dma_wait3A = arith.constant 0 : i32
      %dma_wait3A_17 = tpu.memref_slice %arg11[%mul3A_2, %dma_wait3A] : memref<10240x128xf32, #tpu.memory_space<vmem_shared>> -> memref<640x128xf32, #tpu.memory_space<vmem_shared>>
      tpu.wait_dma2 semaphore(%run_scoped3A : memref<!tpu.dma_semaphore, #tpu.memory_space<semaphore_mem>>) src(%arg5 : memref<640x128xf32, #tpu.memory_space<hbm>>) dst(%dma_wait3A_17 : memref<640x128xf32, #tpu.memory_space<vmem_shared>>)
      tpu.yield
    }) : () -> ()
    %barrier3A = arith.constant 0 : index
    tpu.barrier barrier_id(%barrier3A)
    %scan3A = arith.constant 0 : i32
    %scan3A_3 = arith.constant 0 : i32
    %scan3A_4 = arith.constant 10 : i32
    %scan3A_5 = arith.addi %scan3A_3, %scan3A_4 : i32
    %scan3A_6 = arith.constant 1 : i32
    scf.for %scan3A_16 = %scan3A_3 to %scan3A_5 step %scan3A_6  : i32 {
      %mul3A_17 = arith.constant 8 : i32
      %mul3A_18 = arith.muli %scan3A_16, %mul3A_17 : i32
      "tpu.region"() ({
        %run_scoped3A = tpu.sem_alloc : memref<!tpu.dma_semaphore, #tpu.memory_space<semaphore_mem>>
        %dma_start3A_46 = arith.constant 0 : i32
        %dma_start3A_47 = tpu.memref_slice %arg3[%add3A, %mul3A_18, %dma_start3A_46] : memref<32x80x128xi32, #tpu.memory_space<hbm>> -> memref<1x8x128xi32, #tpu.memory_space<hbm>>
        %dma_start3A_48 = tpu.memref_squeeze %dma_start3A_47 : memref<1x8x128xi32, #tpu.memory_space<hbm>> -> memref<8x128xi32, #tpu.memory_space<hbm>>
        %dma_start3A_49 = arith.constant 0 : i32
        %dma_start3A_50 = tpu.memref_slice %arg3[%add3A, %mul3A_18, %dma_start3A_49] : memref<32x80x128xi32, #tpu.memory_space<hbm>> -> memref<1x8x128xi32, #tpu.memory_space<hbm>>
        %dma_start3A_51 = tpu.memref_squeeze %dma_start3A_50 : memref<1x8x128xi32, #tpu.memory_space<hbm>> -> memref<8x128xi32, #tpu.memory_space<hbm>>
        tpu.enqueue_dma source(%dma_start3A_51 : memref<8x128xi32, #tpu.memory_space<hbm>>) target(%arg7 : memref<8x128xi32, #tpu.memory_space<vmem>>) target_semaphore(%run_scoped3A : memref<!tpu.dma_semaphore, #tpu.memory_space<semaphore_mem>>)
        %dma_wait3A_52 = arith.constant 0 : i32
        %dma_wait3A_53 = tpu.memref_slice %arg3[%add3A, %mul3A_18, %dma_wait3A_52] : memref<32x80x128xi32, #tpu.memory_space<hbm>> -> memref<1x8x128xi32, #tpu.memory_space<hbm>>
        %dma_wait3A_54 = tpu.memref_squeeze %dma_wait3A_53 : memref<1x8x128xi32, #tpu.memory_space<hbm>> -> memref<8x128xi32, #tpu.memory_space<hbm>>
        %dma_wait3A_55 = arith.constant 0 : i32
        %dma_wait3A_56 = tpu.memref_slice %arg3[%add3A, %mul3A_18, %dma_wait3A_55] : memref<32x80x128xi32, #tpu.memory_space<hbm>> -> memref<1x8x128xi32, #tpu.memory_space<hbm>>
        %dma_wait3A_57 = tpu.memref_squeeze %dma_wait3A_56 : memref<1x8x128xi32, #tpu.memory_space<hbm>> -> memref<8x128xi32, #tpu.memory_space<hbm>>
        tpu.wait_dma2 semaphore(%run_scoped3A : memref<!tpu.dma_semaphore, #tpu.memory_space<semaphore_mem>>) src(%dma_wait3A_57 : memref<8x128xi32, #tpu.memory_space<hbm>>) dst(%arg7 : memref<8x128xi32, #tpu.memory_space<vmem>>)
        tpu.yield
      }) : () -> ()
      %mul3A_19 = arith.constant 8 : i32
      %mul3A_20 = arith.muli %scan3A_16, %mul3A_19 : i32
      "tpu.region"() ({
        %run_scoped3A = tpu.sem_alloc : memref<!tpu.dma_semaphore, #tpu.memory_space<semaphore_mem>>
        %dma_start3A_46 = arith.constant 0 : i32
        %dma_start3A_47 = tpu.memref_slice %arg4[%add3A, %mul3A_20, %dma_start3A_46] : memref<32x80x128xi32, #tpu.memory_space<hbm>> -> memref<1x8x128xi32, #tpu.memory_space<hbm>>
        %dma_start3A_48 = tpu.memref_squeeze %dma_start3A_47 : memref<1x8x128xi32, #tpu.memory_space<hbm>> -> memref<8x128xi32, #tpu.memory_space<hbm>>
        %dma_start3A_49 = arith.constant 0 : i32
        %dma_start3A_50 = tpu.memref_slice %arg4[%add3A, %mul3A_20, %dma_start3A_49] : memref<32x80x128xi32, #tpu.memory_space<hbm>> -> memref<1x8x128xi32, #tpu.memory_space<hbm>>
        %dma_start3A_51 = tpu.memref_squeeze %dma_start3A_50 : memref<1x8x128xi32, #tpu.memory_space<hbm>> -> memref<8x128xi32, #tpu.memory_space<hbm>>
        tpu.enqueue_dma source(%dma_start3A_51 : memref<8x128xi32, #tpu.memory_space<hbm>>) target(%arg8 : memref<8x128xi32, #tpu.memory_space<vmem>>) target_semaphore(%run_scoped3A : memref<!tpu.dma_semaphore, #tpu.memory_space<semaphore_mem>>)
        %dma_wait3A_52 = arith.constant 0 : i32
        %dma_wait3A_53 = tpu.memref_slice %arg4[%add3A, %mul3A_20, %dma_wait3A_52] : memref<32x80x128xi32, #tpu.memory_space<hbm>> -> memref<1x8x128xi32, #tpu.memory_space<hbm>>
        %dma_wait3A_54 = tpu.memref_squeeze %dma_wait3A_53 : memref<1x8x128xi32, #tpu.memory_space<hbm>> -> memref<8x128xi32, #tpu.memory_space<hbm>>
        %dma_wait3A_55 = arith.constant 0 : i32
        %dma_wait3A_56 = tpu.memref_slice %arg4[%add3A, %mul3A_20, %dma_wait3A_55] : memref<32x80x128xi32, #tpu.memory_space<hbm>> -> memref<1x8x128xi32, #tpu.memory_space<hbm>>
        %dma_wait3A_57 = tpu.memref_squeeze %dma_wait3A_56 : memref<1x8x128xi32, #tpu.memory_space<hbm>> -> memref<8x128xi32, #tpu.memory_space<hbm>>
        tpu.wait_dma2 semaphore(%run_scoped3A : memref<!tpu.dma_semaphore, #tpu.memory_space<semaphore_mem>>) src(%dma_wait3A_57 : memref<8x128xi32, #tpu.memory_space<hbm>>) dst(%arg8 : memref<8x128xi32, #tpu.memory_space<vmem>>)
        tpu.yield
      }) : () -> ()
      %dma_start3A = arith.constant 0 : i32
      %dma_start3A_21 = arith.constant 0 : i32
      %dma_start3A_22 = tpu.memref_slice %arg7[%dma_start3A, %dma_start3A_21] : memref<8x128xi32, #tpu.memory_space<vmem>> -> memref<1x128xi32, #tpu.memory_space<vmem>>
      %dma_start3A_23 = tpu.memref_squeeze %dma_start3A_22 : memref<1x128xi32, #tpu.memory_space<vmem>> -> memref<128xi32, #tpu.memory_space<vmem>>
      %dma_start3A_24 = arith.constant 0 : i32
      %dma_start3A_25 = arith.constant 0 : i32
      %dma_start3A_26 = tpu.memref_slice %arg2[%dma_start3A_24, %dma_start3A_25] : memref<10000x128xf32, #tpu.memory_space<hbm>> -> memref<10000x128xf32, #tpu.memory_space<hbm>>
      tpu.enqueue_indirect_dma source(%dma_start3A_26 : memref<10000x128xf32, #tpu.memory_space<hbm>>) target(%arg9 : memref<128x128xf32, #tpu.memory_space<vmem>>) offsets(%dma_start3A_23 : memref<128xi32, #tpu.memory_space<vmem>>) semaphore(%arg12 : memref<!tpu.dma_semaphore, #tpu.memory_space<semaphore_mem>>)
      %scan3A_27 = arith.constant 0 : i32
      %scan3A_28 = arith.constant 0 : i32
      %scan3A_29 = arith.constant 8 : i32
      %scan3A_30 = arith.addi %scan3A_28, %scan3A_29 : i32
      %scan3A_31 = arith.constant 1 : i32
      scf.for %scan3A_46 = %scan3A_28 to %scan3A_30 step %scan3A_31  : i32 {
        %rem3A = arith.constant 2 : i32
        %rem3A_47 = arith.remsi %scan3A_46, %rem3A : i32
        %eq3A = arith.constant 0 : i32
        %eq3A_48 = arith.cmpi eq, %rem3A_47, %eq3A : i32
        %add3A_49 = arith.constant 1 : i32
        %add3A_50 = arith.addi %scan3A_46, %add3A_49 : i32
        %lt3A = arith.constant 8 : i32
        %lt3A_51 = arith.cmpi slt, %add3A_50, %lt3A : i32
        %and3A = arith.andi %eq3A_48, %lt3A_51 : i1
        %convert_element_type3A = arith.extui %and3A : i1 to i32
        %cond3A = arith.constant 0 : i32
        %cond3A_52 = arith.cmpi ne, %convert_element_type3A, %cond3A : i32
        scf.if %cond3A_52 {
          %gt3A = arith.constant 0 : i32
          %gt3A_70 = arith.cmpi sgt, %scan3A_46, %gt3A : i32
          %convert_element_type3A_71 = arith.extui %gt3A_70 : i1 to i32
          %cond3A_72 = arith.constant 0 : i32
          %cond3A_73 = arith.cmpi ne, %convert_element_type3A_71, %cond3A_72 : i32
          scf.if %cond3A_73 {
            %dma_wait3A_82 = arith.constant 0 : i32
            %dma_wait3A_83 = tpu.memref_slice %arg8[%scan3A_46, %dma_wait3A_82] : memref<8x128xi32, #tpu.memory_space<vmem>> -> memref<1x128xi32, #tpu.memory_space<vmem>>
            %dma_wait3A_84 = tpu.memref_squeeze %dma_wait3A_83 : memref<1x128xi32, #tpu.memory_space<vmem>> -> memref<128xi32, #tpu.memory_space<vmem>>
            %dma_wait3A_85 = arith.constant 0 : i32
            %dma_wait3A_86 = arith.constant 0 : i32
            %dma_wait3A_87 = tpu.memref_slice %arg11[%dma_wait3A_85, %dma_wait3A_86] : memref<10240x128xf32, #tpu.memory_space<vmem_shared>> -> memref<10240x128xf32, #tpu.memory_space<vmem_shared>>
            tpu.wait_indirect_dma semaphore(%arg15 : memref<!tpu.dma_semaphore, #tpu.memory_space<semaphore_mem>>) src(%arg10 : memref<128x128xf32, #tpu.memory_space<vmem>>) dst(%dma_wait3A_87 : memref<10240x128xf32, #tpu.memory_space<vmem_shared>>)
          } else {
          }
          %add3A_74 = arith.constant 1 : i32
          %add3A_75 = arith.addi %scan3A_46, %add3A_74 : i32
          %dma_start3A_76 = arith.constant 0 : i32
          %dma_start3A_77 = tpu.memref_slice %arg7[%add3A_75, %dma_start3A_76] : memref<8x128xi32, #tpu.memory_space<vmem>> -> memref<1x128xi32, #tpu.memory_space<vmem>>
          %dma_start3A_78 = tpu.memref_squeeze %dma_start3A_77 : memref<1x128xi32, #tpu.memory_space<vmem>> -> memref<128xi32, #tpu.memory_space<vmem>>
          %dma_start3A_79 = arith.constant 0 : i32
          %dma_start3A_80 = arith.constant 0 : i32
          %dma_start3A_81 = tpu.memref_slice %arg2[%dma_start3A_79, %dma_start3A_80] : memref<10000x128xf32, #tpu.memory_space<hbm>> -> memref<10000x128xf32, #tpu.memory_space<hbm>>
          tpu.enqueue_indirect_dma source(%dma_start3A_81 : memref<10000x128xf32, #tpu.memory_space<hbm>>) target(%arg10 : memref<128x128xf32, #tpu.memory_space<vmem>>) offsets(%dma_start3A_78 : memref<128xi32, #tpu.memory_space<vmem>>) semaphore(%arg13 : memref<!tpu.dma_semaphore, #tpu.memory_space<semaphore_mem>>)
        } else {
        }
        %not3A = arith.constant true
        %not3A_53 = arith.xori %eq3A_48, %not3A : i1
        %add3A_54 = arith.constant 1 : i32
        %add3A_55 = arith.addi %scan3A_46, %add3A_54 : i32
        %lt3A_56 = arith.constant 8 : i32
        %lt3A_57 = arith.cmpi slt, %add3A_55, %lt3A_56 : i32
        %and3A_58 = arith.andi %not3A_53, %lt3A_57 : i1
        %convert_element_type3A_59 = arith.extui %and3A_58 : i1 to i32
        %cond3A_60 = arith.constant 0 : i32
        %cond3A_61 = arith.cmpi ne, %convert_element_type3A_59, %cond3A_60 : i32
        scf.if %cond3A_61 {
          %dma_wait3A_70 = arith.constant 0 : i32
          %dma_wait3A_71 = tpu.memref_slice %arg8[%scan3A_46, %dma_wait3A_70] : memref<8x128xi32, #tpu.memory_space<vmem>> -> memref<1x128xi32, #tpu.memory_space<vmem>>
          %dma_wait3A_72 = tpu.memref_squeeze %dma_wait3A_71 : memref<1x128xi32, #tpu.memory_space<vmem>> -> memref<128xi32, #tpu.memory_space<vmem>>
          %dma_wait3A_73 = arith.constant 0 : i32
          %dma_wait3A_74 = arith.constant 0 : i32
          %dma_wait3A_75 = tpu.memref_slice %arg11[%dma_wait3A_73, %dma_wait3A_74] : memref<10240x128xf32, #tpu.memory_space<vmem_shared>> -> memref<10240x128xf32, #tpu.memory_space<vmem_shared>>
          tpu.wait_indirect_dma semaphore(%arg14 : memref<!tpu.dma_semaphore, #tpu.memory_space<semaphore_mem>>) src(%arg9 : memref<128x128xf32, #tpu.memory_space<vmem>>) dst(%dma_wait3A_75 : memref<10240x128xf32, #tpu.memory_space<vmem_shared>>)
          %add3A_76 = arith.constant 1 : i32
          %add3A_77 = arith.addi %scan3A_46, %add3A_76 : i32
          %dma_start3A_78 = arith.constant 0 : i32
          %dma_start3A_79 = tpu.memref_slice %arg7[%add3A_77, %dma_start3A_78] : memref<8x128xi32, #tpu.memory_space<vmem>> -> memref<1x128xi32, #tpu.memory_space<vmem>>
          %dma_start3A_80 = tpu.memref_squeeze %dma_start3A_79 : memref<1x128xi32, #tpu.memory_space<vmem>> -> memref<128xi32, #tpu.memory_space<vmem>>
          %dma_start3A_81 = arith.constant 0 : i32
          %dma_start3A_82 = arith.constant 0 : i32
          %dma_start3A_83 = tpu.memref_slice %arg2[%dma_start3A_81, %dma_start3A_82] : memref<10000x128xf32, #tpu.memory_space<hbm>> -> memref<10000x128xf32, #tpu.memory_space<hbm>>
          tpu.enqueue_indirect_dma source(%dma_start3A_83 : memref<10000x128xf32, #tpu.memory_space<hbm>>) target(%arg9 : memref<128x128xf32, #tpu.memory_space<vmem>>) offsets(%dma_start3A_80 : memref<128xi32, #tpu.memory_space<vmem>>) semaphore(%arg12 : memref<!tpu.dma_semaphore, #tpu.memory_space<semaphore_mem>>)
        } else {
        }
        %convert_element_type3A_62 = arith.extui %eq3A_48 : i1 to i32
        %cond3A_63 = arith.constant 0 : i32
        %cond3A_64 = arith.cmpi ne, %convert_element_type3A_62, %cond3A_63 : i32
        scf.if %cond3A_64 {
          %dma_wait3A_70 = arith.constant 0 : i32
          %dma_wait3A_71 = tpu.memref_slice %arg7[%scan3A_46, %dma_wait3A_70] : memref<8x128xi32, #tpu.memory_space<vmem>> -> memref<1x128xi32, #tpu.memory_space<vmem>>
          %dma_wait3A_72 = tpu.memref_squeeze %dma_wait3A_71 : memref<1x128xi32, #tpu.memory_space<vmem>> -> memref<128xi32, #tpu.memory_space<vmem>>
          %dma_wait3A_73 = arith.constant 0 : i32
          %dma_wait3A_74 = arith.constant 0 : i32
          %dma_wait3A_75 = tpu.memref_slice %arg2[%dma_wait3A_73, %dma_wait3A_74] : memref<10000x128xf32, #tpu.memory_space<hbm>> -> memref<10000x128xf32, #tpu.memory_space<hbm>>
          tpu.wait_indirect_dma semaphore(%arg12 : memref<!tpu.dma_semaphore, #tpu.memory_space<semaphore_mem>>) src(%dma_wait3A_75 : memref<10000x128xf32, #tpu.memory_space<hbm>>) dst(%arg9 : memref<128x128xf32, #tpu.memory_space<vmem>>)
          %dma_start3A_76 = arith.constant 0 : i32
          %dma_start3A_77 = tpu.memref_slice %arg8[%scan3A_46, %dma_start3A_76] : memref<8x128xi32, #tpu.memory_space<vmem>> -> memref<1x128xi32, #tpu.memory_space<vmem>>
          %dma_start3A_78 = tpu.memref_squeeze %dma_start3A_77 : memref<1x128xi32, #tpu.memory_space<vmem>> -> memref<128xi32, #tpu.memory_space<vmem>>
          %dma_start3A_79 = arith.constant 0 : i32
          %dma_start3A_80 = arith.constant 0 : i32
          %dma_start3A_81 = tpu.memref_slice %arg11[%dma_start3A_79, %dma_start3A_80] : memref<10240x128xf32, #tpu.memory_space<vmem_shared>> -> memref<10240x128xf32, #tpu.memory_space<vmem_shared>>
          tpu.enqueue_indirect_dma source(%arg9 : memref<128x128xf32, #tpu.memory_space<vmem>>) target(%dma_start3A_81 : memref<10240x128xf32, #tpu.memory_space<vmem_shared>>) offsets(%dma_start3A_78 : memref<128xi32, #tpu.memory_space<vmem>>) semaphore(%arg14 : memref<!tpu.dma_semaphore, #tpu.memory_space<semaphore_mem>>) {add = true}
        } else {
        }
        %not3A_65 = arith.constant true
        %not3A_66 = arith.xori %eq3A_48, %not3A_65 : i1
        %convert_element_type3A_67 = arith.extui %not3A_66 : i1 to i32
        %cond3A_68 = arith.constant 0 : i32
        %cond3A_69 = arith.cmpi ne, %convert_element_type3A_67, %cond3A_68 : i32
        scf.if %cond3A_69 {
          %dma_wait3A_70 = arith.constant 0 : i32
          %dma_wait3A_71 = tpu.memref_slice %arg7[%scan3A_46, %dma_wait3A_70] : memref<8x128xi32, #tpu.memory_space<vmem>> -> memref<1x128xi32, #tpu.memory_space<vmem>>
          %dma_wait3A_72 = tpu.memref_squeeze %dma_wait3A_71 : memref<1x128xi32, #tpu.memory_space<vmem>> -> memref<128xi32, #tpu.memory_space<vmem>>
          %dma_wait3A_73 = arith.constant 0 : i32
          %dma_wait3A_74 = arith.constant 0 : i32
          %dma_wait3A_75 = tpu.memref_slice %arg2[%dma_wait3A_73, %dma_wait3A_74] : memref<10000x128xf32, #tpu.memory_space<hbm>> -> memref<10000x128xf32, #tpu.memory_space<hbm>>
          tpu.wait_indirect_dma semaphore(%arg13 : memref<!tpu.dma_semaphore, #tpu.memory_space<semaphore_mem>>) src(%dma_wait3A_75 : memref<10000x128xf32, #tpu.memory_space<hbm>>) dst(%arg10 : memref<128x128xf32, #tpu.memory_space<vmem>>)
          %dma_start3A_76 = arith.constant 0 : i32
          %dma_start3A_77 = tpu.memref_slice %arg8[%scan3A_46, %dma_start3A_76] : memref<8x128xi32, #tpu.memory_space<vmem>> -> memref<1x128xi32, #tpu.memory_space<vmem>>
          %dma_start3A_78 = tpu.memref_squeeze %dma_start3A_77 : memref<1x128xi32, #tpu.memory_space<vmem>> -> memref<128xi32, #tpu.memory_space<vmem>>
          %dma_start3A_79 = arith.constant 0 : i32
          %dma_start3A_80 = arith.constant 0 : i32
          %dma_start3A_81 = tpu.memref_slice %arg11[%dma_start3A_79, %dma_start3A_80] : memref<10240x128xf32, #tpu.memory_space<vmem_shared>> -> memref<10240x128xf32, #tpu.memory_space<vmem_shared>>
          tpu.enqueue_indirect_dma source(%arg10 : memref<128x128xf32, #tpu.memory_space<vmem>>) target(%dma_start3A_81 : memref<10240x128xf32, #tpu.memory_space<vmem_shared>>) offsets(%dma_start3A_78 : memref<128xi32, #tpu.memory_space<vmem>>) semaphore(%arg15 : memref<!tpu.dma_semaphore, #tpu.memory_space<semaphore_mem>>) {add = true}
        } else {
        }
      }
      %scan3A_32 = arith.constant 8 : i32
      %dma_wait3A = arith.constant 0 : i32
      %dma_wait3A_33 = arith.constant 0 : i32
      %dma_wait3A_34 = tpu.memref_slice %arg8[%dma_wait3A, %dma_wait3A_33] : memref<8x128xi32, #tpu.memory_space<vmem>> -> memref<1x128xi32, #tpu.memory_space<vmem>>
      %dma_wait3A_35 = tpu.memref_squeeze %dma_wait3A_34 : memref<1x128xi32, #tpu.memory_space<vmem>> -> memref<128xi32, #tpu.memory_space<vmem>>
      %dma_wait3A_36 = arith.constant 0 : i32
      %dma_wait3A_37 = arith.constant 0 : i32
      %dma_wait3A_38 = tpu.memref_slice %arg11[%dma_wait3A_36, %dma_wait3A_37] : memref<10240x128xf32, #tpu.memory_space<vmem_shared>> -> memref<10240x128xf32, #tpu.memory_space<vmem_shared>>
      tpu.wait_indirect_dma semaphore(%arg14 : memref<!tpu.dma_semaphore, #tpu.memory_space<semaphore_mem>>) src(%arg9 : memref<128x128xf32, #tpu.memory_space<vmem>>) dst(%dma_wait3A_38 : memref<10240x128xf32, #tpu.memory_space<vmem_shared>>)
      %dma_wait3A_39 = arith.constant 0 : i32
      %dma_wait3A_40 = arith.constant 0 : i32
      %dma_wait3A_41 = tpu.memref_slice %arg8[%dma_wait3A_39, %dma_wait3A_40] : memref<8x128xi32, #tpu.memory_space<vmem>> -> memref<1x128xi32, #tpu.memory_space<vmem>>
      %dma_wait3A_42 = tpu.memref_squeeze %dma_wait3A_41 : memref<1x128xi32, #tpu.memory_space<vmem>> -> memref<128xi32, #tpu.memory_space<vmem>>
      %dma_wait3A_43 = arith.constant 0 : i32
      %dma_wait3A_44 = arith.constant 0 : i32
      %dma_wait3A_45 = tpu.memref_slice %arg11[%dma_wait3A_43, %dma_wait3A_44] : memref<10240x128xf32, #tpu.memory_space<vmem_shared>> -> memref<10240x128xf32, #tpu.memory_space<vmem_shared>>
      tpu.wait_indirect_dma semaphore(%arg15 : memref<!tpu.dma_semaphore, #tpu.memory_space<semaphore_mem>>) src(%arg10 : memref<128x128xf32, #tpu.memory_space<vmem>>) dst(%dma_wait3A_45 : memref<10240x128xf32, #tpu.memory_space<vmem_shared>>)
    }
    %scan3A_7 = arith.constant 10 : i32
    %barrier3A_8 = arith.constant 0 : index
    tpu.barrier barrier_id(%barrier3A_8)
    %mul3A_9 = arith.constant 640 : i32
    %mul3A_10 = arith.muli %arg1, %mul3A_9 : i32
    %mul3A_11 = arith.constant 10240 : i32
    %mul3A_12 = arith.muli %arg0, %mul3A_11 : i32
    %mul3A_13 = arith.constant 640 : i32
    %mul3A_14 = arith.muli %arg1, %mul3A_13 : i32
    %add3A_15 = arith.addi %mul3A_12, %mul3A_14 : i32
    "tpu.region"() ({
      %run_scoped3A = tpu.sem_alloc : memref<!tpu.dma_semaphore, #tpu.memory_space<semaphore_mem>>
      %dma_start3A = arith.constant 0 : i32
      %dma_start3A_16 = tpu.memref_slice %arg6[%add3A_15, %dma_start3A] : memref<20480x128xf32, #tpu.memory_space<hbm>> -> memref<640x128xf32, #tpu.memory_space<hbm>>
      %dma_start3A_17 = arith.constant 0 : i32
      %dma_start3A_18 = tpu.memref_slice %arg11[%mul3A_10, %dma_start3A_17] : memref<10240x128xf32, #tpu.memory_space<vmem_shared>> -> memref<640x128xf32, #tpu.memory_space<vmem_shared>>
      tpu.enqueue_dma source(%dma_start3A_18 : memref<640x128xf32, #tpu.memory_space<vmem_shared>>) target(%dma_start3A_16 : memref<640x128xf32, #tpu.memory_space<hbm>>) target_semaphore(%run_scoped3A : memref<!tpu.dma_semaphore, #tpu.memory_space<semaphore_mem>>)
      %dma_wait3A = arith.constant 0 : i32
      %dma_wait3A_19 = tpu.memref_slice %arg6[%add3A_15, %dma_wait3A] : memref<20480x128xf32, #tpu.memory_space<hbm>> -> memref<640x128xf32, #tpu.memory_space<hbm>>
      %dma_wait3A_20 = arith.constant 0 : i32
      %dma_wait3A_21 = tpu.memref_slice %arg11[%mul3A_10, %dma_wait3A_20] : memref<10240x128xf32, #tpu.memory_space<vmem_shared>> -> memref<640x128xf32, #tpu.memory_space<vmem_shared>>
      tpu.wait_dma2 semaphore(%run_scoped3A : memref<!tpu.dma_semaphore, #tpu.memory_space<semaphore_mem>>) src(%dma_wait3A_21 : memref<640x128xf32, #tpu.memory_space<vmem_shared>>) dst(%dma_wait3A_19 : memref<640x128xf32, #tpu.memory_space<hbm>>)
      tpu.yield
    }) : () -> ()
    return
  }
}

#map = affine_map<(d0, d1) -> (0, 0)>
#map1 = affine_map<(d0, d1) -> (0, 0, 0)>
module attributes {stable_mosaic.version = 14 : i64} {
  func.func @_sc_scatter(%arg0: i32, %arg1: i32, %arg2: memref<10000x128xf32, #tpu.memory_space<hbm>>, %arg3: memref<32x80x128xi32, #tpu.memory_space<hbm>>, %arg4: memref<32x80x128xi32, #tpu.memory_space<hbm>>, %arg5: memref<640x128xf32, #tpu.memory_space<hbm>>, %arg6: memref<20480x128xf32, #tpu.memory_space<hbm>>, %arg7: memref<8x128xi32, #tpu.memory_space<vmem>>, %arg8: memref<8x128xi32, #tpu.memory_space<vmem>>, %arg9: memref<128x128xf32, #tpu.memory_space<vmem>>, %arg10: memref<128x128xf32, #tpu.memory_space<vmem>>, %arg11: memref<10240x128xf32, #tpu.memory_space<vmem_shared>>, %arg12: memref<!tpu.dma_semaphore, #tpu.memory_space<semaphore_mem>>, %arg13: memref<!tpu.dma_semaphore, #tpu.memory_space<semaphore_mem>>, %arg14: memref<!tpu.dma_semaphore, #tpu.memory_space<semaphore_mem>>, %arg15: memref<!tpu.dma_semaphore, #tpu.memory_space<semaphore_mem>>) attributes {dimension_semantics = [#tpu.dimension_semantics<core_parallel>, #tpu.dimension_semantics<subcore_parallel>], iteration_bounds = array<i64: 2, 16>, scalar_prefetch = 0 : i64, scratch_operands = 9 : i64, tpu.core_type = #tpu.core_type<sc_vector_subcore>, window_params = [{transform_indices = #map}, {transform_indices = #map1}, {transform_indices = #map1}, {transform_indices = #map}, {transform_indices = #map}]} {
    %mul3A = arith.constant 16 : i32
    %mul3A_0 = arith.muli %arg0, %mul3A : i32
    %add3A = arith.addi %mul3A_0, %arg1 : i32
    %mul3A_1 = arith.constant 640 : i32
    %mul3A_2 = arith.muli %arg1, %mul3A_1 : i32
    "tpu.region"() ({
      %run_scoped3A = tpu.sem_alloc : memref<!tpu.dma_semaphore, #tpu.memory_space<semaphore_mem>>
      %dma_start3A = arith.constant 0 : i32
      %dma_start3A_16 = tpu.memref_slice %arg11[%mul3A_2, %dma_start3A] : memref<10240x128xf32, #tpu.memory_space<vmem_shared>> -> memref<640x128xf32, #tpu.memory_space<vmem_shared>>
      tpu.enqueue_dma source(%arg5 : memref<640x128xf32, #tpu.memory_space<hbm>>) target(%dma_start3A_16 : memref<640x128xf32, #tpu.memory_space<vmem_shared>>) target_semaphore(%run_scoped3A : memref<!tpu.dma_semaphore, #tpu.memory_space<semaphore_mem>>)
      %dma_wait3A = arith.constant 0 : i32
      %dma_wait3A_17 = tpu.memref_slice %arg11[%mul3A_2, %dma_wait3A] : memref<10240x128xf32, #tpu.memory_space<vmem_shared>> -> memref<640x128xf32, #tpu.memory_space<vmem_shared>>
      tpu.wait_dma2 semaphore(%run_scoped3A : memref<!tpu.dma_semaphore, #tpu.memory_space<semaphore_mem>>) src(%arg5 : memref<640x128xf32, #tpu.memory_space<hbm>>) dst(%dma_wait3A_17 : memref<640x128xf32, #tpu.memory_space<vmem_shared>>)
      tpu.yield
    }) : () -> ()
    %barrier3A = arith.constant 0 : index
    tpu.barrier barrier_id(%barrier3A)
    %scan3A = arith.constant 0 : i32
    %scan3A_3 = arith.constant 0 : i32
    %scan3A_4 = arith.constant 10 : i32
    %scan3A_5 = arith.addi %scan3A_3, %scan3A_4 : i32
    %scan3A_6 = arith.constant 1 : i32
    scf.for %scan3A_16 = %scan3A_3 to %scan3A_5 step %scan3A_6  : i32 {
      %mul3A_17 = arith.constant 8 : i32
      %mul3A_18 = arith.muli %scan3A_16, %mul3A_17 : i32
      "tpu.region"() ({
        %run_scoped3A = tpu.sem_alloc : memref<!tpu.dma_semaphore, #tpu.memory_space<semaphore_mem>>
        %dma_start3A_46 = arith.constant 0 : i32
        %dma_start3A_47 = tpu.memref_slice %arg3[%add3A, %mul3A_18, %dma_start3A_46] : memref<32x80x128xi32, #tpu.memory_space<hbm>> -> memref<1x8x128xi32, #tpu.memory_space<hbm>>
        %dma_start3A_48 = tpu.memref_squeeze %dma_start3A_47 : memref<1x8x128xi32, #tpu.memory_space<hbm>> -> memref<8x128xi32, #tpu.memory_space<hbm>>
        %dma_start3A_49 = arith.constant 0 : i32
        %dma_start3A_50 = tpu.memref_slice %arg3[%add3A, %mul3A_18, %dma_start3A_49] : memref<32x80x128xi32, #tpu.memory_space<hbm>> -> memref<1x8x128xi32, #tpu.memory_space<hbm>>
        %dma_start3A_51 = tpu.memref_squeeze %dma_start3A_50 : memref<1x8x128xi32, #tpu.memory_space<hbm>> -> memref<8x128xi32, #tpu.memory_space<hbm>>
        tpu.enqueue_dma source(%dma_start3A_51 : memref<8x128xi32, #tpu.memory_space<hbm>>) target(%arg7 : memref<8x128xi32, #tpu.memory_space<vmem>>) target_semaphore(%run_scoped3A : memref<!tpu.dma_semaphore, #tpu.memory_space<semaphore_mem>>)
        %dma_wait3A_52 = arith.constant 0 : i32
        %dma_wait3A_53 = tpu.memref_slice %arg3[%add3A, %mul3A_18, %dma_wait3A_52] : memref<32x80x128xi32, #tpu.memory_space<hbm>> -> memref<1x8x128xi32, #tpu.memory_space<hbm>>
        %dma_wait3A_54 = tpu.memref_squeeze %dma_wait3A_53 : memref<1x8x128xi32, #tpu.memory_space<hbm>> -> memref<8x128xi32, #tpu.memory_space<hbm>>
        %dma_wait3A_55 = arith.constant 0 : i32
        %dma_wait3A_56 = tpu.memref_slice %arg3[%add3A, %mul3A_18, %dma_wait3A_55] : memref<32x80x128xi32, #tpu.memory_space<hbm>> -> memref<1x8x128xi32, #tpu.memory_space<hbm>>
        %dma_wait3A_57 = tpu.memref_squeeze %dma_wait3A_56 : memref<1x8x128xi32, #tpu.memory_space<hbm>> -> memref<8x128xi32, #tpu.memory_space<hbm>>
        tpu.wait_dma2 semaphore(%run_scoped3A : memref<!tpu.dma_semaphore, #tpu.memory_space<semaphore_mem>>) src(%dma_wait3A_57 : memref<8x128xi32, #tpu.memory_space<hbm>>) dst(%arg7 : memref<8x128xi32, #tpu.memory_space<vmem>>)
        tpu.yield
      }) : () -> ()
      %mul3A_19 = arith.constant 8 : i32
      %mul3A_20 = arith.muli %scan3A_16, %mul3A_19 : i32
      "tpu.region"() ({
        %run_scoped3A = tpu.sem_alloc : memref<!tpu.dma_semaphore, #tpu.memory_space<semaphore_mem>>
        %dma_start3A_46 = arith.constant 0 : i32
        %dma_start3A_47 = tpu.memref_slice %arg4[%add3A, %mul3A_20, %dma_start3A_46] : memref<32x80x128xi32, #tpu.memory_space<hbm>> -> memref<1x8x128xi32, #tpu.memory_space<hbm>>
        %dma_start3A_48 = tpu.memref_squeeze %dma_start3A_47 : memref<1x8x128xi32, #tpu.memory_space<hbm>> -> memref<8x128xi32, #tpu.memory_space<hbm>>
        %dma_start3A_49 = arith.constant 0 : i32
        %dma_start3A_50 = tpu.memref_slice %arg4[%add3A, %mul3A_20, %dma_start3A_49] : memref<32x80x128xi32, #tpu.memory_space<hbm>> -> memref<1x8x128xi32, #tpu.memory_space<hbm>>
        %dma_start3A_51 = tpu.memref_squeeze %dma_start3A_50 : memref<1x8x128xi32, #tpu.memory_space<hbm>> -> memref<8x128xi32, #tpu.memory_space<hbm>>
        tpu.enqueue_dma source(%dma_start3A_51 : memref<8x128xi32, #tpu.memory_space<hbm>>) target(%arg8 : memref<8x128xi32, #tpu.memory_space<vmem>>) target_semaphore(%run_scoped3A : memref<!tpu.dma_semaphore, #tpu.memory_space<semaphore_mem>>)
        %dma_wait3A_52 = arith.constant 0 : i32
        %dma_wait3A_53 = tpu.memref_slice %arg4[%add3A, %mul3A_20, %dma_wait3A_52] : memref<32x80x128xi32, #tpu.memory_space<hbm>> -> memref<1x8x128xi32, #tpu.memory_space<hbm>>
        %dma_wait3A_54 = tpu.memref_squeeze %dma_wait3A_53 : memref<1x8x128xi32, #tpu.memory_space<hbm>> -> memref<8x128xi32, #tpu.memory_space<hbm>>
        %dma_wait3A_55 = arith.constant 0 : i32
        %dma_wait3A_56 = tpu.memref_slice %arg4[%add3A, %mul3A_20, %dma_wait3A_55] : memref<32x80x128xi32, #tpu.memory_space<hbm>> -> memref<1x8x128xi32, #tpu.memory_space<hbm>>
        %dma_wait3A_57 = tpu.memref_squeeze %dma_wait3A_56 : memref<1x8x128xi32, #tpu.memory_space<hbm>> -> memref<8x128xi32, #tpu.memory_space<hbm>>
        tpu.wait_dma2 semaphore(%run_scoped3A : memref<!tpu.dma_semaphore, #tpu.memory_space<semaphore_mem>>) src(%dma_wait3A_57 : memref<8x128xi32, #tpu.memory_space<hbm>>) dst(%arg8 : memref<8x128xi32, #tpu.memory_space<vmem>>)
        tpu.yield
      }) : () -> ()
      %dma_start3A = arith.constant 0 : i32
      %dma_start3A_21 = arith.constant 0 : i32
      %dma_start3A_22 = tpu.memref_slice %arg7[%dma_start3A, %dma_start3A_21] : memref<8x128xi32, #tpu.memory_space<vmem>> -> memref<1x128xi32, #tpu.memory_space<vmem>>
      %dma_start3A_23 = tpu.memref_squeeze %dma_start3A_22 : memref<1x128xi32, #tpu.memory_space<vmem>> -> memref<128xi32, #tpu.memory_space<vmem>>
      %dma_start3A_24 = arith.constant 0 : i32
      %dma_start3A_25 = arith.constant 0 : i32
      %dma_start3A_26 = tpu.memref_slice %arg2[%dma_start3A_24, %dma_start3A_25] : memref<10000x128xf32, #tpu.memory_space<hbm>> -> memref<10000x128xf32, #tpu.memory_space<hbm>>
      tpu.enqueue_indirect_dma source(%dma_start3A_26 : memref<10000x128xf32, #tpu.memory_space<hbm>>) target(%arg9 : memref<128x128xf32, #tpu.memory_space<vmem>>) offsets(%dma_start3A_23 : memref<128xi32, #tpu.memory_space<vmem>>) semaphore(%arg12 : memref<!tpu.dma_semaphore, #tpu.memory_space<semaphore_mem>>)
      %scan3A_27 = arith.constant 0 : i32
      %scan3A_28 = arith.constant 0 : i32
      %scan3A_29 = arith.constant 8 : i32
      %scan3A_30 = arith.addi %scan3A_28, %scan3A_29 : i32
      %scan3A_31 = arith.constant 1 : i32
      scf.for %scan3A_46 = %scan3A_28 to %scan3A_30 step %scan3A_31  : i32 {
        %rem3A = arith.constant 2 : i32
        %rem3A_47 = arith.remsi %scan3A_46, %rem3A : i32
        %eq3A = arith.constant 0 : i32
        %eq3A_48 = arith.cmpi eq, %rem3A_47, %eq3A : i32
        %add3A_49 = arith.constant 1 : i32
        %add3A_50 = arith.addi %scan3A_46, %add3A_49 : i32
        %lt3A = arith.constant 8 : i32
        %lt3A_51 = arith.cmpi slt, %add3A_50, %lt3A : i32
        %and3A = arith.andi %eq3A_48, %lt3A_51 : i1
        %convert_element_type3A = arith.extui %and3A : i1 to i32
        %cond3A = arith.constant 0 : i32
        %cond3A_52 = arith.cmpi ne, %convert_element_type3A, %cond3A : i32
        scf.if %cond3A_52 {
          %gt3A = arith.constant 0 : i32
          %gt3A_70 = arith.cmpi sgt, %scan3A_46, %gt3A : i32
          %convert_element_type3A_71 = arith.extui %gt3A_70 : i1 to i32
          %cond3A_72 = arith.constant 0 : i32
          %cond3A_73 = arith.cmpi ne, %convert_element_type3A_71, %cond3A_72 : i32
          scf.if %cond3A_73 {
            %dma_wait3A_82 = arith.constant 0 : i32
            %dma_wait3A_83 = tpu.memref_slice %arg8[%scan3A_46, %dma_wait3A_82] : memref<8x128xi32, #tpu.memory_space<vmem>> -> memref<1x128xi32, #tpu.memory_space<vmem>>
            %dma_wait3A_84 = tpu.memref_squeeze %dma_wait3A_83 : memref<1x128xi32, #tpu.memory_space<vmem>> -> memref<128xi32, #tpu.memory_space<vmem>>
            %dma_wait3A_85 = arith.constant 0 : i32
            %dma_wait3A_86 = arith.constant 0 : i32
            %dma_wait3A_87 = tpu.memref_slice %arg11[%dma_wait3A_85, %dma_wait3A_86] : memref<10240x128xf32, #tpu.memory_space<vmem_shared>> -> memref<10240x128xf32, #tpu.memory_space<vmem_shared>>
            tpu.wait_indirect_dma semaphore(%arg15 : memref<!tpu.dma_semaphore, #tpu.memory_space<semaphore_mem>>) src(%arg10 : memref<128x128xf32, #tpu.memory_space<vmem>>) dst(%dma_wait3A_87 : memref<10240x128xf32, #tpu.memory_space<vmem_shared>>)
          } else {
          }
          %add3A_74 = arith.constant 1 : i32
          %add3A_75 = arith.addi %scan3A_46, %add3A_74 : i32
          %dma_start3A_76 = arith.constant 0 : i32
          %dma_start3A_77 = tpu.memref_slice %arg7[%add3A_75, %dma_start3A_76] : memref<8x128xi32, #tpu.memory_space<vmem>> -> memref<1x128xi32, #tpu.memory_space<vmem>>
          %dma_start3A_78 = tpu.memref_squeeze %dma_start3A_77 : memref<1x128xi32, #tpu.memory_space<vmem>> -> memref<128xi32, #tpu.memory_space<vmem>>
          %dma_start3A_79 = arith.constant 0 : i32
          %dma_start3A_80 = arith.constant 0 : i32
          %dma_start3A_81 = tpu.memref_slice %arg2[%dma_start3A_79, %dma_start3A_80] : memref<10000x128xf32, #tpu.memory_space<hbm>> -> memref<10000x128xf32, #tpu.memory_space<hbm>>
          tpu.enqueue_indirect_dma source(%dma_start3A_81 : memref<10000x128xf32, #tpu.memory_space<hbm>>) target(%arg10 : memref<128x128xf32, #tpu.memory_space<vmem>>) offsets(%dma_start3A_78 : memref<128xi32, #tpu.memory_space<vmem>>) semaphore(%arg13 : memref<!tpu.dma_semaphore, #tpu.memory_space<semaphore_mem>>)
        } else {
        }
        %not3A = arith.constant true
        %not3A_53 = arith.xori %eq3A_48, %not3A : i1
        %add3A_54 = arith.constant 1 : i32
        %add3A_55 = arith.addi %scan3A_46, %add3A_54 : i32
        %lt3A_56 = arith.constant 8 : i32
        %lt3A_57 = arith.cmpi slt, %add3A_55, %lt3A_56 : i32
        %and3A_58 = arith.andi %not3A_53, %lt3A_57 : i1
        %convert_element_type3A_59 = arith.extui %and3A_58 : i1 to i32
        %cond3A_60 = arith.constant 0 : i32
        %cond3A_61 = arith.cmpi ne, %convert_element_type3A_59, %cond3A_60 : i32
        scf.if %cond3A_61 {
          %dma_wait3A_70 = arith.constant 0 : i32
          %dma_wait3A_71 = tpu.memref_slice %arg8[%scan3A_46, %dma_wait3A_70] : memref<8x128xi32, #tpu.memory_space<vmem>> -> memref<1x128xi32, #tpu.memory_space<vmem>>
          %dma_wait3A_72 = tpu.memref_squeeze %dma_wait3A_71 : memref<1x128xi32, #tpu.memory_space<vmem>> -> memref<128xi32, #tpu.memory_space<vmem>>
          %dma_wait3A_73 = arith.constant 0 : i32
          %dma_wait3A_74 = arith.constant 0 : i32
          %dma_wait3A_75 = tpu.memref_slice %arg11[%dma_wait3A_73, %dma_wait3A_74] : memref<10240x128xf32, #tpu.memory_space<vmem_shared>> -> memref<10240x128xf32, #tpu.memory_space<vmem_shared>>
          tpu.wait_indirect_dma semaphore(%arg14 : memref<!tpu.dma_semaphore, #tpu.memory_space<semaphore_mem>>) src(%arg9 : memref<128x128xf32, #tpu.memory_space<vmem>>) dst(%dma_wait3A_75 : memref<10240x128xf32, #tpu.memory_space<vmem_shared>>)
          %add3A_76 = arith.constant 1 : i32
          %add3A_77 = arith.addi %scan3A_46, %add3A_76 : i32
          %dma_start3A_78 = arith.constant 0 : i32
          %dma_start3A_79 = tpu.memref_slice %arg7[%add3A_77, %dma_start3A_78] : memref<8x128xi32, #tpu.memory_space<vmem>> -> memref<1x128xi32, #tpu.memory_space<vmem>>
          %dma_start3A_80 = tpu.memref_squeeze %dma_start3A_79 : memref<1x128xi32, #tpu.memory_space<vmem>> -> memref<128xi32, #tpu.memory_space<vmem>>
          %dma_start3A_81 = arith.constant 0 : i32
          %dma_start3A_82 = arith.constant 0 : i32
          %dma_start3A_83 = tpu.memref_slice %arg2[%dma_start3A_81, %dma_start3A_82] : memref<10000x128xf32, #tpu.memory_space<hbm>> -> memref<10000x128xf32, #tpu.memory_space<hbm>>
          tpu.enqueue_indirect_dma source(%dma_start3A_83 : memref<10000x128xf32, #tpu.memory_space<hbm>>) target(%arg9 : memref<128x128xf32, #tpu.memory_space<vmem>>) offsets(%dma_start3A_80 : memref<128xi32, #tpu.memory_space<vmem>>) semaphore(%arg12 : memref<!tpu.dma_semaphore, #tpu.memory_space<semaphore_mem>>)
        } else {
        }
        %convert_element_type3A_62 = arith.extui %eq3A_48 : i1 to i32
        %cond3A_63 = arith.constant 0 : i32
        %cond3A_64 = arith.cmpi ne, %convert_element_type3A_62, %cond3A_63 : i32
        scf.if %cond3A_64 {
          %dma_wait3A_70 = arith.constant 0 : i32
          %dma_wait3A_71 = tpu.memref_slice %arg7[%scan3A_46, %dma_wait3A_70] : memref<8x128xi32, #tpu.memory_space<vmem>> -> memref<1x128xi32, #tpu.memory_space<vmem>>
          %dma_wait3A_72 = tpu.memref_squeeze %dma_wait3A_71 : memref<1x128xi32, #tpu.memory_space<vmem>> -> memref<128xi32, #tpu.memory_space<vmem>>
          %dma_wait3A_73 = arith.constant 0 : i32
          %dma_wait3A_74 = arith.constant 0 : i32
          %dma_wait3A_75 = tpu.memref_slice %arg2[%dma_wait3A_73, %dma_wait3A_74] : memref<10000x128xf32, #tpu.memory_space<hbm>> -> memref<10000x128xf32, #tpu.memory_space<hbm>>
          tpu.wait_indirect_dma semaphore(%arg12 : memref<!tpu.dma_semaphore, #tpu.memory_space<semaphore_mem>>) src(%dma_wait3A_75 : memref<10000x128xf32, #tpu.memory_space<hbm>>) dst(%arg9 : memref<128x128xf32, #tpu.memory_space<vmem>>)
          %dma_start3A_76 = arith.constant 0 : i32
          %dma_start3A_77 = tpu.memref_slice %arg8[%scan3A_46, %dma_start3A_76] : memref<8x128xi32, #tpu.memory_space<vmem>> -> memref<1x128xi32, #tpu.memory_space<vmem>>
          %dma_start3A_78 = tpu.memref_squeeze %dma_start3A_77 : memref<1x128xi32, #tpu.memory_space<vmem>> -> memref<128xi32, #tpu.memory_space<vmem>>
          %dma_start3A_79 = arith.constant 0 : i32
          %dma_start3A_80 = arith.constant 0 : i32
          %dma_start3A_81 = tpu.memref_slice %arg11[%dma_start3A_79, %dma_start3A_80] : memref<10240x128xf32, #tpu.memory_space<vmem_shared>> -> memref<10240x128xf32, #tpu.memory_space<vmem_shared>>
          tpu.enqueue_indirect_dma source(%arg9 : memref<128x128xf32, #tpu.memory_space<vmem>>) target(%dma_start3A_81 : memref<10240x128xf32, #tpu.memory_space<vmem_shared>>) offsets(%dma_start3A_78 : memref<128xi32, #tpu.memory_space<vmem>>) semaphore(%arg14 : memref<!tpu.dma_semaphore, #tpu.memory_space<semaphore_mem>>) {add = true}
        } else {
        }
        %not3A_65 = arith.constant true
        %not3A_66 = arith.xori %eq3A_48, %not3A_65 : i1
        %convert_element_type3A_67 = arith.extui %not3A_66 : i1 to i32
        %cond3A_68 = arith.constant 0 : i32
        %cond3A_69 = arith.cmpi ne, %convert_element_type3A_67, %cond3A_68 : i32
        scf.if %cond3A_69 {
          %dma_wait3A_70 = arith.constant 0 : i32
          %dma_wait3A_71 = tpu.memref_slice %arg7[%scan3A_46, %dma_wait3A_70] : memref<8x128xi32, #tpu.memory_space<vmem>> -> memref<1x128xi32, #tpu.memory_space<vmem>>
          %dma_wait3A_72 = tpu.memref_squeeze %dma_wait3A_71 : memref<1x128xi32, #tpu.memory_space<vmem>> -> memref<128xi32, #tpu.memory_space<vmem>>
          %dma_wait3A_73 = arith.constant 0 : i32
          %dma_wait3A_74 = arith.constant 0 : i32
          %dma_wait3A_75 = tpu.memref_slice %arg2[%dma_wait3A_73, %dma_wait3A_74] : memref<10000x128xf32, #tpu.memory_space<hbm>> -> memref<10000x128xf32, #tpu.memory_space<hbm>>
          tpu.wait_indirect_dma semaphore(%arg13 : memref<!tpu.dma_semaphore, #tpu.memory_space<semaphore_mem>>) src(%dma_wait3A_75 : memref<10000x128xf32, #tpu.memory_space<hbm>>) dst(%arg10 : memref<128x128xf32, #tpu.memory_space<vmem>>)
          %dma_start3A_76 = arith.constant 0 : i32
          %dma_start3A_77 = tpu.memref_slice %arg8[%scan3A_46, %dma_start3A_76] : memref<8x128xi32, #tpu.memory_space<vmem>> -> memref<1x128xi32, #tpu.memory_space<vmem>>
          %dma_start3A_78 = tpu.memref_squeeze %dma_start3A_77 : memref<1x128xi32, #tpu.memory_space<vmem>> -> memref<128xi32, #tpu.memory_space<vmem>>
          %dma_start3A_79 = arith.constant 0 : i32
          %dma_start3A_80 = arith.constant 0 : i32
          %dma_start3A_81 = tpu.memref_slice %arg11[%dma_start3A_79, %dma_start3A_80] : memref<10240x128xf32, #tpu.memory_space<vmem_shared>> -> memref<10240x128xf32, #tpu.memory_space<vmem_shared>>
          tpu.enqueue_indirect_dma source(%arg10 : memref<128x128xf32, #tpu.memory_space<vmem>>) target(%dma_start3A_81 : memref<10240x128xf32, #tpu.memory_space<vmem_shared>>) offsets(%dma_start3A_78 : memref<128xi32, #tpu.memory_space<vmem>>) semaphore(%arg15 : memref<!tpu.dma_semaphore, #tpu.memory_space<semaphore_mem>>) {add = true}
        } else {
        }
      }
      %scan3A_32 = arith.constant 8 : i32
      %dma_wait3A = arith.constant 0 : i32
      %dma_wait3A_33 = arith.constant 0 : i32
      %dma_wait3A_34 = tpu.memref_slice %arg8[%dma_wait3A, %dma_wait3A_33] : memref<8x128xi32, #tpu.memory_space<vmem>> -> memref<1x128xi32, #tpu.memory_space<vmem>>
      %dma_wait3A_35 = tpu.memref_squeeze %dma_wait3A_34 : memref<1x128xi32, #tpu.memory_space<vmem>> -> memref<128xi32, #tpu.memory_space<vmem>>
      %dma_wait3A_36 = arith.constant 0 : i32
      %dma_wait3A_37 = arith.constant 0 : i32
      %dma_wait3A_38 = tpu.memref_slice %arg11[%dma_wait3A_36, %dma_wait3A_37] : memref<10240x128xf32, #tpu.memory_space<vmem_shared>> -> memref<10240x128xf32, #tpu.memory_space<vmem_shared>>
      tpu.wait_indirect_dma semaphore(%arg14 : memref<!tpu.dma_semaphore, #tpu.memory_space<semaphore_mem>>) src(%arg9 : memref<128x128xf32, #tpu.memory_space<vmem>>) dst(%dma_wait3A_38 : memref<10240x128xf32, #tpu.memory_space<vmem_shared>>)
      %dma_wait3A_39 = arith.constant 0 : i32
      %dma_wait3A_40 = arith.constant 0 : i32
      %dma_wait3A_41 = tpu.memref_slice %arg8[%dma_wait3A_39, %dma_wait3A_40] : memref<8x128xi32, #tpu.memory_space<vmem>> -> memref<1x128xi32, #tpu.memory_space<vmem>>
      %dma_wait3A_42 = tpu.memref_squeeze %dma_wait3A_41 : memref<1x128xi32, #tpu.memory_space<vmem>> -> memref<128xi32, #tpu.memory_space<vmem>>
      %dma_wait3A_43 = arith.constant 0 : i32
      %dma_wait3A_44 = arith.constant 0 : i32
      %dma_wait3A_45 = tpu.memref_slice %arg11[%dma_wait3A_43, %dma_wait3A_44] : memref<10240x128xf32, #tpu.memory_space<vmem_shared>> -> memref<10240x128xf32, #tpu.memory_space<vmem_shared>>
      tpu.wait_indirect_dma semaphore(%arg15 : memref<!tpu.dma_semaphore, #tpu.memory_space<semaphore_mem>>) src(%arg10 : memref<128x128xf32, #tpu.memory_space<vmem>>) dst(%dma_wait3A_45 : memref<10240x128xf32, #tpu.memory_space<vmem_shared>>)
    }
    %scan3A_7 = arith.constant 10 : i32
    %barrier3A_8 = arith.constant 0 : index
    tpu.barrier barrier_id(%barrier3A_8)
    %mul3A_9 = arith.constant 640 : i32
    %mul3A_10 = arith.muli %arg1, %mul3A_9 : i32
    %mul3A_11 = arith.constant 10240 : i32
    %mul3A_12 = arith.muli %arg0, %mul3A_11 : i32
    %mul3A_13 = arith.constant 640 : i32
    %mul3A_14 = arith.muli %arg1, %mul3A_13 : i32
    %add3A_15 = arith.addi %mul3A_12, %mul3A_14 : i32
    "tpu.region"() ({
      %run_scoped3A = tpu.sem_alloc : memref<!tpu.dma_semaphore, #tpu.memory_space<semaphore_mem>>
      %dma_start3A = arith.constant 0 : i32
      %dma_start3A_16 = tpu.memref_slice %arg6[%add3A_15, %dma_start3A] : memref<20480x128xf32, #tpu.memory_space<hbm>> -> memref<640x128xf32, #tpu.memory_space<hbm>>
      %dma_start3A_17 = arith.constant 0 : i32
      %dma_start3A_18 = tpu.memref_slice %arg11[%mul3A_10, %dma_start3A_17] : memref<10240x128xf32, #tpu.memory_space<vmem_shared>> -> memref<640x128xf32, #tpu.memory_space<vmem_shared>>
      tpu.enqueue_dma source(%dma_start3A_18 : memref<640x128xf32, #tpu.memory_space<vmem_shared>>) target(%dma_start3A_16 : memref<640x128xf32, #tpu.memory_space<hbm>>) target_semaphore(%run_scoped3A : memref<!tpu.dma_semaphore, #tpu.memory_space<semaphore_mem>>)
      %dma_wait3A = arith.constant 0 : i32
      %dma_wait3A_19 = tpu.memref_slice %arg6[%add3A_15, %dma_wait3A] : memref<20480x128xf32, #tpu.memory_space<hbm>> -> memref<640x128xf32, #tpu.memory_space<hbm>>
      %dma_wait3A_20 = arith.constant 0 : i32
      %dma_wait3A_21 = tpu.memref_slice %arg11[%mul3A_10, %dma_wait3A_20] : memref<10240x128xf32, #tpu.memory_space<vmem_shared>> -> memref<640x128xf32, #tpu.memory_space<vmem_shared>>
      tpu.wait_dma2 semaphore(%run_scoped3A : memref<!tpu.dma_semaphore, #tpu.memory_space<semaphore_mem>>) src(%dma_wait3A_21 : memref<640x128xf32, #tpu.memory_space<vmem_shared>>) dst(%dma_wait3A_19 : memref<640x128xf32, #tpu.memory_space<hbm>>)
      tpu.yield
    }) : () -> ()
    return
  }
}

module attributes {stable_mosaic.version = 14 : i64} {
  func.func @_tc_embed_body(%arg0: memref<10000x128xf32, #tpu.memory_space<vmem>>, %arg1: memref<128x128xf32, #tpu.memory_space<vmem>>, %arg2: memref<1x128xf32, #tpu.memory_space<vmem>>, %arg3: memref<1x128xf32, #tpu.memory_space<vmem>>, %arg4: memref<1x128xf32, #tpu.memory_space<vmem>>, %arg5: memref<128x128xf32, #tpu.memory_space<vmem>>, %arg6: memref<10000x8xf32, #tpu.memory_space<vmem>>, %arg7: memref<10000x8xf32, #tpu.memory_space<vmem>>, %arg8: memref<10000x128xf32, #tpu.memory_space<vmem>>, %arg9: memref<10000x128xf32, #tpu.memory_space<vmem>>) attributes {dimension_semantics = [], scalar_prefetch = 0 : i64, scratch_operands = 0 : i64, tpu.core_type = #tpu.core_type<tc>} {
    %get3A = arith.constant 0 : index
    %get3A_0 = arith.constant 0 : index
    %get3A_1 = vector.load %arg0[%get3A, %get3A_0] : memref<10000x128xf32, #tpu.memory_space<vmem>>, vector<10000x128xf32>
    %get3A_2 = arith.constant 0 : index
    %get3A_3 = arith.constant 0 : index
    %get3A_4 = vector.load %arg1[%get3A_2, %get3A_3] : memref<128x128xf32, #tpu.memory_space<vmem>>, vector<128x128xf32>
    %dot_general3A = arith.constant dense<0.000000e+00> : vector<10000x128xf32>
    %dot_general3A_5 = tpu.matmul %get3A_1, %get3A_4, %dot_general3A {dimension_numbers = #tpu.dot_dimension_numbers<[1], [0], [0], [1], [0, 0, 1, 1], [], []>, transpose_lhs_hint = false} : vector<10000x128xf32>, vector<128x128xf32>, vector<10000x128xf32> -> vector<10000x128xf32>
    %get3A_6 = arith.constant 0 : index
    %get3A_7 = arith.constant 0 : index
    %get3A_8 = vector.load %arg2[%get3A_6, %get3A_7] : memref<1x128xf32, #tpu.memory_space<vmem>>, vector<1x128xf32>
    %add3A = vector.broadcast %get3A_8 : vector<1x128xf32> to vector<10000x128xf32>
    %add3A_9 = arith.addf %dot_general3A_5, %add3A : vector<10000x128xf32>
    %get3A_10 = arith.constant 0 : index
    %get3A_11 = arith.constant 0 : index
    %get3A_12 = vector.load %arg3[%get3A_10, %get3A_11] : memref<1x128xf32, #tpu.memory_space<vmem>>, vector<1x128xf32>
    %get3A_13 = arith.constant 0 : index
    %get3A_14 = arith.constant 0 : index
    %get3A_15 = vector.load %arg4[%get3A_13, %get3A_14] : memref<1x128xf32, #tpu.memory_space<vmem>>, vector<1x128xf32>
    %reduce_sum3A = arith.constant dense<0.000000e+00> : vector<128xf32>
    %reduce_sum3A_16 = vector.multi_reduction <add>, %add3A_9, %reduce_sum3A [0] : vector<10000x128xf32> to vector<128xf32>
    %broadcast_in_dim3A = vector.shape_cast %reduce_sum3A_16 : vector<128xf32> to vector<1x128xf32>
    %div3A = arith.constant 1.000000e+04 : f32
    %div3A_17 = vector.broadcast %div3A : f32 to vector<1x128xf32>
    %div3A_18 = arith.divf %broadcast_in_dim3A, %div3A_17 : vector<1x128xf32>
    %sub3A = vector.broadcast %div3A_18 : vector<1x128xf32> to vector<10000x128xf32>
    %sub3A_19 = arith.subf %add3A_9, %sub3A : vector<10000x128xf32>
    %integer_pow3A = arith.mulf %sub3A_19, %sub3A_19 : vector<10000x128xf32>
    %reduce_sum3A_20 = arith.constant dense<0.000000e+00> : vector<128xf32>
    %reduce_sum3A_21 = vector.multi_reduction <add>, %integer_pow3A, %reduce_sum3A_20 [0] : vector<10000x128xf32> to vector<128xf32>
    %broadcast_in_dim3A_22 = vector.shape_cast %reduce_sum3A_21 : vector<128xf32> to vector<1x128xf32>
    %div3A_23 = arith.constant 1.000000e+04 : f32
    %div3A_24 = vector.broadcast %div3A_23 : f32 to vector<1x128xf32>
    %div3A_25 = arith.divf %broadcast_in_dim3A_22, %div3A_24 : vector<1x128xf32>
    %sub3A_26 = vector.broadcast %div3A_18 : vector<1x128xf32> to vector<10000x128xf32>
    %sub3A_27 = arith.subf %add3A_9, %sub3A_26 : vector<10000x128xf32>
    %add3A_28 = arith.constant 9.99999974E-6 : f32
    %add3A_29 = vector.broadcast %add3A_28 : f32 to vector<1x128xf32>
    %add3A_30 = arith.addf %div3A_25, %add3A_29 : vector<1x128xf32>
    %rsqrt3A = math.rsqrt %add3A_30 : vector<1x128xf32>
    %mul3A = vector.broadcast %rsqrt3A : vector<1x128xf32> to vector<10000x128xf32>
    %mul3A_31 = arith.mulf %sub3A_27, %mul3A : vector<10000x128xf32>
    %mul3A_32 = vector.broadcast %get3A_12 : vector<1x128xf32> to vector<10000x128xf32>
    %mul3A_33 = arith.mulf %mul3A_31, %mul3A_32 : vector<10000x128xf32>
    %add3A_34 = vector.broadcast %get3A_15 : vector<1x128xf32> to vector<10000x128xf32>
    %add3A_35 = arith.addf %mul3A_33, %add3A_34 : vector<10000x128xf32>
    %max3A = arith.constant 0.000000e+00 : f32
    %max3A_36 = vector.broadcast %max3A : f32 to vector<10000x128xf32>
    %max3A_37 = arith.maximumf %add3A_35, %max3A_36 : vector<10000x128xf32>
    %get3A_38 = arith.constant 0 : index
    %get3A_39 = arith.constant 0 : index
    %get3A_40 = vector.load %arg6[%get3A_38, %get3A_39] : memref<10000x8xf32, #tpu.memory_space<vmem>>, vector<10000x8xf32>
    %get3A_41 = arith.constant 0 : index
    %get3A_42 = arith.constant 0 : index
    %get3A_43 = vector.load %arg7[%get3A_41, %get3A_42] : memref<10000x8xf32, #tpu.memory_space<vmem>>, vector<10000x8xf32>
    %slice3A = vector.extract_strided_slice %get3A_40 {offsets = [0, 0], sizes = [10000, 1], strides = [1, 1]} : vector<10000x8xf32> to vector<10000x1xf32>
    %slice3A_44 = vector.extract_strided_slice %get3A_43 {offsets = [0, 0], sizes = [10000, 1], strides = [1, 1]} : vector<10000x8xf32> to vector<10000x1xf32>
    %add3A_45 = arith.addf %slice3A, %slice3A_44 : vector<10000x1xf32>
    %add3A_46 = arith.constant 1.000000e+00 : f32
    %add3A_47 = vector.broadcast %add3A_46 : f32 to vector<10000x1xf32>
    %add3A_48 = arith.addf %add3A_45, %add3A_47 : vector<10000x1xf32>
    %max3A_49 = arith.constant 1.000000e+00 : f32
    %max3A_50 = vector.broadcast %max3A_49 : f32 to vector<10000x1xf32>
    %max3A_51 = arith.maximumf %add3A_48, %max3A_50 : vector<10000x1xf32>
    %rsqrt3A_52 = math.rsqrt %max3A_51 : vector<10000x1xf32>
    %swap3A = arith.constant 0 : index
    %swap3A_53 = arith.constant 0 : index
    %swap3A_54 = vector.load %arg8[%swap3A, %swap3A_53] : memref<10000x128xf32, #tpu.memory_space<vmem>>, vector<10000x128xf32>
    tpu.vector_store %arg8[%swap3A, %swap3A_53], %max3A_37 {strides = array<i32>} : memref<10000x128xf32, #tpu.memory_space<vmem>>, vector<10000x128xf32>,
    %get3A_55 = arith.constant 0 : index
    %get3A_56 = arith.constant 0 : index
    %get3A_57 = vector.load %arg5[%get3A_55, %get3A_56] : memref<128x128xf32, #tpu.memory_space<vmem>>, vector<128x128xf32>
    %dot_general3A_58 = arith.constant dense<0.000000e+00> : vector<10000x128xf32>
    %dot_general3A_59 = tpu.matmul %max3A_37, %get3A_57, %dot_general3A_58 {dimension_numbers = #tpu.dot_dimension_numbers<[1], [0], [0], [1], [0, 0, 1, 1], [], []>, transpose_lhs_hint = false} : vector<10000x128xf32>, vector<128x128xf32>, vector<10000x128xf32> -> vector<10000x128xf32>
    %mul3A_60 = vector.broadcast %rsqrt3A_52 : vector<10000x1xf32> to vector<10000x128xf32>
    %mul3A_61 = arith.mulf %dot_general3A_59, %mul3A_60 : vector<10000x128xf32>
    %swap3A_62 = arith.constant 0 : index
    %swap3A_63 = arith.constant 0 : index
    %swap3A_64 = vector.load %arg9[%swap3A_62, %swap3A_63] : memref<10000x128xf32, #tpu.memory_space<vmem>>, vector<10000x128xf32>
    tpu.vector_store %arg9[%swap3A_62, %swap3A_63], %mul3A_61 {strides = array<i32>} : memref<10000x128xf32, #tpu.memory_space<vmem>>, vector<10000x128xf32>,
    return
  }
}

module attributes {stable_mosaic.version = 14 : i64} {
  func.func @_tc_layer_body(%arg0: memref<10000x128xf32, #tpu.memory_space<vmem>>, %arg1: memref<10000x128xf32, #tpu.memory_space<vmem>>, %arg2: memref<10000x128xf32, #tpu.memory_space<vmem>>, %arg3: memref<10000x128xf32, #tpu.memory_space<vmem>>, %arg4: memref<10000x8xf32, #tpu.memory_space<vmem>>, %arg5: memref<10000x8xf32, #tpu.memory_space<vmem>>, %arg6: memref<128x128xf32, #tpu.memory_space<vmem>>, %arg7: memref<1x128xf32, #tpu.memory_space<vmem>>, %arg8: memref<1x128xf32, #tpu.memory_space<vmem>>, %arg9: memref<1x128xf32, #tpu.memory_space<vmem>>, %arg10: memref<10000x128xf32, #tpu.memory_space<vmem>>, %arg11: memref<10000x128xf32, #tpu.memory_space<vmem>>) attributes {dimension_semantics = [], scalar_prefetch = 0 : i64, scratch_operands = 0 : i64, tpu.core_type = #tpu.core_type<tc>} {
    %get3A = arith.constant 0 : index
    %get3A_0 = arith.constant 0 : index
    %get3A_1 = vector.load %arg4[%get3A, %get3A_0] : memref<10000x8xf32, #tpu.memory_space<vmem>>, vector<10000x8xf32>
    %get3A_2 = arith.constant 0 : index
    %get3A_3 = arith.constant 0 : index
    %get3A_4 = vector.load %arg5[%get3A_2, %get3A_3] : memref<10000x8xf32, #tpu.memory_space<vmem>>, vector<10000x8xf32>
    %slice3A = vector.extract_strided_slice %get3A_1 {offsets = [0, 0], sizes = [10000, 1], strides = [1, 1]} : vector<10000x8xf32> to vector<10000x1xf32>
    %slice3A_5 = vector.extract_strided_slice %get3A_4 {offsets = [0, 0], sizes = [10000, 1], strides = [1, 1]} : vector<10000x8xf32> to vector<10000x1xf32>
    %add3A = arith.addf %slice3A, %slice3A_5 : vector<10000x1xf32>
    %add3A_6 = arith.constant 1.000000e+00 : f32
    %add3A_7 = vector.broadcast %add3A_6 : f32 to vector<10000x1xf32>
    %add3A_8 = arith.addf %add3A, %add3A_7 : vector<10000x1xf32>
    %max3A = arith.constant 1.000000e+00 : f32
    %max3A_9 = vector.broadcast %max3A : f32 to vector<10000x1xf32>
    %max3A_10 = arith.maximumf %add3A_8, %max3A_9 : vector<10000x1xf32>
    %rsqrt3A = math.rsqrt %max3A_10 : vector<10000x1xf32>
    %get3A_11 = arith.constant 0 : index
    %get3A_12 = arith.constant 0 : index
    %get3A_13 = vector.load %arg0[%get3A_11, %get3A_12] : memref<10000x128xf32, #tpu.memory_space<vmem>>, vector<10000x128xf32>
    %get3A_14 = arith.constant 0 : index
    %get3A_15 = arith.constant 0 : index
    %get3A_16 = vector.load %arg1[%get3A_14, %get3A_15] : memref<10000x128xf32, #tpu.memory_space<vmem>>, vector<10000x128xf32>
    %add3A_17 = arith.addf %get3A_13, %get3A_16 : vector<10000x128xf32>
    %get3A_18 = arith.constant 0 : index
    %get3A_19 = arith.constant 0 : index
    %get3A_20 = vector.load %arg2[%get3A_18, %get3A_19] : memref<10000x128xf32, #tpu.memory_space<vmem>>, vector<10000x128xf32>
    %add3A_21 = arith.addf %add3A_17, %get3A_20 : vector<10000x128xf32>
    %mul3A = vector.broadcast %rsqrt3A : vector<10000x1xf32> to vector<10000x128xf32>
    %mul3A_22 = arith.mulf %mul3A, %add3A_21 : vector<10000x128xf32>
    %get3A_23 = arith.constant 0 : index
    %get3A_24 = arith.constant 0 : index
    %get3A_25 = vector.load %arg7[%get3A_23, %get3A_24] : memref<1x128xf32, #tpu.memory_space<vmem>>, vector<1x128xf32>
    %add3A_26 = vector.broadcast %get3A_25 : vector<1x128xf32> to vector<10000x128xf32>
    %add3A_27 = arith.addf %mul3A_22, %add3A_26 : vector<10000x128xf32>
    %get3A_28 = arith.constant 0 : index
    %get3A_29 = arith.constant 0 : index
    %get3A_30 = vector.load %arg8[%get3A_28, %get3A_29] : memref<1x128xf32, #tpu.memory_space<vmem>>, vector<1x128xf32>
    %get3A_31 = arith.constant 0 : index
    %get3A_32 = arith.constant 0 : index
    %get3A_33 = vector.load %arg9[%get3A_31, %get3A_32] : memref<1x128xf32, #tpu.memory_space<vmem>>, vector<1x128xf32>
    %reduce_sum3A = arith.constant dense<0.000000e+00> : vector<128xf32>
    %reduce_sum3A_34 = vector.multi_reduction <add>, %add3A_27, %reduce_sum3A [0] : vector<10000x128xf32> to vector<128xf32>
    %broadcast_in_dim3A = vector.shape_cast %reduce_sum3A_34 : vector<128xf32> to vector<1x128xf32>
    %div3A = arith.constant 1.000000e+04 : f32
    %div3A_35 = vector.broadcast %div3A : f32 to vector<1x128xf32>
    %div3A_36 = arith.divf %broadcast_in_dim3A, %div3A_35 : vector<1x128xf32>
    %sub3A = vector.broadcast %div3A_36 : vector<1x128xf32> to vector<10000x128xf32>
    %sub3A_37 = arith.subf %add3A_27, %sub3A : vector<10000x128xf32>
    %integer_pow3A = arith.mulf %sub3A_37, %sub3A_37 : vector<10000x128xf32>
    %reduce_sum3A_38 = arith.constant dense<0.000000e+00> : vector<128xf32>
    %reduce_sum3A_39 = vector.multi_reduction <add>, %integer_pow3A, %reduce_sum3A_38 [0] : vector<10000x128xf32> to vector<128xf32>
    %broadcast_in_dim3A_40 = vector.shape_cast %reduce_sum3A_39 : vector<128xf32> to vector<1x128xf32>
    %div3A_41 = arith.constant 1.000000e+04 : f32
    %div3A_42 = vector.broadcast %div3A_41 : f32 to vector<1x128xf32>
    %div3A_43 = arith.divf %broadcast_in_dim3A_40, %div3A_42 : vector<1x128xf32>
    %sub3A_44 = vector.broadcast %div3A_36 : vector<1x128xf32> to vector<10000x128xf32>
    %sub3A_45 = arith.subf %add3A_27, %sub3A_44 : vector<10000x128xf32>
    %add3A_46 = arith.constant 9.99999974E-6 : f32
    %add3A_47 = vector.broadcast %add3A_46 : f32 to vector<1x128xf32>
    %add3A_48 = arith.addf %div3A_43, %add3A_47 : vector<1x128xf32>
    %rsqrt3A_49 = math.rsqrt %add3A_48 : vector<1x128xf32>
    %mul3A_50 = vector.broadcast %rsqrt3A_49 : vector<1x128xf32> to vector<10000x128xf32>
    %mul3A_51 = arith.mulf %sub3A_45, %mul3A_50 : vector<10000x128xf32>
    %mul3A_52 = vector.broadcast %get3A_30 : vector<1x128xf32> to vector<10000x128xf32>
    %mul3A_53 = arith.mulf %mul3A_51, %mul3A_52 : vector<10000x128xf32>
    %add3A_54 = vector.broadcast %get3A_33 : vector<1x128xf32> to vector<10000x128xf32>
    %add3A_55 = arith.addf %mul3A_53, %add3A_54 : vector<10000x128xf32>
    %max3A_56 = arith.constant 0.000000e+00 : f32
    %max3A_57 = vector.broadcast %max3A_56 : f32 to vector<10000x128xf32>
    %max3A_58 = arith.maximumf %add3A_55, %max3A_57 : vector<10000x128xf32>
    %get3A_59 = arith.constant 0 : index
    %get3A_60 = arith.constant 0 : index
    %get3A_61 = vector.load %arg3[%get3A_59, %get3A_60] : memref<10000x128xf32, #tpu.memory_space<vmem>>, vector<10000x128xf32>
    %add3A_62 = arith.addf %max3A_58, %get3A_61 : vector<10000x128xf32>
    %swap3A = arith.constant 0 : index
    %swap3A_63 = arith.constant 0 : index
    %swap3A_64 = vector.load %arg10[%swap3A, %swap3A_63] : memref<10000x128xf32, #tpu.memory_space<vmem>>, vector<10000x128xf32>
    tpu.vector_store %arg10[%swap3A, %swap3A_63], %add3A_62 {strides = array<i32>} : memref<10000x128xf32, #tpu.memory_space<vmem>>, vector<10000x128xf32>,
    %get3A_65 = arith.constant 0 : index
    %get3A_66 = arith.constant 0 : index
    %get3A_67 = vector.load %arg6[%get3A_65, %get3A_66] : memref<128x128xf32, #tpu.memory_space<vmem>>, vector<128x128xf32>
    %dot_general3A = arith.constant dense<0.000000e+00> : vector<10000x128xf32>
    %dot_general3A_68 = tpu.matmul %add3A_62, %get3A_67, %dot_general3A {dimension_numbers = #tpu.dot_dimension_numbers<[1], [0], [0], [1], [0, 0, 1, 1], [], []>, transpose_lhs_hint = false} : vector<10000x128xf32>, vector<128x128xf32>, vector<10000x128xf32> -> vector<10000x128xf32>
    %mul3A_69 = vector.broadcast %rsqrt3A : vector<10000x1xf32> to vector<10000x128xf32>
    %mul3A_70 = arith.mulf %dot_general3A_68, %mul3A_69 : vector<10000x128xf32>
    %swap3A_71 = arith.constant 0 : index
    %swap3A_72 = arith.constant 0 : index
    %swap3A_73 = vector.load %arg11[%swap3A_71, %swap3A_72] : memref<10000x128xf32, #tpu.memory_space<vmem>>, vector<10000x128xf32>
    tpu.vector_store %arg11[%swap3A_71, %swap3A_72], %mul3A_70 {strides = array<i32>} : memref<10000x128xf32, #tpu.memory_space<vmem>>, vector<10000x128xf32>,
    return
  }
}

module attributes {stable_mosaic.version = 14 : i64} {
  func.func @_tc_final_body(%arg0: memref<10000x128xf32, #tpu.memory_space<vmem>>, %arg1: memref<10000x128xf32, #tpu.memory_space<vmem>>, %arg2: memref<10000x128xf32, #tpu.memory_space<vmem>>, %arg3: memref<10000x128xf32, #tpu.memory_space<vmem>>, %arg4: memref<10000x8xf32, #tpu.memory_space<vmem>>, %arg5: memref<10000x8xf32, #tpu.memory_space<vmem>>, %arg6: memref<1x128xf32, #tpu.memory_space<vmem>>, %arg7: memref<1x128xf32, #tpu.memory_space<vmem>>, %arg8: memref<1x128xf32, #tpu.memory_space<vmem>>, %arg9: memref<1x10000xi32, #tpu.memory_space<vmem>>, %arg10: memref<128x256xf32, #tpu.memory_space<vmem>>, %arg11: memref<1x256xf32, #tpu.memory_space<vmem>>, %arg12: memref<1x256xf32, #tpu.memory_space<vmem>>, %arg13: memref<1x256xf32, #tpu.memory_space<vmem>>, %arg14: memref<256x256xf32, #tpu.memory_space<vmem>>, %arg15: memref<1x256xf32, #tpu.memory_space<vmem>>, %arg16: memref<1x256xf32, #tpu.memory_space<vmem>>, %arg17: memref<1x256xf32, #tpu.memory_space<vmem>>, %arg18: memref<256x1024xf32, #tpu.memory_space<vmem>>, %arg19: memref<1x1024xf32, #tpu.memory_space<vmem>>, %arg20: memref<64x1024xf32, #tpu.memory_space<vmem>>) attributes {dimension_semantics = [], scalar_prefetch = 0 : i64, scratch_operands = 0 : i64, tpu.core_type = #tpu.core_type<tc>} {
    %get3A = arith.constant 0 : index
    %get3A_0 = arith.constant 0 : index
    %get3A_1 = vector.load %arg4[%get3A, %get3A_0] : memref<10000x8xf32, #tpu.memory_space<vmem>>, vector<10000x8xf32>
    %get3A_2 = arith.constant 0 : index
    %get3A_3 = arith.constant 0 : index
    %get3A_4 = vector.load %arg5[%get3A_2, %get3A_3] : memref<10000x8xf32, #tpu.memory_space<vmem>>, vector<10000x8xf32>
    %slice3A = vector.extract_strided_slice %get3A_1 {offsets = [0, 0], sizes = [10000, 1], strides = [1, 1]} : vector<10000x8xf32> to vector<10000x1xf32>
    %slice3A_5 = vector.extract_strided_slice %get3A_4 {offsets = [0, 0], sizes = [10000, 1], strides = [1, 1]} : vector<10000x8xf32> to vector<10000x1xf32>
    %add3A = arith.addf %slice3A, %slice3A_5 : vector<10000x1xf32>
    %add3A_6 = arith.constant 1.000000e+00 : f32
    %add3A_7 = vector.broadcast %add3A_6 : f32 to vector<10000x1xf32>
    %add3A_8 = arith.addf %add3A, %add3A_7 : vector<10000x1xf32>
    %max3A = arith.constant 1.000000e+00 : f32
    %max3A_9 = vector.broadcast %max3A : f32 to vector<10000x1xf32>
    %max3A_10 = arith.maximumf %add3A_8, %max3A_9 : vector<10000x1xf32>
    %rsqrt3A = math.rsqrt %max3A_10 : vector<10000x1xf32>
    %get3A_11 = arith.constant 0 : index
    %get3A_12 = arith.constant 0 : index
    %get3A_13 = vector.load %arg0[%get3A_11, %get3A_12] : memref<10000x128xf32, #tpu.memory_space<vmem>>, vector<10000x128xf32>
    %get3A_14 = arith.constant 0 : index
    %get3A_15 = arith.constant 0 : index
    %get3A_16 = vector.load %arg1[%get3A_14, %get3A_15] : memref<10000x128xf32, #tpu.memory_space<vmem>>, vector<10000x128xf32>
    %add3A_17 = arith.addf %get3A_13, %get3A_16 : vector<10000x128xf32>
    %get3A_18 = arith.constant 0 : index
    %get3A_19 = arith.constant 0 : index
    %get3A_20 = vector.load %arg2[%get3A_18, %get3A_19] : memref<10000x128xf32, #tpu.memory_space<vmem>>, vector<10000x128xf32>
    %add3A_21 = arith.addf %add3A_17, %get3A_20 : vector<10000x128xf32>
    %mul3A = vector.broadcast %rsqrt3A : vector<10000x1xf32> to vector<10000x128xf32>
    %mul3A_22 = arith.mulf %mul3A, %add3A_21 : vector<10000x128xf32>
    %get3A_23 = arith.constant 0 : index
    %get3A_24 = arith.constant 0 : index
    %get3A_25 = vector.load %arg6[%get3A_23, %get3A_24] : memref<1x128xf32, #tpu.memory_space<vmem>>, vector<1x128xf32>
    %add3A_26 = vector.broadcast %get3A_25 : vector<1x128xf32> to vector<10000x128xf32>
    %add3A_27 = arith.addf %mul3A_22, %add3A_26 : vector<10000x128xf32>
    %get3A_28 = arith.constant 0 : index
    %get3A_29 = arith.constant 0 : index
    %get3A_30 = vector.load %arg7[%get3A_28, %get3A_29] : memref<1x128xf32, #tpu.memory_space<vmem>>, vector<1x128xf32>
    %get3A_31 = arith.constant 0 : index
    %get3A_32 = arith.constant 0 : index
    %get3A_33 = vector.load %arg8[%get3A_31, %get3A_32] : memref<1x128xf32, #tpu.memory_space<vmem>>, vector<1x128xf32>
    %reduce_sum3A = arith.constant dense<0.000000e+00> : vector<128xf32>
    %reduce_sum3A_34 = vector.multi_reduction <add>, %add3A_27, %reduce_sum3A [0] : vector<10000x128xf32> to vector<128xf32>
    %broadcast_in_dim3A = vector.shape_cast %reduce_sum3A_34 : vector<128xf32> to vector<1x128xf32>
    %div3A = arith.constant 1.000000e+04 : f32
    %div3A_35 = vector.broadcast %div3A : f32 to vector<1x128xf32>
    %div3A_36 = arith.divf %broadcast_in_dim3A, %div3A_35 : vector<1x128xf32>
    %sub3A = vector.broadcast %div3A_36 : vector<1x128xf32> to vector<10000x128xf32>
    %sub3A_37 = arith.subf %add3A_27, %sub3A : vector<10000x128xf32>
    %integer_pow3A = arith.mulf %sub3A_37, %sub3A_37 : vector<10000x128xf32>
    %reduce_sum3A_38 = arith.constant dense<0.000000e+00> : vector<128xf32>
    %reduce_sum3A_39 = vector.multi_reduction <add>, %integer_pow3A, %reduce_sum3A_38 [0] : vector<10000x128xf32> to vector<128xf32>
    %broadcast_in_dim3A_40 = vector.shape_cast %reduce_sum3A_39 : vector<128xf32> to vector<1x128xf32>
    %div3A_41 = arith.constant 1.000000e+04 : f32
    %div3A_42 = vector.broadcast %div3A_41 : f32 to vector<1x128xf32>
    %div3A_43 = arith.divf %broadcast_in_dim3A_40, %div3A_42 : vector<1x128xf32>
    %sub3A_44 = vector.broadcast %div3A_36 : vector<1x128xf32> to vector<10000x128xf32>
    %sub3A_45 = arith.subf %add3A_27, %sub3A_44 : vector<10000x128xf32>
    %add3A_46 = arith.constant 9.99999974E-6 : f32
    %add3A_47 = vector.broadcast %add3A_46 : f32 to vector<1x128xf32>
    %add3A_48 = arith.addf %div3A_43, %add3A_47 : vector<1x128xf32>
    %rsqrt3A_49 = math.rsqrt %add3A_48 : vector<1x128xf32>
    %mul3A_50 = vector.broadcast %rsqrt3A_49 : vector<1x128xf32> to vector<10000x128xf32>
    %mul3A_51 = arith.mulf %sub3A_45, %mul3A_50 : vector<10000x128xf32>
    %mul3A_52 = vector.broadcast %get3A_30 : vector<1x128xf32> to vector<10000x128xf32>
    %mul3A_53 = arith.mulf %mul3A_51, %mul3A_52 : vector<10000x128xf32>
    %add3A_54 = vector.broadcast %get3A_33 : vector<1x128xf32> to vector<10000x128xf32>
    %add3A_55 = arith.addf %mul3A_53, %add3A_54 : vector<10000x128xf32>
    %max3A_56 = arith.constant 0.000000e+00 : f32
    %max3A_57 = vector.broadcast %max3A_56 : f32 to vector<10000x128xf32>
    %max3A_58 = arith.maximumf %add3A_55, %max3A_57 : vector<10000x128xf32>
    %get3A_59 = arith.constant 0 : index
    %get3A_60 = arith.constant 0 : index
    %get3A_61 = vector.load %arg3[%get3A_59, %get3A_60] : memref<10000x128xf32, #tpu.memory_space<vmem>>, vector<10000x128xf32>
    %add3A_62 = arith.addf %max3A_58, %get3A_61 : vector<10000x128xf32>
    %iota3A = tpu.iota {dimensions = array<i32: 0>} : vector<64x1xi32>
    %get3A_63 = arith.constant 0 : index
    %get3A_64 = arith.constant 0 : index
    %get3A_65 = vector.load %arg9[%get3A_63, %get3A_64] : memref<1x10000xi32, #tpu.memory_space<vmem>>, vector<1x10000xi32>
    %eq3A = vector.broadcast %get3A_65 : vector<1x10000xi32> to vector<64x10000xi32>
    %eq3A_66 = vector.broadcast %iota3A : vector<64x1xi32> to vector<64x10000xi32>
    %eq3A_67 = arith.cmpi eq, %eq3A, %eq3A_66 : vector<64x10000xi32>
    %convert_element_type3A = arith.extui %eq3A_67 : vector<64x10000xi1> to vector<64x10000xi32>
    %convert_element_type3A_68 = arith.sitofp %convert_element_type3A : vector<64x10000xi32> to vector<64x10000xf32>
    %dot_general3A = arith.constant dense<0.000000e+00> : vector<64x128xf32>
    %dot_general3A_69 = tpu.matmul %convert_element_type3A_68, %add3A_62, %dot_general3A {dimension_numbers = #tpu.dot_dimension_numbers<[1], [0], [0], [1], [0, 0, 1, 1], [], []>, transpose_lhs_hint = false} : vector<64x10000xf32>, vector<10000x128xf32>, vector<64x128xf32> -> vector<64x128xf32>
    %reduce_sum3A_70 = arith.constant dense<0.000000e+00> : vector<64xf32>
    %reduce_sum3A_71 = vector.multi_reduction <add>, %convert_element_type3A_68, %reduce_sum3A_70 [1] : vector<64x10000xf32> to vector<64xf32>
    %broadcast_in_dim3A_72 = vector.shape_cast %reduce_sum3A_71 : vector<64xf32> to vector<64x1xf32>
    %max3A_73 = arith.constant 1.000000e+00 : f32
    %max3A_74 = vector.broadcast %max3A_73 : f32 to vector<64x1xf32>
    %max3A_75 = arith.maximumf %broadcast_in_dim3A_72, %max3A_74 : vector<64x1xf32>
    %div3A_76 = vector.broadcast %max3A_75 : vector<64x1xf32> to vector<64x128xf32>
    %div3A_77 = arith.divf %dot_general3A_69, %div3A_76 : vector<64x128xf32>
    %get3A_78 = arith.constant 0 : index
    %get3A_79 = arith.constant 0 : index
    %get3A_80 = vector.load %arg10[%get3A_78, %get3A_79] : memref<128x256xf32, #tpu.memory_space<vmem>>, vector<128x256xf32>
    %dot_general3A_81 = arith.constant dense<0.000000e+00> : vector<64x256xf32>
    %dot_general3A_82 = tpu.matmul %div3A_77, %get3A_80, %dot_general3A_81 {dimension_numbers = #tpu.dot_dimension_numbers<[1], [0], [0], [1], [0, 0, 1, 1], [], []>, transpose_lhs_hint = false} : vector<64x128xf32>, vector<128x256xf32>, vector<64x256xf32> -> vector<64x256xf32>
    %get3A_83 = arith.constant 0 : index
    %get3A_84 = arith.constant 0 : index
    %get3A_85 = vector.load %arg11[%get3A_83, %get3A_84] : memref<1x256xf32, #tpu.memory_space<vmem>>, vector<1x256xf32>
    %add3A_86 = vector.broadcast %get3A_85 : vector<1x256xf32> to vector<64x256xf32>
    %add3A_87 = arith.addf %dot_general3A_82, %add3A_86 : vector<64x256xf32>
    %get3A_88 = arith.constant 0 : index
    %get3A_89 = arith.constant 0 : index
    %get3A_90 = vector.load %arg12[%get3A_88, %get3A_89] : memref<1x256xf32, #tpu.memory_space<vmem>>, vector<1x256xf32>
    %get3A_91 = arith.constant 0 : index
    %get3A_92 = arith.constant 0 : index
    %get3A_93 = vector.load %arg13[%get3A_91, %get3A_92] : memref<1x256xf32, #tpu.memory_space<vmem>>, vector<1x256xf32>
    %reduce_sum3A_94 = arith.constant dense<0.000000e+00> : vector<256xf32>
    %reduce_sum3A_95 = vector.multi_reduction <add>, %add3A_87, %reduce_sum3A_94 [0] : vector<64x256xf32> to vector<256xf32>
    %broadcast_in_dim3A_96 = vector.shape_cast %reduce_sum3A_95 : vector<256xf32> to vector<1x256xf32>
    %div3A_97 = arith.constant 6.400000e+01 : f32
    %div3A_98 = vector.broadcast %div3A_97 : f32 to vector<1x256xf32>
    %div3A_99 = arith.divf %broadcast_in_dim3A_96, %div3A_98 : vector<1x256xf32>
    %sub3A_100 = vector.broadcast %div3A_99 : vector<1x256xf32> to vector<64x256xf32>
    %sub3A_101 = arith.subf %add3A_87, %sub3A_100 : vector<64x256xf32>
    %integer_pow3A_102 = arith.mulf %sub3A_101, %sub3A_101 : vector<64x256xf32>
    %reduce_sum3A_103 = arith.constant dense<0.000000e+00> : vector<256xf32>
    %reduce_sum3A_104 = vector.multi_reduction <add>, %integer_pow3A_102, %reduce_sum3A_103 [0] : vector<64x256xf32> to vector<256xf32>
    %broadcast_in_dim3A_105 = vector.shape_cast %reduce_sum3A_104 : vector<256xf32> to vector<1x256xf32>
    %div3A_106 = arith.constant 6.400000e+01 : f32
    %div3A_107 = vector.broadcast %div3A_106 : f32 to vector<1x256xf32>
    %div3A_108 = arith.divf %broadcast_in_dim3A_105, %div3A_107 : vector<1x256xf32>
    %sub3A_109 = vector.broadcast %div3A_99 : vector<1x256xf32> to vector<64x256xf32>
    %sub3A_110 = arith.subf %add3A_87, %sub3A_109 : vector<64x256xf32>
    %add3A_111 = arith.constant 9.99999974E-6 : f32
    %add3A_112 = vector.broadcast %add3A_111 : f32 to vector<1x256xf32>
    %add3A_113 = arith.addf %div3A_108, %add3A_112 : vector<1x256xf32>
    %rsqrt3A_114 = math.rsqrt %add3A_113 : vector<1x256xf32>
    %mul3A_115 = vector.broadcast %rsqrt3A_114 : vector<1x256xf32> to vector<64x256xf32>
    %mul3A_116 = arith.mulf %sub3A_110, %mul3A_115 : vector<64x256xf32>
    %mul3A_117 = vector.broadcast %get3A_90 : vector<1x256xf32> to vector<64x256xf32>
    %mul3A_118 = arith.mulf %mul3A_116, %mul3A_117 : vector<64x256xf32>
    %add3A_119 = vector.broadcast %get3A_93 : vector<1x256xf32> to vector<64x256xf32>
    %add3A_120 = arith.addf %mul3A_118, %add3A_119 : vector<64x256xf32>
    %max3A_121 = arith.constant 0.000000e+00 : f32
    %max3A_122 = vector.broadcast %max3A_121 : f32 to vector<64x256xf32>
    %max3A_123 = arith.maximumf %add3A_120, %max3A_122 : vector<64x256xf32>
    %get3A_124 = arith.constant 0 : index
    %get3A_125 = arith.constant 0 : index
    %get3A_126 = vector.load %arg14[%get3A_124, %get3A_125] : memref<256x256xf32, #tpu.memory_space<vmem>>, vector<256x256xf32>
    %dot_general3A_127 = arith.constant dense<0.000000e+00> : vector<64x256xf32>
    %dot_general3A_128 = tpu.matmul %max3A_123, %get3A_126, %dot_general3A_127 {dimension_numbers = #tpu.dot_dimension_numbers<[1], [0], [0], [1], [0, 0, 1, 1], [], []>, transpose_lhs_hint = false} : vector<64x256xf32>, vector<256x256xf32>, vector<64x256xf32> -> vector<64x256xf32>
    %get3A_129 = arith.constant 0 : index
    %get3A_130 = arith.constant 0 : index
    %get3A_131 = vector.load %arg15[%get3A_129, %get3A_130] : memref<1x256xf32, #tpu.memory_space<vmem>>, vector<1x256xf32>
    %add3A_132 = vector.broadcast %get3A_131 : vector<1x256xf32> to vector<64x256xf32>
    %add3A_133 = arith.addf %dot_general3A_128, %add3A_132 : vector<64x256xf32>
    %get3A_134 = arith.constant 0 : index
    %get3A_135 = arith.constant 0 : index
    %get3A_136 = vector.load %arg16[%get3A_134, %get3A_135] : memref<1x256xf32, #tpu.memory_space<vmem>>, vector<1x256xf32>
    %get3A_137 = arith.constant 0 : index
    %get3A_138 = arith.constant 0 : index
    %get3A_139 = vector.load %arg17[%get3A_137, %get3A_138] : memref<1x256xf32, #tpu.memory_space<vmem>>, vector<1x256xf32>
    %reduce_sum3A_140 = arith.constant dense<0.000000e+00> : vector<256xf32>
    %reduce_sum3A_141 = vector.multi_reduction <add>, %add3A_133, %reduce_sum3A_140 [0] : vector<64x256xf32> to vector<256xf32>
    %broadcast_in_dim3A_142 = vector.shape_cast %reduce_sum3A_141 : vector<256xf32> to vector<1x256xf32>
    %div3A_143 = arith.constant 6.400000e+01 : f32
    %div3A_144 = vector.broadcast %div3A_143 : f32 to vector<1x256xf32>
    %div3A_145 = arith.divf %broadcast_in_dim3A_142, %div3A_144 : vector<1x256xf32>
    %sub3A_146 = vector.broadcast %div3A_145 : vector<1x256xf32> to vector<64x256xf32>
    %sub3A_147 = arith.subf %add3A_133, %sub3A_146 : vector<64x256xf32>
    %integer_pow3A_148 = arith.mulf %sub3A_147, %sub3A_147 : vector<64x256xf32>
    %reduce_sum3A_149 = arith.constant dense<0.000000e+00> : vector<256xf32>
    %reduce_sum3A_150 = vector.multi_reduction <add>, %integer_pow3A_148, %reduce_sum3A_149 [0] : vector<64x256xf32> to vector<256xf32>
    %broadcast_in_dim3A_151 = vector.shape_cast %reduce_sum3A_150 : vector<256xf32> to vector<1x256xf32>
    %div3A_152 = arith.constant 6.400000e+01 : f32
    %div3A_153 = vector.broadcast %div3A_152 : f32 to vector<1x256xf32>
    %div3A_154 = arith.divf %broadcast_in_dim3A_151, %div3A_153 : vector<1x256xf32>
    %sub3A_155 = vector.broadcast %div3A_145 : vector<1x256xf32> to vector<64x256xf32>
    %sub3A_156 = arith.subf %add3A_133, %sub3A_155 : vector<64x256xf32>
    %add3A_157 = arith.constant 9.99999974E-6 : f32
    %add3A_158 = vector.broadcast %add3A_157 : f32 to vector<1x256xf32>
    %add3A_159 = arith.addf %div3A_154, %add3A_158 : vector<1x256xf32>
    %rsqrt3A_160 = math.rsqrt %add3A_159 : vector<1x256xf32>
    %mul3A_161 = vector.broadcast %rsqrt3A_160 : vector<1x256xf32> to vector<64x256xf32>
    %mul3A_162 = arith.mulf %sub3A_156, %mul3A_161 : vector<64x256xf32>
    %mul3A_163 = vector.broadcast %get3A_136 : vector<1x256xf32> to vector<64x256xf32>
    %mul3A_164 = arith.mulf %mul3A_162, %mul3A_163 : vector<64x256xf32>
    %add3A_165 = vector.broadcast %get3A_139 : vector<1x256xf32> to vector<64x256xf32>
    %add3A_166 = arith.addf %mul3A_164, %add3A_165 : vector<64x256xf32>
    %max3A_167 = arith.constant 0.000000e+00 : f32
    %max3A_168 = vector.broadcast %max3A_167 : f32 to vector<64x256xf32>
    %max3A_169 = arith.maximumf %add3A_166, %max3A_168 : vector<64x256xf32>
    %get3A_170 = arith.constant 0 : index
    %get3A_171 = arith.constant 0 : index
    %get3A_172 = vector.load %arg18[%get3A_170, %get3A_171] : memref<256x1024xf32, #tpu.memory_space<vmem>>, vector<256x1024xf32>
    %dot_general3A_173 = arith.constant dense<0.000000e+00> : vector<64x1024xf32>
    %dot_general3A_174 = tpu.matmul %max3A_169, %get3A_172, %dot_general3A_173 {dimension_numbers = #tpu.dot_dimension_numbers<[1], [0], [0], [1], [0, 0, 1, 1], [], []>, transpose_lhs_hint = false} : vector<64x256xf32>, vector<256x1024xf32>, vector<64x1024xf32> -> vector<64x1024xf32>
    %get3A_175 = arith.constant 0 : index
    %get3A_176 = arith.constant 0 : index
    %get3A_177 = vector.load %arg19[%get3A_175, %get3A_176] : memref<1x1024xf32, #tpu.memory_space<vmem>>, vector<1x1024xf32>
    %add3A_178 = vector.broadcast %get3A_177 : vector<1x1024xf32> to vector<64x1024xf32>
    %add3A_179 = arith.addf %dot_general3A_174, %add3A_178 : vector<64x1024xf32>
    %neg3A = arith.constant 0.000000e+00 : f32
    %neg3A_180 = vector.broadcast %neg3A : f32 to vector<64x1024xf32>
    %neg3A_181 = arith.subf %neg3A_180, %add3A_179 : vector<64x1024xf32>
    %exp3A = math.exp %neg3A_181 : vector<64x1024xf32>
    %add3A_182 = arith.constant 1.000000e+00 : f32
    %add3A_183 = vector.broadcast %add3A_182 : f32 to vector<64x1024xf32>
    %add3A_184 = arith.addf %add3A_183, %exp3A : vector<64x1024xf32>
    %div3A_185 = arith.constant 1.000000e+00 : f32
    %div3A_186 = vector.broadcast %div3A_185 : f32 to vector<64x1024xf32>
    %div3A_187 = arith.divf %div3A_186, %add3A_184 : vector<64x1024xf32>
    %swap3A = arith.constant 0 : index
    %swap3A_188 = arith.constant 0 : index
    %swap3A_189 = vector.load %arg20[%swap3A, %swap3A_188] : memref<64x1024xf32, #tpu.memory_space<vmem>>, vector<64x1024xf32>
    tpu.vector_store %arg20[%swap3A, %swap3A_188], %div3A_187 {strides = array<i32>} : memref<64x1024xf32, #tpu.memory_space<vmem>>, vector<64x1024xf32>,
    return
  }
}

</mosaic_0001>

<sc_bundles>
// kernel: kernel.14.cloned.1.call-start
scs
__scs_entry_jumppad:
0x0: {  	(pc) =	sbr.rel $0x88, $3  }
0x1: {  	(tag) =	ssettag $0x0;
	lr =	simm.s32 $0x1  }
0x2: {  	[smem:$0x3F8C] =	sst lr;
	_ =	strace $0xD0000000  }
0x3: {  	_ = 	snop  }
0x4: {  	_ = 	snop  }
0x5: {  	_ = 	snop  }
0x6: {  	_ = 	snop  }
0x7: {  	_ = 	snop  }
__scs_overlays_trampoline_lowered:
0x8: {  	[smem:$0x3F9B] =	sst s0  }
0x9: {  	[smem:$0x3F9C] =	sst s1  }
0xa: {  	[smem:$0x3F9D] =	sst s2  }
0xb: {  	[smem:$0x3F9E] =	sst s3  }
0xc: {  	[smem:$0x3F9F] =	sst s4  }
0xd: {  	[smem:$0x3FA0] =	sst s5  }
0xe: {  	[smem:$0x3FA1] =	sst s6  }
0xf: {  	[smem:$0x3FA2] =	sst s7  }
0x10: {  	[smem:$0x3FA3] =	sst s8  }
0x11: {  	[smem:$0x3FA4] =	sst s9;
	s0 =	simm.s32 @!p0 $0x0  }
0x12: {  	s1 =	sld [smem:$0x3F8A];
	s0 =	simm.s32 @p0 $0x1  }
0x13: {  	[smem:$0x3FA5] =	sst s0;
	s0 =	simm.s32 @!p1 $0x0  }
0x14: {  	s2 =	sld [smem:$0x3F89];
	s0 =	simm.s32 @p1 $0x1  }
0x15: {  	[smem:$0x3FA6] =	sst s0;
	s0 =	simm.s32 @!p2 $0x0  }
0x16: {  	s3 =	sld [smem:$0x3FDB];
	s0 =	simm.s32 @p2 $0x1  }
0x17: {  	s4 =	simm.s32 $0x1BF5;
	[smem:$0x3FA8] =	sst s0  }
0x18: {  	s0 =	sld [smem:$0x3F8B];
	_ =	swait.ge [sflag:s4], $0x0  }
0x19: {  	s7 =	sld [smem:$0x3F8C]  }
0x1a: {  	s8 =	sadd.s32 $0xFFFFE003, lr  }
0x1b: {  	s9 =	sadd.s32 $0xFFFFFEF7, lr;
	s5 =	simm.s32 $0xFFFFFFFF;
	p2 =	slt.u32 s8, $0xFFFFF086  }
0x1c: {  	p1 =	slt.u32 s9, $0xF7A;
	s5 =	simm.s32 @!p2 $0x0  }
0x1d: {  	s5 =	simm.s32 @p1 $0x1;
	p0 =	seq.s32 s7, s2  }
0x1e: {  	s7 =	smul.u32 @!p0 $0xF7A, s2;
	p2 =	seq.s32 @!p0 s5, $0x0  }
0x1f: {  	s9 =	smul.u32 $0xF7A, s1;
	s8 =	simm.s32 @!p0 $0x1BF5;
	p2 =	por !p2, p0  }
0x20: {  	[sflag:s8] =	ssyncset.s32 @!p0 $0xFFFFF086;
	s6 =	sadd.s32 @!p0 s3, s7;
	s7 =	simm.s32 @!p0 $0x108  }
0x21: {  	s3 =	sadd.s32 s3, s9;
	s6 =	sadd.s32 @!p0 $0x88, s6;
	s7 =	simm.s32 @p2 $0x1082  }
0x22: {  	[simem:s7], [sflag:s8] =	dma.local @!p0 [hbm:s6], $0xF7A  }
0x23: {  	s9 =	sor.u32 $0xD0000000, s2;
	s6 =	simm.s32 $0x108;
	_ =	swait.ge @!p0 [sflag:s8], $0x0  }
0x24: {  	s3 =	sadd.s32 $0x88, s3;
	s6 =	simm.s32 @!p1 $0x1082;
	[sflag:s4] =	ssyncset.s32 $0xFFFFF086  }
0x25: {  	[simem:s6], [sflag:s4] =	dma.local [hbm:s3], $0xF7A  }
0x26: {  	[smem:$0x3F8C] =	sst s1;
	(tag) =	ssettag s2;
	_ =	strace s9  }
0x27: {  	s1 =	sld [smem:$0x3F9C]  }
0x28: {  	s2 =	sld [smem:$0x3F9D]  }
0x29: {  	s4 =	sld [smem:$0x3F9F]  }
0x2a: {  	p0 =	seq.s32 s5, $0x0;
	s5 =	sld [smem:$0x3FA0]  }
0x2b: {  	s6 =	sld [smem:$0x3FA1]  }
0x2c: {  	s7 =	sld [smem:$0x3FA2]  }
0x2d: {  	s3 =	simm.s32 $0x108;
	s8 =	sld [smem:$0x3FA3]  }
0x2e: {  	s3 =	simm.s32 @!p0 $0x1082;
	s9 =	sld [smem:$0x3FA4]  }
0x2f: {  	lr =	sadd.s32 s0, s3;
	s0 =	sld [smem:$0x3F9B]  }
0x30: {  	s3 =	sld [smem:$0x3F9E]  }
0x31: {  	[smem:$0x3FA7] =	sst s10  }
0x32: {  	s10 =	sld [smem:$0x3FA5];
	_ =	sdelay $0x3  }
0x33: {  	p0 =	seq.s32 s10, $0x1;
	s10 =	sld [smem:$0x3FA7];
	_ =	sdelay $0x3  }
0x34: {  	[smem:$0x3FA7] =	sst s10  }
0x35: {  	s10 =	sld [smem:$0x3FA6];
	_ =	sdelay $0x3  }
0x36: {  	p1 =	seq.s32 s10, $0x1;
	s10 =	sld [smem:$0x3FA7];
	_ =	sdelay $0x3  }
0x37: {  	[smem:$0x3FA7] =	sst s10  }
0x38: {  	s10 =	sld [smem:$0x3FA8]  }
0x39: {  	_ = 	snop;
	(pc) =	sbr.ind lr, $3  }
0x3a: {  	_ = 	snop  }
0x3b: {  	_ = 	snop  }
0x3c: {  	p2 =	seq.s32 s10, $0x1;
	s10 =	sld [smem:$0x3FA7]  }
0x3d: {  	_ =	shalt  }
0x3e: {  	_ =	shalt  }
0x3f: {  	_ =	shalt  }
0x40: {  	_ =	shalt  }
0x41: {  	_ =	shalt  }
0x42: {  	_ =	shalt  }
0x43: {  	_ =	shalt  }
0x44: {  	_ =	shalt  }
0x45: {  	_ =	shalt  }
0x46: {  	_ =	shalt  }
0x47: {  	_ =	shalt  }
0x48: {  	_ =	shalt  }
0x49: {  	_ =	shalt  }
0x4a: {  	_ =	shalt  }
0x4b: {  	_ =	shalt  }
0x4c: {  	_ =	shalt  }
0x4d: {  	_ =	shalt  }
0x4e: {  	_ =	shalt  }
0x4f: {  	_ =	shalt  }
0x50: {  	_ =	shalt  }
0x51: {  	_ =	shalt  }
0x52: {  	_ =	shalt  }
0x53: {  	_ =	shalt  }
0x54: {  	_ =	shalt  }
0x55: {  	_ =	shalt  }
0x56: {  	_ =	shalt  }
0x57: {  	_ =	shalt  }
0x58: {  	_ =	shalt  }
0x59: {  	_ =	shalt  }
0x5a: {  	_ =	shalt  }
0x5b: {  	_ =	shalt  }
0x5c: {  	_ =	shalt  }
0x5d: {  	_ =	shalt  }
0x5e: {  	_ =	shalt  }
0x5f: {  	_ =	shalt  }
0x60: {  	_ =	shalt  }
0x61: {  	_ =	shalt  }
0x62: {  	_ =	shalt  }
0x63: {  	_ =	shalt  }
0x64: {  	_ =	shalt  }
0x65: {  	_ =	shalt  }
0x66: {  	_ =	shalt  }
0x67: {  	_ =	shalt  }
0x68: {  	_ =	shalt  }
0x69: {  	_ =	shalt  }
0x6a: {  	_ =	shalt  }
0x6b: {  	_ =	shalt  }
0x6c: {  	_ =	shalt  }
0x6d: {  	_ =	shalt  }
0x6e: {  	_ =	shalt  }
0x6f: {  	_ =	shalt  }
0x70: {  	_ =	shalt  }
0x71: {  	_ =	shalt  }
0x72: {  	_ =	shalt  }
0x73: {  	_ =	shalt  }
0x74: {  	_ =	shalt  }
0x75: {  	_ =	shalt  }
0x76: {  	_ =	shalt  }
0x77: {  	_ =	shalt  }
0x78: {  	_ =	shalt  }
0x79: {  	_ =	shalt  }
0x7a: {  	_ =	shalt  }
0x7b: {  	_ =	shalt  }
0x7c: {  	_ =	shalt  }
0x7d: {  	_ =	shalt  }
0x7e: {  	_ =	shalt  }
0x7f: {  	_ =	shalt  }
0x80: {  	_ =	shalt  }
0x81: {  	_ =	shalt  }
0x82: {  	_ =	shalt  }
0x83: {  	_ =	shalt  }
0x84: {  	_ =	shalt  }
0x85: {  	_ =	shalt  }
0x86: {  	_ =	shalt  }
0x87: {  	_ =	shalt  }
.Lfunc_end0:
.L_simem_size_0:
called_computation_lowered:
.L_overlay_start_0:
0x88: {  	s2 =	sld [smem:$0x3FD9]  }
0x89: {  	s3 =	sld [smem:$0x3FFE];
	_ =	sdelay $0x1  }
0x8a: {  	s1 =	srdreg.scid  }
0x8b: {  	s0 =	sand.u32 $0x1, s1  }
0x8c: {  	s17 =	sshll.u32 s0, $0xA;
	s2 =	sadd.s32 s3, s2  }
0x8d: {  	s2 =	sadd.s32 s2, s17  }
0x8e: {  	[smem:$0x3FB3] =	sst s2  }
0x8f: {  	_ = 	snop  }
0x90: {  	s2 =	sld [smem:$0x3FD0];
	(tm) =	ssettm $0x1  }
0x91: {  	s18 =	sld [smem:$0x3FFB];
	_ =	sdelay $0x3  }
0x92: {  	_ =	strace s18  }
0x93: {  	s3 =	sld [smem:$0x3FFC];
	_ =	sdelay $0x3  }
0x94: {  	_ =	strace s3  }
0x95: {  	s3 =	sld [smem:$0x3FFD];
	_ =	sdelay $0x3  }
0x96: {  	_ =	strace s3  }
0x97: {  	_ =	strace $0x8FFFFFFF  }
0x98: {  	s19 =	sld [smem:$0x3FDB];
	_ =	sdelay $0x1  }
0x99: {  	s4 =	simm.s32 $_scs_section_size  }
0x9a: {  	s5 =	simm.s32 $_size__tile_overlayer_lowered;
	s6 =	simm.s32 $_tile_overlayer_lowered  }
0x9b: {  	s22 =	simm.s32 $0x1BFF;
	s21 =	sshll.u32 s6, $0x1;
	s3 =	sadd.s32 s4, s19  }
0x9c: {  	s7 =	simm.s32 $0x0;
	s20 =	sshll.u32 s5, $0x1;
	s5 =	sadd.s32 s21, s3  }
0x9d: {  	[timem:s7], [sflag:s22] =	dma.local [hbm:s5], s20  }
0x9e: {  	_ =	swait.ge [sflag:s22], s20  }
0x9f: {  	s4 =	ssub.s32 $0x0, s20;
	[sflag:s22] =	ssyncset.done $0x0  }
0xa0: {  	[sflag:s22] =	ssyncadd.s32 s4;
	_ =	sdelay $0x1  }
0xa1: {  	s23 =	simm.s32 $0x1B8B  }
0xa2: {  	_ =	swait.ge [sflag:s23], $0x1  }
0xa3: {  	[sflag:s23] =	ssyncset.done $0x0  }
0xa4: {  	s25 =	simm.s32 $0x1B8E;
	s24 =	sld [smem:$0x3FFE];
	[sflag:s23] =	ssyncadd.s32 $0xFFFFFFFF  }
0xa5: {  	s26 =	simm.s32 $execute0_lowered;
	[smem:$0x3FD2] =	sst s25  }
0xa6: {  	s5 =	sshll.u32 s26, $0x1;
	_ =	strace $0x80000046;
	[dreg:$0x1] =	wrdreg $0xFFFFFFFF  }
0xa7: {  	s28 =	simm.s32 $_size_execute0_lowered;
	s3 =	sadd.s32 s3, s5;
	[dreg:$0x0] =	wrdreg $0x0  }
0xa8: {  	s5 =	sshll.u32 s28, $0x1;
	[dreg:$0x2] =	wrdreg s3  }
0xa9: {  	[dreg:$0x3] =	wrdreg s5  }
0xaa: {  	[dreg:$0x4] =	wrdreg $0xC0  }
0xab: {  	_ =	task [dreg:s7], $0x5FFFF  }
0xac: {  	[dreg:$0x1] =	wrdreg $0xFFFFFFFF  }
0xad: {  	[dreg:$0x0] =	wrdreg $0x60  }
0xae: {  	[dreg:$0x2] =	wrdreg s24  }
0xaf: {  	[dreg:$0x3] =	wrdreg s2  }
0xb0: {  	[dreg:$0x4] =	wrdreg $0x44000  }
0xb1: {  	[dreg:$0x5] =	wrdreg $0x9  }
0xb2: {  	_ =	task.clear_ibuf [dreg:s7], $0x6FFFF;
	_ =	strace $0x90000046  }
0xb3: {  	s29 =	simm.s32 $0x9;
	_ =	strace $0x80000048  }
0xb4: {  	_ =	swait.ge [sflag:s29], $0x1  }
0xb5: {  	[sflag:s29] =	ssyncadd.s32 $0xFFFFFFFF  }
0xb6: {  	_ =	strace $0x90000048  }
0xb7: {  	_ =	sfence  }
0xb8: {  	s30 =	sld [smem:$0x0];
	_ =	sdelay $0x2  }
0xb9: {  	s31 =	sshll.u32 s1, $0xD;
	s1 =	sshrl.u32 s1, $0x2  }
0xba: {  	s3 =	sand.u32 $0x4000, s31;
	s1 =	sadd.s32 s1, s30  }
0xbb: {  	s0 =	sor.u32 s3, s0;
	s1 =	sshll.u32 s1, $0x11  }
0xbc: {  	s0 =	sor.u32 s1, s0  }
0xbd: {  	s0 =	sadd.s32 $0x8F2B, s0  }
0xbe: {  	[sflag:s0] =	ssyncadd.remote.s32 $0x1  }
0xbf: {  	_ =	sfence.sel $0xFFFF  }
0xc0: {  	[dreg:$0x0] =	wrdreg $0xFFFFFFFF;
	(pc) =	sbr.abs _section_cstart, $3  }
0xc1: {  	[dreg:$0x1] =	wrdreg $0xFFFFFFFF  }
0xc2: {  	_ =	task.clear_ibuf [dreg:s7], $0x2FFFF;
	_ =	strace $0x9FFFFFFF  }
0xc3: {  	(tm) =	ssettm $0x7FFFFFFF  }
tec
execute0_lowered:
.L_overlay_start_1:
0x0: {  	(tag) =	ssettag $0x1  }
0x1: {  	s6 =	rddreg [dreg:$0x0]  }
0x2: {  	s1 =	srdreg.scid;
	s2 =	rddreg [dreg:$0x1]  }
0x3: {  	s0 =	stileid.u32;
	s3 =	rddreg [dreg:$0x2];
	s4 =	simm.s32 $0x0  }
0x4: {  	s13 =	simm.s32 $0x80;
	s14 =	simm.s32 $0x100;
	s15 =	simm.s32 $0x180  }
0x5: {  	s16 =	simm.s32 $0x200;
	s17 =	simm.s32 $0x280;
	s18 =	simm.s32 $0x300  }
0x6: {  	s19 =	simm.s32 $0x380;
	s20 =	simm.s32 $0x0;
	s5 =	smul.u32 $0x2800, s0  }
0x7: {  	s7 =	sand.u32 $0x1, s1;
	s1 =	rddreg [dreg:$0x3];
	s9 =	smul.u32 $0x50000, s0  }
0x8: {  	[smem:$0x7FF] =	sst s4;
	s8 =	smul.u32 $0x28000, s7;
	s7 =	ssub.s32 $0x2, s7  }
0x9: {  	s31 =	sshll.u32 s0, $0x6;
	_ =	strace $0x80000047;
	s30 =	sshrl.u32 s7, $0x1  }
0xa: {  	s9 =	sshrl.u32 s9, $0x2;
	s8 =	sadd.s32 s5, s8;
	s11 =	ssub.s32 s7, s30  }
0xb: {  	s12 =	sadd.s32 s9, s3;
	s5 =	sshrl.u32 s8, $0x3;
	s8 =	sadd.s32 s8, s6  }
0xc: {  	s10 =	sadd.s32 s5, s6;
	s5 =	sadd.s32 $0x11600, s6;
	s6 =	sor.u32 $0x1C01, s31  }
0xd: {  	s7 =	sadd.s32 $0x13E00, s8;
	s8 =	smax.u32 s11, $0x1;
	s11 =	simm.s32 $0x1  }
0xe: {  	s9 =	sadd.s32 $0x7600, s10;
	s10 =	sshrl.u32 s12, $0x3;
	s12 =	simm.s32 $0x400  }
.LBB2_1:
0xf: {  	[spmem:s10], [sflag:s6] =	dma.local [hbm:s5], $0x2800  }
0x10: {  	_ =	swait.ge [sflag:s11], $0x2800  }
0x11: {  	[sflag:s11] =	ssyncset.done $0x0  }
0x12: {  	[sflag:s11] =	ssyncadd.s32 $0xFFFFD800  }
0x13: {  	[tilespmem:s12], [sflag:$0x1] =	stream.linear.gather [hbm4b:s2+s4], $0x4000, $0x38;
	[tilespmem:$0x18400] =	vst v63  }
0x14: {  	_ =	swait.ge [sflag:s11], $0x4000  }
0x15: {  	[sflag:s11] =	ssyncset.done $0x0  }
0x16: {  	[sflag:s11] =	ssyncadd.s32 $0xFFFFC000  }
0x17: {  	s21 =	sadd.s32 $0x0, s9;
	[bflag:$0x0] =	sbarrier.arrive $0xFFFF  }
0x18: {  	[tilespmem:s4], [sflag:$0x1] =	stream.linear.gather [hbm4b:s21+s4], $0x400, $0x38;
	[tilespmem:$0x18400] =	vst v63  }
0x19: {  	_ =	swait.ge [sflag:s11], $0x400  }
0x1a: {  	[sflag:s11] =	ssyncset.done $0x0  }
0x1b: {  	[sflag:s11] =	ssyncadd.s32 $0xFFFFFC00  }
0x1c: {  	[spmem:s3] =	stream.indirect.scatter.add.f32 [tilespmem:s12], [sflag:$0x1], $0x80, s4, s13, $0xb8;
	[tilespmem:$0x18400] =	vst v63  }
0x1d: {  	_ =	swait.ge [sflag:s11], $0x4000  }
0x1e: {  	[sflag:s11] =	ssyncset.done $0x0  }
0x1f: {  	[sflag:s11] =	ssyncadd.s32 $0xFFFFC000  }
0x20: {  	[spmem:s3] =	stream.indirect.scatter.add.f32 [tilespmem:s12], [sflag:$0x1], $0x80, s13, s13, $0xb8;
	[tilespmem:$0x18400] =	vst v63  }
0x21: {  	_ =	swait.ge [sflag:s11], $0x4000  }
0x22: {  	[sflag:s11] =	ssyncset.done $0x0  }
0x23: {  	[sflag:s11] =	ssyncadd.s32 $0xFFFFC000  }
0x24: {  	[spmem:s3] =	stream.indirect.scatter.add.f32 [tilespmem:s12], [sflag:$0x1], $0x80, s14, s13, $0xb8;
	[tilespmem:$0x18400] =	vst v63  }
0x25: {  	_ =	swait.ge [sflag:s11], $0x4000  }
0x26: {  	[sflag:s11] =	ssyncset.done $0x0  }
0x27: {  	[sflag:s11] =	ssyncadd.s32 $0xFFFFC000  }
0x28: {  	[spmem:s3] =	stream.indirect.scatter.add.f32 [tilespmem:s12], [sflag:$0x1], $0x80, s15, s13, $0xb8;
	[tilespmem:$0x18400] =	vst v63  }
0x29: {  	_ =	swait.ge [sflag:s11], $0x4000  }
0x2a: {  	[sflag:s11] =	ssyncset.done $0x0  }
0x2b: {  	[sflag:s11] =	ssyncadd.s32 $0xFFFFC000  }
0x2c: {  	[spmem:s3] =	stream.indirect.scatter.add.f32 [tilespmem:s12], [sflag:$0x1], $0x80, s16, s13, $0xb8;
	[tilespmem:$0x18400] =	vst v63  }
0x2d: {  	_ =	swait.ge [sflag:s11], $0x4000  }
0x2e: {  	[sflag:s11] =	ssyncset.done $0x0  }
0x2f: {  	[sflag:s11] =	ssyncadd.s32 $0xFFFFC000  }
0x30: {  	[spmem:s3] =	stream.indirect.scatter.add.f32 [tilespmem:s12], [sflag:$0x1], $0x80, s17, s13, $0xb8;
	[tilespmem:$0x18400] =	vst v63  }
0x31: {  	_ =	swait.ge [sflag:s11], $0x4000  }
0x32: {  	[sflag:s11] =	ssyncset.done $0x0  }
0x33: {  	[sflag:s11] =	ssyncadd.s32 $0xFFFFC000  }
0x34: {  	[spmem:s3] =	stream.indirect.scatter.add.f32 [tilespmem:s12], [sflag:$0x1], $0x80, s18, s13, $0xb8;
	[tilespmem:$0x18400] =	vst v63  }
0x35: {  	_ =	swait.ge [sflag:s11], $0x4000  }
0x36: {  	[sflag:s11] =	ssyncset.done $0x0  }
0x37: {  	[sflag:s11] =	ssyncadd.s32 $0xFFFFC000  }
0x38: {  	[spmem:s3] =	stream.indirect.scatter.add.f32 [tilespmem:s12], [sflag:$0x1], $0x80, s19, s13, $0xb8;
	[tilespmem:$0x18400] =	vst v63  }
0x39: {  	_ =	swait.ge [sflag:s11], $0x4000  }
0x3a: {  	s23 =	simm.s32 $0x100;
	s21 =	simm.s32 $0x80;
	[sflag:s11] =	ssyncset.done $0x0  }
.LBB2_2:
0x3b: {  	s24 =	sadd.s32 s21, s9  }
0x3c: {  	[sflag:s11] =	ssyncadd.s32 $0xFFFFC000;
	s21 =	smov.u32 s23;
	s22 =	sadd.s32 $0x80, s23  }
0x3d: {  	[tilespmem:s4], [sflag:$0x1] =	stream.linear.gather [hbm4b:s24+s4], $0x400, $0x38;
	[tilespmem:$0x18400] =	vst v63  }
0x3e: {  	p0 =	sne.s32 s23, $0x480;
	_ =	swait.ge [sflag:s11], $0x400  }
0x3f: {  	[sflag:s11] =	ssyncset.done $0x0  }
0x40: {  	[sflag:s11] =	ssyncadd.s32 $0xFFFFFC00  }
0x41: {  	[spmem:s3] =	stream.indirect.scatter.add.f32 [tilespmem:s12], [sflag:$0x1], $0x80, s4, s13, $0xb8;
	[tilespmem:$0x18400] =	vst v63  }
0x42: {  	_ =	swait.ge [sflag:s11], $0x4000  }
0x43: {  	[sflag:s11] =	ssyncset.done $0x0  }
0x44: {  	[sflag:s11] =	ssyncadd.s32 $0xFFFFC000  }
0x45: {  	[spmem:s3] =	stream.indirect.scatter.add.f32 [tilespmem:s12], [sflag:$0x1], $0x80, s13, s13, $0xb8;
	[tilespmem:$0x18400] =	vst v63  }
0x46: {  	_ =	swait.ge [sflag:s11], $0x4000  }
0x47: {  	[sflag:s11] =	ssyncset.done $0x0  }
0x48: {  	[sflag:s11] =	ssyncadd.s32 $0xFFFFC000  }
0x49: {  	[spmem:s3] =	stream.indirect.scatter.add.f32 [tilespmem:s12], [sflag:$0x1], $0x80, s14, s13, $0xb8;
	[tilespmem:$0x18400] =	vst v63  }
0x4a: {  	_ =	swait.ge [sflag:s11], $0x4000  }
0x4b: {  	[sflag:s11] =	ssyncset.done $0x0  }
0x4c: {  	[sflag:s11] =	ssyncadd.s32 $0xFFFFC000  }
0x4d: {  	[spmem:s3] =	stream.indirect.scatter.add.f32 [tilespmem:s12], [sflag:$0x1], $0x80, s15, s13, $0xb8;
	[tilespmem:$0x18400] =	vst v63  }
0x4e: {  	_ =	swait.ge [sflag:s11], $0x4000  }
0x4f: {  	[sflag:s11] =	ssyncset.done $0x0  }
0x50: {  	[sflag:s11] =	ssyncadd.s32 $0xFFFFC000  }
0x51: {  	[spmem:s3] =	stream.indirect.scatter.add.f32 [tilespmem:s12], [sflag:$0x1], $0x80, s16, s13, $0xb8;
	[tilespmem:$0x18400] =	vst v63  }
0x52: {  	_ =	swait.ge [sflag:s11], $0x4000  }
0x53: {  	[sflag:s11] =	ssyncset.done $0x0  }
0x54: {  	[sflag:s11] =	ssyncadd.s32 $0xFFFFC000  }
0x55: {  	[spmem:s3] =	stream.indirect.scatter.add.f32 [tilespmem:s12], [sflag:$0x1], $0x80, s17, s13, $0xb8;
	[tilespmem:$0x18400] =	vst v63  }
0x56: {  	_ =	swait.ge [sflag:s11], $0x4000  }
0x57: {  	[sflag:s11] =	ssyncset.done $0x0  }
0x58: {  	[sflag:s11] =	ssyncadd.s32 $0xFFFFC000  }
0x59: {  	[spmem:s3] =	stream.indirect.scatter.add.f32 [tilespmem:s12], [sflag:$0x1], $0x80, s18, s13, $0xb8;
	[tilespmem:$0x18400] =	vst v63  }
0x5a: {  	_ =	swait.ge [sflag:s11], $0x4000  }
.Ltmp0:
0x5b: {  	[sflag:s11] =	ssyncset.done $0x0;
	(pc) =	sbr.rel @p0 .LBB2_2-.Ltmp0, $4  }
0x5c: {  	[sflag:s11] =	ssyncadd.s32 $0xFFFFC000  }
0x5d: {  	[spmem:s3] =	stream.indirect.scatter.add.f32 [tilespmem:s12], [sflag:$0x1], $0x80, s19, s13, $0xb8;
	[tilespmem:$0x18400] =	vst v63  }
0x5e: {  	_ =	swait.ge [sflag:s11], $0x4000  }
0x5f: {  	s23 =	smov.u32 s22;
	[sflag:s11] =	ssyncset.done $0x0  }
0x60: {  	s21 =	sadd.s32 s21, s9;
	[sflag:s11] =	ssyncadd.s32 $0xFFFFC000  }
0x61: {  	[tilespmem:s4], [sflag:$0x1] =	stream.linear.gather [hbm4b:s21+s4], $0x400, $0x38;
	[tilespmem:$0x18400] =	vst v63  }
0x62: {  	_ =	swait.ge [sflag:s11], $0x400  }
0x63: {  	[sflag:s11] =	ssyncset.done $0x0  }
0x64: {  	[sflag:s11] =	ssyncadd.s32 $0xFFFFFC00  }
0x65: {  	[spmem:s3] =	stream.indirect.scatter.add.f32 [tilespmem:s12], [sflag:$0x1], $0x80, s4, s13, $0xb8;
	[tilespmem:$0x18400] =	vst v63  }
0x66: {  	_ =	swait.ge [sflag:s11], $0x4000  }
0x67: {  	[sflag:s11] =	ssyncset.done $0x0  }
0x68: {  	[sflag:s11] =	ssyncadd.s32 $0xFFFFC000  }
0x69: {  	[spmem:s3] =	stream.indirect.scatter.add.f32 [tilespmem:s12], [sflag:$0x1], $0x80, s13, s13, $0xb8;
	[tilespmem:$0x18400] =	vst v63  }
0x6a: {  	_ =	swait.ge [sflag:s11], $0x4000  }
0x6b: {  	[sflag:s11] =	ssyncset.done $0x0  }
0x6c: {  	[sflag:s11] =	ssyncadd.s32 $0xFFFFC000  }
0x6d: {  	[spmem:s3] =	stream.indirect.scatter.add.f32 [tilespmem:s12], [sflag:$0x1], $0x80, s14, s13, $0xb8;
	[tilespmem:$0x18400] =	vst v63  }
0x6e: {  	_ =	swait.ge [sflag:s11], $0x4000  }
0x6f: {  	[sflag:s11] =	ssyncset.done $0x0  }
0x70: {  	[sflag:s11] =	ssyncadd.s32 $0xFFFFC000  }
0x71: {  	[spmem:s3] =	stream.indirect.scatter.add.f32 [tilespmem:s12], [sflag:$0x1], $0x80, s15, s13, $0xb8;
	[tilespmem:$0x18400] =	vst v63  }
0x72: {  	_ =	swait.ge [sflag:s11], $0x4000  }
0x73: {  	[sflag:s11] =	ssyncset.done $0x0  }
0x74: {  	[sflag:s11] =	ssyncadd.s32 $0xFFFFC000  }
0x75: {  	[spmem:s3] =	stream.indirect.scatter.add.f32 [tilespmem:s12], [sflag:$0x1], $0x80, s16, s13, $0xb8;
	[tilespmem:$0x18400] =	vst v63  }
0x76: {  	_ =	swait.ge [sflag:s11], $0x4000  }
0x77: {  	[sflag:s11] =	ssyncset.done $0x0  }
0x78: {  	[sflag:s11] =	ssyncadd.s32 $0xFFFFC000  }
0x79: {  	[spmem:s3] =	stream.indirect.scatter.add.f32 [tilespmem:s12], [sflag:$0x1], $0x80, s17, s13, $0xb8;
	[tilespmem:$0x18400] =	vst v63  }
0x7a: {  	_ =	swait.ge [sflag:s11], $0x4000  }
0x7b: {  	[sflag:s11] =	ssyncset.done $0x0  }
0x7c: {  	[sflag:s11] =	ssyncadd.s32 $0xFFFFC000  }
0x7d: {  	[spmem:s3] =	stream.indirect.scatter.add.f32 [tilespmem:s12], [sflag:$0x1], $0x80, s18, s13, $0xb8;
	[tilespmem:$0x18400] =	vst v63  }
0x7e: {  	_ =	swait.ge [sflag:s11], $0x4000  }
0x7f: {  	[sflag:s11] =	ssyncset.done $0x0  }
0x80: {  	[sflag:s11] =	ssyncadd.s32 $0xFFFFC000  }
0x81: {  	[spmem:s3] =	stream.indirect.scatter.add.f32 [tilespmem:s12], [sflag:$0x1], $0x80, s19, s13, $0xb8;
	[tilespmem:$0x18400] =	vst v63  }
0x82: {  	_ =	swait.ge [sflag:s11], $0x4000  }
0x83: {  	s20 =	sadd.s32 $0x1, s20;
	[sflag:s11] =	ssyncset.done $0x0  }
0x84: {  	p0 =	sne.s32 s20, s8;
	[sflag:s11] =	ssyncadd.s32 $0xFFFFC000  }
.Ltmp1:
0x85: {  	[bflag:$0x0] =	sbarrier.arrive $0xFFFF;
	(pc) =	sbr.rel @p0 .LBB2_1-.Ltmp1, $4  }
0x86: {  	[hbm:s7], [sflag:s6] =	dma.local [spmem:s10], $0x2800  }
0x87: {  	_ =	swait.ge [sflag:s11], $0x2800  }
0x88: {  	[sflag:s11] =	ssyncset.done $0x0  }
0x89: {  	[sflag:s11] =	ssyncadd.s32 $0xFFFFD800  }
0x8a: {  	_ =	sfence.sel $0x180000  }
0x8b: {  	[bflag:$0x0] =	sbarrier.arrive $0xFFFF  }
0x8c: {  	p0 =	sne.s32 s0, $0x0;
	_ =	strace $0x90000047  }
0x8d: {  	s0 =	sadd.s32 @!p0 $0x100000, s1;
	[bflag:$0x2] =	sbarrier.arrive $0xFFFF  }
0x8e: {  	[sflag:s0] =	ssyncadd.tile.s32 @!p0 $0x1;
	_ =	shalt  }
.Lfunc_end2:
_tile_overlayer_lowered:
.L_overlay_start_2:
0x8f: {  	(tag) =	ssettag $0x2  }
0x90: {  	s0 =	rddreg [dreg:$0x0];
	s2 =	stileid.u32  }
0x91: {  	s1 =	rddreg [dreg:$0x1];
	p0 =	sne.s32 s2, $0x0  }
0x92: {  	s3 =	rddreg [dreg:$0x2];
	[bflag:$0x3] =	sbarrier.arrive $0xFFFF;
	s2 =	simm.s32 @!p0 $0x1C01  }
0x93: {  	[timem:s3], [sflag:s2] =	dma.local @!p0 [hbm:s0], s1  }
0x94: {  	s0 =	simm.s32 @!p0 $0x1  }
0x95: {  	_ =	swait.ge @!p0 [sflag:s0], s1  }
0x96: {  	s1 =	ssub.s32 @!p0 $0x0, s1;
	[sflag:s0] =	ssyncset.done @!p0 $0x0  }
0x97: {  	[sflag:s0] =	ssyncadd.s32 @!p0 s1  }
0x98: {  	[bflag:$0x3] =	sbarrier.arrive $0xFFFF  }
0x99: {  	_ =	shalt  }

// kernel: kernel.17.cloned.1.call-start
scs
__scs_entry_jumppad:
0x0: {  	(pc) =	sbr.rel $0x88, $3  }
0x1: {  	(tag) =	ssettag $0x0;
	lr =	simm.s32 $0x1  }
0x2: {  	[smem:$0x3F8C] =	sst lr;
	_ =	strace $0xD0000000  }
0x3: {  	_ = 	snop  }
0x4: {  	_ = 	snop  }
0x5: {  	_ = 	snop  }
0x6: {  	_ = 	snop  }
0x7: {  	_ = 	snop  }
__scs_overlays_trampoline_lowered:
0x8: {  	[smem:$0x3F9B] =	sst s0  }
0x9: {  	[smem:$0x3F9C] =	sst s1  }
0xa: {  	[smem:$0x3F9D] =	sst s2  }
0xb: {  	[smem:$0x3F9E] =	sst s3  }
0xc: {  	[smem:$0x3F9F] =	sst s4  }
0xd: {  	[smem:$0x3FA0] =	sst s5  }
0xe: {  	[smem:$0x3FA1] =	sst s6  }
0xf: {  	[smem:$0x3FA2] =	sst s7  }
0x10: {  	[smem:$0x3FA3] =	sst s8  }
0x11: {  	[smem:$0x3FA4] =	sst s9;
	s0 =	simm.s32 @!p0 $0x0  }
0x12: {  	s1 =	sld [smem:$0x3F8A];
	s0 =	simm.s32 @p0 $0x1  }
0x13: {  	[smem:$0x3FA5] =	sst s0;
	s0 =	simm.s32 @!p1 $0x0  }
0x14: {  	s2 =	sld [smem:$0x3F89];
	s0 =	simm.s32 @p1 $0x1  }
0x15: {  	[smem:$0x3FA6] =	sst s0;
	s0 =	simm.s32 @!p2 $0x0  }
0x16: {  	s3 =	sld [smem:$0x3FDB];
	s0 =	simm.s32 @p2 $0x1  }
0x17: {  	s4 =	simm.s32 $0x1BF5;
	[smem:$0x3FA8] =	sst s0  }
0x18: {  	s0 =	sld [smem:$0x3F8B];
	_ =	swait.ge [sflag:s4], $0x0  }
0x19: {  	s7 =	sld [smem:$0x3F8C]  }
0x1a: {  	s8 =	sadd.s32 $0xFFFFE003, lr  }
0x1b: {  	s9 =	sadd.s32 $0xFFFFFEF7, lr;
	s5 =	simm.s32 $0xFFFFFFFF;
	p2 =	slt.u32 s8, $0xFFFFF086  }
0x1c: {  	p1 =	slt.u32 s9, $0xF7A;
	s5 =	simm.s32 @!p2 $0x0  }
0x1d: {  	s5 =	simm.s32 @p1 $0x1;
	p0 =	seq.s32 s7, s2  }
0x1e: {  	s7 =	smul.u32 @!p0 $0xF7A, s2;
	p2 =	seq.s32 @!p0 s5, $0x0  }
0x1f: {  	s9 =	smul.u32 $0xF7A, s1;
	s8 =	simm.s32 @!p0 $0x1BF5;
	p2 =	por !p2, p0  }
0x20: {  	[sflag:s8] =	ssyncset.s32 @!p0 $0xFFFFF086;
	s6 =	sadd.s32 @!p0 s3, s7;
	s7 =	simm.s32 @!p0 $0x108  }
0x21: {  	s3 =	sadd.s32 s3, s9;
	s6 =	sadd.s32 @!p0 $0x88, s6;
	s7 =	simm.s32 @p2 $0x1082  }
0x22: {  	[simem:s7], [sflag:s8] =	dma.local @!p0 [hbm:s6], $0xF7A  }
0x23: {  	s9 =	sor.u32 $0xD0000000, s2;
	s6 =	simm.s32 $0x108;
	_ =	swait.ge @!p0 [sflag:s8], $0x0  }
0x24: {  	s3 =	sadd.s32 $0x88, s3;
	s6 =	simm.s32 @!p1 $0x1082;
	[sflag:s4] =	ssyncset.s32 $0xFFFFF086  }
0x25: {  	[simem:s6], [sflag:s4] =	dma.local [hbm:s3], $0xF7A  }
0x26: {  	[smem:$0x3F8C] =	sst s1;
	(tag) =	ssettag s2;
	_ =	strace s9  }
0x27: {  	s1 =	sld [smem:$0x3F9C]  }
0x28: {  	s2 =	sld [smem:$0x3F9D]  }
0x29: {  	s4 =	sld [smem:$0x3F9F]  }
0x2a: {  	p0 =	seq.s32 s5, $0x0;
	s5 =	sld [smem:$0x3FA0]  }
0x2b: {  	s6 =	sld [smem:$0x3FA1]  }
0x2c: {  	s7 =	sld [smem:$0x3FA2]  }
0x2d: {  	s3 =	simm.s32 $0x108;
	s8 =	sld [smem:$0x3FA3]  }
0x2e: {  	s3 =	simm.s32 @!p0 $0x1082;
	s9 =	sld [smem:$0x3FA4]  }
0x2f: {  	lr =	sadd.s32 s0, s3;
	s0 =	sld [smem:$0x3F9B]  }
0x30: {  	s3 =	sld [smem:$0x3F9E]  }
0x31: {  	[smem:$0x3FA7] =	sst s10  }
0x32: {  	s10 =	sld [smem:$0x3FA5];
	_ =	sdelay $0x3  }
0x33: {  	p0 =	seq.s32 s10, $0x1;
	s10 =	sld [smem:$0x3FA7];
	_ =	sdelay $0x3  }
0x34: {  	[smem:$0x3FA7] =	sst s10  }
0x35: {  	s10 =	sld [smem:$0x3FA6];
	_ =	sdelay $0x3  }
0x36: {  	p1 =	seq.s32 s10, $0x1;
	s10 =	sld [smem:$0x3FA7];
	_ =	sdelay $0x3  }
0x37: {  	[smem:$0x3FA7] =	sst s10  }
0x38: {  	s10 =	sld [smem:$0x3FA8]  }
0x39: {  	_ = 	snop;
	(pc) =	sbr.ind lr, $3  }
0x3a: {  	_ = 	snop  }
0x3b: {  	_ = 	snop  }
0x3c: {  	p2 =	seq.s32 s10, $0x1;
	s10 =	sld [smem:$0x3FA7]  }
0x3d: {  	_ =	shalt  }
0x3e: {  	_ =	shalt  }
0x3f: {  	_ =	shalt  }
0x40: {  	_ =	shalt  }
0x41: {  	_ =	shalt  }
0x42: {  	_ =	shalt  }
0x43: {  	_ =	shalt  }
0x44: {  	_ =	shalt  }
0x45: {  	_ =	shalt  }
0x46: {  	_ =	shalt  }
0x47: {  	_ =	shalt  }
0x48: {  	_ =	shalt  }
0x49: {  	_ =	shalt  }
0x4a: {  	_ =	shalt  }
0x4b: {  	_ =	shalt  }
0x4c: {  	_ =	shalt  }
0x4d: {  	_ =	shalt  }
0x4e: {  	_ =	shalt  }
0x4f: {  	_ =	shalt  }
0x50: {  	_ =	shalt  }
0x51: {  	_ =	shalt  }
0x52: {  	_ =	shalt  }
0x53: {  	_ =	shalt  }
0x54: {  	_ =	shalt  }
0x55: {  	_ =	shalt  }
0x56: {  	_ =	shalt  }
0x57: {  	_ =	shalt  }
0x58: {  	_ =	shalt  }
0x59: {  	_ =	shalt  }
0x5a: {  	_ =	shalt  }
0x5b: {  	_ =	shalt  }
0x5c: {  	_ =	shalt  }
0x5d: {  	_ =	shalt  }
0x5e: {  	_ =	shalt  }
0x5f: {  	_ =	shalt  }
0x60: {  	_ =	shalt  }
0x61: {  	_ =	shalt  }
0x62: {  	_ =	shalt  }
0x63: {  	_ =	shalt  }
0x64: {  	_ =	shalt  }
0x65: {  	_ =	shalt  }
0x66: {  	_ =	shalt  }
0x67: {  	_ =	shalt  }
0x68: {  	_ =	shalt  }
0x69: {  	_ =	shalt  }
0x6a: {  	_ =	shalt  }
0x6b: {  	_ =	shalt  }
0x6c: {  	_ =	shalt  }
0x6d: {  	_ =	shalt  }
0x6e: {  	_ =	shalt  }
0x6f: {  	_ =	shalt  }
0x70: {  	_ =	shalt  }
0x71: {  	_ =	shalt  }
0x72: {  	_ =	shalt  }
0x73: {  	_ =	shalt  }
0x74: {  	_ =	shalt  }
0x75: {  	_ =	shalt  }
0x76: {  	_ =	shalt  }
0x77: {  	_ =	shalt  }
0x78: {  	_ =	shalt  }
0x79: {  	_ =	shalt  }
0x7a: {  	_ =	shalt  }
0x7b: {  	_ =	shalt  }
0x7c: {  	_ =	shalt  }
0x7d: {  	_ =	shalt  }
0x7e: {  	_ =	shalt  }
0x7f: {  	_ =	shalt  }
0x80: {  	_ =	shalt  }
0x81: {  	_ =	shalt  }
0x82: {  	_ =	shalt  }
0x83: {  	_ =	shalt  }
0x84: {  	_ =	shalt  }
0x85: {  	_ =	shalt  }
0x86: {  	_ =	shalt  }
0x87: {  	_ =	shalt  }
.Lfunc_end0:
.L_simem_size_0:
called_computation.1_lowered:
.L_overlay_start_0:
0x88: {  	s2 =	sld [smem:$0x3FD9]  }
0x89: {  	s3 =	sld [smem:$0x3FFE];
	_ =	sdelay $0x1  }
0x8a: {  	s1 =	srdreg.scid  }
0x8b: {  	s0 =	sand.u32 $0x1, s1  }
0x8c: {  	s16 =	sshll.u32 s0, $0xA;
	s2 =	sadd.s32 s3, s2  }
0x8d: {  	s2 =	sadd.s32 s2, s16  }
0x8e: {  	[smem:$0x3FB3] =	sst s2  }
0x8f: {  	_ = 	snop  }
0x90: {  	(tm) =	ssettm $0x1  }
0x91: {  	s17 =	sld [smem:$0x3FFB];
	_ =	sdelay $0x3  }
0x92: {  	_ =	strace s17  }
0x93: {  	s2 =	sld [smem:$0x3FFC];
	_ =	sdelay $0x3  }
0x94: {  	_ =	strace s2  }
0x95: {  	s2 =	sld [smem:$0x3FFD];
	_ =	sdelay $0x3  }
0x96: {  	_ =	strace s2  }
0x97: {  	_ =	strace $0x8FFFFFFF  }
0x98: {  	s18 =	sld [smem:$0x3FDB];
	_ =	sdelay $0x1  }
0x99: {  	s19 =	simm.s32 $_scs_section_size  }
0x9a: {  	s4 =	simm.s32 $_size__tile_overlayer_lowered;
	s5 =	simm.s32 $_tile_overlayer_lowered  }
0x9b: {  	s22 =	simm.s32 $0x1BFF;
	s21 =	sshll.u32 s5, $0x1;
	s2 =	sadd.s32 s19, s18  }
0x9c: {  	s6 =	simm.s32 $0x0;
	s20 =	sshll.u32 s4, $0x1;
	s4 =	sadd.s32 s21, s2  }
0x9d: {  	[timem:s6], [sflag:s22] =	dma.local [hbm:s4], s20  }
0x9e: {  	_ =	swait.ge [sflag:s22], s20  }
0x9f: {  	s3 =	ssub.s32 $0x0, s20;
	[sflag:s22] =	ssyncset.done $0x0  }
0xa0: {  	[sflag:s22] =	ssyncadd.s32 s3;
	_ =	sdelay $0x1  }
0xa1: {  	s23 =	simm.s32 $0x1B8B  }
0xa2: {  	_ =	swait.ge [sflag:s23], $0x1  }
0xa3: {  	[sflag:s23] =	ssyncset.done $0x0  }
0xa4: {  	s25 =	simm.s32 $0x1B8E;
	s24 =	sld [smem:$0x3FFE];
	[sflag:s23] =	ssyncadd.s32 $0xFFFFFFFF  }
0xa5: {  	s26 =	simm.s32 $execute0_lowered;
	[smem:$0x3FD2] =	sst s25  }
0xa6: {  	s4 =	sshll.u32 s26, $0x1;
	_ =	strace $0x80000049;
	[dreg:$0x1] =	wrdreg $0xFFFFFFFF  }
0xa7: {  	s28 =	simm.s32 $_size_execute0_lowered;
	s2 =	sadd.s32 s2, s4;
	[dreg:$0x0] =	wrdreg $0x0  }
0xa8: {  	s4 =	sshll.u32 s28, $0x1;
	[dreg:$0x2] =	wrdreg s2  }
0xa9: {  	[dreg:$0x3] =	wrdreg s4  }
0xaa: {  	[dreg:$0x4] =	wrdreg $0xC0  }
0xab: {  	_ =	task [dreg:s6], $0x5FFFF  }
0xac: {  	[dreg:$0x1] =	wrdreg $0xFFFFFFFF  }
0xad: {  	[dreg:$0x0] =	wrdreg $0x60  }
0xae: {  	[dreg:$0x2] =	wrdreg s24  }
0xaf: {  	[dreg:$0x3] =	wrdreg $0x88000  }
0xb0: {  	[dreg:$0x4] =	wrdreg $0x9  }
0xb1: {  	_ =	task.clear_ibuf [dreg:s6], $0x5FFFF;
	_ =	strace $0x90000049  }
0xb2: {  	s29 =	simm.s32 $0x9;
	_ =	strace $0x8000004B  }
0xb3: {  	_ =	swait.ge [sflag:s29], $0x1  }
0xb4: {  	[sflag:s29] =	ssyncadd.s32 $0xFFFFFFFF  }
0xb5: {  	_ =	strace $0x9000004B  }
0xb6: {  	_ =	sfence  }
0xb7: {  	s30 =	sld [smem:$0x0];
	_ =	sdelay $0x2  }
0xb8: {  	s31 =	sshll.u32 s1, $0xD;
	s1 =	sshrl.u32 s1, $0x2  }
0xb9: {  	s3 =	sand.u32 $0x4000, s31;
	s1 =	sadd.s32 s1, s30  }
0xba: {  	s0 =	sor.u32 s3, s0;
	s1 =	sshll.u32 s1, $0x11  }
0xbb: {  	s0 =	sor.u32 s1, s0  }
0xbc: {  	s0 =	sadd.s32 $0x8F2B, s0  }
0xbd: {  	[sflag:s0] =	ssyncadd.remote.s32 $0x1  }
0xbe: {  	_ =	sfence.sel $0xFFFF  }
0xbf: {  	[dreg:$0x0] =	wrdreg $0xFFFFFFFF;
	(pc) =	sbr.abs _section_cstart, $3  }
0xc0: {  	[dreg:$0x1] =	wrdreg $0xFFFFFFFF  }
0xc1: {  	_ =	task.clear_ibuf [dreg:s6], $0x2FFFF;
	_ =	strace $0x9FFFFFFF  }
0xc2: {  	(tm) =	ssettm $0x7FFFFFFF  }
0xc3: {  	_ =	shalt  }
tec
execute0_lowered:
.L_overlay_start_1:
0x0: {  	(tag) =	ssettag $0x1  }
0x1: {  	s0 =	rddreg [dreg:$0x0];
	s1 =	srdreg.scid  }
0x2: {  	s8 =	stileid.u32;
	s2 =	rddreg [dreg:$0x1]  }
0x3: {  	s3 =	simm.s32 $0x0;
	s11 =	simm.s32 $0x5;
	s12 =	simm.s32 $0x400  }
0x4: {  	s13 =	simm.s32 $0x80;
	s14 =	simm.s32 $0x800;
	s15 =	simm.s32 $0x4800  }
0x5: {  	s16 =	simm.s32 $0x1;
	s17 =	simm.s32 $0x3;
	s18 =	simm.s32 $0x100  }
0x6: {  	s19 =	simm.s32 $0x2;
	s20 =	simm.s32 $0x480;
	s21 =	simm.s32 $0x4  }
0x7: {  	s22 =	simm.s32 $0x180;
	s28 =	simm.s32 $0x600;
	s29 =	simm.s32 $0x300  }
0x8: {  	s30 =	simm.s32 $0x680;
	s31 =	simm.s32 $0x380;
	s4 =	smul.u32 $0x2800, s8  }
0x9: {  	s1 =	sand.u32 $0x1, s1;
	[smem:$0x7FF] =	sst s3;
	s7 =	smul.u32 $0x50000, s8  }
0xa: {  	s9 =	sadd.s32 $0x11600, s0;
	s25 =	sshll.u32 s8, $0x6;
	s8 =	simm.s32 $0x0  }
0xb: {  	s5 =	smul.u32 $0x28000, s1;
	_ =	strace $0x8000004A;
	s1 =	ssub.s32 $0x2, s1  }
0xc: {  	[dreg:$0x4] =	wrdreg s9;
	s23 =	sshrl.u32 s1, $0x1;
	s7 =	sshrl.u32 s7, $0x2  }
0xd: {  	s5 =	sadd.s32 s4, s5;
	s4 =	sadd.s32 $0x3B000, s0;
	s1 =	ssub.s32 s1, s23  }
0xe: {  	s24 =	sadd.s32 s7, s2;
	s7 =	sor.u32 $0x1C05, s25;
	s23 =	simm.s32 $0x500  }
0xf: {  	s25 =	simm.s32 $0x580;
	s6 =	sshrl.u32 s5, $0x3;
	s1 =	smax.u32 s1, $0x1  }
0x10: {  	[dreg:$0x5] =	wrdreg s7;
	s6 =	sadd.s32 s6, s0;
	s0 =	sadd.s32 s5, s0  }
0x11: {  	[dreg:$0x7] =	wrdreg s1;
	s1 =	simm.s32 $0x700;
	s0 =	sadd.s32 $0xBC200, s0  }
0x12: {  	s26 =	sadd.s32 $0x7600, s6;
	s9 =	sadd.s32 $0x63E00, s6;
	[dreg:$0x6] =	wrdreg s0  }
0x13: {  	s6 =	sshrl.u32 s24, $0x3;
	s24 =	simm.s32 $0x200;
	[dreg:$0x3] =	wrdreg s26  }
0x14: {  	s26 =	simm.s32 $0x280;
	s0 =	simm.s32 $0x780;
	[dreg:$0x8] =	wrdreg s6  }
.LBB2_1:
0x15: {  	[dreg:$0x9] =	wrdreg s8  }
0x16: {  	s5 =	rddreg [dreg:$0x4]  }
0x17: {  	[spmem:s6], [sflag:s7] =	dma.local [hbm:s5], $0x2800  }
0x18: {  	_ =	swait.ge [sflag:s11], $0x2800  }
0x19: {  	[sflag:s11] =	ssyncset.done $0x0  }
0x1a: {  	[sflag:s11] =	ssyncadd.s32 $0xFFFFD800  }
0x1b: {  	s8 =	sadd.s32 $0x0, s9;
	[bflag:$0x0] =	sbarrier.arrive $0xFFFF  }
0x1c: {  	[tilespmem:s3], [sflag:$0x5] =	stream.linear.gather [hbm4b:s8+s3], $0x400, $0x38;
	[tilespmem:$0x1C800] =	vst v63  }
0x1d: {  	_ =	swait.ge [sflag:s11], $0x400  }
0x1e: {  	s10 =	rddreg [dreg:$0x3];
	[sflag:s11] =	ssyncset.done $0x0  }
0x1f: {  	[sflag:s11] =	ssyncadd.s32 $0xFFFFFC00;
	s6 =	sadd.s32 $0x0, s10  }
0x20: {  	[tilespmem:s12], [sflag:$0x5] =	stream.linear.gather [hbm4b:s6+s3], $0x400, $0x38;
	[tilespmem:$0x1C800] =	vst v63  }
0x21: {  	_ =	swait.ge [sflag:s11], $0x400  }
0x22: {  	[sflag:s11] =	ssyncset.done $0x0  }
0x23: {  	[sflag:s11] =	ssyncadd.s32 $0xFFFFFC00  }
0x24: {  	[tilespmem:s14], [sflag:$0x1] =	stream.indirect.gather [hbm4b:s4+s13], $0x80, s3, s13, $0xb8;
	[tilespmem:$0x1C800] =	vst v63  }
0x25: {  	_ = 	snop  }
0x26: {  	[tilespmem:s15], [sflag:$0x2] =	stream.indirect.gather [hbm4b:s4+s13], $0x80, s13, s13, $0xb8;
	[tilespmem:$0x1C800] =	vst v63  }
0x27: {  	_ =	swait.ge [sflag:s16], $0x4000  }
0x28: {  	[sflag:s16] =	ssyncset.done $0x0  }
0x29: {  	[sflag:s16] =	ssyncadd.s32 $0xFFFFC000  }
0x2a: {  	[spmem:s2] =	stream.indirect.scatter.add.f32 [tilespmem:s14], [sflag:$0x3], $0x80, s12, s13, $0xb8;
	[tilespmem:$0x1C800] =	vst v63  }
0x2b: {  	_ =	swait.ge [sflag:s17], $0x4000  }
0x2c: {  	[sflag:s17] =	ssyncset.done $0x0  }
0x2d: {  	[sflag:s17] =	ssyncadd.s32 $0xFFFFC000  }
0x2e: {  	[tilespmem:s14], [sflag:$0x1] =	stream.indirect.gather [hbm4b:s4+s13], $0x80, s18, s13, $0xb8;
	[tilespmem:$0x1C800] =	vst v63  }
0x2f: {  	_ =	swait.ge [sflag:s19], $0x4000  }
0x30: {  	[sflag:s19] =	ssyncset.done $0x0  }
0x31: {  	[sflag:s19] =	ssyncadd.s32 $0xFFFFC000  }
0x32: {  	[spmem:s2] =	stream.indirect.scatter.add.f32 [tilespmem:s15], [sflag:$0x4], $0x80, s20, s13, $0xb8;
	[tilespmem:$0x1C800] =	vst v63  }
0x33: {  	_ =	swait.ge [sflag:s21], $0x4000  }
0x34: {  	[sflag:s21] =	ssyncset.done $0x0  }
0x35: {  	[sflag:s21] =	ssyncadd.s32 $0xFFFFC000  }
0x36: {  	[tilespmem:s15], [sflag:$0x2] =	stream.indirect.gather [hbm4b:s4+s13], $0x80, s22, s13, $0xb8;
	[tilespmem:$0x1C800] =	vst v63  }
0x37: {  	_ =	swait.ge [sflag:s16], $0x4000  }
0x38: {  	[sflag:s16] =	ssyncset.done $0x0  }
0x39: {  	[sflag:s16] =	ssyncadd.s32 $0xFFFFC000  }
0x3a: {  	[spmem:s2] =	stream.indirect.scatter.add.f32 [tilespmem:s14], [sflag:$0x3], $0x80, s23, s13, $0xb8;
	[tilespmem:$0x1C800] =	vst v63  }
0x3b: {  	_ =	swait.ge [sflag:s17], $0x4000  }
0x3c: {  	[sflag:s17] =	ssyncset.done $0x0  }
0x3d: {  	[sflag:s17] =	ssyncadd.s32 $0xFFFFC000  }
0x3e: {  	[tilespmem:s14], [sflag:$0x1] =	stream.indirect.gather [hbm4b:s4+s13], $0x80, s24, s13, $0xb8;
	[tilespmem:$0x1C800] =	vst v63  }
0x3f: {  	_ =	swait.ge [sflag:s19], $0x4000  }
0x40: {  	[sflag:s19] =	ssyncset.done $0x0  }
0x41: {  	[sflag:s19] =	ssyncadd.s32 $0xFFFFC000  }
0x42: {  	[spmem:s2] =	stream.indirect.scatter.add.f32 [tilespmem:s15], [sflag:$0x4], $0x80, s25, s13, $0xb8;
	[tilespmem:$0x1C800] =	vst v63  }
0x43: {  	_ =	swait.ge [sflag:s21], $0x4000  }
0x44: {  	[sflag:s21] =	ssyncset.done $0x0  }
0x45: {  	[sflag:s21] =	ssyncadd.s32 $0xFFFFC000  }
0x46: {  	[tilespmem:s15], [sflag:$0x2] =	stream.indirect.gather [hbm4b:s4+s13], $0x80, s26, s13, $0xb8;
	[tilespmem:$0x1C800] =	vst v63  }
0x47: {  	_ =	swait.ge [sflag:s16], $0x4000  }
0x48: {  	[sflag:s16] =	ssyncset.done $0x0  }
0x49: {  	[sflag:s16] =	ssyncadd.s32 $0xFFFFC000  }
0x4a: {  	[spmem:s2] =	stream.indirect.scatter.add.f32 [tilespmem:s14], [sflag:$0x3], $0x80, s28, s13, $0xb8;
	[tilespmem:$0x1C800] =	vst v63  }
0x4b: {  	_ =	swait.ge [sflag:s17], $0x4000  }
0x4c: {  	[sflag:s17] =	ssyncset.done $0x0  }
0x4d: {  	[sflag:s17] =	ssyncadd.s32 $0xFFFFC000  }
0x4e: {  	[tilespmem:s14], [sflag:$0x1] =	stream.indirect.gather [hbm4b:s4+s13], $0x80, s29, s13, $0xb8;
	[tilespmem:$0x1C800] =	vst v63  }
0x4f: {  	_ =	swait.ge [sflag:s19], $0x4000  }
0x50: {  	[sflag:s19] =	ssyncset.done $0x0  }
0x51: {  	[sflag:s19] =	ssyncadd.s32 $0xFFFFC000  }
0x52: {  	[spmem:s2] =	stream.indirect.scatter.add.f32 [tilespmem:s15], [sflag:$0x4], $0x80, s30, s13, $0xb8;
	[tilespmem:$0x1C800] =	vst v63  }
0x53: {  	_ =	swait.ge [sflag:s21], $0x4000  }
0x54: {  	[sflag:s21] =	ssyncset.done $0x0  }
0x55: {  	[sflag:s21] =	ssyncadd.s32 $0xFFFFC000  }
0x56: {  	[tilespmem:s15], [sflag:$0x2] =	stream.indirect.gather [hbm4b:s4+s13], $0x80, s31, s13, $0xb8;
	[tilespmem:$0x1C800] =	vst v63  }
0x57: {  	_ =	swait.ge [sflag:s16], $0x4000  }
0x58: {  	[sflag:s16] =	ssyncset.done $0x0  }
0x59: {  	[sflag:s16] =	ssyncadd.s32 $0xFFFFC000  }
0x5a: {  	[spmem:s2] =	stream.indirect.scatter.add.f32 [tilespmem:s14], [sflag:$0x3], $0x80, s1, s13, $0xb8;
	[tilespmem:$0x1C800] =	vst v63  }
0x5b: {  	_ =	swait.ge [sflag:s19], $0x4000  }
0x5c: {  	[sflag:s19] =	ssyncset.done $0x0  }
0x5d: {  	[sflag:s19] =	ssyncadd.s32 $0xFFFFC000  }
0x5e: {  	[spmem:s2] =	stream.indirect.scatter.add.f32 [tilespmem:s15], [sflag:$0x4], $0x80, s0, s13, $0xb8;
	[tilespmem:$0x1C800] =	vst v63  }
0x5f: {  	_ =	swait.ge [sflag:s17], $0x4000  }
0x60: {  	[sflag:s17] =	ssyncset.done $0x0  }
0x61: {  	[sflag:s17] =	ssyncadd.s32 $0xFFFFC000  }
0x62: {  	_ =	swait.ge [sflag:s21], $0x4000  }
0x63: {  	s7 =	simm.s32 $0x80;
	s8 =	simm.s32 $0x100;
	[sflag:s21] =	ssyncset.done $0x0  }
.LBB2_2:
0x64: {  	s10 =	sadd.s32 s7, s9;
	[sflag:s21] =	ssyncadd.s32 $0xFFFFC000  }
0x65: {  	[tilespmem:s3], [sflag:$0x5] =	stream.linear.gather [hbm4b:s10+s3], $0x400, $0x38;
	[tilespmem:$0x1C800] =	vst v63  }
0x66: {  	s5 =	smov.u32 s8;
	_ =	swait.ge [sflag:s11], $0x400  }
0x67: {  	s6 =	sadd.s32 $0x80, s8;
	s10 =	rddreg [dreg:$0x3];
	[sflag:s11] =	ssyncset.done $0x0  }
0x68: {  	p0 =	sne.s32 s8, $0x480;
	[sflag:s11] =	ssyncadd.s32 $0xFFFFFC00;
	s8 =	sadd.s32 s7, s10  }
0x69: {  	[tilespmem:s12], [sflag:$0x5] =	stream.linear.gather [hbm4b:s8+s3], $0x400, $0x38;
	[tilespmem:$0x1C800] =	vst v63  }
0x6a: {  	_ =	swait.ge [sflag:s11], $0x400  }
0x6b: {  	[sflag:s11] =	ssyncset.done $0x0  }
0x6c: {  	[sflag:s11] =	ssyncadd.s32 $0xFFFFFC00  }
0x6d: {  	[tilespmem:s14], [sflag:$0x1] =	stream.indirect.gather [hbm4b:s4+s13], $0x80, s3, s13, $0xb8;
	[tilespmem:$0x1C800] =	vst v63  }
0x6e: {  	_ = 	snop  }
0x6f: {  	[tilespmem:s15], [sflag:$0x2] =	stream.indirect.gather [hbm4b:s4+s13], $0x80, s13, s13, $0xb8;
	[tilespmem:$0x1C800] =	vst v63  }
0x70: {  	_ =	swait.ge [sflag:s16], $0x4000  }
0x71: {  	[sflag:s16] =	ssyncset.done $0x0  }
0x72: {  	[sflag:s16] =	ssyncadd.s32 $0xFFFFC000  }
0x73: {  	[spmem:s2] =	stream.indirect.scatter.add.f32 [tilespmem:s14], [sflag:$0x3], $0x80, s12, s13, $0xb8;
	[tilespmem:$0x1C800] =	vst v63  }
0x74: {  	_ =	swait.ge [sflag:s17], $0x4000  }
0x75: {  	[sflag:s17] =	ssyncset.done $0x0  }
0x76: {  	[sflag:s17] =	ssyncadd.s32 $0xFFFFC000  }
0x77: {  	[tilespmem:s14], [sflag:$0x1] =	stream.indirect.gather [hbm4b:s4+s13], $0x80, s18, s13, $0xb8;
	[tilespmem:$0x1C800] =	vst v63  }
0x78: {  	_ =	swait.ge [sflag:s19], $0x4000  }
0x79: {  	[sflag:s19] =	ssyncset.done $0x0  }
0x7a: {  	[sflag:s19] =	ssyncadd.s32 $0xFFFFC000  }
0x7b: {  	[spmem:s2] =	stream.indirect.scatter.add.f32 [tilespmem:s15], [sflag:$0x4], $0x80, s20, s13, $0xb8;
	[tilespmem:$0x1C800] =	vst v63  }
0x7c: {  	_ =	swait.ge [sflag:s21], $0x4000  }
0x7d: {  	[sflag:s21] =	ssyncset.done $0x0  }
0x7e: {  	[sflag:s21] =	ssyncadd.s32 $0xFFFFC000  }
0x7f: {  	[tilespmem:s15], [sflag:$0x2] =	stream.indirect.gather [hbm4b:s4+s13], $0x80, s22, s13, $0xb8;
	[tilespmem:$0x1C800] =	vst v63  }
0x80: {  	_ =	swait.ge [sflag:s16], $0x4000  }
0x81: {  	[sflag:s16] =	ssyncset.done $0x0  }
0x82: {  	[sflag:s16] =	ssyncadd.s32 $0xFFFFC000  }
0x83: {  	[spmem:s2] =	stream.indirect.scatter.add.f32 [tilespmem:s14], [sflag:$0x3], $0x80, s23, s13, $0xb8;
	[tilespmem:$0x1C800] =	vst v63  }
0x84: {  	_ =	swait.ge [sflag:s17], $0x4000  }
0x85: {  	[sflag:s17] =	ssyncset.done $0x0  }
0x86: {  	[sflag:s17] =	ssyncadd.s32 $0xFFFFC000  }
0x87: {  	[tilespmem:s14], [sflag:$0x1] =	stream.indirect.gather [hbm4b:s4+s13], $0x80, s24, s13, $0xb8;
	[tilespmem:$0x1C800] =	vst v63  }
0x88: {  	_ =	swait.ge [sflag:s19], $0x4000  }
0x89: {  	[sflag:s19] =	ssyncset.done $0x0  }
0x8a: {  	[sflag:s19] =	ssyncadd.s32 $0xFFFFC000  }
0x8b: {  	[spmem:s2] =	stream.indirect.scatter.add.f32 [tilespmem:s15], [sflag:$0x4], $0x80, s25, s13, $0xb8;
	[tilespmem:$0x1C800] =	vst v63  }
0x8c: {  	_ =	swait.ge [sflag:s21], $0x4000  }
0x8d: {  	[sflag:s21] =	ssyncset.done $0x0  }
0x8e: {  	[sflag:s21] =	ssyncadd.s32 $0xFFFFC000  }
0x8f: {  	[tilespmem:s15], [sflag:$0x2] =	stream.indirect.gather [hbm4b:s4+s13], $0x80, s26, s13, $0xb8;
	[tilespmem:$0x1C800] =	vst v63  }
0x90: {  	_ =	swait.ge [sflag:s16], $0x4000  }
0x91: {  	[sflag:s16] =	ssyncset.done $0x0  }
0x92: {  	[sflag:s16] =	ssyncadd.s32 $0xFFFFC000  }
0x93: {  	[spmem:s2] =	stream.indirect.scatter.add.f32 [tilespmem:s14], [sflag:$0x3], $0x80, s28, s13, $0xb8;
	[tilespmem:$0x1C800] =	vst v63  }
0x94: {  	_ =	swait.ge [sflag:s17], $0x4000  }
0x95: {  	[sflag:s17] =	ssyncset.done $0x0  }
0x96: {  	[sflag:s17] =	ssyncadd.s32 $0xFFFFC000  }
0x97: {  	[tilespmem:s14], [sflag:$0x1] =	stream.indirect.gather [hbm4b:s4+s13], $0x80, s29, s13, $0xb8;
	[tilespmem:$0x1C800] =	vst v63  }
0x98: {  	_ =	swait.ge [sflag:s19], $0x4000  }
0x99: {  	[sflag:s19] =	ssyncset.done $0x0  }
0x9a: {  	[sflag:s19] =	ssyncadd.s32 $0xFFFFC000  }
0x9b: {  	[spmem:s2] =	stream.indirect.scatter.add.f32 [tilespmem:s15], [sflag:$0x4], $0x80, s30, s13, $0xb8;
	[tilespmem:$0x1C800] =	vst v63  }
0x9c: {  	_ =	swait.ge [sflag:s21], $0x4000  }
0x9d: {  	[sflag:s21] =	ssyncset.done $0x0  }
0x9e: {  	[sflag:s21] =	ssyncadd.s32 $0xFFFFC000  }
0x9f: {  	[tilespmem:s15], [sflag:$0x2] =	stream.indirect.gather [hbm4b:s4+s13], $0x80, s31, s13, $0xb8;
	[tilespmem:$0x1C800] =	vst v63  }
0xa0: {  	_ =	swait.ge [sflag:s16], $0x4000  }
0xa1: {  	[sflag:s16] =	ssyncset.done $0x0  }
0xa2: {  	[sflag:s16] =	ssyncadd.s32 $0xFFFFC000  }
0xa3: {  	[spmem:s2] =	stream.indirect.scatter.add.f32 [tilespmem:s14], [sflag:$0x3], $0x80, s1, s13, $0xb8;
	[tilespmem:$0x1C800] =	vst v63  }
0xa4: {  	_ =	swait.ge [sflag:s19], $0x4000  }
0xa5: {  	[sflag:s19] =	ssyncset.done $0x0  }
0xa6: {  	[sflag:s19] =	ssyncadd.s32 $0xFFFFC000  }
0xa7: {  	[spmem:s2] =	stream.indirect.scatter.add.f32 [tilespmem:s15], [sflag:$0x4], $0x80, s0, s13, $0xb8;
	[tilespmem:$0x1C800] =	vst v63  }
.Ltmp0:
0xa8: {  	_ =	swait.ge [sflag:s17], $0x4000;
	(pc) =	sbr.rel @p0 .LBB2_2-.Ltmp0, $4  }
0xa9: {  	[sflag:s17] =	ssyncset.done $0x0  }
0xaa: {  	[sflag:s17] =	ssyncadd.s32 $0xFFFFC000  }
0xab: {  	_ =	swait.ge [sflag:s21], $0x4000  }
0xac: {  	s7 =	smov.u32 s5;
	s8 =	smov.u32 s6;
	[sflag:s21] =	ssyncset.done $0x0  }
0xad: {  	s5 =	sadd.s32 s7, s9;
	[sflag:s21] =	ssyncadd.s32 $0xFFFFC000  }
0xae: {  	[tilespmem:s3], [sflag:$0x5] =	stream.linear.gather [hbm4b:s5+s3], $0x400, $0x38;
	[tilespmem:$0x1C800] =	vst v63  }
0xaf: {  	_ =	swait.ge [sflag:s11], $0x400  }
0xb0: {  	s6 =	rddreg [dreg:$0x3];
	[sflag:s11] =	ssyncset.done $0x0  }
0xb1: {  	s5 =	sadd.s32 s7, s6;
	[sflag:s11] =	ssyncadd.s32 $0xFFFFFC00  }
0xb2: {  	[tilespmem:s12], [sflag:$0x5] =	stream.linear.gather [hbm4b:s5+s3], $0x400, $0x38;
	[tilespmem:$0x1C800] =	vst v63  }
0xb3: {  	_ =	swait.ge [sflag:s11], $0x400  }
0xb4: {  	[sflag:s11] =	ssyncset.done $0x0  }
0xb5: {  	[sflag:s11] =	ssyncadd.s32 $0xFFFFFC00  }
0xb6: {  	[tilespmem:s14], [sflag:$0x1] =	stream.indirect.gather [hbm4b:s4+s13], $0x80, s3, s13, $0xb8;
	[tilespmem:$0x1C800] =	vst v63  }
0xb7: {  	_ = 	snop  }
0xb8: {  	[tilespmem:s15], [sflag:$0x2] =	stream.indirect.gather [hbm4b:s4+s13], $0x80, s13, s13, $0xb8;
	[tilespmem:$0x1C800] =	vst v63  }
0xb9: {  	_ =	swait.ge [sflag:s16], $0x4000  }
0xba: {  	[sflag:s16] =	ssyncset.done $0x0  }
0xbb: {  	[sflag:s16] =	ssyncadd.s32 $0xFFFFC000  }
0xbc: {  	[spmem:s2] =	stream.indirect.scatter.add.f32 [tilespmem:s14], [sflag:$0x3], $0x80, s12, s13, $0xb8;
	[tilespmem:$0x1C800] =	vst v63  }
0xbd: {  	_ =	swait.ge [sflag:s17], $0x4000  }
0xbe: {  	[sflag:s17] =	ssyncset.done $0x0  }
0xbf: {  	[sflag:s17] =	ssyncadd.s32 $0xFFFFC000  }
0xc0: {  	[tilespmem:s14], [sflag:$0x1] =	stream.indirect.gather [hbm4b:s4+s13], $0x80, s18, s13, $0xb8;
	[tilespmem:$0x1C800] =	vst v63  }
0xc1: {  	_ =	swait.ge [sflag:s19], $0x4000  }
0xc2: {  	[sflag:s19] =	ssyncset.done $0x0  }
0xc3: {  	[sflag:s19] =	ssyncadd.s32 $0xFFFFC000  }
0xc4: {  	[spmem:s2] =	stream.indirect.scatter.add.f32 [tilespmem:s15], [sflag:$0x4], $0x80, s20, s13, $0xb8;
	[tilespmem:$0x1C800] =	vst v63  }
0xc5: {  	_ =	swait.ge [sflag:s21], $0x4000  }
0xc6: {  	[sflag:s21] =	ssyncset.done $0x0  }
0xc7: {  	[sflag:s21] =	ssyncadd.s32 $0xFFFFC000  }
0xc8: {  	[tilespmem:s15], [sflag:$0x2] =	stream.indirect.gather [hbm4b:s4+s13], $0x80, s22, s13, $0xb8;
	[tilespmem:$0x1C800] =	vst v63  }
0xc9: {  	_ =	swait.ge [sflag:s16], $0x4000  }
0xca: {  	[sflag:s16] =	ssyncset.done $0x0  }
0xcb: {  	[sflag:s16] =	ssyncadd.s32 $0xFFFFC000  }
0xcc: {  	[spmem:s2] =	stream.indirect.scatter.add.f32 [tilespmem:s14], [sflag:$0x3], $0x80, s23, s13, $0xb8;
	[tilespmem:$0x1C800] =	vst v63  }
0xcd: {  	_ =	swait.ge [sflag:s17], $0x4000  }
0xce: {  	[sflag:s17] =	ssyncset.done $0x0  }
0xcf: {  	[sflag:s17] =	ssyncadd.s32 $0xFFFFC000  }
0xd0: {  	[tilespmem:s14], [sflag:$0x1] =	stream.indirect.gather [hbm4b:s4+s13], $0x80, s24, s13, $0xb8;
	[tilespmem:$0x1C800] =	vst v63  }
0xd1: {  	_ =	swait.ge [sflag:s19], $0x4000  }
0xd2: {  	[sflag:s19] =	ssyncset.done $0x0  }
0xd3: {  	[sflag:s19] =	ssyncadd.s32 $0xFFFFC000  }
0xd4: {  	[spmem:s2] =	stream.indirect.scatter.add.f32 [tilespmem:s15], [sflag:$0x4], $0x80, s25, s13, $0xb8;
	[tilespmem:$0x1C800] =	vst v63  }
0xd5: {  	_ =	swait.ge [sflag:s21], $0x4000  }
0xd6: {  	[sflag:s21] =	ssyncset.done $0x0  }
0xd7: {  	[sflag:s21] =	ssyncadd.s32 $0xFFFFC000  }
0xd8: {  	[tilespmem:s15], [sflag:$0x2] =	stream.indirect.gather [hbm4b:s4+s13], $0x80, s26, s13, $0xb8;
	[tilespmem:$0x1C800] =	vst v63  }
0xd9: {  	_ =	swait.ge [sflag:s16], $0x4000  }
0xda: {  	[sflag:s16] =	ssyncset.done $0x0  }
0xdb: {  	[sflag:s16] =	ssyncadd.s32 $0xFFFFC000  }
0xdc: {  	[spmem:s2] =	stream.indirect.scatter.add.f32 [tilespmem:s14], [sflag:$0x3], $0x80, s28, s13, $0xb8;
	[tilespmem:$0x1C800] =	vst v63  }
0xdd: {  	_ =	swait.ge [sflag:s17], $0x4000  }
0xde: {  	[sflag:s17] =	ssyncset.done $0x0  }
0xdf: {  	[sflag:s17] =	ssyncadd.s32 $0xFFFFC000  }
0xe0: {  	[tilespmem:s14], [sflag:$0x1] =	stream.indirect.gather [hbm4b:s4+s13], $0x80, s29, s13, $0xb8;
	[tilespmem:$0x1C800] =	vst v63  }
0xe1: {  	_ =	swait.ge [sflag:s19], $0x4000  }
0xe2: {  	[sflag:s19] =	ssyncset.done $0x0  }
0xe3: {  	[sflag:s19] =	ssyncadd.s32 $0xFFFFC000  }
0xe4: {  	[spmem:s2] =	stream.indirect.scatter.add.f32 [tilespmem:s15], [sflag:$0x4], $0x80, s30, s13, $0xb8;
	[tilespmem:$0x1C800] =	vst v63  }
0xe5: {  	_ =	swait.ge [sflag:s21], $0x4000  }
0xe6: {  	[sflag:s21] =	ssyncset.done $0x0  }
0xe7: {  	[sflag:s21] =	ssyncadd.s32 $0xFFFFC000  }
0xe8: {  	[tilespmem:s15], [sflag:$0x2] =	stream.indirect.gather [hbm4b:s4+s13], $0x80, s31, s13, $0xb8;
	[tilespmem:$0x1C800] =	vst v63  }
0xe9: {  	_ =	swait.ge [sflag:s16], $0x4000  }
0xea: {  	[sflag:s16] =	ssyncset.done $0x0  }
0xeb: {  	[sflag:s16] =	ssyncadd.s32 $0xFFFFC000  }
0xec: {  	[spmem:s2] =	stream.indirect.scatter.add.f32 [tilespmem:s14], [sflag:$0x3], $0x80, s1, s13, $0xb8;
	[tilespmem:$0x1C800] =	vst v63  }
0xed: {  	_ =	swait.ge [sflag:s19], $0x4000  }
0xee: {  	[sflag:s19] =	ssyncset.done $0x0  }
0xef: {  	[sflag:s19] =	ssyncadd.s32 $0xFFFFC000  }
0xf0: {  	[spmem:s2] =	stream.indirect.scatter.add.f32 [tilespmem:s15], [sflag:$0x4], $0x80, s0, s13, $0xb8;
	[tilespmem:$0x1C800] =	vst v63  }
0xf1: {  	_ =	swait.ge [sflag:s17], $0x4000  }
0xf2: {  	[sflag:s17] =	ssyncset.done $0x0  }
0xf3: {  	[sflag:s17] =	ssyncadd.s32 $0xFFFFC000  }
0xf4: {  	_ =	swait.ge [sflag:s21], $0x4000  }
0xf5: {  	[sflag:s21] =	ssyncset.done $0x0  }
0xf6: {  	[sflag:s21] =	ssyncadd.s32 $0xFFFFC000  }
0xf7: {  	[bflag:$0x0] =	sbarrier.arrive $0xFFFF  }
0xf8: {  	s7 =	rddreg [dreg:$0x5]  }
0xf9: {  	s8 =	rddreg [dreg:$0x6]  }
0xfa: {  	s6 =	rddreg [dreg:$0x8]  }
0xfb: {  	[hbm:s8], [sflag:s7] =	dma.local [spmem:s6], $0x2800  }
0xfc: {  	_ =	swait.ge [sflag:s11], $0x2800  }
0xfd: {  	s8 =	rddreg [dreg:$0x9]  }
0xfe: {  	s10 =	rddreg [dreg:$0x7];
	s8 =	sadd.s32 $0x1, s8  }
0xff: {  	p0 =	sne.s32 s8, s10  }
.Ltmp1:
0x100: {  	_ = 	snop;
	(pc) =	sbr.rel @p0 .LBB2_1-.Ltmp1, $3  }
0x101: {  	_ =	sdelay $0x1  }
0x102: {  	[sflag:s11] =	ssyncset.done $0x0  }
0x103: {  	[sflag:s11] =	ssyncadd.s32 $0xFFFFD800  }
0x104: {  	_ =	sfence.sel $0x180000  }
0x105: {  	[bflag:$0x0] =	sbarrier.arrive $0xFFFF  }
0x106: {  	_ =	strace $0x9000004A  }
0x107: {  	s0 =	stileid.u32;
	[bflag:$0x2] =	sbarrier.arrive $0xFFFF  }
0x108: {  	p0 =	sne.s32 s0, $0x0;
	s0 =	rddreg [dreg:$0x2]  }
0x109: {  	s0 =	sadd.s32 @!p0 $0x100000, s0  }
0x10a: {  	[sflag:s0] =	ssyncadd.tile.s32 @!p0 $0x1;
	_ =	shalt  }
.Lfunc_end2:
_tile_overlayer_lowered:
.L_overlay_start_2:
0x10b: {  	(tag) =	ssettag $0x2  }
0x10c: {  	s0 =	rddreg [dreg:$0x0];
	s2 =	stileid.u32  }
0x10d: {  	s1 =	rddreg [dreg:$0x1];
	p0 =	sne.s32 s2, $0x0  }
0x10e: {  	s3 =	rddreg [dreg:$0x2];
	[bflag:$0x3] =	sbarrier.arrive $0xFFFF;
	s2 =	simm.s32 @!p0 $0x1C05  }
0x10f: {  	[timem:s3], [sflag:s2] =	dma.local @!p0 [hbm:s0], s1  }
0x110: {  	s0 =	simm.s32 @!p0 $0x5  }
0x111: {  	_ =	swait.ge @!p0 [sflag:s0], s1  }
0x112: {  	s1 =	ssub.s32 @!p0 $0x0, s1;
	[sflag:s0] =	ssyncset.done @!p0 $0x0  }
0x113: {  	[sflag:s0] =	ssyncadd.s32 @!p0 s1  }
0x114: {  	[bflag:$0x3] =	sbarrier.arrive $0xFFFF  }
0x115: {  	_ =	shalt  }

// kernel: kernel.20.cloned.1.call-start
scs
__scs_entry_jumppad:
0x0: {  	(pc) =	sbr.rel $0x88, $3  }
0x1: {  	(tag) =	ssettag $0x0;
	lr =	simm.s32 $0x1  }
0x2: {  	[smem:$0x3F8C] =	sst lr;
	_ =	strace $0xD0000000  }
0x3: {  	_ = 	snop  }
0x4: {  	_ = 	snop  }
0x5: {  	_ = 	snop  }
0x6: {  	_ = 	snop  }
0x7: {  	_ = 	snop  }
__scs_overlays_trampoline_lowered:
0x8: {  	[smem:$0x3F9B] =	sst s0  }
0x9: {  	[smem:$0x3F9C] =	sst s1  }
0xa: {  	[smem:$0x3F9D] =	sst s2  }
0xb: {  	[smem:$0x3F9E] =	sst s3  }
0xc: {  	[smem:$0x3F9F] =	sst s4  }
0xd: {  	[smem:$0x3FA0] =	sst s5  }
0xe: {  	[smem:$0x3FA1] =	sst s6  }
0xf: {  	[smem:$0x3FA2] =	sst s7  }
0x10: {  	[smem:$0x3FA3] =	sst s8  }
0x11: {  	[smem:$0x3FA4] =	sst s9;
	s0 =	simm.s32 @!p0 $0x0  }
0x12: {  	s1 =	sld [smem:$0x3F8A];
	s0 =	simm.s32 @p0 $0x1  }
0x13: {  	[smem:$0x3FA5] =	sst s0;
	s0 =	simm.s32 @!p1 $0x0  }
0x14: {  	s2 =	sld [smem:$0x3F89];
	s0 =	simm.s32 @p1 $0x1  }
0x15: {  	[smem:$0x3FA6] =	sst s0;
	s0 =	simm.s32 @!p2 $0x0  }
0x16: {  	s3 =	sld [smem:$0x3FDB];
	s0 =	simm.s32 @p2 $0x1  }
0x17: {  	s4 =	simm.s32 $0x1BF5;
	[smem:$0x3FA8] =	sst s0  }
0x18: {  	s0 =	sld [smem:$0x3F8B];
	_ =	swait.ge [sflag:s4], $0x0  }
0x19: {  	s7 =	sld [smem:$0x3F8C]  }
0x1a: {  	s8 =	sadd.s32 $0xFFFFE003, lr  }
0x1b: {  	s9 =	sadd.s32 $0xFFFFFEF7, lr;
	s5 =	simm.s32 $0xFFFFFFFF;
	p2 =	slt.u32 s8, $0xFFFFF086  }
0x1c: {  	p1 =	slt.u32 s9, $0xF7A;
	s5 =	simm.s32 @!p2 $0x0  }
0x1d: {  	s5 =	simm.s32 @p1 $0x1;
	p0 =	seq.s32 s7, s2  }
0x1e: {  	s7 =	smul.u32 @!p0 $0xF7A, s2;
	p2 =	seq.s32 @!p0 s5, $0x0  }
0x1f: {  	s9 =	smul.u32 $0xF7A, s1;
	s8 =	simm.s32 @!p0 $0x1BF5;
	p2 =	por !p2, p0  }
0x20: {  	[sflag:s8] =	ssyncset.s32 @!p0 $0xFFFFF086;
	s6 =	sadd.s32 @!p0 s3, s7;
	s7 =	simm.s32 @!p0 $0x108  }
0x21: {  	s3 =	sadd.s32 s3, s9;
	s6 =	sadd.s32 @!p0 $0x88, s6;
	s7 =	simm.s32 @p2 $0x1082  }
0x22: {  	[simem:s7], [sflag:s8] =	dma.local @!p0 [hbm:s6], $0xF7A  }
0x23: {  	s9 =	sor.u32 $0xD0000000, s2;
	s6 =	simm.s32 $0x108;
	_ =	swait.ge @!p0 [sflag:s8], $0x0  }
0x24: {  	s3 =	sadd.s32 $0x88, s3;
	s6 =	simm.s32 @!p1 $0x1082;
	[sflag:s4] =	ssyncset.s32 $0xFFFFF086  }
0x25: {  	[simem:s6], [sflag:s4] =	dma.local [hbm:s3], $0xF7A  }
0x26: {  	[smem:$0x3F8C] =	sst s1;
	(tag) =	ssettag s2;
	_ =	strace s9  }
0x27: {  	s1 =	sld [smem:$0x3F9C]  }
0x28: {  	s2 =	sld [smem:$0x3F9D]  }
0x29: {  	s4 =	sld [smem:$0x3F9F]  }
0x2a: {  	p0 =	seq.s32 s5, $0x0;
	s5 =	sld [smem:$0x3FA0]  }
0x2b: {  	s6 =	sld [smem:$0x3FA1]  }
0x2c: {  	s7 =	sld [smem:$0x3FA2]  }
0x2d: {  	s3 =	simm.s32 $0x108;
	s8 =	sld [smem:$0x3FA3]  }
0x2e: {  	s3 =	simm.s32 @!p0 $0x1082;
	s9 =	sld [smem:$0x3FA4]  }
0x2f: {  	lr =	sadd.s32 s0, s3;
	s0 =	sld [smem:$0x3F9B]  }
0x30: {  	s3 =	sld [smem:$0x3F9E]  }
0x31: {  	[smem:$0x3FA7] =	sst s10  }
0x32: {  	s10 =	sld [smem:$0x3FA5];
	_ =	sdelay $0x3  }
0x33: {  	p0 =	seq.s32 s10, $0x1;
	s10 =	sld [smem:$0x3FA7];
	_ =	sdelay $0x3  }
0x34: {  	[smem:$0x3FA7] =	sst s10  }
0x35: {  	s10 =	sld [smem:$0x3FA6];
	_ =	sdelay $0x3  }
0x36: {  	p1 =	seq.s32 s10, $0x1;
	s10 =	sld [smem:$0x3FA7];
	_ =	sdelay $0x3  }
0x37: {  	[smem:$0x3FA7] =	sst s10  }
0x38: {  	s10 =	sld [smem:$0x3FA8]  }
0x39: {  	_ = 	snop;
	(pc) =	sbr.ind lr, $3  }
0x3a: {  	_ = 	snop  }
0x3b: {  	_ = 	snop  }
0x3c: {  	p2 =	seq.s32 s10, $0x1;
	s10 =	sld [smem:$0x3FA7]  }
0x3d: {  	_ =	shalt  }
0x3e: {  	_ =	shalt  }
0x3f: {  	_ =	shalt  }
0x40: {  	_ =	shalt  }
0x41: {  	_ =	shalt  }
0x42: {  	_ =	shalt  }
0x43: {  	_ =	shalt  }
0x44: {  	_ =	shalt  }
0x45: {  	_ =	shalt  }
0x46: {  	_ =	shalt  }
0x47: {  	_ =	shalt  }
0x48: {  	_ =	shalt  }
0x49: {  	_ =	shalt  }
0x4a: {  	_ =	shalt  }
0x4b: {  	_ =	shalt  }
0x4c: {  	_ =	shalt  }
0x4d: {  	_ =	shalt  }
0x4e: {  	_ =	shalt  }
0x4f: {  	_ =	shalt  }
0x50: {  	_ =	shalt  }
0x51: {  	_ =	shalt  }
0x52: {  	_ =	shalt  }
0x53: {  	_ =	shalt  }
0x54: {  	_ =	shalt  }
0x55: {  	_ =	shalt  }
0x56: {  	_ =	shalt  }
0x57: {  	_ =	shalt  }
0x58: {  	_ =	shalt  }
0x59: {  	_ =	shalt  }
0x5a: {  	_ =	shalt  }
0x5b: {  	_ =	shalt  }
0x5c: {  	_ =	shalt  }
0x5d: {  	_ =	shalt  }
0x5e: {  	_ =	shalt  }
0x5f: {  	_ =	shalt  }
0x60: {  	_ =	shalt  }
0x61: {  	_ =	shalt  }
0x62: {  	_ =	shalt  }
0x63: {  	_ =	shalt  }
0x64: {  	_ =	shalt  }
0x65: {  	_ =	shalt  }
0x66: {  	_ =	shalt  }
0x67: {  	_ =	shalt  }
0x68: {  	_ =	shalt  }
0x69: {  	_ =	shalt  }
0x6a: {  	_ =	shalt  }
0x6b: {  	_ =	shalt  }
0x6c: {  	_ =	shalt  }
0x6d: {  	_ =	shalt  }
0x6e: {  	_ =	shalt  }
0x6f: {  	_ =	shalt  }
0x70: {  	_ =	shalt  }
0x71: {  	_ =	shalt  }
0x72: {  	_ =	shalt  }
0x73: {  	_ =	shalt  }
0x74: {  	_ =	shalt  }
0x75: {  	_ =	shalt  }
0x76: {  	_ =	shalt  }
0x77: {  	_ =	shalt  }
0x78: {  	_ =	shalt  }
0x79: {  	_ =	shalt  }
0x7a: {  	_ =	shalt  }
0x7b: {  	_ =	shalt  }
0x7c: {  	_ =	shalt  }
0x7d: {  	_ =	shalt  }
0x7e: {  	_ =	shalt  }
0x7f: {  	_ =	shalt  }
0x80: {  	_ =	shalt  }
0x81: {  	_ =	shalt  }
0x82: {  	_ =	shalt  }
0x83: {  	_ =	shalt  }
0x84: {  	_ =	shalt  }
0x85: {  	_ =	shalt  }
0x86: {  	_ =	shalt  }
0x87: {  	_ =	shalt  }
.Lfunc_end0:
.L_simem_size_0:
called_computation.2_lowered:
.L_overlay_start_0:
0x88: {  	s2 =	sld [smem:$0x3FD9]  }
0x89: {  	s3 =	sld [smem:$0x3FFE];
	_ =	sdelay $0x1  }
0x8a: {  	s1 =	srdreg.scid  }
0x8b: {  	s0 =	sand.u32 $0x1, s1  }
0x8c: {  	s16 =	sshll.u32 s0, $0xA;
	s2 =	sadd.s32 s3, s2  }
0x8d: {  	s2 =	sadd.s32 s2, s16  }
0x8e: {  	[smem:$0x3FB3] =	sst s2  }
0x8f: {  	_ = 	snop  }
0x90: {  	(tm) =	ssettm $0x1  }
0x91: {  	s17 =	sld [smem:$0x3FFB];
	_ =	sdelay $0x3  }
0x92: {  	_ =	strace s17  }
0x93: {  	s2 =	sld [smem:$0x3FFC];
	_ =	sdelay $0x3  }
0x94: {  	_ =	strace s2  }
0x95: {  	s2 =	sld [smem:$0x3FFD];
	_ =	sdelay $0x3  }
0x96: {  	_ =	strace s2  }
0x97: {  	_ =	strace $0x8FFFFFFF  }
0x98: {  	s18 =	sld [smem:$0x3FDB];
	_ =	sdelay $0x1  }
0x99: {  	s19 =	simm.s32 $_scs_section_size  }
0x9a: {  	s4 =	simm.s32 $_size__tile_overlayer_lowered;
	s5 =	simm.s32 $_tile_overlayer_lowered  }
0x9b: {  	s22 =	simm.s32 $0x1BFF;
	s21 =	sshll.u32 s5, $0x1;
	s2 =	sadd.s32 s19, s18  }
0x9c: {  	s6 =	simm.s32 $0x0;
	s20 =	sshll.u32 s4, $0x1;
	s4 =	sadd.s32 s21, s2  }
0x9d: {  	[timem:s6], [sflag:s22] =	dma.local [hbm:s4], s20  }
0x9e: {  	_ =	swait.ge [sflag:s22], s20  }
0x9f: {  	s3 =	ssub.s32 $0x0, s20;
	[sflag:s22] =	ssyncset.done $0x0  }
0xa0: {  	[sflag:s22] =	ssyncadd.s32 s3;
	_ =	sdelay $0x1  }
0xa1: {  	s23 =	simm.s32 $0x1B8B  }
0xa2: {  	_ =	swait.ge [sflag:s23], $0x1  }
0xa3: {  	[sflag:s23] =	ssyncset.done $0x0  }
0xa4: {  	s25 =	simm.s32 $0x1B8E;
	s24 =	sld [smem:$0x3FFE];
	[sflag:s23] =	ssyncadd.s32 $0xFFFFFFFF  }
0xa5: {  	s26 =	simm.s32 $execute0_lowered;
	[smem:$0x3FD2] =	sst s25  }
0xa6: {  	s4 =	sshll.u32 s26, $0x1;
	_ =	strace $0x8000004C;
	[dreg:$0x1] =	wrdreg $0xFFFFFFFF  }
0xa7: {  	s28 =	simm.s32 $_size_execute0_lowered;
	s2 =	sadd.s32 s2, s4;
	[dreg:$0x0] =	wrdreg $0x0  }
0xa8: {  	s4 =	sshll.u32 s28, $0x1;
	[dreg:$0x2] =	wrdreg s2  }
0xa9: {  	[dreg:$0x3] =	wrdreg s4  }
0xaa: {  	[dreg:$0x4] =	wrdreg $0xC0  }
0xab: {  	_ =	task [dreg:s6], $0x5FFFF  }
0xac: {  	[dreg:$0x1] =	wrdreg $0xFFFFFFFF  }
0xad: {  	[dreg:$0x0] =	wrdreg $0x60  }
0xae: {  	[dreg:$0x2] =	wrdreg s24  }
0xaf: {  	[dreg:$0x3] =	wrdreg $0x88000  }
0xb0: {  	[dreg:$0x4] =	wrdreg $0x9  }
0xb1: {  	_ =	task.clear_ibuf [dreg:s6], $0x5FFFF;
	_ =	strace $0x9000004C  }
0xb2: {  	s29 =	simm.s32 $0x9;
	_ =	strace $0x8000004E  }
0xb3: {  	_ =	swait.ge [sflag:s29], $0x1  }
0xb4: {  	[sflag:s29] =	ssyncadd.s32 $0xFFFFFFFF  }
0xb5: {  	_ =	strace $0x9000004E  }
0xb6: {  	_ =	sfence  }
0xb7: {  	s30 =	sld [smem:$0x0];
	_ =	sdelay $0x2  }
0xb8: {  	s31 =	sshll.u32 s1, $0xD;
	s1 =	sshrl.u32 s1, $0x2  }
0xb9: {  	s3 =	sand.u32 $0x4000, s31;
	s1 =	sadd.s32 s1, s30  }
0xba: {  	s0 =	sor.u32 s3, s0;
	s1 =	sshll.u32 s1, $0x11  }
0xbb: {  	s0 =	sor.u32 s1, s0  }
0xbc: {  	s0 =	sadd.s32 $0x8F2B, s0  }
0xbd: {  	[sflag:s0] =	ssyncadd.remote.s32 $0x1  }
0xbe: {  	_ =	sfence.sel $0xFFFF  }
0xbf: {  	[dreg:$0x0] =	wrdreg $0xFFFFFFFF;
	(pc) =	sbr.abs _section_cstart, $3  }
0xc0: {  	[dreg:$0x1] =	wrdreg $0xFFFFFFFF  }
0xc1: {  	_ =	task.clear_ibuf [dreg:s6], $0x2FFFF;
	_ =	strace $0x9FFFFFFF  }
0xc2: {  	(tm) =	ssettm $0x7FFFFFFF  }
0xc3: {  	_ =	shalt  }
tec
execute0_lowered:
.L_overlay_start_1:
0x0: {  	(tag) =	ssettag $0x1  }
0x1: {  	s0 =	rddreg [dreg:$0x0];
	s1 =	srdreg.scid  }
0x2: {  	s8 =	stileid.u32;
	s2 =	rddreg [dreg:$0x1]  }
0x3: {  	s3 =	simm.s32 $0x0;
	s11 =	simm.s32 $0x5;
	s12 =	simm.s32 $0x400  }
0x4: {  	s13 =	simm.s32 $0x80;
	s14 =	simm.s32 $0x800;
	s15 =	simm.s32 $0x4800  }
0x5: {  	s16 =	simm.s32 $0x1;
	s17 =	simm.s32 $0x3;
	s18 =	simm.s32 $0x100  }
0x6: {  	s19 =	simm.s32 $0x2;
	s20 =	simm.s32 $0x480;
	s21 =	simm.s32 $0x4  }
0x7: {  	s22 =	simm.s32 $0x180;
	s28 =	simm.s32 $0x600;
	s29 =	simm.s32 $0x300  }
0x8: {  	s30 =	simm.s32 $0x680;
	s31 =	simm.s32 $0x380;
	s4 =	smul.u32 $0x2800, s8  }
0x9: {  	s1 =	sand.u32 $0x1, s1;
	[smem:$0x7FF] =	sst s3;
	s7 =	smul.u32 $0x50000, s8  }
0xa: {  	s9 =	sadd.s32 $0x11600, s0;
	s25 =	sshll.u32 s8, $0x6;
	s8 =	simm.s32 $0x0  }
0xb: {  	s5 =	smul.u32 $0x28000, s1;
	_ =	strace $0x8000004D;
	s1 =	ssub.s32 $0x2, s1  }
0xc: {  	[dreg:$0x4] =	wrdreg s9;
	s23 =	sshrl.u32 s1, $0x1;
	s7 =	sshrl.u32 s7, $0x2  }
0xd: {  	s5 =	sadd.s32 s4, s5;
	s4 =	sadd.s32 $0x3B000, s0;
	s1 =	ssub.s32 s1, s23  }
0xe: {  	s24 =	sadd.s32 s7, s2;
	s7 =	sor.u32 $0x1C05, s25;
	s23 =	simm.s32 $0x500  }
0xf: {  	s25 =	simm.s32 $0x580;
	s6 =	sshrl.u32 s5, $0x3;
	s1 =	smax.u32 s1, $0x1  }
0x10: {  	[dreg:$0x5] =	wrdreg s7;
	s6 =	sadd.s32 s6, s0;
	s0 =	sadd.s32 s5, s0  }
0x11: {  	[dreg:$0x7] =	wrdreg s1;
	s1 =	simm.s32 $0x700;
	s0 =	sadd.s32 $0xBC200, s0  }
0x12: {  	s26 =	sadd.s32 $0x7600, s6;
	s9 =	sadd.s32 $0x63E00, s6;
	[dreg:$0x6] =	wrdreg s0  }
0x13: {  	s6 =	sshrl.u32 s24, $0x3;
	s24 =	simm.s32 $0x200;
	[dreg:$0x3] =	wrdreg s26  }
0x14: {  	s26 =	simm.s32 $0x280;
	s0 =	simm.s32 $0x780;
	[dreg:$0x8] =	wrdreg s6  }
.LBB2_1:
0x15: {  	[dreg:$0x9] =	wrdreg s8  }
0x16: {  	s5 =	rddreg [dreg:$0x4]  }
0x17: {  	[spmem:s6], [sflag:s7] =	dma.local [hbm:s5], $0x2800  }
0x18: {  	_ =	swait.ge [sflag:s11], $0x2800  }
0x19: {  	[sflag:s11] =	ssyncset.done $0x0  }
0x1a: {  	[sflag:s11] =	ssyncadd.s32 $0xFFFFD800  }
0x1b: {  	s8 =	sadd.s32 $0x0, s9;
	[bflag:$0x0] =	sbarrier.arrive $0xFFFF  }
0x1c: {  	[tilespmem:s3], [sflag:$0x5] =	stream.linear.gather [hbm4b:s8+s3], $0x400, $0x38;
	[tilespmem:$0x1C800] =	vst v63  }
0x1d: {  	_ =	swait.ge [sflag:s11], $0x400  }
0x1e: {  	s10 =	rddreg [dreg:$0x3];
	[sflag:s11] =	ssyncset.done $0x0  }
0x1f: {  	[sflag:s11] =	ssyncadd.s32 $0xFFFFFC00;
	s6 =	sadd.s32 $0x0, s10  }
0x20: {  	[tilespmem:s12], [sflag:$0x5] =	stream.linear.gather [hbm4b:s6+s3], $0x400, $0x38;
	[tilespmem:$0x1C800] =	vst v63  }
0x21: {  	_ =	swait.ge [sflag:s11], $0x400  }
0x22: {  	[sflag:s11] =	ssyncset.done $0x0  }
0x23: {  	[sflag:s11] =	ssyncadd.s32 $0xFFFFFC00  }
0x24: {  	[tilespmem:s14], [sflag:$0x1] =	stream.indirect.gather [hbm4b:s4+s13], $0x80, s3, s13, $0xb8;
	[tilespmem:$0x1C800] =	vst v63  }
0x25: {  	_ = 	snop  }
0x26: {  	[tilespmem:s15], [sflag:$0x2] =	stream.indirect.gather [hbm4b:s4+s13], $0x80, s13, s13, $0xb8;
	[tilespmem:$0x1C800] =	vst v63  }
0x27: {  	_ =	swait.ge [sflag:s16], $0x4000  }
0x28: {  	[sflag:s16] =	ssyncset.done $0x0  }
0x29: {  	[sflag:s16] =	ssyncadd.s32 $0xFFFFC000  }
0x2a: {  	[spmem:s2] =	stream.indirect.scatter.add.f32 [tilespmem:s14], [sflag:$0x3], $0x80, s12, s13, $0xb8;
	[tilespmem:$0x1C800] =	vst v63  }
0x2b: {  	_ =	swait.ge [sflag:s17], $0x4000  }
0x2c: {  	[sflag:s17] =	ssyncset.done $0x0  }
0x2d: {  	[sflag:s17] =	ssyncadd.s32 $0xFFFFC000  }
0x2e: {  	[tilespmem:s14], [sflag:$0x1] =	stream.indirect.gather [hbm4b:s4+s13], $0x80, s18, s13, $0xb8;
	[tilespmem:$0x1C800] =	vst v63  }
0x2f: {  	_ =	swait.ge [sflag:s19], $0x4000  }
0x30: {  	[sflag:s19] =	ssyncset.done $0x0  }
0x31: {  	[sflag:s19] =	ssyncadd.s32 $0xFFFFC000  }
0x32: {  	[spmem:s2] =	stream.indirect.scatter.add.f32 [tilespmem:s15], [sflag:$0x4], $0x80, s20, s13, $0xb8;
	[tilespmem:$0x1C800] =	vst v63  }
0x33: {  	_ =	swait.ge [sflag:s21], $0x4000  }
0x34: {  	[sflag:s21] =	ssyncset.done $0x0  }
0x35: {  	[sflag:s21] =	ssyncadd.s32 $0xFFFFC000  }
0x36: {  	[tilespmem:s15], [sflag:$0x2] =	stream.indirect.gather [hbm4b:s4+s13], $0x80, s22, s13, $0xb8;
	[tilespmem:$0x1C800] =	vst v63  }
0x37: {  	_ =	swait.ge [sflag:s16], $0x4000  }
0x38: {  	[sflag:s16] =	ssyncset.done $0x0  }
0x39: {  	[sflag:s16] =	ssyncadd.s32 $0xFFFFC000  }
0x3a: {  	[spmem:s2] =	stream.indirect.scatter.add.f32 [tilespmem:s14], [sflag:$0x3], $0x80, s23, s13, $0xb8;
	[tilespmem:$0x1C800] =	vst v63  }
0x3b: {  	_ =	swait.ge [sflag:s17], $0x4000  }
0x3c: {  	[sflag:s17] =	ssyncset.done $0x0  }
0x3d: {  	[sflag:s17] =	ssyncadd.s32 $0xFFFFC000  }
0x3e: {  	[tilespmem:s14], [sflag:$0x1] =	stream.indirect.gather [hbm4b:s4+s13], $0x80, s24, s13, $0xb8;
	[tilespmem:$0x1C800] =	vst v63  }
0x3f: {  	_ =	swait.ge [sflag:s19], $0x4000  }
0x40: {  	[sflag:s19] =	ssyncset.done $0x0  }
0x41: {  	[sflag:s19] =	ssyncadd.s32 $0xFFFFC000  }
0x42: {  	[spmem:s2] =	stream.indirect.scatter.add.f32 [tilespmem:s15], [sflag:$0x4], $0x80, s25, s13, $0xb8;
	[tilespmem:$0x1C800] =	vst v63  }
0x43: {  	_ =	swait.ge [sflag:s21], $0x4000  }
0x44: {  	[sflag:s21] =	ssyncset.done $0x0  }
0x45: {  	[sflag:s21] =	ssyncadd.s32 $0xFFFFC000  }
0x46: {  	[tilespmem:s15], [sflag:$0x2] =	stream.indirect.gather [hbm4b:s4+s13], $0x80, s26, s13, $0xb8;
	[tilespmem:$0x1C800] =	vst v63  }
0x47: {  	_ =	swait.ge [sflag:s16], $0x4000  }
0x48: {  	[sflag:s16] =	ssyncset.done $0x0  }
0x49: {  	[sflag:s16] =	ssyncadd.s32 $0xFFFFC000  }
0x4a: {  	[spmem:s2] =	stream.indirect.scatter.add.f32 [tilespmem:s14], [sflag:$0x3], $0x80, s28, s13, $0xb8;
	[tilespmem:$0x1C800] =	vst v63  }
0x4b: {  	_ =	swait.ge [sflag:s17], $0x4000  }
0x4c: {  	[sflag:s17] =	ssyncset.done $0x0  }
0x4d: {  	[sflag:s17] =	ssyncadd.s32 $0xFFFFC000  }
0x4e: {  	[tilespmem:s14], [sflag:$0x1] =	stream.indirect.gather [hbm4b:s4+s13], $0x80, s29, s13, $0xb8;
	[tilespmem:$0x1C800] =	vst v63  }
0x4f: {  	_ =	swait.ge [sflag:s19], $0x4000  }
0x50: {  	[sflag:s19] =	ssyncset.done $0x0  }
0x51: {  	[sflag:s19] =	ssyncadd.s32 $0xFFFFC000  }
0x52: {  	[spmem:s2] =	stream.indirect.scatter.add.f32 [tilespmem:s15], [sflag:$0x4], $0x80, s30, s13, $0xb8;
	[tilespmem:$0x1C800] =	vst v63  }
0x53: {  	_ =	swait.ge [sflag:s21], $0x4000  }
0x54: {  	[sflag:s21] =	ssyncset.done $0x0  }
0x55: {  	[sflag:s21] =	ssyncadd.s32 $0xFFFFC000  }
0x56: {  	[tilespmem:s15], [sflag:$0x2] =	stream.indirect.gather [hbm4b:s4+s13], $0x80, s31, s13, $0xb8;
	[tilespmem:$0x1C800] =	vst v63  }
0x57: {  	_ =	swait.ge [sflag:s16], $0x4000  }
0x58: {  	[sflag:s16] =	ssyncset.done $0x0  }
0x59: {  	[sflag:s16] =	ssyncadd.s32 $0xFFFFC000  }
0x5a: {  	[spmem:s2] =	stream.indirect.scatter.add.f32 [tilespmem:s14], [sflag:$0x3], $0x80, s1, s13, $0xb8;
	[tilespmem:$0x1C800] =	vst v63  }
0x5b: {  	_ =	swait.ge [sflag:s19], $0x4000  }
0x5c: {  	[sflag:s19] =	ssyncset.done $0x0  }
0x5d: {  	[sflag:s19] =	ssyncadd.s32 $0xFFFFC000  }
0x5e: {  	[spmem:s2] =	stream.indirect.scatter.add.f32 [tilespmem:s15], [sflag:$0x4], $0x80, s0, s13, $0xb8;
	[tilespmem:$0x1C800] =	vst v63  }
0x5f: {  	_ =	swait.ge [sflag:s17], $0x4000  }
0x60: {  	[sflag:s17] =	ssyncset.done $0x0  }
0x61: {  	[sflag:s17] =	ssyncadd.s32 $0xFFFFC000  }
0x62: {  	_ =	swait.ge [sflag:s21], $0x4000  }
0x63: {  	s7 =	simm.s32 $0x80;
	s8 =	simm.s32 $0x100;
	[sflag:s21] =	ssyncset.done $0x0  }
.LBB2_2:
0x64: {  	s10 =	sadd.s32 s7, s9;
	[sflag:s21] =	ssyncadd.s32 $0xFFFFC000  }
0x65: {  	[tilespmem:s3], [sflag:$0x5] =	stream.linear.gather [hbm4b:s10+s3], $0x400, $0x38;
	[tilespmem:$0x1C800] =	vst v63  }
0x66: {  	s5 =	smov.u32 s8;
	_ =	swait.ge [sflag:s11], $0x400  }
0x67: {  	s6 =	sadd.s32 $0x80, s8;
	s10 =	rddreg [dreg:$0x3];
	[sflag:s11] =	ssyncset.done $0x0  }
0x68: {  	p0 =	sne.s32 s8, $0x480;
	[sflag:s11] =	ssyncadd.s32 $0xFFFFFC00;
	s8 =	sadd.s32 s7, s10  }
0x69: {  	[tilespmem:s12], [sflag:$0x5] =	stream.linear.gather [hbm4b:s8+s3], $0x400, $0x38;
	[tilespmem:$0x1C800] =	vst v63  }
0x6a: {  	_ =	swait.ge [sflag:s11], $0x400  }
0x6b: {  	[sflag:s11] =	ssyncset.done $0x0  }
0x6c: {  	[sflag:s11] =	ssyncadd.s32 $0xFFFFFC00  }
0x6d: {  	[tilespmem:s14], [sflag:$0x1] =	stream.indirect.gather [hbm4b:s4+s13], $0x80, s3, s13, $0xb8;
	[tilespmem:$0x1C800] =	vst v63  }
0x6e: {  	_ = 	snop  }
0x6f: {  	[tilespmem:s15], [sflag:$0x2] =	stream.indirect.gather [hbm4b:s4+s13], $0x80, s13, s13, $0xb8;
	[tilespmem:$0x1C800] =	vst v63  }
0x70: {  	_ =	swait.ge [sflag:s16], $0x4000  }
0x71: {  	[sflag:s16] =	ssyncset.done $0x0  }
0x72: {  	[sflag:s16] =	ssyncadd.s32 $0xFFFFC000  }
0x73: {  	[spmem:s2] =	stream.indirect.scatter.add.f32 [tilespmem:s14], [sflag:$0x3], $0x80, s12, s13, $0xb8;
	[tilespmem:$0x1C800] =	vst v63  }
0x74: {  	_ =	swait.ge [sflag:s17], $0x4000  }
0x75: {  	[sflag:s17] =	ssyncset.done $0x0  }
0x76: {  	[sflag:s17] =	ssyncadd.s32 $0xFFFFC000  }
0x77: {  	[tilespmem:s14], [sflag:$0x1] =	stream.indirect.gather [hbm4b:s4+s13], $0x80, s18, s13, $0xb8;
	[tilespmem:$0x1C800] =	vst v63  }
0x78: {  	_ =	swait.ge [sflag:s19], $0x4000  }
0x79: {  	[sflag:s19] =	ssyncset.done $0x0  }
0x7a: {  	[sflag:s19] =	ssyncadd.s32 $0xFFFFC000  }
0x7b: {  	[spmem:s2] =	stream.indirect.scatter.add.f32 [tilespmem:s15], [sflag:$0x4], $0x80, s20, s13, $0xb8;
	[tilespmem:$0x1C800] =	vst v63  }
0x7c: {  	_ =	swait.ge [sflag:s21], $0x4000  }
0x7d: {  	[sflag:s21] =	ssyncset.done $0x0  }
0x7e: {  	[sflag:s21] =	ssyncadd.s32 $0xFFFFC000  }
0x7f: {  	[tilespmem:s15], [sflag:$0x2] =	stream.indirect.gather [hbm4b:s4+s13], $0x80, s22, s13, $0xb8;
	[tilespmem:$0x1C800] =	vst v63  }
0x80: {  	_ =	swait.ge [sflag:s16], $0x4000  }
0x81: {  	[sflag:s16] =	ssyncset.done $0x0  }
0x82: {  	[sflag:s16] =	ssyncadd.s32 $0xFFFFC000  }
0x83: {  	[spmem:s2] =	stream.indirect.scatter.add.f32 [tilespmem:s14], [sflag:$0x3], $0x80, s23, s13, $0xb8;
	[tilespmem:$0x1C800] =	vst v63  }
0x84: {  	_ =	swait.ge [sflag:s17], $0x4000  }
0x85: {  	[sflag:s17] =	ssyncset.done $0x0  }
0x86: {  	[sflag:s17] =	ssyncadd.s32 $0xFFFFC000  }
0x87: {  	[tilespmem:s14], [sflag:$0x1] =	stream.indirect.gather [hbm4b:s4+s13], $0x80, s24, s13, $0xb8;
	[tilespmem:$0x1C800] =	vst v63  }
0x88: {  	_ =	swait.ge [sflag:s19], $0x4000  }
0x89: {  	[sflag:s19] =	ssyncset.done $0x0  }
0x8a: {  	[sflag:s19] =	ssyncadd.s32 $0xFFFFC000  }
0x8b: {  	[spmem:s2] =	stream.indirect.scatter.add.f32 [tilespmem:s15], [sflag:$0x4], $0x80, s25, s13, $0xb8;
	[tilespmem:$0x1C800] =	vst v63  }
0x8c: {  	_ =	swait.ge [sflag:s21], $0x4000  }
0x8d: {  	[sflag:s21] =	ssyncset.done $0x0  }
0x8e: {  	[sflag:s21] =	ssyncadd.s32 $0xFFFFC000  }
0x8f: {  	[tilespmem:s15], [sflag:$0x2] =	stream.indirect.gather [hbm4b:s4+s13], $0x80, s26, s13, $0xb8;
	[tilespmem:$0x1C800] =	vst v63  }
0x90: {  	_ =	swait.ge [sflag:s16], $0x4000  }
0x91: {  	[sflag:s16] =	ssyncset.done $0x0  }
0x92: {  	[sflag:s16] =	ssyncadd.s32 $0xFFFFC000  }
0x93: {  	[spmem:s2] =	stream.indirect.scatter.add.f32 [tilespmem:s14], [sflag:$0x3], $0x80, s28, s13, $0xb8;
	[tilespmem:$0x1C800] =	vst v63  }
0x94: {  	_ =	swait.ge [sflag:s17], $0x4000  }
0x95: {  	[sflag:s17] =	ssyncset.done $0x0  }
0x96: {  	[sflag:s17] =	ssyncadd.s32 $0xFFFFC000  }
0x97: {  	[tilespmem:s14], [sflag:$0x1] =	stream.indirect.gather [hbm4b:s4+s13], $0x80, s29, s13, $0xb8;
	[tilespmem:$0x1C800] =	vst v63  }
0x98: {  	_ =	swait.ge [sflag:s19], $0x4000  }
0x99: {  	[sflag:s19] =	ssyncset.done $0x0  }
0x9a: {  	[sflag:s19] =	ssyncadd.s32 $0xFFFFC000  }
0x9b: {  	[spmem:s2] =	stream.indirect.scatter.add.f32 [tilespmem:s15], [sflag:$0x4], $0x80, s30, s13, $0xb8;
	[tilespmem:$0x1C800] =	vst v63  }
0x9c: {  	_ =	swait.ge [sflag:s21], $0x4000  }
0x9d: {  	[sflag:s21] =	ssyncset.done $0x0  }
0x9e: {  	[sflag:s21] =	ssyncadd.s32 $0xFFFFC000  }
0x9f: {  	[tilespmem:s15], [sflag:$0x2] =	stream.indirect.gather [hbm4b:s4+s13], $0x80, s31, s13, $0xb8;
	[tilespmem:$0x1C800] =	vst v63  }
0xa0: {  	_ =	swait.ge [sflag:s16], $0x4000  }
0xa1: {  	[sflag:s16] =	ssyncset.done $0x0  }
0xa2: {  	[sflag:s16] =	ssyncadd.s32 $0xFFFFC000  }
0xa3: {  	[spmem:s2] =	stream.indirect.scatter.add.f32 [tilespmem:s14], [sflag:$0x3], $0x80, s1, s13, $0xb8;
	[tilespmem:$0x1C800] =	vst v63  }
0xa4: {  	_ =	swait.ge [sflag:s19], $0x4000  }
0xa5: {  	[sflag:s19] =	ssyncset.done $0x0  }
0xa6: {  	[sflag:s19] =	ssyncadd.s32 $0xFFFFC000  }
0xa7: {  	[spmem:s2] =	stream.indirect.scatter.add.f32 [tilespmem:s15], [sflag:$0x4], $0x80, s0, s13, $0xb8;
	[tilespmem:$0x1C800] =	vst v63  }
.Ltmp0:
0xa8: {  	_ =	swait.ge [sflag:s17], $0x4000;
	(pc) =	sbr.rel @p0 .LBB2_2-.Ltmp0, $4  }
0xa9: {  	[sflag:s17] =	ssyncset.done $0x0  }
0xaa: {  	[sflag:s17] =	ssyncadd.s32 $0xFFFFC000  }
0xab: {  	_ =	swait.ge [sflag:s21], $0x4000  }
0xac: {  	s7 =	smov.u32 s5;
	s8 =	smov.u32 s6;
	[sflag:s21] =	ssyncset.done $0x0  }
0xad: {  	s5 =	sadd.s32 s7, s9;
	[sflag:s21] =	ssyncadd.s32 $0xFFFFC000  }
0xae: {  	[tilespmem:s3], [sflag:$0x5] =	stream.linear.gather [hbm4b:s5+s3], $0x400, $0x38;
	[tilespmem:$0x1C800] =	vst v63  }
0xaf: {  	_ =	swait.ge [sflag:s11], $0x400  }
0xb0: {  	s6 =	rddreg [dreg:$0x3];
	[sflag:s11] =	ssyncset.done $0x0  }
0xb1: {  	s5 =	sadd.s32 s7, s6;
	[sflag:s11] =	ssyncadd.s32 $0xFFFFFC00  }
0xb2: {  	[tilespmem:s12], [sflag:$0x5] =	stream.linear.gather [hbm4b:s5+s3], $0x400, $0x38;
	[tilespmem:$0x1C800] =	vst v63  }
0xb3: {  	_ =	swait.ge [sflag:s11], $0x400  }
0xb4: {  	[sflag:s11] =	ssyncset.done $0x0  }
0xb5: {  	[sflag:s11] =	ssyncadd.s32 $0xFFFFFC00  }
0xb6: {  	[tilespmem:s14], [sflag:$0x1] =	stream.indirect.gather [hbm4b:s4+s13], $0x80, s3, s13, $0xb8;
	[tilespmem:$0x1C800] =	vst v63  }
0xb7: {  	_ = 	snop  }
0xb8: {  	[tilespmem:s15], [sflag:$0x2] =	stream.indirect.gather [hbm4b:s4+s13], $0x80, s13, s13, $0xb8;
	[tilespmem:$0x1C800] =	vst v63  }
0xb9: {  	_ =	swait.ge [sflag:s16], $0x4000  }
0xba: {  	[sflag:s16] =	ssyncset.done $0x0  }
0xbb: {  	[sflag:s16] =	ssyncadd.s32 $0xFFFFC000  }
0xbc: {  	[spmem:s2] =	stream.indirect.scatter.add.f32 [tilespmem:s14], [sflag:$0x3], $0x80, s12, s13, $0xb8;
	[tilespmem:$0x1C800] =	vst v63  }
0xbd: {  	_ =	swait.ge [sflag:s17], $0x4000  }
0xbe: {  	[sflag:s17] =	ssyncset.done $0x0  }
0xbf: {  	[sflag:s17] =	ssyncadd.s32 $0xFFFFC000  }
0xc0: {  	[tilespmem:s14], [sflag:$0x1] =	stream.indirect.gather [hbm4b:s4+s13], $0x80, s18, s13, $0xb8;
	[tilespmem:$0x1C800] =	vst v63  }
0xc1: {  	_ =	swait.ge [sflag:s19], $0x4000  }
0xc2: {  	[sflag:s19] =	ssyncset.done $0x0  }
0xc3: {  	[sflag:s19] =	ssyncadd.s32 $0xFFFFC000  }
0xc4: {  	[spmem:s2] =	stream.indirect.scatter.add.f32 [tilespmem:s15], [sflag:$0x4], $0x80, s20, s13, $0xb8;
	[tilespmem:$0x1C800] =	vst v63  }
0xc5: {  	_ =	swait.ge [sflag:s21], $0x4000  }
0xc6: {  	[sflag:s21] =	ssyncset.done $0x0  }
0xc7: {  	[sflag:s21] =	ssyncadd.s32 $0xFFFFC000  }
0xc8: {  	[tilespmem:s15], [sflag:$0x2] =	stream.indirect.gather [hbm4b:s4+s13], $0x80, s22, s13, $0xb8;
	[tilespmem:$0x1C800] =	vst v63  }
0xc9: {  	_ =	swait.ge [sflag:s16], $0x4000  }
0xca: {  	[sflag:s16] =	ssyncset.done $0x0  }
0xcb: {  	[sflag:s16] =	ssyncadd.s32 $0xFFFFC000  }
0xcc: {  	[spmem:s2] =	stream.indirect.scatter.add.f32 [tilespmem:s14], [sflag:$0x3], $0x80, s23, s13, $0xb8;
	[tilespmem:$0x1C800] =	vst v63  }
0xcd: {  	_ =	swait.ge [sflag:s17], $0x4000  }
0xce: {  	[sflag:s17] =	ssyncset.done $0x0  }
0xcf: {  	[sflag:s17] =	ssyncadd.s32 $0xFFFFC000  }
0xd0: {  	[tilespmem:s14], [sflag:$0x1] =	stream.indirect.gather [hbm4b:s4+s13], $0x80, s24, s13, $0xb8;
	[tilespmem:$0x1C800] =	vst v63  }
0xd1: {  	_ =	swait.ge [sflag:s19], $0x4000  }
0xd2: {  	[sflag:s19] =	ssyncset.done $0x0  }
0xd3: {  	[sflag:s19] =	ssyncadd.s32 $0xFFFFC000  }
0xd4: {  	[spmem:s2] =	stream.indirect.scatter.add.f32 [tilespmem:s15], [sflag:$0x4], $0x80, s25, s13, $0xb8;
	[tilespmem:$0x1C800] =	vst v63  }
0xd5: {  	_ =	swait.ge [sflag:s21], $0x4000  }
0xd6: {  	[sflag:s21] =	ssyncset.done $0x0  }
0xd7: {  	[sflag:s21] =	ssyncadd.s32 $0xFFFFC000  }
0xd8: {  	[tilespmem:s15], [sflag:$0x2] =	stream.indirect.gather [hbm4b:s4+s13], $0x80, s26, s13, $0xb8;
	[tilespmem:$0x1C800] =	vst v63  }
0xd9: {  	_ =	swait.ge [sflag:s16], $0x4000  }
0xda: {  	[sflag:s16] =	ssyncset.done $0x0  }
0xdb: {  	[sflag:s16] =	ssyncadd.s32 $0xFFFFC000  }
0xdc: {  	[spmem:s2] =	stream.indirect.scatter.add.f32 [tilespmem:s14], [sflag:$0x3], $0x80, s28, s13, $0xb8;
	[tilespmem:$0x1C800] =	vst v63  }
0xdd: {  	_ =	swait.ge [sflag:s17], $0x4000  }
0xde: {  	[sflag:s17] =	ssyncset.done $0x0  }
0xdf: {  	[sflag:s17] =	ssyncadd.s32 $0xFFFFC000  }
0xe0: {  	[tilespmem:s14], [sflag:$0x1] =	stream.indirect.gather [hbm4b:s4+s13], $0x80, s29, s13, $0xb8;
	[tilespmem:$0x1C800] =	vst v63  }
0xe1: {  	_ =	swait.ge [sflag:s19], $0x4000  }
0xe2: {  	[sflag:s19] =	ssyncset.done $0x0  }
0xe3: {  	[sflag:s19] =	ssyncadd.s32 $0xFFFFC000  }
0xe4: {  	[spmem:s2] =	stream.indirect.scatter.add.f32 [tilespmem:s15], [sflag:$0x4], $0x80, s30, s13, $0xb8;
	[tilespmem:$0x1C800] =	vst v63  }
0xe5: {  	_ =	swait.ge [sflag:s21], $0x4000  }
0xe6: {  	[sflag:s21] =	ssyncset.done $0x0  }
0xe7: {  	[sflag:s21] =	ssyncadd.s32 $0xFFFFC000  }
0xe8: {  	[tilespmem:s15], [sflag:$0x2] =	stream.indirect.gather [hbm4b:s4+s13], $0x80, s31, s13, $0xb8;
	[tilespmem:$0x1C800] =	vst v63  }
0xe9: {  	_ =	swait.ge [sflag:s16], $0x4000  }
0xea: {  	[sflag:s16] =	ssyncset.done $0x0  }
0xeb: {  	[sflag:s16] =	ssyncadd.s32 $0xFFFFC000  }
0xec: {  	[spmem:s2] =	stream.indirect.scatter.add.f32 [tilespmem:s14], [sflag:$0x3], $0x80, s1, s13, $0xb8;
	[tilespmem:$0x1C800] =	vst v63  }
0xed: {  	_ =	swait.ge [sflag:s19], $0x4000  }
0xee: {  	[sflag:s19] =	ssyncset.done $0x0  }
0xef: {  	[sflag:s19] =	ssyncadd.s32 $0xFFFFC000  }
0xf0: {  	[spmem:s2] =	stream.indirect.scatter.add.f32 [tilespmem:s15], [sflag:$0x4], $0x80, s0, s13, $0xb8;
	[tilespmem:$0x1C800] =	vst v63  }
0xf1: {  	_ =	swait.ge [sflag:s17], $0x4000  }
0xf2: {  	[sflag:s17] =	ssyncset.done $0x0  }
0xf3: {  	[sflag:s17] =	ssyncadd.s32 $0xFFFFC000  }
0xf4: {  	_ =	swait.ge [sflag:s21], $0x4000  }
0xf5: {  	[sflag:s21] =	ssyncset.done $0x0  }
0xf6: {  	[sflag:s21] =	ssyncadd.s32 $0xFFFFC000  }
0xf7: {  	[bflag:$0x0] =	sbarrier.arrive $0xFFFF  }
0xf8: {  	s7 =	rddreg [dreg:$0x5]  }
0xf9: {  	s8 =	rddreg [dreg:$0x6]  }
0xfa: {  	s6 =	rddreg [dreg:$0x8]  }
0xfb: {  	[hbm:s8], [sflag:s7] =	dma.local [spmem:s6], $0x2800  }
0xfc: {  	_ =	swait.ge [sflag:s11], $0x2800  }
0xfd: {  	s8 =	rddreg [dreg:$0x9]  }
0xfe: {  	s10 =	rddreg [dreg:$0x7];
	s8 =	sadd.s32 $0x1, s8  }
0xff: {  	p0 =	sne.s32 s8, s10  }
.Ltmp1:
0x100: {  	_ = 	snop;
	(pc) =	sbr.rel @p0 .LBB2_1-.Ltmp1, $3  }
0x101: {  	_ =	sdelay $0x1  }
0x102: {  	[sflag:s11] =	ssyncset.done $0x0  }
0x103: {  	[sflag:s11] =	ssyncadd.s32 $0xFFFFD800  }
0x104: {  	_ =	sfence.sel $0x180000  }
0x105: {  	[bflag:$0x0] =	sbarrier.arrive $0xFFFF  }
0x106: {  	_ =	strace $0x9000004D  }
0x107: {  	s0 =	stileid.u32;
	[bflag:$0x2] =	sbarrier.arrive $0xFFFF  }
0x108: {  	p0 =	sne.s32 s0, $0x0;
	s0 =	rddreg [dreg:$0x2]  }
0x109: {  	s0 =	sadd.s32 @!p0 $0x100000, s0  }
0x10a: {  	[sflag:s0] =	ssyncadd.tile.s32 @!p0 $0x1;
	_ =	shalt  }
.Lfunc_end2:
_tile_overlayer_lowered:
.L_overlay_start_2:
0x10b: {  	(tag) =	ssettag $0x2  }
0x10c: {  	s0 =	rddreg [dreg:$0x0];
	s2 =	stileid.u32  }
0x10d: {  	s1 =	rddreg [dreg:$0x1];
	p0 =	sne.s32 s2, $0x0  }
0x10e: {  	s3 =	rddreg [dreg:$0x2];
	[bflag:$0x3] =	sbarrier.arrive $0xFFFF;
	s2 =	simm.s32 @!p0 $0x1C05  }
0x10f: {  	[timem:s3], [sflag:s2] =	dma.local @!p0 [hbm:s0], s1  }
0x110: {  	s0 =	simm.s32 @!p0 $0x5  }
0x111: {  	_ =	swait.ge @!p0 [sflag:s0], s1  }
0x112: {  	s1 =	ssub.s32 @!p0 $0x0, s1;
	[sflag:s0] =	ssyncset.done @!p0 $0x0  }
0x113: {  	[sflag:s0] =	ssyncadd.s32 @!p0 s1  }
0x114: {  	[bflag:$0x3] =	sbarrier.arrive $0xFFFF  }
0x115: {  	_ =	shalt  }

// kernel: kernel.23.cloned.1.call-start
scs
__scs_entry_jumppad:
0x0: {  	(pc) =	sbr.rel $0x88, $3  }
0x1: {  	(tag) =	ssettag $0x0;
	lr =	simm.s32 $0x1  }
0x2: {  	[smem:$0x3F8C] =	sst lr;
	_ =	strace $0xD0000000  }
0x3: {  	_ = 	snop  }
0x4: {  	_ = 	snop  }
0x5: {  	_ = 	snop  }
0x6: {  	_ = 	snop  }
0x7: {  	_ = 	snop  }
__scs_overlays_trampoline_lowered:
0x8: {  	[smem:$0x3F9B] =	sst s0  }
0x9: {  	[smem:$0x3F9C] =	sst s1  }
0xa: {  	[smem:$0x3F9D] =	sst s2  }
0xb: {  	[smem:$0x3F9E] =	sst s3  }
0xc: {  	[smem:$0x3F9F] =	sst s4  }
0xd: {  	[smem:$0x3FA0] =	sst s5  }
0xe: {  	[smem:$0x3FA1] =	sst s6  }
0xf: {  	[smem:$0x3FA2] =	sst s7  }
0x10: {  	[smem:$0x3FA3] =	sst s8  }
0x11: {  	[smem:$0x3FA4] =	sst s9;
	s0 =	simm.s32 @!p0 $0x0  }
0x12: {  	s1 =	sld [smem:$0x3F8A];
	s0 =	simm.s32 @p0 $0x1  }
0x13: {  	[smem:$0x3FA5] =	sst s0;
	s0 =	simm.s32 @!p1 $0x0  }
0x14: {  	s2 =	sld [smem:$0x3F89];
	s0 =	simm.s32 @p1 $0x1  }
0x15: {  	[smem:$0x3FA6] =	sst s0;
	s0 =	simm.s32 @!p2 $0x0  }
0x16: {  	s3 =	sld [smem:$0x3FDB];
	s0 =	simm.s32 @p2 $0x1  }
0x17: {  	s4 =	simm.s32 $0x1BF5;
	[smem:$0x3FA8] =	sst s0  }
0x18: {  	s0 =	sld [smem:$0x3F8B];
	_ =	swait.ge [sflag:s4], $0x0  }
0x19: {  	s7 =	sld [smem:$0x3F8C]  }
0x1a: {  	s8 =	sadd.s32 $0xFFFFE003, lr  }
0x1b: {  	s9 =	sadd.s32 $0xFFFFFEF7, lr;
	s5 =	simm.s32 $0xFFFFFFFF;
	p2 =	slt.u32 s8, $0xFFFFF086  }
0x1c: {  	p1 =	slt.u32 s9, $0xF7A;
	s5 =	simm.s32 @!p2 $0x0  }
0x1d: {  	s5 =	simm.s32 @p1 $0x1;
	p0 =	seq.s32 s7, s2  }
0x1e: {  	s7 =	smul.u32 @!p0 $0xF7A, s2;
	p2 =	seq.s32 @!p0 s5, $0x0  }
0x1f: {  	s9 =	smul.u32 $0xF7A, s1;
	s8 =	simm.s32 @!p0 $0x1BF5;
	p2 =	por !p2, p0  }
0x20: {  	[sflag:s8] =	ssyncset.s32 @!p0 $0xFFFFF086;
	s6 =	sadd.s32 @!p0 s3, s7;
	s7 =	simm.s32 @!p0 $0x108  }
0x21: {  	s3 =	sadd.s32 s3, s9;
	s6 =	sadd.s32 @!p0 $0x88, s6;
	s7 =	simm.s32 @p2 $0x1082  }
0x22: {  	[simem:s7], [sflag:s8] =	dma.local @!p0 [hbm:s6], $0xF7A  }
0x23: {  	s9 =	sor.u32 $0xD0000000, s2;
	s6 =	simm.s32 $0x108;
	_ =	swait.ge @!p0 [sflag:s8], $0x0  }
0x24: {  	s3 =	sadd.s32 $0x88, s3;
	s6 =	simm.s32 @!p1 $0x1082;
	[sflag:s4] =	ssyncset.s32 $0xFFFFF086  }
0x25: {  	[simem:s6], [sflag:s4] =	dma.local [hbm:s3], $0xF7A  }
0x26: {  	[smem:$0x3F8C] =	sst s1;
	(tag) =	ssettag s2;
	_ =	strace s9  }
0x27: {  	s1 =	sld [smem:$0x3F9C]  }
0x28: {  	s2 =	sld [smem:$0x3F9D]  }
0x29: {  	s4 =	sld [smem:$0x3F9F]  }
0x2a: {  	p0 =	seq.s32 s5, $0x0;
	s5 =	sld [smem:$0x3FA0]  }
0x2b: {  	s6 =	sld [smem:$0x3FA1]  }
0x2c: {  	s7 =	sld [smem:$0x3FA2]  }
0x2d: {  	s3 =	simm.s32 $0x108;
	s8 =	sld [smem:$0x3FA3]  }
0x2e: {  	s3 =	simm.s32 @!p0 $0x1082;
	s9 =	sld [smem:$0x3FA4]  }
0x2f: {  	lr =	sadd.s32 s0, s3;
	s0 =	sld [smem:$0x3F9B]  }
0x30: {  	s3 =	sld [smem:$0x3F9E]  }
0x31: {  	[smem:$0x3FA7] =	sst s10  }
0x32: {  	s10 =	sld [smem:$0x3FA5];
	_ =	sdelay $0x3  }
0x33: {  	p0 =	seq.s32 s10, $0x1;
	s10 =	sld [smem:$0x3FA7];
	_ =	sdelay $0x3  }
0x34: {  	[smem:$0x3FA7] =	sst s10  }
0x35: {  	s10 =	sld [smem:$0x3FA6];
	_ =	sdelay $0x3  }
0x36: {  	p1 =	seq.s32 s10, $0x1;
	s10 =	sld [smem:$0x3FA7];
	_ =	sdelay $0x3  }
0x37: {  	[smem:$0x3FA7] =	sst s10  }
0x38: {  	s10 =	sld [smem:$0x3FA8]  }
0x39: {  	_ = 	snop;
	(pc) =	sbr.ind lr, $3  }
0x3a: {  	_ = 	snop  }
0x3b: {  	_ = 	snop  }
0x3c: {  	p2 =	seq.s32 s10, $0x1;
	s10 =	sld [smem:$0x3FA7]  }
0x3d: {  	_ =	shalt  }
0x3e: {  	_ =	shalt  }
0x3f: {  	_ =	shalt  }
0x40: {  	_ =	shalt  }
0x41: {  	_ =	shalt  }
0x42: {  	_ =	shalt  }
0x43: {  	_ =	shalt  }
0x44: {  	_ =	shalt  }
0x45: {  	_ =	shalt  }
0x46: {  	_ =	shalt  }
0x47: {  	_ =	shalt  }
0x48: {  	_ =	shalt  }
0x49: {  	_ =	shalt  }
0x4a: {  	_ =	shalt  }
0x4b: {  	_ =	shalt  }
0x4c: {  	_ =	shalt  }
0x4d: {  	_ =	shalt  }
0x4e: {  	_ =	shalt  }
0x4f: {  	_ =	shalt  }
0x50: {  	_ =	shalt  }
0x51: {  	_ =	shalt  }
0x52: {  	_ =	shalt  }
0x53: {  	_ =	shalt  }
0x54: {  	_ =	shalt  }
0x55: {  	_ =	shalt  }
0x56: {  	_ =	shalt  }
0x57: {  	_ =	shalt  }
0x58: {  	_ =	shalt  }
0x59: {  	_ =	shalt  }
0x5a: {  	_ =	shalt  }
0x5b: {  	_ =	shalt  }
0x5c: {  	_ =	shalt  }
0x5d: {  	_ =	shalt  }
0x5e: {  	_ =	shalt  }
0x5f: {  	_ =	shalt  }
0x60: {  	_ =	shalt  }
0x61: {  	_ =	shalt  }
0x62: {  	_ =	shalt  }
0x63: {  	_ =	shalt  }
0x64: {  	_ =	shalt  }
0x65: {  	_ =	shalt  }
0x66: {  	_ =	shalt  }
0x67: {  	_ =	shalt  }
0x68: {  	_ =	shalt  }
0x69: {  	_ =	shalt  }
0x6a: {  	_ =	shalt  }
0x6b: {  	_ =	shalt  }
0x6c: {  	_ =	shalt  }
0x6d: {  	_ =	shalt  }
0x6e: {  	_ =	shalt  }
0x6f: {  	_ =	shalt  }
0x70: {  	_ =	shalt  }
0x71: {  	_ =	shalt  }
0x72: {  	_ =	shalt  }
0x73: {  	_ =	shalt  }
0x74: {  	_ =	shalt  }
0x75: {  	_ =	shalt  }
0x76: {  	_ =	shalt  }
0x77: {  	_ =	shalt  }
0x78: {  	_ =	shalt  }
0x79: {  	_ =	shalt  }
0x7a: {  	_ =	shalt  }
0x7b: {  	_ =	shalt  }
0x7c: {  	_ =	shalt  }
0x7d: {  	_ =	shalt  }
0x7e: {  	_ =	shalt  }
0x7f: {  	_ =	shalt  }
0x80: {  	_ =	shalt  }
0x81: {  	_ =	shalt  }
0x82: {  	_ =	shalt  }
0x83: {  	_ =	shalt  }
0x84: {  	_ =	shalt  }
0x85: {  	_ =	shalt  }
0x86: {  	_ =	shalt  }
0x87: {  	_ =	shalt  }
.Lfunc_end0:
.L_simem_size_0:
called_computation.3_lowered:
.L_overlay_start_0:
0x88: {  	s2 =	sld [smem:$0x3FD9]  }
0x89: {  	s3 =	sld [smem:$0x3FFE];
	_ =	sdelay $0x1  }
0x8a: {  	s1 =	srdreg.scid  }
0x8b: {  	s0 =	sand.u32 $0x1, s1  }
0x8c: {  	s16 =	sshll.u32 s0, $0xA;
	s2 =	sadd.s32 s3, s2  }
0x8d: {  	s2 =	sadd.s32 s2, s16  }
0x8e: {  	[smem:$0x3FB3] =	sst s2  }
0x8f: {  	_ = 	snop  }
0x90: {  	(tm) =	ssettm $0x1  }
0x91: {  	s17 =	sld [smem:$0x3FFB];
	_ =	sdelay $0x3  }
0x92: {  	_ =	strace s17  }
0x93: {  	s2 =	sld [smem:$0x3FFC];
	_ =	sdelay $0x3  }
0x94: {  	_ =	strace s2  }
0x95: {  	s2 =	sld [smem:$0x3FFD];
	_ =	sdelay $0x3  }
0x96: {  	_ =	strace s2  }
0x97: {  	_ =	strace $0x8FFFFFFF  }
0x98: {  	s18 =	sld [smem:$0x3FDB];
	_ =	sdelay $0x1  }
0x99: {  	s19 =	simm.s32 $_scs_section_size  }
0x9a: {  	s4 =	simm.s32 $_size__tile_overlayer_lowered;
	s5 =	simm.s32 $_tile_overlayer_lowered  }
0x9b: {  	s22 =	simm.s32 $0x1BFF;
	s21 =	sshll.u32 s5, $0x1;
	s2 =	sadd.s32 s19, s18  }
0x9c: {  	s6 =	simm.s32 $0x0;
	s20 =	sshll.u32 s4, $0x1;
	s4 =	sadd.s32 s21, s2  }
0x9d: {  	[timem:s6], [sflag:s22] =	dma.local [hbm:s4], s20  }
0x9e: {  	_ =	swait.ge [sflag:s22], s20  }
0x9f: {  	s3 =	ssub.s32 $0x0, s20;
	[sflag:s22] =	ssyncset.done $0x0  }
0xa0: {  	[sflag:s22] =	ssyncadd.s32 s3;
	_ =	sdelay $0x1  }
0xa1: {  	s23 =	simm.s32 $0x1B8B  }
0xa2: {  	_ =	swait.ge [sflag:s23], $0x1  }
0xa3: {  	[sflag:s23] =	ssyncset.done $0x0  }
0xa4: {  	s25 =	simm.s32 $0x1B8E;
	s24 =	sld [smem:$0x3FFE];
	[sflag:s23] =	ssyncadd.s32 $0xFFFFFFFF  }
0xa5: {  	s26 =	simm.s32 $execute0_lowered;
	[smem:$0x3FD2] =	sst s25  }
0xa6: {  	s4 =	sshll.u32 s26, $0x1;
	_ =	strace $0x8000004F;
	[dreg:$0x1] =	wrdreg $0xFFFFFFFF  }
0xa7: {  	s28 =	simm.s32 $_size_execute0_lowered;
	s2 =	sadd.s32 s2, s4;
	[dreg:$0x0] =	wrdreg $0x0  }
0xa8: {  	s4 =	sshll.u32 s28, $0x1;
	[dreg:$0x2] =	wrdreg s2  }
0xa9: {  	[dreg:$0x3] =	wrdreg s4  }
0xaa: {  	[dreg:$0x4] =	wrdreg $0xC0  }
0xab: {  	_ =	task [dreg:s6], $0x5FFFF  }
0xac: {  	[dreg:$0x1] =	wrdreg $0xFFFFFFFF  }
0xad: {  	[dreg:$0x0] =	wrdreg $0x60  }
0xae: {  	[dreg:$0x2] =	wrdreg s24  }
0xaf: {  	[dreg:$0x3] =	wrdreg $0x88000  }
0xb0: {  	[dreg:$0x4] =	wrdreg $0x9  }
0xb1: {  	_ =	task.clear_ibuf [dreg:s6], $0x5FFFF;
	_ =	strace $0x9000004F  }
0xb2: {  	s29 =	simm.s32 $0x9;
	_ =	strace $0x80000051  }
0xb3: {  	_ =	swait.ge [sflag:s29], $0x1  }
0xb4: {  	[sflag:s29] =	ssyncadd.s32 $0xFFFFFFFF  }
0xb5: {  	_ =	strace $0x90000051  }
0xb6: {  	_ =	sfence  }
0xb7: {  	s30 =	sld [smem:$0x0];
	_ =	sdelay $0x2  }
0xb8: {  	s31 =	sshll.u32 s1, $0xD;
	s1 =	sshrl.u32 s1, $0x2  }
0xb9: {  	s3 =	sand.u32 $0x4000, s31;
	s1 =	sadd.s32 s1, s30  }
0xba: {  	s0 =	sor.u32 s3, s0;
	s1 =	sshll.u32 s1, $0x11  }
0xbb: {  	s0 =	sor.u32 s1, s0  }
0xbc: {  	s0 =	sadd.s32 $0x8F2B, s0  }
0xbd: {  	[sflag:s0] =	ssyncadd.remote.s32 $0x1  }
0xbe: {  	_ =	sfence.sel $0xFFFF  }
0xbf: {  	[dreg:$0x0] =	wrdreg $0xFFFFFFFF;
	(pc) =	sbr.abs _section_cstart, $3  }
0xc0: {  	[dreg:$0x1] =	wrdreg $0xFFFFFFFF  }
0xc1: {  	_ =	task.clear_ibuf [dreg:s6], $0x2FFFF;
	_ =	strace $0x9FFFFFFF  }
0xc2: {  	(tm) =	ssettm $0x7FFFFFFF  }
0xc3: {  	_ =	shalt  }
tec
execute0_lowered:
.L_overlay_start_1:
0x0: {  	(tag) =	ssettag $0x1  }
0x1: {  	s0 =	rddreg [dreg:$0x0];
	s1 =	srdreg.scid  }
0x2: {  	s8 =	stileid.u32;
	s2 =	rddreg [dreg:$0x1]  }
0x3: {  	s3 =	simm.s32 $0x0;
	s11 =	simm.s32 $0x5;
	s12 =	simm.s32 $0x400  }
0x4: {  	s13 =	simm.s32 $0x80;
	s14 =	simm.s32 $0x800;
	s15 =	simm.s32 $0x4800  }
0x5: {  	s16 =	simm.s32 $0x1;
	s17 =	simm.s32 $0x3;
	s18 =	simm.s32 $0x100  }
0x6: {  	s19 =	simm.s32 $0x2;
	s20 =	simm.s32 $0x480;
	s21 =	simm.s32 $0x4  }
0x7: {  	s22 =	simm.s32 $0x180;
	s28 =	simm.s32 $0x600;
	s29 =	simm.s32 $0x300  }
0x8: {  	s30 =	simm.s32 $0x680;
	s31 =	simm.s32 $0x380;
	s4 =	smul.u32 $0x2800, s8  }
0x9: {  	s1 =	sand.u32 $0x1, s1;
	[smem:$0x7FF] =	sst s3;
	s7 =	smul.u32 $0x50000, s8  }
0xa: {  	s9 =	sadd.s32 $0x11600, s0;
	s25 =	sshll.u32 s8, $0x6;
	s8 =	simm.s32 $0x0  }
0xb: {  	s5 =	smul.u32 $0x28000, s1;
	_ =	strace $0x80000050;
	s1 =	ssub.s32 $0x2, s1  }
0xc: {  	[dreg:$0x4] =	wrdreg s9;
	s23 =	sshrl.u32 s1, $0x1;
	s7 =	sshrl.u32 s7, $0x2  }
0xd: {  	s5 =	sadd.s32 s4, s5;
	s4 =	sadd.s32 $0x3B000, s0;
	s1 =	ssub.s32 s1, s23  }
0xe: {  	s24 =	sadd.s32 s7, s2;
	s7 =	sor.u32 $0x1C05, s25;
	s23 =	simm.s32 $0x500  }
0xf: {  	s25 =	simm.s32 $0x580;
	s6 =	sshrl.u32 s5, $0x3;
	s1 =	smax.u32 s1, $0x1  }
0x10: {  	[dreg:$0x5] =	wrdreg s7;
	s6 =	sadd.s32 s6, s0;
	s0 =	sadd.s32 s5, s0  }
0x11: {  	[dreg:$0x7] =	wrdreg s1;
	s1 =	simm.s32 $0x700;
	s0 =	sadd.s32 $0xBC200, s0  }
0x12: {  	s26 =	sadd.s32 $0x7600, s6;
	s9 =	sadd.s32 $0x63E00, s6;
	[dreg:$0x6] =	wrdreg s0  }
0x13: {  	s6 =	sshrl.u32 s24, $0x3;
	s24 =	simm.s32 $0x200;
	[dreg:$0x3] =	wrdreg s26  }
0x14: {  	s26 =	simm.s32 $0x280;
	s0 =	simm.s32 $0x780;
	[dreg:$0x8] =	wrdreg s6  }
.LBB2_1:
0x15: {  	[dreg:$0x9] =	wrdreg s8  }
0x16: {  	s5 =	rddreg [dreg:$0x4]  }
0x17: {  	[spmem:s6], [sflag:s7] =	dma.local [hbm:s5], $0x2800  }
0x18: {  	_ =	swait.ge [sflag:s11], $0x2800  }
0x19: {  	[sflag:s11] =	ssyncset.done $0x0  }
0x1a: {  	[sflag:s11] =	ssyncadd.s32 $0xFFFFD800  }
0x1b: {  	s8 =	sadd.s32 $0x0, s9;
	[bflag:$0x0] =	sbarrier.arrive $0xFFFF  }
0x1c: {  	[tilespmem:s3], [sflag:$0x5] =	stream.linear.gather [hbm4b:s8+s3], $0x400, $0x38;
	[tilespmem:$0x1C800] =	vst v63  }
0x1d: {  	_ =	swait.ge [sflag:s11], $0x400  }
0x1e: {  	s10 =	rddreg [dreg:$0x3];
	[sflag:s11] =	ssyncset.done $0x0  }
0x1f: {  	[sflag:s11] =	ssyncadd.s32 $0xFFFFFC00;
	s6 =	sadd.s32 $0x0, s10  }
0x20: {  	[tilespmem:s12], [sflag:$0x5] =	stream.linear.gather [hbm4b:s6+s3], $0x400, $0x38;
	[tilespmem:$0x1C800] =	vst v63  }
0x21: {  	_ =	swait.ge [sflag:s11], $0x400  }
0x22: {  	[sflag:s11] =	ssyncset.done $0x0  }
0x23: {  	[sflag:s11] =	ssyncadd.s32 $0xFFFFFC00  }
0x24: {  	[tilespmem:s14], [sflag:$0x1] =	stream.indirect.gather [hbm4b:s4+s13], $0x80, s3, s13, $0xb8;
	[tilespmem:$0x1C800] =	vst v63  }
0x25: {  	_ = 	snop  }
0x26: {  	[tilespmem:s15], [sflag:$0x2] =	stream.indirect.gather [hbm4b:s4+s13], $0x80, s13, s13, $0xb8;
	[tilespmem:$0x1C800] =	vst v63  }
0x27: {  	_ =	swait.ge [sflag:s16], $0x4000  }
0x28: {  	[sflag:s16] =	ssyncset.done $0x0  }
0x29: {  	[sflag:s16] =	ssyncadd.s32 $0xFFFFC000  }
0x2a: {  	[spmem:s2] =	stream.indirect.scatter.add.f32 [tilespmem:s14], [sflag:$0x3], $0x80, s12, s13, $0xb8;
	[tilespmem:$0x1C800] =	vst v63  }
0x2b: {  	_ =	swait.ge [sflag:s17], $0x4000  }
0x2c: {  	[sflag:s17] =	ssyncset.done $0x0  }
0x2d: {  	[sflag:s17] =	ssyncadd.s32 $0xFFFFC000  }
0x2e: {  	[tilespmem:s14], [sflag:$0x1] =	stream.indirect.gather [hbm4b:s4+s13], $0x80, s18, s13, $0xb8;
	[tilespmem:$0x1C800] =	vst v63  }
0x2f: {  	_ =	swait.ge [sflag:s19], $0x4000  }
0x30: {  	[sflag:s19] =	ssyncset.done $0x0  }
0x31: {  	[sflag:s19] =	ssyncadd.s32 $0xFFFFC000  }
0x32: {  	[spmem:s2] =	stream.indirect.scatter.add.f32 [tilespmem:s15], [sflag:$0x4], $0x80, s20, s13, $0xb8;
	[tilespmem:$0x1C800] =	vst v63  }
0x33: {  	_ =	swait.ge [sflag:s21], $0x4000  }
0x34: {  	[sflag:s21] =	ssyncset.done $0x0  }
0x35: {  	[sflag:s21] =	ssyncadd.s32 $0xFFFFC000  }
0x36: {  	[tilespmem:s15], [sflag:$0x2] =	stream.indirect.gather [hbm4b:s4+s13], $0x80, s22, s13, $0xb8;
	[tilespmem:$0x1C800] =	vst v63  }
0x37: {  	_ =	swait.ge [sflag:s16], $0x4000  }
0x38: {  	[sflag:s16] =	ssyncset.done $0x0  }
0x39: {  	[sflag:s16] =	ssyncadd.s32 $0xFFFFC000  }
0x3a: {  	[spmem:s2] =	stream.indirect.scatter.add.f32 [tilespmem:s14], [sflag:$0x3], $0x80, s23, s13, $0xb8;
	[tilespmem:$0x1C800] =	vst v63  }
0x3b: {  	_ =	swait.ge [sflag:s17], $0x4000  }
0x3c: {  	[sflag:s17] =	ssyncset.done $0x0  }
0x3d: {  	[sflag:s17] =	ssyncadd.s32 $0xFFFFC000  }
0x3e: {  	[tilespmem:s14], [sflag:$0x1] =	stream.indirect.gather [hbm4b:s4+s13], $0x80, s24, s13, $0xb8;
	[tilespmem:$0x1C800] =	vst v63  }
0x3f: {  	_ =	swait.ge [sflag:s19], $0x4000  }
0x40: {  	[sflag:s19] =	ssyncset.done $0x0  }
0x41: {  	[sflag:s19] =	ssyncadd.s32 $0xFFFFC000  }
0x42: {  	[spmem:s2] =	stream.indirect.scatter.add.f32 [tilespmem:s15], [sflag:$0x4], $0x80, s25, s13, $0xb8;
	[tilespmem:$0x1C800] =	vst v63  }
0x43: {  	_ =	swait.ge [sflag:s21], $0x4000  }
0x44: {  	[sflag:s21] =	ssyncset.done $0x0  }
0x45: {  	[sflag:s21] =	ssyncadd.s32 $0xFFFFC000  }
0x46: {  	[tilespmem:s15], [sflag:$0x2] =	stream.indirect.gather [hbm4b:s4+s13], $0x80, s26, s13, $0xb8;
	[tilespmem:$0x1C800] =	vst v63  }
0x47: {  	_ =	swait.ge [sflag:s16], $0x4000  }
0x48: {  	[sflag:s16] =	ssyncset.done $0x0  }
0x49: {  	[sflag:s16] =	ssyncadd.s32 $0xFFFFC000  }
0x4a: {  	[spmem:s2] =	stream.indirect.scatter.add.f32 [tilespmem:s14], [sflag:$0x3], $0x80, s28, s13, $0xb8;
	[tilespmem:$0x1C800] =	vst v63  }
0x4b: {  	_ =	swait.ge [sflag:s17], $0x4000  }
0x4c: {  	[sflag:s17] =	ssyncset.done $0x0  }
0x4d: {  	[sflag:s17] =	ssyncadd.s32 $0xFFFFC000  }
0x4e: {  	[tilespmem:s14], [sflag:$0x1] =	stream.indirect.gather [hbm4b:s4+s13], $0x80, s29, s13, $0xb8;
	[tilespmem:$0x1C800] =	vst v63  }
0x4f: {  	_ =	swait.ge [sflag:s19], $0x4000  }
0x50: {  	[sflag:s19] =	ssyncset.done $0x0  }
0x51: {  	[sflag:s19] =	ssyncadd.s32 $0xFFFFC000  }
0x52: {  	[spmem:s2] =	stream.indirect.scatter.add.f32 [tilespmem:s15], [sflag:$0x4], $0x80, s30, s13, $0xb8;
	[tilespmem:$0x1C800] =	vst v63  }
0x53: {  	_ =	swait.ge [sflag:s21], $0x4000  }
0x54: {  	[sflag:s21] =	ssyncset.done $0x0  }
0x55: {  	[sflag:s21] =	ssyncadd.s32 $0xFFFFC000  }
0x56: {  	[tilespmem:s15], [sflag:$0x2] =	stream.indirect.gather [hbm4b:s4+s13], $0x80, s31, s13, $0xb8;
	[tilespmem:$0x1C800] =	vst v63  }
0x57: {  	_ =	swait.ge [sflag:s16], $0x4000  }
0x58: {  	[sflag:s16] =	ssyncset.done $0x0  }
0x59: {  	[sflag:s16] =	ssyncadd.s32 $0xFFFFC000  }
0x5a: {  	[spmem:s2] =	stream.indirect.scatter.add.f32 [tilespmem:s14], [sflag:$0x3], $0x80, s1, s13, $0xb8;
	[tilespmem:$0x1C800] =	vst v63  }
0x5b: {  	_ =	swait.ge [sflag:s19], $0x4000  }
0x5c: {  	[sflag:s19] =	ssyncset.done $0x0  }
0x5d: {  	[sflag:s19] =	ssyncadd.s32 $0xFFFFC000  }
0x5e: {  	[spmem:s2] =	stream.indirect.scatter.add.f32 [tilespmem:s15], [sflag:$0x4], $0x80, s0, s13, $0xb8;
	[tilespmem:$0x1C800] =	vst v63  }
0x5f: {  	_ =	swait.ge [sflag:s17], $0x4000  }
0x60: {  	[sflag:s17] =	ssyncset.done $0x0  }
0x61: {  	[sflag:s17] =	ssyncadd.s32 $0xFFFFC000  }
0x62: {  	_ =	swait.ge [sflag:s21], $0x4000  }
0x63: {  	s7 =	simm.s32 $0x80;
	s8 =	simm.s32 $0x100;
	[sflag:s21] =	ssyncset.done $0x0  }
.LBB2_2:
0x64: {  	s10 =	sadd.s32 s7, s9;
	[sflag:s21] =	ssyncadd.s32 $0xFFFFC000  }
0x65: {  	[tilespmem:s3], [sflag:$0x5] =	stream.linear.gather [hbm4b:s10+s3], $0x400, $0x38;
	[tilespmem:$0x1C800] =	vst v63  }
0x66: {  	s5 =	smov.u32 s8;
	_ =	swait.ge [sflag:s11], $0x400  }
0x67: {  	s6 =	sadd.s32 $0x80, s8;
	s10 =	rddreg [dreg:$0x3];
	[sflag:s11] =	ssyncset.done $0x0  }
0x68: {  	p0 =	sne.s32 s8, $0x480;
	[sflag:s11] =	ssyncadd.s32 $0xFFFFFC00;
	s8 =	sadd.s32 s7, s10  }
0x69: {  	[tilespmem:s12], [sflag:$0x5] =	stream.linear.gather [hbm4b:s8+s3], $0x400, $0x38;
	[tilespmem:$0x1C800] =	vst v63  }
0x6a: {  	_ =	swait.ge [sflag:s11], $0x400  }
0x6b: {  	[sflag:s11] =	ssyncset.done $0x0  }
0x6c: {  	[sflag:s11] =	ssyncadd.s32 $0xFFFFFC00  }
0x6d: {  	[tilespmem:s14], [sflag:$0x1] =	stream.indirect.gather [hbm4b:s4+s13], $0x80, s3, s13, $0xb8;
	[tilespmem:$0x1C800] =	vst v63  }
0x6e: {  	_ = 	snop  }
0x6f: {  	[tilespmem:s15], [sflag:$0x2] =	stream.indirect.gather [hbm4b:s4+s13], $0x80, s13, s13, $0xb8;
	[tilespmem:$0x1C800] =	vst v63  }
0x70: {  	_ =	swait.ge [sflag:s16], $0x4000  }
0x71: {  	[sflag:s16] =	ssyncset.done $0x0  }
0x72: {  	[sflag:s16] =	ssyncadd.s32 $0xFFFFC000  }
0x73: {  	[spmem:s2] =	stream.indirect.scatter.add.f32 [tilespmem:s14], [sflag:$0x3], $0x80, s12, s13, $0xb8;
	[tilespmem:$0x1C800] =	vst v63  }
0x74: {  	_ =	swait.ge [sflag:s17], $0x4000  }
0x75: {  	[sflag:s17] =	ssyncset.done $0x0  }
0x76: {  	[sflag:s17] =	ssyncadd.s32 $0xFFFFC000  }
0x77: {  	[tilespmem:s14], [sflag:$0x1] =	stream.indirect.gather [hbm4b:s4+s13], $0x80, s18, s13, $0xb8;
	[tilespmem:$0x1C800] =	vst v63  }
0x78: {  	_ =	swait.ge [sflag:s19], $0x4000  }
0x79: {  	[sflag:s19] =	ssyncset.done $0x0  }
0x7a: {  	[sflag:s19] =	ssyncadd.s32 $0xFFFFC000  }
0x7b: {  	[spmem:s2] =	stream.indirect.scatter.add.f32 [tilespmem:s15], [sflag:$0x4], $0x80, s20, s13, $0xb8;
	[tilespmem:$0x1C800] =	vst v63  }
0x7c: {  	_ =	swait.ge [sflag:s21], $0x4000  }
0x7d: {  	[sflag:s21] =	ssyncset.done $0x0  }
0x7e: {  	[sflag:s21] =	ssyncadd.s32 $0xFFFFC000  }
0x7f: {  	[tilespmem:s15], [sflag:$0x2] =	stream.indirect.gather [hbm4b:s4+s13], $0x80, s22, s13, $0xb8;
	[tilespmem:$0x1C800] =	vst v63  }
0x80: {  	_ =	swait.ge [sflag:s16], $0x4000  }
0x81: {  	[sflag:s16] =	ssyncset.done $0x0  }
0x82: {  	[sflag:s16] =	ssyncadd.s32 $0xFFFFC000  }
0x83: {  	[spmem:s2] =	stream.indirect.scatter.add.f32 [tilespmem:s14], [sflag:$0x3], $0x80, s23, s13, $0xb8;
	[tilespmem:$0x1C800] =	vst v63  }
0x84: {  	_ =	swait.ge [sflag:s17], $0x4000  }
0x85: {  	[sflag:s17] =	ssyncset.done $0x0  }
0x86: {  	[sflag:s17] =	ssyncadd.s32 $0xFFFFC000  }
0x87: {  	[tilespmem:s14], [sflag:$0x1] =	stream.indirect.gather [hbm4b:s4+s13], $0x80, s24, s13, $0xb8;
	[tilespmem:$0x1C800] =	vst v63  }
0x88: {  	_ =	swait.ge [sflag:s19], $0x4000  }
0x89: {  	[sflag:s19] =	ssyncset.done $0x0  }
0x8a: {  	[sflag:s19] =	ssyncadd.s32 $0xFFFFC000  }
0x8b: {  	[spmem:s2] =	stream.indirect.scatter.add.f32 [tilespmem:s15], [sflag:$0x4], $0x80, s25, s13, $0xb8;
	[tilespmem:$0x1C800] =	vst v63  }
0x8c: {  	_ =	swait.ge [sflag:s21], $0x4000  }
0x8d: {  	[sflag:s21] =	ssyncset.done $0x0  }
0x8e: {  	[sflag:s21] =	ssyncadd.s32 $0xFFFFC000  }
0x8f: {  	[tilespmem:s15], [sflag:$0x2] =	stream.indirect.gather [hbm4b:s4+s13], $0x80, s26, s13, $0xb8;
	[tilespmem:$0x1C800] =	vst v63  }
0x90: {  	_ =	swait.ge [sflag:s16], $0x4000  }
0x91: {  	[sflag:s16] =	ssyncset.done $0x0  }
0x92: {  	[sflag:s16] =	ssyncadd.s32 $0xFFFFC000  }
0x93: {  	[spmem:s2] =	stream.indirect.scatter.add.f32 [tilespmem:s14], [sflag:$0x3], $0x80, s28, s13, $0xb8;
	[tilespmem:$0x1C800] =	vst v63  }
0x94: {  	_ =	swait.ge [sflag:s17], $0x4000  }
0x95: {  	[sflag:s17] =	ssyncset.done $0x0  }
0x96: {  	[sflag:s17] =	ssyncadd.s32 $0xFFFFC000  }
0x97: {  	[tilespmem:s14], [sflag:$0x1] =	stream.indirect.gather [hbm4b:s4+s13], $0x80, s29, s13, $0xb8;
	[tilespmem:$0x1C800] =	vst v63  }
0x98: {  	_ =	swait.ge [sflag:s19], $0x4000  }
0x99: {  	[sflag:s19] =	ssyncset.done $0x0  }
0x9a: {  	[sflag:s19] =	ssyncadd.s32 $0xFFFFC000  }
0x9b: {  	[spmem:s2] =	stream.indirect.scatter.add.f32 [tilespmem:s15], [sflag:$0x4], $0x80, s30, s13, $0xb8;
	[tilespmem:$0x1C800] =	vst v63  }
0x9c: {  	_ =	swait.ge [sflag:s21], $0x4000  }
0x9d: {  	[sflag:s21] =	ssyncset.done $0x0  }
0x9e: {  	[sflag:s21] =	ssyncadd.s32 $0xFFFFC000  }
0x9f: {  	[tilespmem:s15], [sflag:$0x2] =	stream.indirect.gather [hbm4b:s4+s13], $0x80, s31, s13, $0xb8;
	[tilespmem:$0x1C800] =	vst v63  }
0xa0: {  	_ =	swait.ge [sflag:s16], $0x4000  }
0xa1: {  	[sflag:s16] =	ssyncset.done $0x0  }
0xa2: {  	[sflag:s16] =	ssyncadd.s32 $0xFFFFC000  }
0xa3: {  	[spmem:s2] =	stream.indirect.scatter.add.f32 [tilespmem:s14], [sflag:$0x3], $0x80, s1, s13, $0xb8;
	[tilespmem:$0x1C800] =	vst v63  }
0xa4: {  	_ =	swait.ge [sflag:s19], $0x4000  }
0xa5: {  	[sflag:s19] =	ssyncset.done $0x0  }
0xa6: {  	[sflag:s19] =	ssyncadd.s32 $0xFFFFC000  }
0xa7: {  	[spmem:s2] =	stream.indirect.scatter.add.f32 [tilespmem:s15], [sflag:$0x4], $0x80, s0, s13, $0xb8;
	[tilespmem:$0x1C800] =	vst v63  }
.Ltmp0:
0xa8: {  	_ =	swait.ge [sflag:s17], $0x4000;
	(pc) =	sbr.rel @p0 .LBB2_2-.Ltmp0, $4  }
0xa9: {  	[sflag:s17] =	ssyncset.done $0x0  }
0xaa: {  	[sflag:s17] =	ssyncadd.s32 $0xFFFFC000  }
0xab: {  	_ =	swait.ge [sflag:s21], $0x4000  }
0xac: {  	s7 =	smov.u32 s5;
	s8 =	smov.u32 s6;
	[sflag:s21] =	ssyncset.done $0x0  }
0xad: {  	s5 =	sadd.s32 s7, s9;
	[sflag:s21] =	ssyncadd.s32 $0xFFFFC000  }
0xae: {  	[tilespmem:s3], [sflag:$0x5] =	stream.linear.gather [hbm4b:s5+s3], $0x400, $0x38;
	[tilespmem:$0x1C800] =	vst v63  }
0xaf: {  	_ =	swait.ge [sflag:s11], $0x400  }
0xb0: {  	s6 =	rddreg [dreg:$0x3];
	[sflag:s11] =	ssyncset.done $0x0  }
0xb1: {  	s5 =	sadd.s32 s7, s6;
	[sflag:s11] =	ssyncadd.s32 $0xFFFFFC00  }
0xb2: {  	[tilespmem:s12], [sflag:$0x5] =	stream.linear.gather [hbm4b:s5+s3], $0x400, $0x38;
	[tilespmem:$0x1C800] =	vst v63  }
0xb3: {  	_ =	swait.ge [sflag:s11], $0x400  }
0xb4: {  	[sflag:s11] =	ssyncset.done $0x0  }
0xb5: {  	[sflag:s11] =	ssyncadd.s32 $0xFFFFFC00  }
0xb6: {  	[tilespmem:s14], [sflag:$0x1] =	stream.indirect.gather [hbm4b:s4+s13], $0x80, s3, s13, $0xb8;
	[tilespmem:$0x1C800] =	vst v63  }
0xb7: {  	_ = 	snop  }
0xb8: {  	[tilespmem:s15], [sflag:$0x2] =	stream.indirect.gather [hbm4b:s4+s13], $0x80, s13, s13, $0xb8;
	[tilespmem:$0x1C800] =	vst v63  }
0xb9: {  	_ =	swait.ge [sflag:s16], $0x4000  }
0xba: {  	[sflag:s16] =	ssyncset.done $0x0  }
0xbb: {  	[sflag:s16] =	ssyncadd.s32 $0xFFFFC000  }
0xbc: {  	[spmem:s2] =	stream.indirect.scatter.add.f32 [tilespmem:s14], [sflag:$0x3], $0x80, s12, s13, $0xb8;
	[tilespmem:$0x1C800] =	vst v63  }
0xbd: {  	_ =	swait.ge [sflag:s17], $0x4000  }
0xbe: {  	[sflag:s17] =	ssyncset.done $0x0  }
0xbf: {  	[sflag:s17] =	ssyncadd.s32 $0xFFFFC000  }
0xc0: {  	[tilespmem:s14], [sflag:$0x1] =	stream.indirect.gather [hbm4b:s4+s13], $0x80, s18, s13, $0xb8;
	[tilespmem:$0x1C800] =	vst v63  }
0xc1: {  	_ =	swait.ge [sflag:s19], $0x4000  }
0xc2: {  	[sflag:s19] =	ssyncset.done $0x0  }
0xc3: {  	[sflag:s19] =	ssyncadd.s32 $0xFFFFC000  }
0xc4: {  	[spmem:s2] =	stream.indirect.scatter.add.f32 [tilespmem:s15], [sflag:$0x4], $0x80, s20, s13, $0xb8;
	[tilespmem:$0x1C800] =	vst v63  }
0xc5: {  	_ =	swait.ge [sflag:s21], $0x4000  }
0xc6: {  	[sflag:s21] =	ssyncset.done $0x0  }
0xc7: {  	[sflag:s21] =	ssyncadd.s32 $0xFFFFC000  }
0xc8: {  	[tilespmem:s15], [sflag:$0x2] =	stream.indirect.gather [hbm4b:s4+s13], $0x80, s22, s13, $0xb8;
	[tilespmem:$0x1C800] =	vst v63  }
0xc9: {  	_ =	swait.ge [sflag:s16], $0x4000  }
0xca: {  	[sflag:s16] =	ssyncset.done $0x0  }
0xcb: {  	[sflag:s16] =	ssyncadd.s32 $0xFFFFC000  }
0xcc: {  	[spmem:s2] =	stream.indirect.scatter.add.f32 [tilespmem:s14], [sflag:$0x3], $0x80, s23, s13, $0xb8;
	[tilespmem:$0x1C800] =	vst v63  }
0xcd: {  	_ =	swait.ge [sflag:s17], $0x4000  }
0xce: {  	[sflag:s17] =	ssyncset.done $0x0  }
0xcf: {  	[sflag:s17] =	ssyncadd.s32 $0xFFFFC000  }
0xd0: {  	[tilespmem:s14], [sflag:$0x1] =	stream.indirect.gather [hbm4b:s4+s13], $0x80, s24, s13, $0xb8;
	[tilespmem:$0x1C800] =	vst v63  }
0xd1: {  	_ =	swait.ge [sflag:s19], $0x4000  }
0xd2: {  	[sflag:s19] =	ssyncset.done $0x0  }
0xd3: {  	[sflag:s19] =	ssyncadd.s32 $0xFFFFC000  }
0xd4: {  	[spmem:s2] =	stream.indirect.scatter.add.f32 [tilespmem:s15], [sflag:$0x4], $0x80, s25, s13, $0xb8;
	[tilespmem:$0x1C800] =	vst v63  }
0xd5: {  	_ =	swait.ge [sflag:s21], $0x4000  }
0xd6: {  	[sflag:s21] =	ssyncset.done $0x0  }
0xd7: {  	[sflag:s21] =	ssyncadd.s32 $0xFFFFC000  }
0xd8: {  	[tilespmem:s15], [sflag:$0x2] =	stream.indirect.gather [hbm4b:s4+s13], $0x80, s26, s13, $0xb8;
	[tilespmem:$0x1C800] =	vst v63  }
0xd9: {  	_ =	swait.ge [sflag:s16], $0x4000  }
0xda: {  	[sflag:s16] =	ssyncset.done $0x0  }
0xdb: {  	[sflag:s16] =	ssyncadd.s32 $0xFFFFC000  }
0xdc: {  	[spmem:s2] =	stream.indirect.scatter.add.f32 [tilespmem:s14], [sflag:$0x3], $0x80, s28, s13, $0xb8;
	[tilespmem:$0x1C800] =	vst v63  }
0xdd: {  	_ =	swait.ge [sflag:s17], $0x4000  }
0xde: {  	[sflag:s17] =	ssyncset.done $0x0  }
0xdf: {  	[sflag:s17] =	ssyncadd.s32 $0xFFFFC000  }
0xe0: {  	[tilespmem:s14], [sflag:$0x1] =	stream.indirect.gather [hbm4b:s4+s13], $0x80, s29, s13, $0xb8;
	[tilespmem:$0x1C800] =	vst v63  }
0xe1: {  	_ =	swait.ge [sflag:s19], $0x4000  }
0xe2: {  	[sflag:s19] =	ssyncset.done $0x0  }
0xe3: {  	[sflag:s19] =	ssyncadd.s32 $0xFFFFC000  }
0xe4: {  	[spmem:s2] =	stream.indirect.scatter.add.f32 [tilespmem:s15], [sflag:$0x4], $0x80, s30, s13, $0xb8;
	[tilespmem:$0x1C800] =	vst v63  }
0xe5: {  	_ =	swait.ge [sflag:s21], $0x4000  }
0xe6: {  	[sflag:s21] =	ssyncset.done $0x0  }
0xe7: {  	[sflag:s21] =	ssyncadd.s32 $0xFFFFC000  }
0xe8: {  	[tilespmem:s15], [sflag:$0x2] =	stream.indirect.gather [hbm4b:s4+s13], $0x80, s31, s13, $0xb8;
	[tilespmem:$0x1C800] =	vst v63  }
0xe9: {  	_ =	swait.ge [sflag:s16], $0x4000  }
0xea: {  	[sflag:s16] =	ssyncset.done $0x0  }
0xeb: {  	[sflag:s16] =	ssyncadd.s32 $0xFFFFC000  }
0xec: {  	[spmem:s2] =	stream.indirect.scatter.add.f32 [tilespmem:s14], [sflag:$0x3], $0x80, s1, s13, $0xb8;
	[tilespmem:$0x1C800] =	vst v63  }
0xed: {  	_ =	swait.ge [sflag:s19], $0x4000  }
0xee: {  	[sflag:s19] =	ssyncset.done $0x0  }
0xef: {  	[sflag:s19] =	ssyncadd.s32 $0xFFFFC000  }
0xf0: {  	[spmem:s2] =	stream.indirect.scatter.add.f32 [tilespmem:s15], [sflag:$0x4], $0x80, s0, s13, $0xb8;
	[tilespmem:$0x1C800] =	vst v63  }
0xf1: {  	_ =	swait.ge [sflag:s17], $0x4000  }
0xf2: {  	[sflag:s17] =	ssyncset.done $0x0  }
0xf3: {  	[sflag:s17] =	ssyncadd.s32 $0xFFFFC000  }
0xf4: {  	_ =	swait.ge [sflag:s21], $0x4000  }
0xf5: {  	[sflag:s21] =	ssyncset.done $0x0  }
0xf6: {  	[sflag:s21] =	ssyncadd.s32 $0xFFFFC000  }
0xf7: {  	[bflag:$0x0] =	sbarrier.arrive $0xFFFF  }
0xf8: {  	s7 =	rddreg [dreg:$0x5]  }
0xf9: {  	s8 =	rddreg [dreg:$0x6]  }
0xfa: {  	s6 =	rddreg [dreg:$0x8]  }
0xfb: {  	[hbm:s8], [sflag:s7] =	dma.local [spmem:s6], $0x2800  }
0xfc: {  	_ =	swait.ge [sflag:s11], $0x2800  }
0xfd: {  	s8 =	rddreg [dreg:$0x9]  }
0xfe: {  	s10 =	rddreg [dreg:$0x7];
	s8 =	sadd.s32 $0x1, s8  }
0xff: {  	p0 =	sne.s32 s8, s10  }
.Ltmp1:
0x100: {  	_ = 	snop;
	(pc) =	sbr.rel @p0 .LBB2_1-.Ltmp1, $3  }
0x101: {  	_ =	sdelay $0x1  }
0x102: {  	[sflag:s11] =	ssyncset.done $0x0  }
0x103: {  	[sflag:s11] =	ssyncadd.s32 $0xFFFFD800  }
0x104: {  	_ =	sfence.sel $0x180000  }
0x105: {  	[bflag:$0x0] =	sbarrier.arrive $0xFFFF  }
0x106: {  	_ =	strace $0x90000050  }
0x107: {  	s0 =	stileid.u32;
	[bflag:$0x2] =	sbarrier.arrive $0xFFFF  }
0x108: {  	p0 =	sne.s32 s0, $0x0;
	s0 =	rddreg [dreg:$0x2]  }
0x109: {  	s0 =	sadd.s32 @!p0 $0x100000, s0  }
0x10a: {  	[sflag:s0] =	ssyncadd.tile.s32 @!p0 $0x1;
	_ =	shalt  }
.Lfunc_end2:
_tile_overlayer_lowered:
.L_overlay_start_2:
0x10b: {  	(tag) =	ssettag $0x2  }
0x10c: {  	s0 =	rddreg [dreg:$0x0];
	s2 =	stileid.u32  }
0x10d: {  	s1 =	rddreg [dreg:$0x1];
	p0 =	sne.s32 s2, $0x0  }
0x10e: {  	s3 =	rddreg [dreg:$0x2];
	[bflag:$0x3] =	sbarrier.arrive $0xFFFF;
	s2 =	simm.s32 @!p0 $0x1C05  }
0x10f: {  	[timem:s3], [sflag:s2] =	dma.local @!p0 [hbm:s0], s1  }
0x110: {  	s0 =	simm.s32 @!p0 $0x5  }
0x111: {  	_ =	swait.ge @!p0 [sflag:s0], s1  }
0x112: {  	s1 =	ssub.s32 @!p0 $0x0, s1;
	[sflag:s0] =	ssyncset.done @!p0 $0x0  }
0x113: {  	[sflag:s0] =	ssyncadd.s32 @!p0 s1  }
0x114: {  	[bflag:$0x3] =	sbarrier.arrive $0xFFFF  }
0x115: {  	_ =	shalt  }

// kernel: kernel.26.cloned.1.call-start
scs
__scs_entry_jumppad:
0x0: {  	(pc) =	sbr.rel $0x88, $3  }
0x1: {  	(tag) =	ssettag $0x0;
	lr =	simm.s32 $0x1  }
0x2: {  	[smem:$0x3F8C] =	sst lr;
	_ =	strace $0xD0000000  }
0x3: {  	_ = 	snop  }
0x4: {  	_ = 	snop  }
0x5: {  	_ = 	snop  }
0x6: {  	_ = 	snop  }
0x7: {  	_ = 	snop  }
__scs_overlays_trampoline_lowered:
0x8: {  	[smem:$0x3F9B] =	sst s0  }
0x9: {  	[smem:$0x3F9C] =	sst s1  }
0xa: {  	[smem:$0x3F9D] =	sst s2  }
0xb: {  	[smem:$0x3F9E] =	sst s3  }
0xc: {  	[smem:$0x3F9F] =	sst s4  }
0xd: {  	[smem:$0x3FA0] =	sst s5  }
0xe: {  	[smem:$0x3FA1] =	sst s6  }
0xf: {  	[smem:$0x3FA2] =	sst s7  }
0x10: {  	[smem:$0x3FA3] =	sst s8  }
0x11: {  	[smem:$0x3FA4] =	sst s9;
	s0 =	simm.s32 @!p0 $0x0  }
0x12: {  	s1 =	sld [smem:$0x3F8A];
	s0 =	simm.s32 @p0 $0x1  }
0x13: {  	[smem:$0x3FA5] =	sst s0;
	s0 =	simm.s32 @!p1 $0x0  }
0x14: {  	s2 =	sld [smem:$0x3F89];
	s0 =	simm.s32 @p1 $0x1  }
0x15: {  	[smem:$0x3FA6] =	sst s0;
	s0 =	simm.s32 @!p2 $0x0  }
0x16: {  	s3 =	sld [smem:$0x3FDB];
	s0 =	simm.s32 @p2 $0x1  }
0x17: {  	s4 =	simm.s32 $0x1BF5;
	[smem:$0x3FA8] =	sst s0  }
0x18: {  	s0 =	sld [smem:$0x3F8B];
	_ =	swait.ge [sflag:s4], $0x0  }
0x19: {  	s7 =	sld [smem:$0x3F8C]  }
0x1a: {  	s8 =	sadd.s32 $0xFFFFE003, lr  }
0x1b: {  	s9 =	sadd.s32 $0xFFFFFEF7, lr;
	s5 =	simm.s32 $0xFFFFFFFF;
	p2 =	slt.u32 s8, $0xFFFFF086  }
0x1c: {  	p1 =	slt.u32 s9, $0xF7A;
	s5 =	simm.s32 @!p2 $0x0  }
0x1d: {  	s5 =	simm.s32 @p1 $0x1;
	p0 =	seq.s32 s7, s2  }
0x1e: {  	s7 =	smul.u32 @!p0 $0xF7A, s2;
	p2 =	seq.s32 @!p0 s5, $0x0  }
0x1f: {  	s9 =	smul.u32 $0xF7A, s1;
	s8 =	simm.s32 @!p0 $0x1BF5;
	p2 =	por !p2, p0  }
0x20: {  	[sflag:s8] =	ssyncset.s32 @!p0 $0xFFFFF086;
	s6 =	sadd.s32 @!p0 s3, s7;
	s7 =	simm.s32 @!p0 $0x108  }
0x21: {  	s3 =	sadd.s32 s3, s9;
	s6 =	sadd.s32 @!p0 $0x88, s6;
	s7 =	simm.s32 @p2 $0x1082  }
0x22: {  	[simem:s7], [sflag:s8] =	dma.local @!p0 [hbm:s6], $0xF7A  }
0x23: {  	s9 =	sor.u32 $0xD0000000, s2;
	s6 =	simm.s32 $0x108;
	_ =	swait.ge @!p0 [sflag:s8], $0x0  }
0x24: {  	s3 =	sadd.s32 $0x88, s3;
	s6 =	simm.s32 @!p1 $0x1082;
	[sflag:s4] =	ssyncset.s32 $0xFFFFF086  }
0x25: {  	[simem:s6], [sflag:s4] =	dma.local [hbm:s3], $0xF7A  }
0x26: {  	[smem:$0x3F8C] =	sst s1;
	(tag) =	ssettag s2;
	_ =	strace s9  }
0x27: {  	s1 =	sld [smem:$0x3F9C]  }
0x28: {  	s2 =	sld [smem:$0x3F9D]  }
0x29: {  	s4 =	sld [smem:$0x3F9F]  }
0x2a: {  	p0 =	seq.s32 s5, $0x0;
	s5 =	sld [smem:$0x3FA0]  }
0x2b: {  	s6 =	sld [smem:$0x3FA1]  }
0x2c: {  	s7 =	sld [smem:$0x3FA2]  }
0x2d: {  	s3 =	simm.s32 $0x108;
	s8 =	sld [smem:$0x3FA3]  }
0x2e: {  	s3 =	simm.s32 @!p0 $0x1082;
	s9 =	sld [smem:$0x3FA4]  }
0x2f: {  	lr =	sadd.s32 s0, s3;
	s0 =	sld [smem:$0x3F9B]  }
0x30: {  	s3 =	sld [smem:$0x3F9E]  }
0x31: {  	[smem:$0x3FA7] =	sst s10  }
0x32: {  	s10 =	sld [smem:$0x3FA5];
	_ =	sdelay $0x3  }
0x33: {  	p0 =	seq.s32 s10, $0x1;
	s10 =	sld [smem:$0x3FA7];
	_ =	sdelay $0x3  }
0x34: {  	[smem:$0x3FA7] =	sst s10  }
0x35: {  	s10 =	sld [smem:$0x3FA6];
	_ =	sdelay $0x3  }
0x36: {  	p1 =	seq.s32 s10, $0x1;
	s10 =	sld [smem:$0x3FA7];
	_ =	sdelay $0x3  }
0x37: {  	[smem:$0x3FA7] =	sst s10  }
0x38: {  	s10 =	sld [smem:$0x3FA8]  }
0x39: {  	_ = 	snop;
	(pc) =	sbr.ind lr, $3  }
0x3a: {  	_ = 	snop  }
0x3b: {  	_ = 	snop  }
0x3c: {  	p2 =	seq.s32 s10, $0x1;
	s10 =	sld [smem:$0x3FA7]  }
0x3d: {  	_ =	shalt  }
0x3e: {  	_ =	shalt  }
0x3f: {  	_ =	shalt  }
0x40: {  	_ =	shalt  }
0x41: {  	_ =	shalt  }
0x42: {  	_ =	shalt  }
0x43: {  	_ =	shalt  }
0x44: {  	_ =	shalt  }
0x45: {  	_ =	shalt  }
0x46: {  	_ =	shalt  }
0x47: {  	_ =	shalt  }
0x48: {  	_ =	shalt  }
0x49: {  	_ =	shalt  }
0x4a: {  	_ =	shalt  }
0x4b: {  	_ =	shalt  }
0x4c: {  	_ =	shalt  }
0x4d: {  	_ =	shalt  }
0x4e: {  	_ =	shalt  }
0x4f: {  	_ =	shalt  }
0x50: {  	_ =	shalt  }
0x51: {  	_ =	shalt  }
0x52: {  	_ =	shalt  }
0x53: {  	_ =	shalt  }
0x54: {  	_ =	shalt  }
0x55: {  	_ =	shalt  }
0x56: {  	_ =	shalt  }
0x57: {  	_ =	shalt  }
0x58: {  	_ =	shalt  }
0x59: {  	_ =	shalt  }
0x5a: {  	_ =	shalt  }
0x5b: {  	_ =	shalt  }
0x5c: {  	_ =	shalt  }
0x5d: {  	_ =	shalt  }
0x5e: {  	_ =	shalt  }
0x5f: {  	_ =	shalt  }
0x60: {  	_ =	shalt  }
0x61: {  	_ =	shalt  }
0x62: {  	_ =	shalt  }
0x63: {  	_ =	shalt  }
0x64: {  	_ =	shalt  }
0x65: {  	_ =	shalt  }
0x66: {  	_ =	shalt  }
0x67: {  	_ =	shalt  }
0x68: {  	_ =	shalt  }
0x69: {  	_ =	shalt  }
0x6a: {  	_ =	shalt  }
0x6b: {  	_ =	shalt  }
0x6c: {  	_ =	shalt  }
0x6d: {  	_ =	shalt  }
0x6e: {  	_ =	shalt  }
0x6f: {  	_ =	shalt  }
0x70: {  	_ =	shalt  }
0x71: {  	_ =	shalt  }
0x72: {  	_ =	shalt  }
0x73: {  	_ =	shalt  }
0x74: {  	_ =	shalt  }
0x75: {  	_ =	shalt  }
0x76: {  	_ =	shalt  }
0x77: {  	_ =	shalt  }
0x78: {  	_ =	shalt  }
0x79: {  	_ =	shalt  }
0x7a: {  	_ =	shalt  }
0x7b: {  	_ =	shalt  }
0x7c: {  	_ =	shalt  }
0x7d: {  	_ =	shalt  }
0x7e: {  	_ =	shalt  }
0x7f: {  	_ =	shalt  }
0x80: {  	_ =	shalt  }
0x81: {  	_ =	shalt  }
0x82: {  	_ =	shalt  }
0x83: {  	_ =	shalt  }
0x84: {  	_ =	shalt  }
0x85: {  	_ =	shalt  }
0x86: {  	_ =	shalt  }
0x87: {  	_ =	shalt  }
.Lfunc_end0:
.L_simem_size_0:
called_computation.4_lowered:
.L_overlay_start_0:
0x88: {  	s2 =	sld [smem:$0x3FD9]  }
0x89: {  	s3 =	sld [smem:$0x3FFE];
	_ =	sdelay $0x1  }
0x8a: {  	s1 =	srdreg.scid  }
0x8b: {  	s0 =	sand.u32 $0x1, s1  }
0x8c: {  	s16 =	sshll.u32 s0, $0xA;
	s2 =	sadd.s32 s3, s2  }
0x8d: {  	s2 =	sadd.s32 s2, s16  }
0x8e: {  	[smem:$0x3FB3] =	sst s2  }
0x8f: {  	_ = 	snop  }
0x90: {  	(tm) =	ssettm $0x1  }
0x91: {  	s17 =	sld [smem:$0x3FFB];
	_ =	sdelay $0x3  }
0x92: {  	_ =	strace s17  }
0x93: {  	s2 =	sld [smem:$0x3FFC];
	_ =	sdelay $0x3  }
0x94: {  	_ =	strace s2  }
0x95: {  	s2 =	sld [smem:$0x3FFD];
	_ =	sdelay $0x3  }
0x96: {  	_ =	strace s2  }
0x97: {  	_ =	strace $0x8FFFFFFF  }
0x98: {  	s18 =	sld [smem:$0x3FDB];
	_ =	sdelay $0x1  }
0x99: {  	s19 =	simm.s32 $_scs_section_size  }
0x9a: {  	s4 =	simm.s32 $_size__tile_overlayer_lowered;
	s5 =	simm.s32 $_tile_overlayer_lowered  }
0x9b: {  	s22 =	simm.s32 $0x1BFF;
	s21 =	sshll.u32 s5, $0x1;
	s2 =	sadd.s32 s19, s18  }
0x9c: {  	s6 =	simm.s32 $0x0;
	s20 =	sshll.u32 s4, $0x1;
	s4 =	sadd.s32 s21, s2  }
0x9d: {  	[timem:s6], [sflag:s22] =	dma.local [hbm:s4], s20  }
0x9e: {  	_ =	swait.ge [sflag:s22], s20  }
0x9f: {  	s3 =	ssub.s32 $0x0, s20;
	[sflag:s22] =	ssyncset.done $0x0  }
0xa0: {  	[sflag:s22] =	ssyncadd.s32 s3;
	_ =	sdelay $0x1  }
0xa1: {  	s23 =	simm.s32 $0x1B8B  }
0xa2: {  	_ =	swait.ge [sflag:s23], $0x1  }
0xa3: {  	[sflag:s23] =	ssyncset.done $0x0  }
0xa4: {  	s25 =	simm.s32 $0x1B8E;
	s24 =	sld [smem:$0x3FFE];
	[sflag:s23] =	ssyncadd.s32 $0xFFFFFFFF  }
0xa5: {  	s26 =	simm.s32 $execute0_lowered;
	[smem:$0x3FD2] =	sst s25  }
0xa6: {  	s4 =	sshll.u32 s26, $0x1;
	_ =	strace $0x80000052;
	[dreg:$0x1] =	wrdreg $0xFFFFFFFF  }
0xa7: {  	s28 =	simm.s32 $_size_execute0_lowered;
	s2 =	sadd.s32 s2, s4;
	[dreg:$0x0] =	wrdreg $0x0  }
0xa8: {  	s4 =	sshll.u32 s28, $0x1;
	[dreg:$0x2] =	wrdreg s2  }
0xa9: {  	[dreg:$0x3] =	wrdreg s4  }
0xaa: {  	[dreg:$0x4] =	wrdreg $0xC0  }
0xab: {  	_ =	task [dreg:s6], $0x5FFFF  }
0xac: {  	[dreg:$0x1] =	wrdreg $0xFFFFFFFF  }
0xad: {  	[dreg:$0x0] =	wrdreg $0x60  }
0xae: {  	[dreg:$0x2] =	wrdreg s24  }
0xaf: {  	[dreg:$0x3] =	wrdreg $0x88000  }
0xb0: {  	[dreg:$0x4] =	wrdreg $0x9  }
0xb1: {  	_ =	task.clear_ibuf [dreg:s6], $0x5FFFF;
	_ =	strace $0x90000052  }
0xb2: {  	s29 =	simm.s32 $0x9;
	_ =	strace $0x80000054  }
0xb3: {  	_ =	swait.ge [sflag:s29], $0x1  }
0xb4: {  	[sflag:s29] =	ssyncadd.s32 $0xFFFFFFFF  }
0xb5: {  	_ =	strace $0x90000054  }
0xb6: {  	_ =	sfence  }
0xb7: {  	s30 =	sld [smem:$0x0];
	_ =	sdelay $0x2  }
0xb8: {  	s31 =	sshll.u32 s1, $0xD;
	s1 =	sshrl.u32 s1, $0x2  }
0xb9: {  	s3 =	sand.u32 $0x4000, s31;
	s1 =	sadd.s32 s1, s30  }
0xba: {  	s0 =	sor.u32 s3, s0;
	s1 =	sshll.u32 s1, $0x11  }
0xbb: {  	s0 =	sor.u32 s1, s0  }
0xbc: {  	s0 =	sadd.s32 $0x8F2B, s0  }
0xbd: {  	[sflag:s0] =	ssyncadd.remote.s32 $0x1  }
0xbe: {  	_ =	sfence.sel $0xFFFF  }
0xbf: {  	[dreg:$0x0] =	wrdreg $0xFFFFFFFF;
	(pc) =	sbr.abs _section_cstart, $3  }
0xc0: {  	[dreg:$0x1] =	wrdreg $0xFFFFFFFF  }
0xc1: {  	_ =	task.clear_ibuf [dreg:s6], $0x2FFFF;
	_ =	strace $0x9FFFFFFF  }
0xc2: {  	(tm) =	ssettm $0x7FFFFFFF  }
0xc3: {  	_ =	shalt  }
tec
execute0_lowered:
.L_overlay_start_1:
0x0: {  	(tag) =	ssettag $0x1  }
0x1: {  	s0 =	rddreg [dreg:$0x0];
	s1 =	srdreg.scid  }
0x2: {  	s8 =	stileid.u32;
	s2 =	rddreg [dreg:$0x1]  }
0x3: {  	s3 =	simm.s32 $0x0;
	s11 =	simm.s32 $0x5;
	s12 =	simm.s32 $0x400  }
0x4: {  	s13 =	simm.s32 $0x80;
	s14 =	simm.s32 $0x800;
	s15 =	simm.s32 $0x4800  }
0x5: {  	s16 =	simm.s32 $0x1;
	s17 =	simm.s32 $0x3;
	s18 =	simm.s32 $0x100  }
0x6: {  	s19 =	simm.s32 $0x2;
	s20 =	simm.s32 $0x480;
	s21 =	simm.s32 $0x4  }
0x7: {  	s22 =	simm.s32 $0x180;
	s28 =	simm.s32 $0x600;
	s29 =	simm.s32 $0x300  }
0x8: {  	s30 =	simm.s32 $0x680;
	s31 =	simm.s32 $0x380;
	s4 =	smul.u32 $0x2800, s8  }
0x9: {  	s1 =	sand.u32 $0x1, s1;
	[smem:$0x7FF] =	sst s3;
	s7 =	smul.u32 $0x50000, s8  }
0xa: {  	s9 =	sadd.s32 $0x11600, s0;
	s25 =	sshll.u32 s8, $0x6;
	s8 =	simm.s32 $0x0  }
0xb: {  	s5 =	smul.u32 $0x28000, s1;
	_ =	strace $0x80000053;
	s1 =	ssub.s32 $0x2, s1  }
0xc: {  	[dreg:$0x4] =	wrdreg s9;
	s23 =	sshrl.u32 s1, $0x1;
	s7 =	sshrl.u32 s7, $0x2  }
0xd: {  	s5 =	sadd.s32 s4, s5;
	s4 =	sadd.s32 $0x3B000, s0;
	s1 =	ssub.s32 s1, s23  }
0xe: {  	s24 =	sadd.s32 s7, s2;
	s7 =	sor.u32 $0x1C05, s25;
	s23 =	simm.s32 $0x500  }
0xf: {  	s25 =	simm.s32 $0x580;
	s6 =	sshrl.u32 s5, $0x3;
	s1 =	smax.u32 s1, $0x1  }
0x10: {  	[dreg:$0x5] =	wrdreg s7;
	s6 =	sadd.s32 s6, s0;
	s0 =	sadd.s32 s5, s0  }
0x11: {  	[dreg:$0x7] =	wrdreg s1;
	s1 =	simm.s32 $0x700;
	s0 =	sadd.s32 $0xBC200, s0  }
0x12: {  	s26 =	sadd.s32 $0x7600, s6;
	s9 =	sadd.s32 $0x63E00, s6;
	[dreg:$0x6] =	wrdreg s0  }
0x13: {  	s6 =	sshrl.u32 s24, $0x3;
	s24 =	simm.s32 $0x200;
	[dreg:$0x3] =	wrdreg s26  }
0x14: {  	s26 =	simm.s32 $0x280;
	s0 =	simm.s32 $0x780;
	[dreg:$0x8] =	wrdreg s6  }
.LBB2_1:
0x15: {  	[dreg:$0x9] =	wrdreg s8  }
0x16: {  	s5 =	rddreg [dreg:$0x4]  }
0x17: {  	[spmem:s6], [sflag:s7] =	dma.local [hbm:s5], $0x2800  }
0x18: {  	_ =	swait.ge [sflag:s11], $0x2800  }
0x19: {  	[sflag:s11] =	ssyncset.done $0x0  }
0x1a: {  	[sflag:s11] =	ssyncadd.s32 $0xFFFFD800  }
0x1b: {  	s8 =	sadd.s32 $0x0, s9;
	[bflag:$0x0] =	sbarrier.arrive $0xFFFF  }
0x1c: {  	[tilespmem:s3], [sflag:$0x5] =	stream.linear.gather [hbm4b:s8+s3], $0x400, $0x38;
	[tilespmem:$0x1C800] =	vst v63  }
0x1d: {  	_ =	swait.ge [sflag:s11], $0x400  }
0x1e: {  	s10 =	rddreg [dreg:$0x3];
	[sflag:s11] =	ssyncset.done $0x0  }
0x1f: {  	[sflag:s11] =	ssyncadd.s32 $0xFFFFFC00;
	s6 =	sadd.s32 $0x0, s10  }
0x20: {  	[tilespmem:s12], [sflag:$0x5] =	stream.linear.gather [hbm4b:s6+s3], $0x400, $0x38;
	[tilespmem:$0x1C800] =	vst v63  }
0x21: {  	_ =	swait.ge [sflag:s11], $0x400  }
0x22: {  	[sflag:s11] =	ssyncset.done $0x0  }
0x23: {  	[sflag:s11] =	ssyncadd.s32 $0xFFFFFC00  }
0x24: {  	[tilespmem:s14], [sflag:$0x1] =	stream.indirect.gather [hbm4b:s4+s13], $0x80, s3, s13, $0xb8;
	[tilespmem:$0x1C800] =	vst v63  }
0x25: {  	_ = 	snop  }
0x26: {  	[tilespmem:s15], [sflag:$0x2] =	stream.indirect.gather [hbm4b:s4+s13], $0x80, s13, s13, $0xb8;
	[tilespmem:$0x1C800] =	vst v63  }
0x27: {  	_ =	swait.ge [sflag:s16], $0x4000  }
0x28: {  	[sflag:s16] =	ssyncset.done $0x0  }
0x29: {  	[sflag:s16] =	ssyncadd.s32 $0xFFFFC000  }
0x2a: {  	[spmem:s2] =	stream.indirect.scatter.add.f32 [tilespmem:s14], [sflag:$0x3], $0x80, s12, s13, $0xb8;
	[tilespmem:$0x1C800] =	vst v63  }
0x2b: {  	_ =	swait.ge [sflag:s17], $0x4000  }
0x2c: {  	[sflag:s17] =	ssyncset.done $0x0  }
0x2d: {  	[sflag:s17] =	ssyncadd.s32 $0xFFFFC000  }
0x2e: {  	[tilespmem:s14], [sflag:$0x1] =	stream.indirect.gather [hbm4b:s4+s13], $0x80, s18, s13, $0xb8;
	[tilespmem:$0x1C800] =	vst v63  }
0x2f: {  	_ =	swait.ge [sflag:s19], $0x4000  }
0x30: {  	[sflag:s19] =	ssyncset.done $0x0  }
0x31: {  	[sflag:s19] =	ssyncadd.s32 $0xFFFFC000  }
0x32: {  	[spmem:s2] =	stream.indirect.scatter.add.f32 [tilespmem:s15], [sflag:$0x4], $0x80, s20, s13, $0xb8;
	[tilespmem:$0x1C800] =	vst v63  }
0x33: {  	_ =	swait.ge [sflag:s21], $0x4000  }
0x34: {  	[sflag:s21] =	ssyncset.done $0x0  }
0x35: {  	[sflag:s21] =	ssyncadd.s32 $0xFFFFC000  }
0x36: {  	[tilespmem:s15], [sflag:$0x2] =	stream.indirect.gather [hbm4b:s4+s13], $0x80, s22, s13, $0xb8;
	[tilespmem:$0x1C800] =	vst v63  }
0x37: {  	_ =	swait.ge [sflag:s16], $0x4000  }
0x38: {  	[sflag:s16] =	ssyncset.done $0x0  }
0x39: {  	[sflag:s16] =	ssyncadd.s32 $0xFFFFC000  }
0x3a: {  	[spmem:s2] =	stream.indirect.scatter.add.f32 [tilespmem:s14], [sflag:$0x3], $0x80, s23, s13, $0xb8;
	[tilespmem:$0x1C800] =	vst v63  }
0x3b: {  	_ =	swait.ge [sflag:s17], $0x4000  }
0x3c: {  	[sflag:s17] =	ssyncset.done $0x0  }
0x3d: {  	[sflag:s17] =	ssyncadd.s32 $0xFFFFC000  }
0x3e: {  	[tilespmem:s14], [sflag:$0x1] =	stream.indirect.gather [hbm4b:s4+s13], $0x80, s24, s13, $0xb8;
	[tilespmem:$0x1C800] =	vst v63  }
0x3f: {  	_ =	swait.ge [sflag:s19], $0x4000  }
0x40: {  	[sflag:s19] =	ssyncset.done $0x0  }
0x41: {  	[sflag:s19] =	ssyncadd.s32 $0xFFFFC000  }
0x42: {  	[spmem:s2] =	stream.indirect.scatter.add.f32 [tilespmem:s15], [sflag:$0x4], $0x80, s25, s13, $0xb8;
	[tilespmem:$0x1C800] =	vst v63  }
0x43: {  	_ =	swait.ge [sflag:s21], $0x4000  }
0x44: {  	[sflag:s21] =	ssyncset.done $0x0  }
0x45: {  	[sflag:s21] =	ssyncadd.s32 $0xFFFFC000  }
0x46: {  	[tilespmem:s15], [sflag:$0x2] =	stream.indirect.gather [hbm4b:s4+s13], $0x80, s26, s13, $0xb8;
	[tilespmem:$0x1C800] =	vst v63  }
0x47: {  	_ =	swait.ge [sflag:s16], $0x4000  }
0x48: {  	[sflag:s16] =	ssyncset.done $0x0  }
0x49: {  	[sflag:s16] =	ssyncadd.s32 $0xFFFFC000  }
0x4a: {  	[spmem:s2] =	stream.indirect.scatter.add.f32 [tilespmem:s14], [sflag:$0x3], $0x80, s28, s13, $0xb8;
	[tilespmem:$0x1C800] =	vst v63  }
0x4b: {  	_ =	swait.ge [sflag:s17], $0x4000  }
0x4c: {  	[sflag:s17] =	ssyncset.done $0x0  }
0x4d: {  	[sflag:s17] =	ssyncadd.s32 $0xFFFFC000  }
0x4e: {  	[tilespmem:s14], [sflag:$0x1] =	stream.indirect.gather [hbm4b:s4+s13], $0x80, s29, s13, $0xb8;
	[tilespmem:$0x1C800] =	vst v63  }
0x4f: {  	_ =	swait.ge [sflag:s19], $0x4000  }
0x50: {  	[sflag:s19] =	ssyncset.done $0x0  }
0x51: {  	[sflag:s19] =	ssyncadd.s32 $0xFFFFC000  }
0x52: {  	[spmem:s2] =	stream.indirect.scatter.add.f32 [tilespmem:s15], [sflag:$0x4], $0x80, s30, s13, $0xb8;
	[tilespmem:$0x1C800] =	vst v63  }
0x53: {  	_ =	swait.ge [sflag:s21], $0x4000  }
0x54: {  	[sflag:s21] =	ssyncset.done $0x0  }
0x55: {  	[sflag:s21] =	ssyncadd.s32 $0xFFFFC000  }
0x56: {  	[tilespmem:s15], [sflag:$0x2] =	stream.indirect.gather [hbm4b:s4+s13], $0x80, s31, s13, $0xb8;
	[tilespmem:$0x1C800] =	vst v63  }
0x57: {  	_ =	swait.ge [sflag:s16], $0x4000  }
0x58: {  	[sflag:s16] =	ssyncset.done $0x0  }
0x59: {  	[sflag:s16] =	ssyncadd.s32 $0xFFFFC000  }
0x5a: {  	[spmem:s2] =	stream.indirect.scatter.add.f32 [tilespmem:s14], [sflag:$0x3], $0x80, s1, s13, $0xb8;
	[tilespmem:$0x1C800] =	vst v63  }
0x5b: {  	_ =	swait.ge [sflag:s19], $0x4000  }
0x5c: {  	[sflag:s19] =	ssyncset.done $0x0  }
0x5d: {  	[sflag:s19] =	ssyncadd.s32 $0xFFFFC000  }
0x5e: {  	[spmem:s2] =	stream.indirect.scatter.add.f32 [tilespmem:s15], [sflag:$0x4], $0x80, s0, s13, $0xb8;
	[tilespmem:$0x1C800] =	vst v63  }
0x5f: {  	_ =	swait.ge [sflag:s17], $0x4000  }
0x60: {  	[sflag:s17] =	ssyncset.done $0x0  }
0x61: {  	[sflag:s17] =	ssyncadd.s32 $0xFFFFC000  }
0x62: {  	_ =	swait.ge [sflag:s21], $0x4000  }
0x63: {  	s7 =	simm.s32 $0x80;
	s8 =	simm.s32 $0x100;
	[sflag:s21] =	ssyncset.done $0x0  }
.LBB2_2:
0x64: {  	s10 =	sadd.s32 s7, s9;
	[sflag:s21] =	ssyncadd.s32 $0xFFFFC000  }
0x65: {  	[tilespmem:s3], [sflag:$0x5] =	stream.linear.gather [hbm4b:s10+s3], $0x400, $0x38;
	[tilespmem:$0x1C800] =	vst v63  }
0x66: {  	s5 =	smov.u32 s8;
	_ =	swait.ge [sflag:s11], $0x400  }
0x67: {  	s6 =	sadd.s32 $0x80, s8;
	s10 =	rddreg [dreg:$0x3];
	[sflag:s11] =	ssyncset.done $0x0  }
0x68: {  	p0 =	sne.s32 s8, $0x480;
	[sflag:s11] =	ssyncadd.s32 $0xFFFFFC00;
	s8 =	sadd.s32 s7, s10  }
0x69: {  	[tilespmem:s12], [sflag:$0x5] =	stream.linear.gather [hbm4b:s8+s3], $0x400, $0x38;
	[tilespmem:$0x1C800] =	vst v63  }
0x6a: {  	_ =	swait.ge [sflag:s11], $0x400  }
0x6b: {  	[sflag:s11] =	ssyncset.done $0x0  }
0x6c: {  	[sflag:s11] =	ssyncadd.s32 $0xFFFFFC00  }
0x6d: {  	[tilespmem:s14], [sflag:$0x1] =	stream.indirect.gather [hbm4b:s4+s13], $0x80, s3, s13, $0xb8;
	[tilespmem:$0x1C800] =	vst v63  }
0x6e: {  	_ = 	snop  }
0x6f: {  	[tilespmem:s15], [sflag:$0x2] =	stream.indirect.gather [hbm4b:s4+s13], $0x80, s13, s13, $0xb8;
	[tilespmem:$0x1C800] =	vst v63  }
0x70: {  	_ =	swait.ge [sflag:s16], $0x4000  }
0x71: {  	[sflag:s16] =	ssyncset.done $0x0  }
0x72: {  	[sflag:s16] =	ssyncadd.s32 $0xFFFFC000  }
0x73: {  	[spmem:s2] =	stream.indirect.scatter.add.f32 [tilespmem:s14], [sflag:$0x3], $0x80, s12, s13, $0xb8;
	[tilespmem:$0x1C800] =	vst v63  }
0x74: {  	_ =	swait.ge [sflag:s17], $0x4000  }
0x75: {  	[sflag:s17] =	ssyncset.done $0x0  }
0x76: {  	[sflag:s17] =	ssyncadd.s32 $0xFFFFC000  }
0x77: {  	[tilespmem:s14], [sflag:$0x1] =	stream.indirect.gather [hbm4b:s4+s13], $0x80, s18, s13, $0xb8;
	[tilespmem:$0x1C800] =	vst v63  }
0x78: {  	_ =	swait.ge [sflag:s19], $0x4000  }
0x79: {  	[sflag:s19] =	ssyncset.done $0x0  }
0x7a: {  	[sflag:s19] =	ssyncadd.s32 $0xFFFFC000  }
0x7b: {  	[spmem:s2] =	stream.indirect.scatter.add.f32 [tilespmem:s15], [sflag:$0x4], $0x80, s20, s13, $0xb8;
	[tilespmem:$0x1C800] =	vst v63  }
0x7c: {  	_ =	swait.ge [sflag:s21], $0x4000  }
0x7d: {  	[sflag:s21] =	ssyncset.done $0x0  }
0x7e: {  	[sflag:s21] =	ssyncadd.s32 $0xFFFFC000  }
0x7f: {  	[tilespmem:s15], [sflag:$0x2] =	stream.indirect.gather [hbm4b:s4+s13], $0x80, s22, s13, $0xb8;
	[tilespmem:$0x1C800] =	vst v63  }
0x80: {  	_ =	swait.ge [sflag:s16], $0x4000  }
0x81: {  	[sflag:s16] =	ssyncset.done $0x0  }
0x82: {  	[sflag:s16] =	ssyncadd.s32 $0xFFFFC000  }
0x83: {  	[spmem:s2] =	stream.indirect.scatter.add.f32 [tilespmem:s14], [sflag:$0x3], $0x80, s23, s13, $0xb8;
	[tilespmem:$0x1C800] =	vst v63  }
0x84: {  	_ =	swait.ge [sflag:s17], $0x4000  }
0x85: {  	[sflag:s17] =	ssyncset.done $0x0  }
0x86: {  	[sflag:s17] =	ssyncadd.s32 $0xFFFFC000  }
0x87: {  	[tilespmem:s14], [sflag:$0x1] =	stream.indirect.gather [hbm4b:s4+s13], $0x80, s24, s13, $0xb8;
	[tilespmem:$0x1C800] =	vst v63  }
0x88: {  	_ =	swait.ge [sflag:s19], $0x4000  }
0x89: {  	[sflag:s19] =	ssyncset.done $0x0  }
0x8a: {  	[sflag:s19] =	ssyncadd.s32 $0xFFFFC000  }
0x8b: {  	[spmem:s2] =	stream.indirect.scatter.add.f32 [tilespmem:s15], [sflag:$0x4], $0x80, s25, s13, $0xb8;
	[tilespmem:$0x1C800] =	vst v63  }
0x8c: {  	_ =	swait.ge [sflag:s21], $0x4000  }
0x8d: {  	[sflag:s21] =	ssyncset.done $0x0  }
0x8e: {  	[sflag:s21] =	ssyncadd.s32 $0xFFFFC000  }
0x8f: {  	[tilespmem:s15], [sflag:$0x2] =	stream.indirect.gather [hbm4b:s4+s13], $0x80, s26, s13, $0xb8;
	[tilespmem:$0x1C800] =	vst v63  }
0x90: {  	_ =	swait.ge [sflag:s16], $0x4000  }
0x91: {  	[sflag:s16] =	ssyncset.done $0x0  }
0x92: {  	[sflag:s16] =	ssyncadd.s32 $0xFFFFC000  }
0x93: {  	[spmem:s2] =	stream.indirect.scatter.add.f32 [tilespmem:s14], [sflag:$0x3], $0x80, s28, s13, $0xb8;
	[tilespmem:$0x1C800] =	vst v63  }
0x94: {  	_ =	swait.ge [sflag:s17], $0x4000  }
0x95: {  	[sflag:s17] =	ssyncset.done $0x0  }
0x96: {  	[sflag:s17] =	ssyncadd.s32 $0xFFFFC000  }
0x97: {  	[tilespmem:s14], [sflag:$0x1] =	stream.indirect.gather [hbm4b:s4+s13], $0x80, s29, s13, $0xb8;
	[tilespmem:$0x1C800] =	vst v63  }
0x98: {  	_ =	swait.ge [sflag:s19], $0x4000  }
0x99: {  	[sflag:s19] =	ssyncset.done $0x0  }
0x9a: {  	[sflag:s19] =	ssyncadd.s32 $0xFFFFC000  }
0x9b: {  	[spmem:s2] =	stream.indirect.scatter.add.f32 [tilespmem:s15], [sflag:$0x4], $0x80, s30, s13, $0xb8;
	[tilespmem:$0x1C800] =	vst v63  }
0x9c: {  	_ =	swait.ge [sflag:s21], $0x4000  }
0x9d: {  	[sflag:s21] =	ssyncset.done $0x0  }
0x9e: {  	[sflag:s21] =	ssyncadd.s32 $0xFFFFC000  }
0x9f: {  	[tilespmem:s15], [sflag:$0x2] =	stream.indirect.gather [hbm4b:s4+s13], $0x80, s31, s13, $0xb8;
	[tilespmem:$0x1C800] =	vst v63  }
0xa0: {  	_ =	swait.ge [sflag:s16], $0x4000  }
0xa1: {  	[sflag:s16] =	ssyncset.done $0x0  }
0xa2: {  	[sflag:s16] =	ssyncadd.s32 $0xFFFFC000  }
0xa3: {  	[spmem:s2] =	stream.indirect.scatter.add.f32 [tilespmem:s14], [sflag:$0x3], $0x80, s1, s13, $0xb8;
	[tilespmem:$0x1C800] =	vst v63  }
0xa4: {  	_ =	swait.ge [sflag:s19], $0x4000  }
0xa5: {  	[sflag:s19] =	ssyncset.done $0x0  }
0xa6: {  	[sflag:s19] =	ssyncadd.s32 $0xFFFFC000  }
0xa7: {  	[spmem:s2] =	stream.indirect.scatter.add.f32 [tilespmem:s15], [sflag:$0x4], $0x80, s0, s13, $0xb8;
	[tilespmem:$0x1C800] =	vst v63  }
.Ltmp0:
0xa8: {  	_ =	swait.ge [sflag:s17], $0x4000;
	(pc) =	sbr.rel @p0 .LBB2_2-.Ltmp0, $4  }
0xa9: {  	[sflag:s17] =	ssyncset.done $0x0  }
0xaa: {  	[sflag:s17] =	ssyncadd.s32 $0xFFFFC000  }
0xab: {  	_ =	swait.ge [sflag:s21], $0x4000  }
0xac: {  	s7 =	smov.u32 s5;
	s8 =	smov.u32 s6;
	[sflag:s21] =	ssyncset.done $0x0  }
0xad: {  	s5 =	sadd.s32 s7, s9;
	[sflag:s21] =	ssyncadd.s32 $0xFFFFC000  }
0xae: {  	[tilespmem:s3], [sflag:$0x5] =	stream.linear.gather [hbm4b:s5+s3], $0x400, $0x38;
	[tilespmem:$0x1C800] =	vst v63  }
0xaf: {  	_ =	swait.ge [sflag:s11], $0x400  }
0xb0: {  	s6 =	rddreg [dreg:$0x3];
	[sflag:s11] =	ssyncset.done $0x0  }
0xb1: {  	s5 =	sadd.s32 s7, s6;
	[sflag:s11] =	ssyncadd.s32 $0xFFFFFC00  }
0xb2: {  	[tilespmem:s12], [sflag:$0x5] =	stream.linear.gather [hbm4b:s5+s3], $0x400, $0x38;
	[tilespmem:$0x1C800] =	vst v63  }
0xb3: {  	_ =	swait.ge [sflag:s11], $0x400  }
0xb4: {  	[sflag:s11] =	ssyncset.done $0x0  }
0xb5: {  	[sflag:s11] =	ssyncadd.s32 $0xFFFFFC00  }
0xb6: {  	[tilespmem:s14], [sflag:$0x1] =	stream.indirect.gather [hbm4b:s4+s13], $0x80, s3, s13, $0xb8;
	[tilespmem:$0x1C800] =	vst v63  }
0xb7: {  	_ = 	snop  }
0xb8: {  	[tilespmem:s15], [sflag:$0x2] =	stream.indirect.gather [hbm4b:s4+s13], $0x80, s13, s13, $0xb8;
	[tilespmem:$0x1C800] =	vst v63  }
0xb9: {  	_ =	swait.ge [sflag:s16], $0x4000  }
0xba: {  	[sflag:s16] =	ssyncset.done $0x0  }
0xbb: {  	[sflag:s16] =	ssyncadd.s32 $0xFFFFC000  }
0xbc: {  	[spmem:s2] =	stream.indirect.scatter.add.f32 [tilespmem:s14], [sflag:$0x3], $0x80, s12, s13, $0xb8;
	[tilespmem:$0x1C800] =	vst v63  }
0xbd: {  	_ =	swait.ge [sflag:s17], $0x4000  }
0xbe: {  	[sflag:s17] =	ssyncset.done $0x0  }
0xbf: {  	[sflag:s17] =	ssyncadd.s32 $0xFFFFC000  }
0xc0: {  	[tilespmem:s14], [sflag:$0x1] =	stream.indirect.gather [hbm4b:s4+s13], $0x80, s18, s13, $0xb8;
	[tilespmem:$0x1C800] =	vst v63  }
0xc1: {  	_ =	swait.ge [sflag:s19], $0x4000  }
0xc2: {  	[sflag:s19] =	ssyncset.done $0x0  }
0xc3: {  	[sflag:s19] =	ssyncadd.s32 $0xFFFFC000  }
0xc4: {  	[spmem:s2] =	stream.indirect.scatter.add.f32 [tilespmem:s15], [sflag:$0x4], $0x80, s20, s13, $0xb8;
	[tilespmem:$0x1C800] =	vst v63  }
0xc5: {  	_ =	swait.ge [sflag:s21], $0x4000  }
0xc6: {  	[sflag:s21] =	ssyncset.done $0x0  }
0xc7: {  	[sflag:s21] =	ssyncadd.s32 $0xFFFFC000  }
0xc8: {  	[tilespmem:s15], [sflag:$0x2] =	stream.indirect.gather [hbm4b:s4+s13], $0x80, s22, s13, $0xb8;
	[tilespmem:$0x1C800] =	vst v63  }
0xc9: {  	_ =	swait.ge [sflag:s16], $0x4000  }
0xca: {  	[sflag:s16] =	ssyncset.done $0x0  }
0xcb: {  	[sflag:s16] =	ssyncadd.s32 $0xFFFFC000  }
0xcc: {  	[spmem:s2] =	stream.indirect.scatter.add.f32 [tilespmem:s14], [sflag:$0x3], $0x80, s23, s13, $0xb8;
	[tilespmem:$0x1C800] =	vst v63  }
0xcd: {  	_ =	swait.ge [sflag:s17], $0x4000  }
0xce: {  	[sflag:s17] =	ssyncset.done $0x0  }
0xcf: {  	[sflag:s17] =	ssyncadd.s32 $0xFFFFC000  }
0xd0: {  	[tilespmem:s14], [sflag:$0x1] =	stream.indirect.gather [hbm4b:s4+s13], $0x80, s24, s13, $0xb8;
	[tilespmem:$0x1C800] =	vst v63  }
0xd1: {  	_ =	swait.ge [sflag:s19], $0x4000  }
0xd2: {  	[sflag:s19] =	ssyncset.done $0x0  }
0xd3: {  	[sflag:s19] =	ssyncadd.s32 $0xFFFFC000  }
0xd4: {  	[spmem:s2] =	stream.indirect.scatter.add.f32 [tilespmem:s15], [sflag:$0x4], $0x80, s25, s13, $0xb8;
	[tilespmem:$0x1C800] =	vst v63  }
0xd5: {  	_ =	swait.ge [sflag:s21], $0x4000  }
0xd6: {  	[sflag:s21] =	ssyncset.done $0x0  }
0xd7: {  	[sflag:s21] =	ssyncadd.s32 $0xFFFFC000  }
0xd8: {  	[tilespmem:s15], [sflag:$0x2] =	stream.indirect.gather [hbm4b:s4+s13], $0x80, s26, s13, $0xb8;
	[tilespmem:$0x1C800] =	vst v63  }
0xd9: {  	_ =	swait.ge [sflag:s16], $0x4000  }
0xda: {  	[sflag:s16] =	ssyncset.done $0x0  }
0xdb: {  	[sflag:s16] =	ssyncadd.s32 $0xFFFFC000  }
0xdc: {  	[spmem:s2] =	stream.indirect.scatter.add.f32 [tilespmem:s14], [sflag:$0x3], $0x80, s28, s13, $0xb8;
	[tilespmem:$0x1C800] =	vst v63  }
0xdd: {  	_ =	swait.ge [sflag:s17], $0x4000  }
0xde: {  	[sflag:s17] =	ssyncset.done $0x0  }
0xdf: {  	[sflag:s17] =	ssyncadd.s32 $0xFFFFC000  }
0xe0: {  	[tilespmem:s14], [sflag:$0x1] =	stream.indirect.gather [hbm4b:s4+s13], $0x80, s29, s13, $0xb8;
	[tilespmem:$0x1C800] =	vst v63  }
0xe1: {  	_ =	swait.ge [sflag:s19], $0x4000  }
0xe2: {  	[sflag:s19] =	ssyncset.done $0x0  }
0xe3: {  	[sflag:s19] =	ssyncadd.s32 $0xFFFFC000  }
0xe4: {  	[spmem:s2] =	stream.indirect.scatter.add.f32 [tilespmem:s15], [sflag:$0x4], $0x80, s30, s13, $0xb8;
	[tilespmem:$0x1C800] =	vst v63  }
0xe5: {  	_ =	swait.ge [sflag:s21], $0x4000  }
0xe6: {  	[sflag:s21] =	ssyncset.done $0x0  }
0xe7: {  	[sflag:s21] =	ssyncadd.s32 $0xFFFFC000  }
0xe8: {  	[tilespmem:s15], [sflag:$0x2] =	stream.indirect.gather [hbm4b:s4+s13], $0x80, s31, s13, $0xb8;
	[tilespmem:$0x1C800] =	vst v63  }
0xe9: {  	_ =	swait.ge [sflag:s16], $0x4000  }
0xea: {  	[sflag:s16] =	ssyncset.done $0x0  }
0xeb: {  	[sflag:s16] =	ssyncadd.s32 $0xFFFFC000  }
0xec: {  	[spmem:s2] =	stream.indirect.scatter.add.f32 [tilespmem:s14], [sflag:$0x3], $0x80, s1, s13, $0xb8;
	[tilespmem:$0x1C800] =	vst v63  }
0xed: {  	_ =	swait.ge [sflag:s19], $0x4000  }
0xee: {  	[sflag:s19] =	ssyncset.done $0x0  }
0xef: {  	[sflag:s19] =	ssyncadd.s32 $0xFFFFC000  }
0xf0: {  	[spmem:s2] =	stream.indirect.scatter.add.f32 [tilespmem:s15], [sflag:$0x4], $0x80, s0, s13, $0xb8;
	[tilespmem:$0x1C800] =	vst v63  }
0xf1: {  	_ =	swait.ge [sflag:s17], $0x4000  }
0xf2: {  	[sflag:s17] =	ssyncset.done $0x0  }
0xf3: {  	[sflag:s17] =	ssyncadd.s32 $0xFFFFC000  }
0xf4: {  	_ =	swait.ge [sflag:s21], $0x4000  }
0xf5: {  	[sflag:s21] =	ssyncset.done $0x0  }
0xf6: {  	[sflag:s21] =	ssyncadd.s32 $0xFFFFC000  }
0xf7: {  	[bflag:$0x0] =	sbarrier.arrive $0xFFFF  }
0xf8: {  	s7 =	rddreg [dreg:$0x5]  }
0xf9: {  	s8 =	rddreg [dreg:$0x6]  }
0xfa: {  	s6 =	rddreg [dreg:$0x8]  }
0xfb: {  	[hbm:s8], [sflag:s7] =	dma.local [spmem:s6], $0x2800  }
0xfc: {  	_ =	swait.ge [sflag:s11], $0x2800  }
0xfd: {  	s8 =	rddreg [dreg:$0x9]  }
0xfe: {  	s10 =	rddreg [dreg:$0x7];
	s8 =	sadd.s32 $0x1, s8  }
0xff: {  	p0 =	sne.s32 s8, s10  }
.Ltmp1:
0x100: {  	_ = 	snop;
	(pc) =	sbr.rel @p0 .LBB2_1-.Ltmp1, $3  }
0x101: {  	_ =	sdelay $0x1  }
0x102: {  	[sflag:s11] =	ssyncset.done $0x0  }
0x103: {  	[sflag:s11] =	ssyncadd.s32 $0xFFFFD800  }
0x104: {  	_ =	sfence.sel $0x180000  }
0x105: {  	[bflag:$0x0] =	sbarrier.arrive $0xFFFF  }
0x106: {  	_ =	strace $0x90000053  }
0x107: {  	s0 =	stileid.u32;
	[bflag:$0x2] =	sbarrier.arrive $0xFFFF  }
0x108: {  	p0 =	sne.s32 s0, $0x0;
	s0 =	rddreg [dreg:$0x2]  }
0x109: {  	s0 =	sadd.s32 @!p0 $0x100000, s0  }
0x10a: {  	[sflag:s0] =	ssyncadd.tile.s32 @!p0 $0x1;
	_ =	shalt  }
.Lfunc_end2:
_tile_overlayer_lowered:
.L_overlay_start_2:
0x10b: {  	(tag) =	ssettag $0x2  }
0x10c: {  	s0 =	rddreg [dreg:$0x0];
	s2 =	stileid.u32  }
0x10d: {  	s1 =	rddreg [dreg:$0x1];
	p0 =	sne.s32 s2, $0x0  }
0x10e: {  	s3 =	rddreg [dreg:$0x2];
	[bflag:$0x3] =	sbarrier.arrive $0xFFFF;
	s2 =	simm.s32 @!p0 $0x1C05  }
0x10f: {  	[timem:s3], [sflag:s2] =	dma.local @!p0 [hbm:s0], s1  }
0x110: {  	s0 =	simm.s32 @!p0 $0x5  }
0x111: {  	_ =	swait.ge @!p0 [sflag:s0], s1  }
0x112: {  	s1 =	ssub.s32 @!p0 $0x0, s1;
	[sflag:s0] =	ssyncset.done @!p0 $0x0  }
0x113: {  	[sflag:s0] =	ssyncadd.s32 @!p0 s1  }
0x114: {  	[bflag:$0x3] =	sbarrier.arrive $0xFFFF  }
0x115: {  	_ =	shalt  }

// kernel: kernel.29.cloned.1.call-start
scs
__scs_entry_jumppad:
0x0: {  	(pc) =	sbr.rel $0x88, $3  }
0x1: {  	(tag) =	ssettag $0x0;
	lr =	simm.s32 $0x1  }
0x2: {  	[smem:$0x3F8C] =	sst lr;
	_ =	strace $0xD0000000  }
0x3: {  	_ = 	snop  }
0x4: {  	_ = 	snop  }
0x5: {  	_ = 	snop  }
0x6: {  	_ = 	snop  }
0x7: {  	_ = 	snop  }
__scs_overlays_trampoline_lowered:
0x8: {  	[smem:$0x3F9B] =	sst s0  }
0x9: {  	[smem:$0x3F9C] =	sst s1  }
0xa: {  	[smem:$0x3F9D] =	sst s2  }
0xb: {  	[smem:$0x3F9E] =	sst s3  }
0xc: {  	[smem:$0x3F9F] =	sst s4  }
0xd: {  	[smem:$0x3FA0] =	sst s5  }
0xe: {  	[smem:$0x3FA1] =	sst s6  }
0xf: {  	[smem:$0x3FA2] =	sst s7  }
0x10: {  	[smem:$0x3FA3] =	sst s8  }
0x11: {  	[smem:$0x3FA4] =	sst s9;
	s0 =	simm.s32 @!p0 $0x0  }
0x12: {  	s1 =	sld [smem:$0x3F8A];
	s0 =	simm.s32 @p0 $0x1  }
0x13: {  	[smem:$0x3FA5] =	sst s0;
	s0 =	simm.s32 @!p1 $0x0  }
0x14: {  	s2 =	sld [smem:$0x3F89];
	s0 =	simm.s32 @p1 $0x1  }
0x15: {  	[smem:$0x3FA6] =	sst s0;
	s0 =	simm.s32 @!p2 $0x0  }
0x16: {  	s3 =	sld [smem:$0x3FDB];
	s0 =	simm.s32 @p2 $0x1  }
0x17: {  	s4 =	simm.s32 $0x1BF5;
	[smem:$0x3FA8] =	sst s0  }
0x18: {  	s0 =	sld [smem:$0x3F8B];
	_ =	swait.ge [sflag:s4], $0x0  }
0x19: {  	s7 =	sld [smem:$0x3F8C]  }
0x1a: {  	s8 =	sadd.s32 $0xFFFFE003, lr  }
0x1b: {  	s9 =	sadd.s32 $0xFFFFFEF7, lr;
	s5 =	simm.s32 $0xFFFFFFFF;
	p2 =	slt.u32 s8, $0xFFFFF086  }
0x1c: {  	p1 =	slt.u32 s9, $0xF7A;
	s5 =	simm.s32 @!p2 $0x0  }
0x1d: {  	s5 =	simm.s32 @p1 $0x1;
	p0 =	seq.s32 s7, s2  }
0x1e: {  	s7 =	smul.u32 @!p0 $0xF7A, s2;
	p2 =	seq.s32 @!p0 s5, $0x0  }
0x1f: {  	s9 =	smul.u32 $0xF7A, s1;
	s8 =	simm.s32 @!p0 $0x1BF5;
	p2 =	por !p2, p0  }
0x20: {  	[sflag:s8] =	ssyncset.s32 @!p0 $0xFFFFF086;
	s6 =	sadd.s32 @!p0 s3, s7;
	s7 =	simm.s32 @!p0 $0x108  }
0x21: {  	s3 =	sadd.s32 s3, s9;
	s6 =	sadd.s32 @!p0 $0x88, s6;
	s7 =	simm.s32 @p2 $0x1082  }
0x22: {  	[simem:s7], [sflag:s8] =	dma.local @!p0 [hbm:s6], $0xF7A  }
0x23: {  	s9 =	sor.u32 $0xD0000000, s2;
	s6 =	simm.s32 $0x108;
	_ =	swait.ge @!p0 [sflag:s8], $0x0  }
0x24: {  	s3 =	sadd.s32 $0x88, s3;
	s6 =	simm.s32 @!p1 $0x1082;
	[sflag:s4] =	ssyncset.s32 $0xFFFFF086  }
0x25: {  	[simem:s6], [sflag:s4] =	dma.local [hbm:s3], $0xF7A  }
0x26: {  	[smem:$0x3F8C] =	sst s1;
	(tag) =	ssettag s2;
	_ =	strace s9  }
0x27: {  	s1 =	sld [smem:$0x3F9C]  }
0x28: {  	s2 =	sld [smem:$0x3F9D]  }
0x29: {  	s4 =	sld [smem:$0x3F9F]  }
0x2a: {  	p0 =	seq.s32 s5, $0x0;
	s5 =	sld [smem:$0x3FA0]  }
0x2b: {  	s6 =	sld [smem:$0x3FA1]  }
0x2c: {  	s7 =	sld [smem:$0x3FA2]  }
0x2d: {  	s3 =	simm.s32 $0x108;
	s8 =	sld [smem:$0x3FA3]  }
0x2e: {  	s3 =	simm.s32 @!p0 $0x1082;
	s9 =	sld [smem:$0x3FA4]  }
0x2f: {  	lr =	sadd.s32 s0, s3;
	s0 =	sld [smem:$0x3F9B]  }
0x30: {  	s3 =	sld [smem:$0x3F9E]  }
0x31: {  	[smem:$0x3FA7] =	sst s10  }
0x32: {  	s10 =	sld [smem:$0x3FA5];
	_ =	sdelay $0x3  }
0x33: {  	p0 =	seq.s32 s10, $0x1;
	s10 =	sld [smem:$0x3FA7];
	_ =	sdelay $0x3  }
0x34: {  	[smem:$0x3FA7] =	sst s10  }
0x35: {  	s10 =	sld [smem:$0x3FA6];
	_ =	sdelay $0x3  }
0x36: {  	p1 =	seq.s32 s10, $0x1;
	s10 =	sld [smem:$0x3FA7];
	_ =	sdelay $0x3  }
0x37: {  	[smem:$0x3FA7] =	sst s10  }
0x38: {  	s10 =	sld [smem:$0x3FA8]  }
0x39: {  	_ = 	snop;
	(pc) =	sbr.ind lr, $3  }
0x3a: {  	_ = 	snop  }
0x3b: {  	_ = 	snop  }
0x3c: {  	p2 =	seq.s32 s10, $0x1;
	s10 =	sld [smem:$0x3FA7]  }
0x3d: {  	_ =	shalt  }
0x3e: {  	_ =	shalt  }
0x3f: {  	_ =	shalt  }
0x40: {  	_ =	shalt  }
0x41: {  	_ =	shalt  }
0x42: {  	_ =	shalt  }
0x43: {  	_ =	shalt  }
0x44: {  	_ =	shalt  }
0x45: {  	_ =	shalt  }
0x46: {  	_ =	shalt  }
0x47: {  	_ =	shalt  }
0x48: {  	_ =	shalt  }
0x49: {  	_ =	shalt  }
0x4a: {  	_ =	shalt  }
0x4b: {  	_ =	shalt  }
0x4c: {  	_ =	shalt  }
0x4d: {  	_ =	shalt  }
0x4e: {  	_ =	shalt  }
0x4f: {  	_ =	shalt  }
0x50: {  	_ =	shalt  }
0x51: {  	_ =	shalt  }
0x52: {  	_ =	shalt  }
0x53: {  	_ =	shalt  }
0x54: {  	_ =	shalt  }
0x55: {  	_ =	shalt  }
0x56: {  	_ =	shalt  }
0x57: {  	_ =	shalt  }
0x58: {  	_ =	shalt  }
0x59: {  	_ =	shalt  }
0x5a: {  	_ =	shalt  }
0x5b: {  	_ =	shalt  }
0x5c: {  	_ =	shalt  }
0x5d: {  	_ =	shalt  }
0x5e: {  	_ =	shalt  }
0x5f: {  	_ =	shalt  }
0x60: {  	_ =	shalt  }
0x61: {  	_ =	shalt  }
0x62: {  	_ =	shalt  }
0x63: {  	_ =	shalt  }
0x64: {  	_ =	shalt  }
0x65: {  	_ =	shalt  }
0x66: {  	_ =	shalt  }
0x67: {  	_ =	shalt  }
0x68: {  	_ =	shalt  }
0x69: {  	_ =	shalt  }
0x6a: {  	_ =	shalt  }
0x6b: {  	_ =	shalt  }
0x6c: {  	_ =	shalt  }
0x6d: {  	_ =	shalt  }
0x6e: {  	_ =	shalt  }
0x6f: {  	_ =	shalt  }
0x70: {  	_ =	shalt  }
0x71: {  	_ =	shalt  }
0x72: {  	_ =	shalt  }
0x73: {  	_ =	shalt  }
0x74: {  	_ =	shalt  }
0x75: {  	_ =	shalt  }
0x76: {  	_ =	shalt  }
0x77: {  	_ =	shalt  }
0x78: {  	_ =	shalt  }
0x79: {  	_ =	shalt  }
0x7a: {  	_ =	shalt  }
0x7b: {  	_ =	shalt  }
0x7c: {  	_ =	shalt  }
0x7d: {  	_ =	shalt  }
0x7e: {  	_ =	shalt  }
0x7f: {  	_ =	shalt  }
0x80: {  	_ =	shalt  }
0x81: {  	_ =	shalt  }
0x82: {  	_ =	shalt  }
0x83: {  	_ =	shalt  }
0x84: {  	_ =	shalt  }
0x85: {  	_ =	shalt  }
0x86: {  	_ =	shalt  }
0x87: {  	_ =	shalt  }
.Lfunc_end0:
.L_simem_size_0:
called_computation.5_lowered:
.L_overlay_start_0:
0x88: {  	s2 =	sld [smem:$0x3FD9]  }
0x89: {  	s3 =	sld [smem:$0x3FFE];
	_ =	sdelay $0x1  }
0x8a: {  	s1 =	srdreg.scid  }
0x8b: {  	s0 =	sand.u32 $0x1, s1  }
0x8c: {  	s16 =	sshll.u32 s0, $0xA;
	s2 =	sadd.s32 s3, s2  }
0x8d: {  	s2 =	sadd.s32 s2, s16  }
0x8e: {  	[smem:$0x3FB3] =	sst s2  }
0x8f: {  	_ = 	snop  }
0x90: {  	(tm) =	ssettm $0x1  }
0x91: {  	s17 =	sld [smem:$0x3FFB];
	_ =	sdelay $0x3  }
0x92: {  	_ =	strace s17  }
0x93: {  	s2 =	sld [smem:$0x3FFC];
	_ =	sdelay $0x3  }
0x94: {  	_ =	strace s2  }
0x95: {  	s2 =	sld [smem:$0x3FFD];
	_ =	sdelay $0x3  }
0x96: {  	_ =	strace s2  }
0x97: {  	_ =	strace $0x8FFFFFFF  }
0x98: {  	s18 =	sld [smem:$0x3FDB];
	_ =	sdelay $0x1  }
0x99: {  	s19 =	simm.s32 $_scs_section_size  }
0x9a: {  	s4 =	simm.s32 $_size__tile_overlayer_lowered;
	s5 =	simm.s32 $_tile_overlayer_lowered  }
0x9b: {  	s22 =	simm.s32 $0x1BFF;
	s21 =	sshll.u32 s5, $0x1;
	s2 =	sadd.s32 s19, s18  }
0x9c: {  	s6 =	simm.s32 $0x0;
	s20 =	sshll.u32 s4, $0x1;
	s4 =	sadd.s32 s21, s2  }
0x9d: {  	[timem:s6], [sflag:s22] =	dma.local [hbm:s4], s20  }
0x9e: {  	_ =	swait.ge [sflag:s22], s20  }
0x9f: {  	s3 =	ssub.s32 $0x0, s20;
	[sflag:s22] =	ssyncset.done $0x0  }
0xa0: {  	[sflag:s22] =	ssyncadd.s32 s3;
	_ =	sdelay $0x1  }
0xa1: {  	s23 =	simm.s32 $0x1B8B  }
0xa2: {  	_ =	swait.ge [sflag:s23], $0x1  }
0xa3: {  	[sflag:s23] =	ssyncset.done $0x0  }
0xa4: {  	s25 =	simm.s32 $0x1B8E;
	s24 =	sld [smem:$0x3FFE];
	[sflag:s23] =	ssyncadd.s32 $0xFFFFFFFF  }
0xa5: {  	s26 =	simm.s32 $execute0_lowered;
	[smem:$0x3FD2] =	sst s25  }
0xa6: {  	s4 =	sshll.u32 s26, $0x1;
	_ =	strace $0x80000055;
	[dreg:$0x1] =	wrdreg $0xFFFFFFFF  }
0xa7: {  	s28 =	simm.s32 $_size_execute0_lowered;
	s2 =	sadd.s32 s2, s4;
	[dreg:$0x0] =	wrdreg $0x0  }
0xa8: {  	s4 =	sshll.u32 s28, $0x1;
	[dreg:$0x2] =	wrdreg s2  }
0xa9: {  	[dreg:$0x3] =	wrdreg s4  }
0xaa: {  	[dreg:$0x4] =	wrdreg $0xC0  }
0xab: {  	_ =	task [dreg:s6], $0x5FFFF  }
0xac: {  	[dreg:$0x1] =	wrdreg $0xFFFFFFFF  }
0xad: {  	[dreg:$0x0] =	wrdreg $0x60  }
0xae: {  	[dreg:$0x2] =	wrdreg s24  }
0xaf: {  	[dreg:$0x3] =	wrdreg $0x88000  }
0xb0: {  	[dreg:$0x4] =	wrdreg $0x9  }
0xb1: {  	_ =	task.clear_ibuf [dreg:s6], $0x5FFFF;
	_ =	strace $0x90000055  }
0xb2: {  	s29 =	simm.s32 $0x9;
	_ =	strace $0x80000057  }
0xb3: {  	_ =	swait.ge [sflag:s29], $0x1  }
0xb4: {  	[sflag:s29] =	ssyncadd.s32 $0xFFFFFFFF  }
0xb5: {  	_ =	strace $0x90000057  }
0xb6: {  	_ =	sfence  }
0xb7: {  	s30 =	sld [smem:$0x0];
	_ =	sdelay $0x2  }
0xb8: {  	s31 =	sshll.u32 s1, $0xD;
	s1 =	sshrl.u32 s1, $0x2  }
0xb9: {  	s3 =	sand.u32 $0x4000, s31;
	s1 =	sadd.s32 s1, s30  }
0xba: {  	s0 =	sor.u32 s3, s0;
	s1 =	sshll.u32 s1, $0x11  }
0xbb: {  	s0 =	sor.u32 s1, s0  }
0xbc: {  	s0 =	sadd.s32 $0x8F2B, s0  }
0xbd: {  	[sflag:s0] =	ssyncadd.remote.s32 $0x1  }
0xbe: {  	_ =	sfence.sel $0xFFFF  }
0xbf: {  	[dreg:$0x0] =	wrdreg $0xFFFFFFFF;
	(pc) =	sbr.abs _section_cstart, $3  }
0xc0: {  	[dreg:$0x1] =	wrdreg $0xFFFFFFFF  }
0xc1: {  	_ =	task.clear_ibuf [dreg:s6], $0x2FFFF;
	_ =	strace $0x9FFFFFFF  }
0xc2: {  	(tm) =	ssettm $0x7FFFFFFF  }
0xc3: {  	_ =	shalt  }
tec
execute0_lowered:
.L_overlay_start_1:
0x0: {  	(tag) =	ssettag $0x1  }
0x1: {  	s0 =	rddreg [dreg:$0x0];
	s1 =	srdreg.scid  }
0x2: {  	s8 =	stileid.u32;
	s2 =	rddreg [dreg:$0x1]  }
0x3: {  	s3 =	simm.s32 $0x0;
	s11 =	simm.s32 $0x5;
	s12 =	simm.s32 $0x400  }
0x4: {  	s13 =	simm.s32 $0x80;
	s14 =	simm.s32 $0x800;
	s15 =	simm.s32 $0x4800  }
0x5: {  	s16 =	simm.s32 $0x1;
	s17 =	simm.s32 $0x3;
	s18 =	simm.s32 $0x100  }
0x6: {  	s19 =	simm.s32 $0x2;
	s20 =	simm.s32 $0x480;
	s21 =	simm.s32 $0x4  }
0x7: {  	s22 =	simm.s32 $0x180;
	s28 =	simm.s32 $0x600;
	s29 =	simm.s32 $0x300  }
0x8: {  	s30 =	simm.s32 $0x680;
	s31 =	simm.s32 $0x380;
	s4 =	smul.u32 $0x2800, s8  }
0x9: {  	s1 =	sand.u32 $0x1, s1;
	[smem:$0x7FF] =	sst s3;
	s7 =	smul.u32 $0x50000, s8  }
0xa: {  	s9 =	sadd.s32 $0x11600, s0;
	s25 =	sshll.u32 s8, $0x6;
	s8 =	simm.s32 $0x0  }
0xb: {  	s5 =	smul.u32 $0x28000, s1;
	_ =	strace $0x80000056;
	s1 =	ssub.s32 $0x2, s1  }
0xc: {  	[dreg:$0x4] =	wrdreg s9;
	s23 =	sshrl.u32 s1, $0x1;
	s7 =	sshrl.u32 s7, $0x2  }
0xd: {  	s5 =	sadd.s32 s4, s5;
	s4 =	sadd.s32 $0x3B000, s0;
	s1 =	ssub.s32 s1, s23  }
0xe: {  	s24 =	sadd.s32 s7, s2;
	s7 =	sor.u32 $0x1C05, s25;
	s23 =	simm.s32 $0x500  }
0xf: {  	s25 =	simm.s32 $0x580;
	s6 =	sshrl.u32 s5, $0x3;
	s1 =	smax.u32 s1, $0x1  }
0x10: {  	[dreg:$0x5] =	wrdreg s7;
	s6 =	sadd.s32 s6, s0;
	s0 =	sadd.s32 s5, s0  }
0x11: {  	[dreg:$0x7] =	wrdreg s1;
	s1 =	simm.s32 $0x700;
	s0 =	sadd.s32 $0x95000, s0  }
0x12: {  	s26 =	sadd.s32 $0x7600, s6;
	s9 =	sadd.s32 $0x63E00, s6;
	[dreg:$0x6] =	wrdreg s0  }
0x13: {  	s6 =	sshrl.u32 s24, $0x3;
	s24 =	simm.s32 $0x200;
	[dreg:$0x3] =	wrdreg s26  }
0x14: {  	s26 =	simm.s32 $0x280;
	s0 =	simm.s32 $0x780;
	[dreg:$0x8] =	wrdreg s6  }
.LBB2_1:
0x15: {  	[dreg:$0x9] =	wrdreg s8  }
0x16: {  	s5 =	rddreg [dreg:$0x4]  }
0x17: {  	[spmem:s6], [sflag:s7] =	dma.local [hbm:s5], $0x2800  }
0x18: {  	_ =	swait.ge [sflag:s11], $0x2800  }
0x19: {  	[sflag:s11] =	ssyncset.done $0x0  }
0x1a: {  	[sflag:s11] =	ssyncadd.s32 $0xFFFFD800  }
0x1b: {  	s8 =	sadd.s32 $0x0, s9;
	[bflag:$0x0] =	sbarrier.arrive $0xFFFF  }
0x1c: {  	[tilespmem:s3], [sflag:$0x5] =	stream.linear.gather [hbm4b:s8+s3], $0x400, $0x38;
	[tilespmem:$0x1C800] =	vst v63  }
0x1d: {  	_ =	swait.ge [sflag:s11], $0x400  }
0x1e: {  	s10 =	rddreg [dreg:$0x3];
	[sflag:s11] =	ssyncset.done $0x0  }
0x1f: {  	[sflag:s11] =	ssyncadd.s32 $0xFFFFFC00;
	s6 =	sadd.s32 $0x0, s10  }
0x20: {  	[tilespmem:s12], [sflag:$0x5] =	stream.linear.gather [hbm4b:s6+s3], $0x400, $0x38;
	[tilespmem:$0x1C800] =	vst v63  }
0x21: {  	_ =	swait.ge [sflag:s11], $0x400  }
0x22: {  	[sflag:s11] =	ssyncset.done $0x0  }
0x23: {  	[sflag:s11] =	ssyncadd.s32 $0xFFFFFC00  }
0x24: {  	[tilespmem:s14], [sflag:$0x1] =	stream.indirect.gather [hbm4b:s4+s13], $0x80, s3, s13, $0xb8;
	[tilespmem:$0x1C800] =	vst v63  }
0x25: {  	_ = 	snop  }
0x26: {  	[tilespmem:s15], [sflag:$0x2] =	stream.indirect.gather [hbm4b:s4+s13], $0x80, s13, s13, $0xb8;
	[tilespmem:$0x1C800] =	vst v63  }
0x27: {  	_ =	swait.ge [sflag:s16], $0x4000  }
0x28: {  	[sflag:s16] =	ssyncset.done $0x0  }
0x29: {  	[sflag:s16] =	ssyncadd.s32 $0xFFFFC000  }
0x2a: {  	[spmem:s2] =	stream.indirect.scatter.add.f32 [tilespmem:s14], [sflag:$0x3], $0x80, s12, s13, $0xb8;
	[tilespmem:$0x1C800] =	vst v63  }
0x2b: {  	_ =	swait.ge [sflag:s17], $0x4000  }
0x2c: {  	[sflag:s17] =	ssyncset.done $0x0  }
0x2d: {  	[sflag:s17] =	ssyncadd.s32 $0xFFFFC000  }
0x2e: {  	[tilespmem:s14], [sflag:$0x1] =	stream.indirect.gather [hbm4b:s4+s13], $0x80, s18, s13, $0xb8;
	[tilespmem:$0x1C800] =	vst v63  }
0x2f: {  	_ =	swait.ge [sflag:s19], $0x4000  }
0x30: {  	[sflag:s19] =	ssyncset.done $0x0  }
0x31: {  	[sflag:s19] =	ssyncadd.s32 $0xFFFFC000  }
0x32: {  	[spmem:s2] =	stream.indirect.scatter.add.f32 [tilespmem:s15], [sflag:$0x4], $0x80, s20, s13, $0xb8;
	[tilespmem:$0x1C800] =	vst v63  }
0x33: {  	_ =	swait.ge [sflag:s21], $0x4000  }
0x34: {  	[sflag:s21] =	ssyncset.done $0x0  }
0x35: {  	[sflag:s21] =	ssyncadd.s32 $0xFFFFC000  }
0x36: {  	[tilespmem:s15], [sflag:$0x2] =	stream.indirect.gather [hbm4b:s4+s13], $0x80, s22, s13, $0xb8;
	[tilespmem:$0x1C800] =	vst v63  }
0x37: {  	_ =	swait.ge [sflag:s16], $0x4000  }
0x38: {  	[sflag:s16] =	ssyncset.done $0x0  }
0x39: {  	[sflag:s16] =	ssyncadd.s32 $0xFFFFC000  }
0x3a: {  	[spmem:s2] =	stream.indirect.scatter.add.f32 [tilespmem:s14], [sflag:$0x3], $0x80, s23, s13, $0xb8;
	[tilespmem:$0x1C800] =	vst v63  }
0x3b: {  	_ =	swait.ge [sflag:s17], $0x4000  }
0x3c: {  	[sflag:s17] =	ssyncset.done $0x0  }
0x3d: {  	[sflag:s17] =	ssyncadd.s32 $0xFFFFC000  }
0x3e: {  	[tilespmem:s14], [sflag:$0x1] =	stream.indirect.gather [hbm4b:s4+s13], $0x80, s24, s13, $0xb8;
	[tilespmem:$0x1C800] =	vst v63  }
0x3f: {  	_ =	swait.ge [sflag:s19], $0x4000  }
0x40: {  	[sflag:s19] =	ssyncset.done $0x0  }
0x41: {  	[sflag:s19] =	ssyncadd.s32 $0xFFFFC000  }
0x42: {  	[spmem:s2] =	stream.indirect.scatter.add.f32 [tilespmem:s15], [sflag:$0x4], $0x80, s25, s13, $0xb8;
	[tilespmem:$0x1C800] =	vst v63  }
0x43: {  	_ =	swait.ge [sflag:s21], $0x4000  }
0x44: {  	[sflag:s21] =	ssyncset.done $0x0  }
0x45: {  	[sflag:s21] =	ssyncadd.s32 $0xFFFFC000  }
0x46: {  	[tilespmem:s15], [sflag:$0x2] =	stream.indirect.gather [hbm4b:s4+s13], $0x80, s26, s13, $0xb8;
	[tilespmem:$0x1C800] =	vst v63  }
0x47: {  	_ =	swait.ge [sflag:s16], $0x4000  }
0x48: {  	[sflag:s16] =	ssyncset.done $0x0  }
0x49: {  	[sflag:s16] =	ssyncadd.s32 $0xFFFFC000  }
0x4a: {  	[spmem:s2] =	stream.indirect.scatter.add.f32 [tilespmem:s14], [sflag:$0x3], $0x80, s28, s13, $0xb8;
	[tilespmem:$0x1C800] =	vst v63  }
0x4b: {  	_ =	swait.ge [sflag:s17], $0x4000  }
0x4c: {  	[sflag:s17] =	ssyncset.done $0x0  }
0x4d: {  	[sflag:s17] =	ssyncadd.s32 $0xFFFFC000  }
0x4e: {  	[tilespmem:s14], [sflag:$0x1] =	stream.indirect.gather [hbm4b:s4+s13], $0x80, s29, s13, $0xb8;
	[tilespmem:$0x1C800] =	vst v63  }
0x4f: {  	_ =	swait.ge [sflag:s19], $0x4000  }
0x50: {  	[sflag:s19] =	ssyncset.done $0x0  }
0x51: {  	[sflag:s19] =	ssyncadd.s32 $0xFFFFC000  }
0x52: {  	[spmem:s2] =	stream.indirect.scatter.add.f32 [tilespmem:s15], [sflag:$0x4], $0x80, s30, s13, $0xb8;
	[tilespmem:$0x1C800] =	vst v63  }
0x53: {  	_ =	swait.ge [sflag:s21], $0x4000  }
0x54: {  	[sflag:s21] =	ssyncset.done $0x0  }
0x55: {  	[sflag:s21] =	ssyncadd.s32 $0xFFFFC000  }
0x56: {  	[tilespmem:s15], [sflag:$0x2] =	stream.indirect.gather [hbm4b:s4+s13], $0x80, s31, s13, $0xb8;
	[tilespmem:$0x1C800] =	vst v63  }
0x57: {  	_ =	swait.ge [sflag:s16], $0x4000  }
0x58: {  	[sflag:s16] =	ssyncset.done $0x0  }
0x59: {  	[sflag:s16] =	ssyncadd.s32 $0xFFFFC000  }
0x5a: {  	[spmem:s2] =	stream.indirect.scatter.add.f32 [tilespmem:s14], [sflag:$0x3], $0x80, s1, s13, $0xb8;
	[tilespmem:$0x1C800] =	vst v63  }
0x5b: {  	_ =	swait.ge [sflag:s19], $0x4000  }
0x5c: {  	[sflag:s19] =	ssyncset.done $0x0  }
0x5d: {  	[sflag:s19] =	ssyncadd.s32 $0xFFFFC000  }
0x5e: {  	[spmem:s2] =	stream.indirect.scatter.add.f32 [tilespmem:s15], [sflag:$0x4], $0x80, s0, s13, $0xb8;
	[tilespmem:$0x1C800] =	vst v63  }
0x5f: {  	_ =	swait.ge [sflag:s17], $0x4000  }
0x60: {  	[sflag:s17] =	ssyncset.done $0x0  }
0x61: {  	[sflag:s17] =	ssyncadd.s32 $0xFFFFC000  }
0x62: {  	_ =	swait.ge [sflag:s21], $0x4000  }
0x63: {  	s7 =	simm.s32 $0x80;
	s8 =	simm.s32 $0x100;
	[sflag:s21] =	ssyncset.done $0x0  }
.LBB2_2:
0x64: {  	s10 =	sadd.s32 s7, s9;
	[sflag:s21] =	ssyncadd.s32 $0xFFFFC000  }
0x65: {  	[tilespmem:s3], [sflag:$0x5] =	stream.linear.gather [hbm4b:s10+s3], $0x400, $0x38;
	[tilespmem:$0x1C800] =	vst v63  }
0x66: {  	s5 =	smov.u32 s8;
	_ =	swait.ge [sflag:s11], $0x400  }
0x67: {  	s6 =	sadd.s32 $0x80, s8;
	s10 =	rddreg [dreg:$0x3];
	[sflag:s11] =	ssyncset.done $0x0  }
0x68: {  	p0 =	sne.s32 s8, $0x480;
	[sflag:s11] =	ssyncadd.s32 $0xFFFFFC00;
	s8 =	sadd.s32 s7, s10  }
0x69: {  	[tilespmem:s12], [sflag:$0x5] =	stream.linear.gather [hbm4b:s8+s3], $0x400, $0x38;
	[tilespmem:$0x1C800] =	vst v63  }
0x6a: {  	_ =	swait.ge [sflag:s11], $0x400  }
0x6b: {  	[sflag:s11] =	ssyncset.done $0x0  }
0x6c: {  	[sflag:s11] =	ssyncadd.s32 $0xFFFFFC00  }
0x6d: {  	[tilespmem:s14], [sflag:$0x1] =	stream.indirect.gather [hbm4b:s4+s13], $0x80, s3, s13, $0xb8;
	[tilespmem:$0x1C800] =	vst v63  }
0x6e: {  	_ = 	snop  }
0x6f: {  	[tilespmem:s15], [sflag:$0x2] =	stream.indirect.gather [hbm4b:s4+s13], $0x80, s13, s13, $0xb8;
	[tilespmem:$0x1C800] =	vst v63  }
0x70: {  	_ =	swait.ge [sflag:s16], $0x4000  }
0x71: {  	[sflag:s16] =	ssyncset.done $0x0  }
0x72: {  	[sflag:s16] =	ssyncadd.s32 $0xFFFFC000  }
0x73: {  	[spmem:s2] =	stream.indirect.scatter.add.f32 [tilespmem:s14], [sflag:$0x3], $0x80, s12, s13, $0xb8;
	[tilespmem:$0x1C800] =	vst v63  }
0x74: {  	_ =	swait.ge [sflag:s17], $0x4000  }
0x75: {  	[sflag:s17] =	ssyncset.done $0x0  }
0x76: {  	[sflag:s17] =	ssyncadd.s32 $0xFFFFC000  }
0x77: {  	[tilespmem:s14], [sflag:$0x1] =	stream.indirect.gather [hbm4b:s4+s13], $0x80, s18, s13, $0xb8;
	[tilespmem:$0x1C800] =	vst v63  }
0x78: {  	_ =	swait.ge [sflag:s19], $0x4000  }
0x79: {  	[sflag:s19] =	ssyncset.done $0x0  }
0x7a: {  	[sflag:s19] =	ssyncadd.s32 $0xFFFFC000  }
0x7b: {  	[spmem:s2] =	stream.indirect.scatter.add.f32 [tilespmem:s15], [sflag:$0x4], $0x80, s20, s13, $0xb8;
	[tilespmem:$0x1C800] =	vst v63  }
0x7c: {  	_ =	swait.ge [sflag:s21], $0x4000  }
0x7d: {  	[sflag:s21] =	ssyncset.done $0x0  }
0x7e: {  	[sflag:s21] =	ssyncadd.s32 $0xFFFFC000  }
0x7f: {  	[tilespmem:s15], [sflag:$0x2] =	stream.indirect.gather [hbm4b:s4+s13], $0x80, s22, s13, $0xb8;
	[tilespmem:$0x1C800] =	vst v63  }
0x80: {  	_ =	swait.ge [sflag:s16], $0x4000  }
0x81: {  	[sflag:s16] =	ssyncset.done $0x0  }
0x82: {  	[sflag:s16] =	ssyncadd.s32 $0xFFFFC000  }
0x83: {  	[spmem:s2] =	stream.indirect.scatter.add.f32 [tilespmem:s14], [sflag:$0x3], $0x80, s23, s13, $0xb8;
	[tilespmem:$0x1C800] =	vst v63  }
0x84: {  	_ =	swait.ge [sflag:s17], $0x4000  }
0x85: {  	[sflag:s17] =	ssyncset.done $0x0  }
0x86: {  	[sflag:s17] =	ssyncadd.s32 $0xFFFFC000  }
0x87: {  	[tilespmem:s14], [sflag:$0x1] =	stream.indirect.gather [hbm4b:s4+s13], $0x80, s24, s13, $0xb8;
	[tilespmem:$0x1C800] =	vst v63  }
0x88: {  	_ =	swait.ge [sflag:s19], $0x4000  }
0x89: {  	[sflag:s19] =	ssyncset.done $0x0  }
0x8a: {  	[sflag:s19] =	ssyncadd.s32 $0xFFFFC000  }
0x8b: {  	[spmem:s2] =	stream.indirect.scatter.add.f32 [tilespmem:s15], [sflag:$0x4], $0x80, s25, s13, $0xb8;
	[tilespmem:$0x1C800] =	vst v63  }
0x8c: {  	_ =	swait.ge [sflag:s21], $0x4000  }
0x8d: {  	[sflag:s21] =	ssyncset.done $0x0  }
0x8e: {  	[sflag:s21] =	ssyncadd.s32 $0xFFFFC000  }
0x8f: {  	[tilespmem:s15], [sflag:$0x2] =	stream.indirect.gather [hbm4b:s4+s13], $0x80, s26, s13, $0xb8;
	[tilespmem:$0x1C800] =	vst v63  }
0x90: {  	_ =	swait.ge [sflag:s16], $0x4000  }
0x91: {  	[sflag:s16] =	ssyncset.done $0x0  }
0x92: {  	[sflag:s16] =	ssyncadd.s32 $0xFFFFC000  }
0x93: {  	[spmem:s2] =	stream.indirect.scatter.add.f32 [tilespmem:s14], [sflag:$0x3], $0x80, s28, s13, $0xb8;
	[tilespmem:$0x1C800] =	vst v63  }
0x94: {  	_ =	swait.ge [sflag:s17], $0x4000  }
0x95: {  	[sflag:s17] =	ssyncset.done $0x0  }
0x96: {  	[sflag:s17] =	ssyncadd.s32 $0xFFFFC000  }
0x97: {  	[tilespmem:s14], [sflag:$0x1] =	stream.indirect.gather [hbm4b:s4+s13], $0x80, s29, s13, $0xb8;
	[tilespmem:$0x1C800] =	vst v63  }
0x98: {  	_ =	swait.ge [sflag:s19], $0x4000  }
0x99: {  	[sflag:s19] =	ssyncset.done $0x0  }
0x9a: {  	[sflag:s19] =	ssyncadd.s32 $0xFFFFC000  }
0x9b: {  	[spmem:s2] =	stream.indirect.scatter.add.f32 [tilespmem:s15], [sflag:$0x4], $0x80, s30, s13, $0xb8;
	[tilespmem:$0x1C800] =	vst v63  }
0x9c: {  	_ =	swait.ge [sflag:s21], $0x4000  }
0x9d: {  	[sflag:s21] =	ssyncset.done $0x0  }
0x9e: {  	[sflag:s21] =	ssyncadd.s32 $0xFFFFC000  }
0x9f: {  	[tilespmem:s15], [sflag:$0x2] =	stream.indirect.gather [hbm4b:s4+s13], $0x80, s31, s13, $0xb8;
	[tilespmem:$0x1C800] =	vst v63  }
0xa0: {  	_ =	swait.ge [sflag:s16], $0x4000  }
0xa1: {  	[sflag:s16] =	ssyncset.done $0x0  }
0xa2: {  	[sflag:s16] =	ssyncadd.s32 $0xFFFFC000  }
0xa3: {  	[spmem:s2] =	stream.indirect.scatter.add.f32 [tilespmem:s14], [sflag:$0x3], $0x80, s1, s13, $0xb8;
	[tilespmem:$0x1C800] =	vst v63  }
0xa4: {  	_ =	swait.ge [sflag:s19], $0x4000  }
0xa5: {  	[sflag:s19] =	ssyncset.done $0x0  }
0xa6: {  	[sflag:s19] =	ssyncadd.s32 $0xFFFFC000  }
0xa7: {  	[spmem:s2] =	stream.indirect.scatter.add.f32 [tilespmem:s15], [sflag:$0x4], $0x80, s0, s13, $0xb8;
	[tilespmem:$0x1C800] =	vst v63  }
.Ltmp0:
0xa8: {  	_ =	swait.ge [sflag:s17], $0x4000;
	(pc) =	sbr.rel @p0 .LBB2_2-.Ltmp0, $4  }
0xa9: {  	[sflag:s17] =	ssyncset.done $0x0  }
0xaa: {  	[sflag:s17] =	ssyncadd.s32 $0xFFFFC000  }
0xab: {  	_ =	swait.ge [sflag:s21], $0x4000  }
0xac: {  	s7 =	smov.u32 s5;
	s8 =	smov.u32 s6;
	[sflag:s21] =	ssyncset.done $0x0  }
0xad: {  	s5 =	sadd.s32 s7, s9;
	[sflag:s21] =	ssyncadd.s32 $0xFFFFC000  }
0xae: {  	[tilespmem:s3], [sflag:$0x5] =	stream.linear.gather [hbm4b:s5+s3], $0x400, $0x38;
	[tilespmem:$0x1C800] =	vst v63  }
0xaf: {  	_ =	swait.ge [sflag:s11], $0x400  }
0xb0: {  	s6 =	rddreg [dreg:$0x3];
	[sflag:s11] =	ssyncset.done $0x0  }
0xb1: {  	s5 =	sadd.s32 s7, s6;
	[sflag:s11] =	ssyncadd.s32 $0xFFFFFC00  }
0xb2: {  	[tilespmem:s12], [sflag:$0x5] =	stream.linear.gather [hbm4b:s5+s3], $0x400, $0x38;
	[tilespmem:$0x1C800] =	vst v63  }
0xb3: {  	_ =	swait.ge [sflag:s11], $0x400  }
0xb4: {  	[sflag:s11] =	ssyncset.done $0x0  }
0xb5: {  	[sflag:s11] =	ssyncadd.s32 $0xFFFFFC00  }
0xb6: {  	[tilespmem:s14], [sflag:$0x1] =	stream.indirect.gather [hbm4b:s4+s13], $0x80, s3, s13, $0xb8;
	[tilespmem:$0x1C800] =	vst v63  }
0xb7: {  	_ = 	snop  }
0xb8: {  	[tilespmem:s15], [sflag:$0x2] =	stream.indirect.gather [hbm4b:s4+s13], $0x80, s13, s13, $0xb8;
	[tilespmem:$0x1C800] =	vst v63  }
0xb9: {  	_ =	swait.ge [sflag:s16], $0x4000  }
0xba: {  	[sflag:s16] =	ssyncset.done $0x0  }
0xbb: {  	[sflag:s16] =	ssyncadd.s32 $0xFFFFC000  }
0xbc: {  	[spmem:s2] =	stream.indirect.scatter.add.f32 [tilespmem:s14], [sflag:$0x3], $0x80, s12, s13, $0xb8;
	[tilespmem:$0x1C800] =	vst v63  }
0xbd: {  	_ =	swait.ge [sflag:s17], $0x4000  }
0xbe: {  	[sflag:s17] =	ssyncset.done $0x0  }
0xbf: {  	[sflag:s17] =	ssyncadd.s32 $0xFFFFC000  }
0xc0: {  	[tilespmem:s14], [sflag:$0x1] =	stream.indirect.gather [hbm4b:s4+s13], $0x80, s18, s13, $0xb8;
	[tilespmem:$0x1C800] =	vst v63  }
0xc1: {  	_ =	swait.ge [sflag:s19], $0x4000  }
0xc2: {  	[sflag:s19] =	ssyncset.done $0x0  }
0xc3: {  	[sflag:s19] =	ssyncadd.s32 $0xFFFFC000  }
0xc4: {  	[spmem:s2] =	stream.indirect.scatter.add.f32 [tilespmem:s15], [sflag:$0x4], $0x80, s20, s13, $0xb8;
	[tilespmem:$0x1C800] =	vst v63  }
0xc5: {  	_ =	swait.ge [sflag:s21], $0x4000  }
0xc6: {  	[sflag:s21] =	ssyncset.done $0x0  }
0xc7: {  	[sflag:s21] =	ssyncadd.s32 $0xFFFFC000  }
0xc8: {  	[tilespmem:s15], [sflag:$0x2] =	stream.indirect.gather [hbm4b:s4+s13], $0x80, s22, s13, $0xb8;
	[tilespmem:$0x1C800] =	vst v63  }
0xc9: {  	_ =	swait.ge [sflag:s16], $0x4000  }
0xca: {  	[sflag:s16] =	ssyncset.done $0x0  }
0xcb: {  	[sflag:s16] =	ssyncadd.s32 $0xFFFFC000  }
0xcc: {  	[spmem:s2] =	stream.indirect.scatter.add.f32 [tilespmem:s14], [sflag:$0x3], $0x80, s23, s13, $0xb8;
	[tilespmem:$0x1C800] =	vst v63  }
0xcd: {  	_ =	swait.ge [sflag:s17], $0x4000  }
0xce: {  	[sflag:s17] =	ssyncset.done $0x0  }
0xcf: {  	[sflag:s17] =	ssyncadd.s32 $0xFFFFC000  }
0xd0: {  	[tilespmem:s14], [sflag:$0x1] =	stream.indirect.gather [hbm4b:s4+s13], $0x80, s24, s13, $0xb8;
	[tilespmem:$0x1C800] =	vst v63  }
0xd1: {  	_ =	swait.ge [sflag:s19], $0x4000  }
0xd2: {  	[sflag:s19] =	ssyncset.done $0x0  }
0xd3: {  	[sflag:s19] =	ssyncadd.s32 $0xFFFFC000  }
0xd4: {  	[spmem:s2] =	stream.indirect.scatter.add.f32 [tilespmem:s15], [sflag:$0x4], $0x80, s25, s13, $0xb8;
	[tilespmem:$0x1C800] =	vst v63  }
0xd5: {  	_ =	swait.ge [sflag:s21], $0x4000  }
0xd6: {  	[sflag:s21] =	ssyncset.done $0x0  }
0xd7: {  	[sflag:s21] =	ssyncadd.s32 $0xFFFFC000  }
0xd8: {  	[tilespmem:s15], [sflag:$0x2] =	stream.indirect.gather [hbm4b:s4+s13], $0x80, s26, s13, $0xb8;
	[tilespmem:$0x1C800] =	vst v63  }
0xd9: {  	_ =	swait.ge [sflag:s16], $0x4000  }
0xda: {  	[sflag:s16] =	ssyncset.done $0x0  }
0xdb: {  	[sflag:s16] =	ssyncadd.s32 $0xFFFFC000  }
0xdc: {  	[spmem:s2] =	stream.indirect.scatter.add.f32 [tilespmem:s14], [sflag:$0x3], $0x80, s28, s13, $0xb8;
	[tilespmem:$0x1C800] =	vst v63  }
0xdd: {  	_ =	swait.ge [sflag:s17], $0x4000  }
0xde: {  	[sflag:s17] =	ssyncset.done $0x0  }
0xdf: {  	[sflag:s17] =	ssyncadd.s32 $0xFFFFC000  }
0xe0: {  	[tilespmem:s14], [sflag:$0x1] =	stream.indirect.gather [hbm4b:s4+s13], $0x80, s29, s13, $0xb8;
	[tilespmem:$0x1C800] =	vst v63  }
0xe1: {  	_ =	swait.ge [sflag:s19], $0x4000  }
0xe2: {  	[sflag:s19] =	ssyncset.done $0x0  }
0xe3: {  	[sflag:s19] =	ssyncadd.s32 $0xFFFFC000  }
0xe4: {  	[spmem:s2] =	stream.indirect.scatter.add.f32 [tilespmem:s15], [sflag:$0x4], $0x80, s30, s13, $0xb8;
	[tilespmem:$0x1C800] =	vst v63  }
0xe5: {  	_ =	swait.ge [sflag:s21], $0x4000  }
0xe6: {  	[sflag:s21] =	ssyncset.done $0x0  }
0xe7: {  	[sflag:s21] =	ssyncadd.s32 $0xFFFFC000  }
0xe8: {  	[tilespmem:s15], [sflag:$0x2] =	stream.indirect.gather [hbm4b:s4+s13], $0x80, s31, s13, $0xb8;
	[tilespmem:$0x1C800] =	vst v63  }
0xe9: {  	_ =	swait.ge [sflag:s16], $0x4000  }
0xea: {  	[sflag:s16] =	ssyncset.done $0x0  }
0xeb: {  	[sflag:s16] =	ssyncadd.s32 $0xFFFFC000  }
0xec: {  	[spmem:s2] =	stream.indirect.scatter.add.f32 [tilespmem:s14], [sflag:$0x3], $0x80, s1, s13, $0xb8;
	[tilespmem:$0x1C800] =	vst v63  }
0xed: {  	_ =	swait.ge [sflag:s19], $0x4000  }
0xee: {  	[sflag:s19] =	ssyncset.done $0x0  }
0xef: {  	[sflag:s19] =	ssyncadd.s32 $0xFFFFC000  }
0xf0: {  	[spmem:s2] =	stream.indirect.scatter.add.f32 [tilespmem:s15], [sflag:$0x4], $0x80, s0, s13, $0xb8;
	[tilespmem:$0x1C800] =	vst v63  }
0xf1: {  	_ =	swait.ge [sflag:s17], $0x4000  }
0xf2: {  	[sflag:s17] =	ssyncset.done $0x0  }
0xf3: {  	[sflag:s17] =	ssyncadd.s32 $0xFFFFC000  }
0xf4: {  	_ =	swait.ge [sflag:s21], $0x4000  }
0xf5: {  	[sflag:s21] =	ssyncset.done $0x0  }
0xf6: {  	[sflag:s21] =	ssyncadd.s32 $0xFFFFC000  }
0xf7: {  	[bflag:$0x0] =	sbarrier.arrive $0xFFFF  }
0xf8: {  	s7 =	rddreg [dreg:$0x5]  }
0xf9: {  	s8 =	rddreg [dreg:$0x6]  }
0xfa: {  	s6 =	rddreg [dreg:$0x8]  }
0xfb: {  	[hbm:s8], [sflag:s7] =	dma.local [spmem:s6], $0x2800  }
0xfc: {  	_ =	swait.ge [sflag:s11], $0x2800  }
0xfd: {  	s8 =	rddreg [dreg:$0x9]  }
0xfe: {  	s10 =	rddreg [dreg:$0x7];
	s8 =	sadd.s32 $0x1, s8  }
0xff: {  	p0 =	sne.s32 s8, s10  }
.Ltmp1:
0x100: {  	_ = 	snop;
	(pc) =	sbr.rel @p0 .LBB2_1-.Ltmp1, $3  }
0x101: {  	_ =	sdelay $0x1  }
0x102: {  	[sflag:s11] =	ssyncset.done $0x0  }
0x103: {  	[sflag:s11] =	ssyncadd.s32 $0xFFFFD800  }
0x104: {  	_ =	sfence.sel $0x180000  }
0x105: {  	[bflag:$0x0] =	sbarrier.arrive $0xFFFF  }
0x106: {  	_ =	strace $0x90000056  }
0x107: {  	s0 =	stileid.u32;
	[bflag:$0x2] =	sbarrier.arrive $0xFFFF  }
0x108: {  	p0 =	sne.s32 s0, $0x0;
	s0 =	rddreg [dreg:$0x2]  }
0x109: {  	s0 =	sadd.s32 @!p0 $0x100000, s0  }
0x10a: {  	[sflag:s0] =	ssyncadd.tile.s32 @!p0 $0x1;
	_ =	shalt  }
.Lfunc_end2:
_tile_overlayer_lowered:
.L_overlay_start_2:
0x10b: {  	(tag) =	ssettag $0x2  }
0x10c: {  	s0 =	rddreg [dreg:$0x0];
	s2 =	stileid.u32  }
0x10d: {  	s1 =	rddreg [dreg:$0x1];
	p0 =	sne.s32 s2, $0x0  }
0x10e: {  	s3 =	rddreg [dreg:$0x2];
	[bflag:$0x3] =	sbarrier.arrive $0xFFFF;
	s2 =	simm.s32 @!p0 $0x1C05  }
0x10f: {  	[timem:s3], [sflag:s2] =	dma.local @!p0 [hbm:s0], s1  }
0x110: {  	s0 =	simm.s32 @!p0 $0x5  }
0x111: {  	_ =	swait.ge @!p0 [sflag:s0], s1  }
0x112: {  	s1 =	ssub.s32 @!p0 $0x0, s1;
	[sflag:s0] =	ssyncset.done @!p0 $0x0  }
0x113: {  	[sflag:s0] =	ssyncadd.s32 @!p0 s1  }
0x114: {  	[bflag:$0x3] =	sbarrier.arrive $0xFFFF  }
0x115: {  	_ =	shalt  }

</sc_bundles>
